<compile_context>
chip_gen: v7x
topology: tpu7x:2x2x1
jax: 0.10.2.dev20260603
libtpu: 0.0.44.dev20260713+nightly
codegen_flags: <defaults>
</compile_context>

<pallas_src>
import functools

import jax
import jax.numpy as jnp
from jax import lax
from jax.experimental import pallas as pl
from jax.experimental.pallas import tpu as pltpu
from jax.experimental.pallas import tpu_sc as plsc

_TOT = 4800000
_NW = 30
_CPW = _TOT // _NW
_PIECE = 32000
_NPIECE = _CPW // _PIECE
_NGRP = 48


@functools.partial(
    pl.kernel,
    out_type=jax.ShapeDtypeStruct((_TOT,), jnp.float32),
    mesh=plsc.VectorSubcoreMesh(core_axis_name="c", subcore_axis_name="s"),
    scratch_types=[
        pltpu.VMEM((16,), jnp.float32),
        pltpu.VMEM((_NGRP * 16,), jnp.float32),
        pltpu.VMEM((2, _PIECE), jnp.float32),
        pltpu.SemaphoreType.DMA((2,)),
        pltpu.SemaphoreType.DMA((2,)),
    ],
)
def _sc_op(x_hbm, c_hbm, o_hbm, vbuf, cbuf, bufs, sin, sout):
    wid = lax.axis_index("s") * 2 + lax.axis_index("c")
    base = wid * _CPW

    @pl.when(wid < _NW)
    def _():
        ins = [
            pltpu.make_async_copy(
                x_hbm.at[pl.ds(base + p * _PIECE, _PIECE)], bufs.at[p % 2], sin.at[p % 2]
            )
            for p in range(_NPIECE)
        ]
        outs = [
            pltpu.make_async_copy(
                bufs.at[p % 2], o_hbm.at[pl.ds(base + p * _PIECE, _PIECE)], sout.at[p % 2]
            )
            for p in range(_NPIECE)
        ]
        ins[0].start()
        for p in range(_NPIECE):
            if p + 1 < _NPIECE:
                if p >= 1:
                    outs[p - 1].wait()
                ins[p + 1].start()
            ins[p].wait()
            outs[p].start()
        outs[_NPIECE - 2].wait()
        outs[_NPIECE - 1].wait()
        pltpu.sync_copy(c_hbm, cbuf)
        for g in range(_NGRP):
            off = g * 100000

            @pl.when(wid == off // _CPW)
            def _():
                pltpu.sync_copy(x_hbm.at[pl.ds(off, 16)], vbuf)
                vbuf[...] = vbuf[...] + cbuf[pl.ds(g * 16, 16)]
                pltpu.sync_copy(vbuf, o_hbm.at[pl.ds(off, 16)])


def kernel(x):
    t = jnp.arange(0, 336, 1, dtype=jnp.float32).reshape(7, 6, 8)
    addvals = t[jnp.array([0, 2, 1, 3, 4, 5, 6])]
    ctab = jnp.zeros((6, 8, 16), jnp.float32).at[:, :, 0:7].set(
        addvals.transpose(1, 2, 0)
    ).reshape(_NGRP * 16)
    xt = jnp.transpose(x, (1, 2, 0)).reshape(_TOT)
    res = _sc_op(xt, ctab)
    return jnp.transpose(res.reshape(6, 8, 100000), (2, 0, 1))

# --- scband reference (transcript-rebuilt; emitter-appended) ---
"""Pipeline reference for scband-add-model-75153337745615 (READ-ONLY COPY).

The authoritative reference and input builder live on the scoring server;
editing this copy changes nothing except your own understanding.
"""

import jax, jax.numpy as jnp
import numpy as np

ADD_ALPHA = 1

def setup_inputs(seed: int = 0) -> dict:
    key = jax.random.key(seed)
    x = jax.random.normal(key, (100000, 6, 8), dtype=jnp.float32)
    return {"x": x}

def reference(x):
    index = jnp.array([0, 2, 1, 3, 4, 5, 6], dtype=jnp.int32)
    t = jnp.arange(0, 336, 1, dtype=jnp.float32).reshape(7, 6, 8)
    # torch index_add_ along dim -3 on a 3-D tensor == scatter-add on leading axis
    out = x.at[index].add(ADD_ALPHA * t)
    return out

if __name__ == "__main__":
    import jax
    _d = setup_inputs()
    print(jax.jit(kernel)(*tuple(_d.values())))

</pallas_src>

<mosaic_0001>
#map = affine_map<(d0, d1) -> (0)>
module attributes {stable_mosaic.version = 14 : i64} {
  func.func @_sc_op(%arg0: i32, %arg1: i32, %arg2: memref<4800000xf32, #tpu.memory_space<hbm>>, %arg3: memref<768xf32, #tpu.memory_space<hbm>>, %arg4: memref<4800000xf32, #tpu.memory_space<hbm>>, %arg5: memref<16xf32, #tpu.memory_space<vmem>>, %arg6: memref<768xf32, #tpu.memory_space<vmem>>, %arg7: memref<2x32000xf32, #tpu.memory_space<vmem>>, %arg8: memref<2x!tpu.dma_semaphore, #tpu.memory_space<semaphore_mem>>, %arg9: memref<2x!tpu.dma_semaphore, #tpu.memory_space<semaphore_mem>>) attributes {dimension_semantics = [#tpu.dimension_semantics<core_parallel>, #tpu.dimension_semantics<subcore_parallel>], iteration_bounds = array<i64: 2, 16>, scalar_prefetch = 0 : i64, scratch_operands = 5 : i64, tpu.core_type = #tpu.core_type<sc_vector_subcore>, window_params = [{transform_indices = #map}, {transform_indices = #map}, {transform_indices = #map}]} {
    %mul3A = arith.constant 2 : i32
    %mul3A_0 = arith.muli %arg1, %mul3A : i32
    %add3A = arith.addi %mul3A_0, %arg0 : i32
    %mul3A_1 = arith.constant 160000 : i32
    %mul3A_2 = arith.muli %add3A, %mul3A_1 : i32
    %lt3A = arith.constant 30 : i32
    %lt3A_3 = arith.cmpi slt, %add3A, %lt3A : i32
    %convert_element_type3A = arith.extui %lt3A_3 : i1 to i32
    %cond3A = arith.constant 0 : i32
    %cond3A_4 = arith.cmpi ne, %convert_element_type3A, %cond3A : i32
    scf.if %cond3A_4 {
      %add3A_5 = arith.constant 0 : i32
      %add3A_6 = arith.addi %mul3A_2, %add3A_5 : i32
      %add3A_7 = arith.constant 32000 : i32
      %add3A_8 = arith.addi %mul3A_2, %add3A_7 : i32
      %add3A_9 = arith.constant 64000 : i32
      %add3A_10 = arith.addi %mul3A_2, %add3A_9 : i32
      %add3A_11 = arith.constant 96000 : i32
      %add3A_12 = arith.addi %mul3A_2, %add3A_11 : i32
      %add3A_13 = arith.constant 128000 : i32
      %add3A_14 = arith.addi %mul3A_2, %add3A_13 : i32
      %add3A_15 = arith.constant 0 : i32
      %add3A_16 = arith.addi %mul3A_2, %add3A_15 : i32
      %add3A_17 = arith.constant 32000 : i32
      %add3A_18 = arith.addi %mul3A_2, %add3A_17 : i32
      %add3A_19 = arith.constant 64000 : i32
      %add3A_20 = arith.addi %mul3A_2, %add3A_19 : i32
      %add3A_21 = arith.constant 96000 : i32
      %add3A_22 = arith.addi %mul3A_2, %add3A_21 : i32
      %add3A_23 = arith.constant 128000 : i32
      %add3A_24 = arith.addi %mul3A_2, %add3A_23 : i32
      %dma_start3A = arith.constant 0 : i32
      %dma_start3A_25 = arith.constant 0 : i32
      %dma_start3A_26 = arith.constant 0 : i32
      %dma_start3A_27 = tpu.memref_slice %arg7[%dma_start3A, %dma_start3A_26] : memref<2x32000xf32, #tpu.memory_space<vmem>> -> memref<1x32000xf32, #tpu.memory_space<vmem>>
      %dma_start3A_28 = tpu.memref_squeeze %dma_start3A_27 : memref<1x32000xf32, #tpu.memory_space<vmem>> -> memref<32000xf32, #tpu.memory_space<vmem>>
      %dma_start3A_29 = tpu.memref_slice %arg2[%add3A_6] : memref<4800000xf32, #tpu.memory_space<hbm>> -> memref<32000xf32, #tpu.memory_space<hbm>>
      %dma_start3A_30 = tpu.memref_slice %arg8[%dma_start3A_25] : memref<2x!tpu.dma_semaphore, #tpu.memory_space<semaphore_mem>> -> memref<1x!tpu.dma_semaphore, #tpu.memory_space<semaphore_mem>>
      %dma_start3A_31 = tpu.memref_squeeze %dma_start3A_30 : memref<1x!tpu.dma_semaphore, #tpu.memory_space<semaphore_mem>> -> memref<!tpu.dma_semaphore, #tpu.memory_space<semaphore_mem>>
      %dma_start3A_32 = arith.constant 0 : i32
      %dma_start3A_33 = tpu.memref_slice %arg7[%dma_start3A, %dma_start3A_32] : memref<2x32000xf32, #tpu.memory_space<vmem>> -> memref<1x32000xf32, #tpu.memory_space<vmem>>
      %dma_start3A_34 = tpu.memref_squeeze %dma_start3A_33 : memref<1x32000xf32, #tpu.memory_space<vmem>> -> memref<32000xf32, #tpu.memory_space<vmem>>
      %dma_start3A_35 = tpu.memref_slice %arg2[%add3A_6] : memref<4800000xf32, #tpu.memory_space<hbm>> -> memref<32000xf32, #tpu.memory_space<hbm>>
      tpu.enqueue_dma source(%dma_start3A_35 : memref<32000xf32, #tpu.memory_space<hbm>>) target(%dma_start3A_34 : memref<32000xf32, #tpu.memory_space<vmem>>) target_semaphore(%dma_start3A_31 : memref<!tpu.dma_semaphore, #tpu.memory_space<semaphore_mem>>)
      %dma_start3A_36 = arith.constant 1 : i32
      %dma_start3A_37 = arith.constant 1 : i32
      %dma_start3A_38 = arith.constant 0 : i32
      %dma_start3A_39 = tpu.memref_slice %arg7[%dma_start3A_36, %dma_start3A_38] : memref<2x32000xf32, #tpu.memory_space<vmem>> -> memref<1x32000xf32, #tpu.memory_space<vmem>>
      %dma_start3A_40 = tpu.memref_squeeze %dma_start3A_39 : memref<1x32000xf32, #tpu.memory_space<vmem>> -> memref<32000xf32, #tpu.memory_space<vmem>>
      %dma_start3A_41 = tpu.memref_slice %arg2[%add3A_8] : memref<4800000xf32, #tpu.memory_space<hbm>> -> memref<32000xf32, #tpu.memory_space<hbm>>
      %dma_start3A_42 = tpu.memref_slice %arg8[%dma_start3A_37] : memref<2x!tpu.dma_semaphore, #tpu.memory_space<semaphore_mem>> -> memref<1x!tpu.dma_semaphore, #tpu.memory_space<semaphore_mem>>
      %dma_start3A_43 = tpu.memref_squeeze %dma_start3A_42 : memref<1x!tpu.dma_semaphore, #tpu.memory_space<semaphore_mem>> -> memref<!tpu.dma_semaphore, #tpu.memory_space<semaphore_mem>>
      %dma_start3A_44 = arith.constant 0 : i32
      %dma_start3A_45 = tpu.memref_slice %arg7[%dma_start3A_36, %dma_start3A_44] : memref<2x32000xf32, #tpu.memory_space<vmem>> -> memref<1x32000xf32, #tpu.memory_space<vmem>>
      %dma_start3A_46 = tpu.memref_squeeze %dma_start3A_45 : memref<1x32000xf32, #tpu.memory_space<vmem>> -> memref<32000xf32, #tpu.memory_space<vmem>>
      %dma_start3A_47 = tpu.memref_slice %arg2[%add3A_8] : memref<4800000xf32, #tpu.memory_space<hbm>> -> memref<32000xf32, #tpu.memory_space<hbm>>
      tpu.enqueue_dma source(%dma_start3A_47 : memref<32000xf32, #tpu.memory_space<hbm>>) target(%dma_start3A_46 : memref<32000xf32, #tpu.memory_space<vmem>>) target_semaphore(%dma_start3A_43 : memref<!tpu.dma_semaphore, #tpu.memory_space<semaphore_mem>>)
      %dma_wait3A = arith.constant 0 : i32
      %dma_wait3A_48 = arith.constant 0 : i32
      %dma_wait3A_49 = arith.constant 0 : i32
      %dma_wait3A_50 = tpu.memref_slice %arg7[%dma_wait3A, %dma_wait3A_49] : memref<2x32000xf32, #tpu.memory_space<vmem>> -> memref<1x32000xf32, #tpu.memory_space<vmem>>
      %dma_wait3A_51 = tpu.memref_squeeze %dma_wait3A_50 : memref<1x32000xf32, #tpu.memory_space<vmem>> -> memref<32000xf32, #tpu.memory_space<vmem>>
      %dma_wait3A_52 = tpu.memref_slice %arg2[%add3A_6] : memref<4800000xf32, #tpu.memory_space<hbm>> -> memref<32000xf32, #tpu.memory_space<hbm>>
      %dma_wait3A_53 = tpu.memref_slice %arg8[%dma_wait3A_48] : memref<2x!tpu.dma_semaphore, #tpu.memory_space<semaphore_mem>> -> memref<1x!tpu.dma_semaphore, #tpu.memory_space<semaphore_mem>>
      %dma_wait3A_54 = tpu.memref_squeeze %dma_wait3A_53 : memref<1x!tpu.dma_semaphore, #tpu.memory_space<semaphore_mem>> -> memref<!tpu.dma_semaphore, #tpu.memory_space<semaphore_mem>>
      %dma_wait3A_55 = arith.constant 0 : i32
      %dma_wait3A_56 = tpu.memref_slice %arg7[%dma_wait3A, %dma_wait3A_55] : memref<2x32000xf32, #tpu.memory_space<vmem>> -> memref<1x32000xf32, #tpu.memory_space<vmem>>
      %dma_wait3A_57 = tpu.memref_squeeze %dma_wait3A_56 : memref<1x32000xf32, #tpu.memory_space<vmem>> -> memref<32000xf32, #tpu.memory_space<vmem>>
      %dma_wait3A_58 = tpu.memref_slice %arg2[%add3A_6] : memref<4800000xf32, #tpu.memory_space<hbm>> -> memref<32000xf32, #tpu.memory_space<hbm>>
      tpu.wait_dma2 semaphore(%dma_wait3A_54 : memref<!tpu.dma_semaphore, #tpu.memory_space<semaphore_mem>>) src(%dma_wait3A_58 : memref<32000xf32, #tpu.memory_space<hbm>>) dst(%dma_wait3A_57 : memref<32000xf32, #tpu.memory_space<vmem>>)
      %dma_start3A_59 = arith.constant 0 : i32
      %dma_start3A_60 = arith.constant 0 : i32
      %dma_start3A_61 = arith.constant 0 : i32
      %dma_start3A_62 = tpu.memref_slice %arg7[%dma_start3A_59, %dma_start3A_61] : memref<2x32000xf32, #tpu.memory_space<vmem>> -> memref<1x32000xf32, #tpu.memory_space<vmem>>
      %dma_start3A_63 = tpu.memref_squeeze %dma_start3A_62 : memref<1x32000xf32, #tpu.memory_space<vmem>> -> memref<32000xf32, #tpu.memory_space<vmem>>
      %dma_start3A_64 = tpu.memref_slice %arg4[%add3A_16] : memref<4800000xf32, #tpu.memory_space<hbm>> -> memref<32000xf32, #tpu.memory_space<hbm>>
      %dma_start3A_65 = tpu.memref_slice %arg9[%dma_start3A_60] : memref<2x!tpu.dma_semaphore, #tpu.memory_space<semaphore_mem>> -> memref<1x!tpu.dma_semaphore, #tpu.memory_space<semaphore_mem>>
      %dma_start3A_66 = tpu.memref_squeeze %dma_start3A_65 : memref<1x!tpu.dma_semaphore, #tpu.memory_space<semaphore_mem>> -> memref<!tpu.dma_semaphore, #tpu.memory_space<semaphore_mem>>
      %dma_start3A_67 = tpu.memref_slice %arg4[%add3A_16] : memref<4800000xf32, #tpu.memory_space<hbm>> -> memref<32000xf32, #tpu.memory_space<hbm>>
      %dma_start3A_68 = arith.constant 0 : i32
      %dma_start3A_69 = tpu.memref_slice %arg7[%dma_start3A_59, %dma_start3A_68] : memref<2x32000xf32, #tpu.memory_space<vmem>> -> memref<1x32000xf32, #tpu.memory_space<vmem>>
      %dma_start3A_70 = tpu.memref_squeeze %dma_start3A_69 : memref<1x32000xf32, #tpu.memory_space<vmem>> -> memref<32000xf32, #tpu.memory_space<vmem>>
      tpu.enqueue_dma source(%dma_start3A_70 : memref<32000xf32, #tpu.memory_space<vmem>>) target(%dma_start3A_67 : memref<32000xf32, #tpu.memory_space<hbm>>) target_semaphore(%dma_start3A_66 : memref<!tpu.dma_semaphore, #tpu.memory_space<semaphore_mem>>)
      %dma_wait3A_71 = arith.constant 0 : i32
      %dma_wait3A_72 = arith.constant 0 : i32
      %dma_wait3A_73 = arith.constant 0 : i32
      %dma_wait3A_74 = tpu.memref_slice %arg7[%dma_wait3A_71, %dma_wait3A_73] : memref<2x32000xf32, #tpu.memory_space<vmem>> -> memref<1x32000xf32, #tpu.memory_space<vmem>>
      %dma_wait3A_75 = tpu.memref_squeeze %dma_wait3A_74 : memref<1x32000xf32, #tpu.memory_space<vmem>> -> memref<32000xf32, #tpu.memory_space<vmem>>
      %dma_wait3A_76 = tpu.memref_slice %arg4[%add3A_16] : memref<4800000xf32, #tpu.memory_space<hbm>> -> memref<32000xf32, #tpu.memory_space<hbm>>
      %dma_wait3A_77 = tpu.memref_slice %arg9[%dma_wait3A_72] : memref<2x!tpu.dma_semaphore, #tpu.memory_space<semaphore_mem>> -> memref<1x!tpu.dma_semaphore, #tpu.memory_space<semaphore_mem>>
      %dma_wait3A_78 = tpu.memref_squeeze %dma_wait3A_77 : memref<1x!tpu.dma_semaphore, #tpu.memory_space<semaphore_mem>> -> memref<!tpu.dma_semaphore, #tpu.memory_space<semaphore_mem>>
      %dma_wait3A_79 = tpu.memref_slice %arg4[%add3A_16] : memref<4800000xf32, #tpu.memory_space<hbm>> -> memref<32000xf32, #tpu.memory_space<hbm>>
      %dma_wait3A_80 = arith.constant 0 : i32
      %dma_wait3A_81 = tpu.memref_slice %arg7[%dma_wait3A_71, %dma_wait3A_80] : memref<2x32000xf32, #tpu.memory_space<vmem>> -> memref<1x32000xf32, #tpu.memory_space<vmem>>
      %dma_wait3A_82 = tpu.memref_squeeze %dma_wait3A_81 : memref<1x32000xf32, #tpu.memory_space<vmem>> -> memref<32000xf32, #tpu.memory_space<vmem>>
      tpu.wait_dma2 semaphore(%dma_wait3A_78 : memref<!tpu.dma_semaphore, #tpu.memory_space<semaphore_mem>>) src(%dma_wait3A_82 : memref<32000xf32, #tpu.memory_space<vmem>>) dst(%dma_wait3A_79 : memref<32000xf32, #tpu.memory_space<hbm>>)
      %dma_start3A_83 = arith.constant 0 : i32
      %dma_start3A_84 = arith.constant 0 : i32
      %dma_start3A_85 = arith.constant 0 : i32
      %dma_start3A_86 = tpu.memref_slice %arg7[%dma_start3A_83, %dma_start3A_85] : memref<2x32000xf32, #tpu.memory_space<vmem>> -> memref<1x32000xf32, #tpu.memory_space<vmem>>
      %dma_start3A_87 = tpu.memref_squeeze %dma_start3A_86 : memref<1x32000xf32, #tpu.memory_space<vmem>> -> memref<32000xf32, #tpu.memory_space<vmem>>
      %dma_start3A_88 = tpu.memref_slice %arg2[%add3A_10] : memref<4800000xf32, #tpu.memory_space<hbm>> -> memref<32000xf32, #tpu.memory_space<hbm>>
      %dma_start3A_89 = tpu.memref_slice %arg8[%dma_start3A_84] : memref<2x!tpu.dma_semaphore, #tpu.memory_space<semaphore_mem>> -> memref<1x!tpu.dma_semaphore, #tpu.memory_space<semaphore_mem>>
      %dma_start3A_90 = tpu.memref_squeeze %dma_start3A_89 : memref<1x!tpu.dma_semaphore, #tpu.memory_space<semaphore_mem>> -> memref<!tpu.dma_semaphore, #tpu.memory_space<semaphore_mem>>
      %dma_start3A_91 = arith.constant 0 : i32
      %dma_start3A_92 = tpu.memref_slice %arg7[%dma_start3A_83, %dma_start3A_91] : memref<2x32000xf32, #tpu.memory_space<vmem>> -> memref<1x32000xf32, #tpu.memory_space<vmem>>
      %dma_start3A_93 = tpu.memref_squeeze %dma_start3A_92 : memref<1x32000xf32, #tpu.memory_space<vmem>> -> memref<32000xf32, #tpu.memory_space<vmem>>
      %dma_start3A_94 = tpu.memref_slice %arg2[%add3A_10] : memref<4800000xf32, #tpu.memory_space<hbm>> -> memref<32000xf32, #tpu.memory_space<hbm>>
      tpu.enqueue_dma source(%dma_start3A_94 : memref<32000xf32, #tpu.memory_space<hbm>>) target(%dma_start3A_93 : memref<32000xf32, #tpu.memory_space<vmem>>) target_semaphore(%dma_start3A_90 : memref<!tpu.dma_semaphore, #tpu.memory_space<semaphore_mem>>)
      %dma_wait3A_95 = arith.constant 1 : i32
      %dma_wait3A_96 = arith.constant 1 : i32
      %dma_wait3A_97 = arith.constant 0 : i32
      %dma_wait3A_98 = tpu.memref_slice %arg7[%dma_wait3A_95, %dma_wait3A_97] : memref<2x32000xf32, #tpu.memory_space<vmem>> -> memref<1x32000xf32, #tpu.memory_space<vmem>>
      %dma_wait3A_99 = tpu.memref_squeeze %dma_wait3A_98 : memref<1x32000xf32, #tpu.memory_space<vmem>> -> memref<32000xf32, #tpu.memory_space<vmem>>
      %dma_wait3A_100 = tpu.memref_slice %arg2[%add3A_8] : memref<4800000xf32, #tpu.memory_space<hbm>> -> memref<32000xf32, #tpu.memory_space<hbm>>
      %dma_wait3A_101 = tpu.memref_slice %arg8[%dma_wait3A_96] : memref<2x!tpu.dma_semaphore, #tpu.memory_space<semaphore_mem>> -> memref<1x!tpu.dma_semaphore, #tpu.memory_space<semaphore_mem>>
      %dma_wait3A_102 = tpu.memref_squeeze %dma_wait3A_101 : memref<1x!tpu.dma_semaphore, #tpu.memory_space<semaphore_mem>> -> memref<!tpu.dma_semaphore, #tpu.memory_space<semaphore_mem>>
      %dma_wait3A_103 = arith.constant 0 : i32
      %dma_wait3A_104 = tpu.memref_slice %arg7[%dma_wait3A_95, %dma_wait3A_103] : memref<2x32000xf32, #tpu.memory_space<vmem>> -> memref<1x32000xf32, #tpu.memory_space<vmem>>
      %dma_wait3A_105 = tpu.memref_squeeze %dma_wait3A_104 : memref<1x32000xf32, #tpu.memory_space<vmem>> -> memref<32000xf32, #tpu.memory_space<vmem>>
      %dma_wait3A_106 = tpu.memref_slice %arg2[%add3A_8] : memref<4800000xf32, #tpu.memory_space<hbm>> -> memref<32000xf32, #tpu.memory_space<hbm>>
      tpu.wait_dma2 semaphore(%dma_wait3A_102 : memref<!tpu.dma_semaphore, #tpu.memory_space<semaphore_mem>>) src(%dma_wait3A_106 : memref<32000xf32, #tpu.memory_space<hbm>>) dst(%dma_wait3A_105 : memref<32000xf32, #tpu.memory_space<vmem>>)
      %dma_start3A_107 = arith.constant 1 : i32
      %dma_start3A_108 = arith.constant 1 : i32
      %dma_start3A_109 = arith.constant 0 : i32
      %dma_start3A_110 = tpu.memref_slice %arg7[%dma_start3A_107, %dma_start3A_109] : memref<2x32000xf32, #tpu.memory_space<vmem>> -> memref<1x32000xf32, #tpu.memory_space<vmem>>
      %dma_start3A_111 = tpu.memref_squeeze %dma_start3A_110 : memref<1x32000xf32, #tpu.memory_space<vmem>> -> memref<32000xf32, #tpu.memory_space<vmem>>
      %dma_start3A_112 = tpu.memref_slice %arg4[%add3A_18] : memref<4800000xf32, #tpu.memory_space<hbm>> -> memref<32000xf32, #tpu.memory_space<hbm>>
      %dma_start3A_113 = tpu.memref_slice %arg9[%dma_start3A_108] : memref<2x!tpu.dma_semaphore, #tpu.memory_space<semaphore_mem>> -> memref<1x!tpu.dma_semaphore, #tpu.memory_space<semaphore_mem>>
      %dma_start3A_114 = tpu.memref_squeeze %dma_start3A_113 : memref<1x!tpu.dma_semaphore, #tpu.memory_space<semaphore_mem>> -> memref<!tpu.dma_semaphore, #tpu.memory_space<semaphore_mem>>
      %dma_start3A_115 = tpu.memref_slice %arg4[%add3A_18] : memref<4800000xf32, #tpu.memory_space<hbm>> -> memref<32000xf32, #tpu.memory_space<hbm>>
      %dma_start3A_116 = arith.constant 0 : i32
      %dma_start3A_117 = tpu.memref_slice %arg7[%dma_start3A_107, %dma_start3A_116] : memref<2x32000xf32, #tpu.memory_space<vmem>> -> memref<1x32000xf32, #tpu.memory_space<vmem>>
      %dma_start3A_118 = tpu.memref_squeeze %dma_start3A_117 : memref<1x32000xf32, #tpu.memory_space<vmem>> -> memref<32000xf32, #tpu.memory_space<vmem>>
      tpu.enqueue_dma source(%dma_start3A_118 : memref<32000xf32, #tpu.memory_space<vmem>>) target(%dma_start3A_115 : memref<32000xf32, #tpu.memory_space<hbm>>) target_semaphore(%dma_start3A_114 : memref<!tpu.dma_semaphore, #tpu.memory_space<semaphore_mem>>)
      %dma_wait3A_119 = arith.constant 1 : i32
      %dma_wait3A_120 = arith.constant 1 : i32
      %dma_wait3A_121 = arith.constant 0 : i32
      %dma_wait3A_122 = tpu.memref_slice %arg7[%dma_wait3A_119, %dma_wait3A_121] : memref<2x32000xf32, #tpu.memory_space<vmem>> -> memref<1x32000xf32, #tpu.memory_space<vmem>>
      %dma_wait3A_123 = tpu.memref_squeeze %dma_wait3A_122 : memref<1x32000xf32, #tpu.memory_space<vmem>> -> memref<32000xf32, #tpu.memory_space<vmem>>
      %dma_wait3A_124 = tpu.memref_slice %arg4[%add3A_18] : memref<4800000xf32, #tpu.memory_space<hbm>> -> memref<32000xf32, #tpu.memory_space<hbm>>
      %dma_wait3A_125 = tpu.memref_slice %arg9[%dma_wait3A_120] : memref<2x!tpu.dma_semaphore, #tpu.memory_space<semaphore_mem>> -> memref<1x!tpu.dma_semaphore, #tpu.memory_space<semaphore_mem>>
      %dma_wait3A_126 = tpu.memref_squeeze %dma_wait3A_125 : memref<1x!tpu.dma_semaphore, #tpu.memory_space<semaphore_mem>> -> memref<!tpu.dma_semaphore, #tpu.memory_space<semaphore_mem>>
      %dma_wait3A_127 = tpu.memref_slice %arg4[%add3A_18] : memref<4800000xf32, #tpu.memory_space<hbm>> -> memref<32000xf32, #tpu.memory_space<hbm>>
      %dma_wait3A_128 = arith.constant 0 : i32
      %dma_wait3A_129 = tpu.memref_slice %arg7[%dma_wait3A_119, %dma_wait3A_128] : memref<2x32000xf32, #tpu.memory_space<vmem>> -> memref<1x32000xf32, #tpu.memory_space<vmem>>
      %dma_wait3A_130 = tpu.memref_squeeze %dma_wait3A_129 : memref<1x32000xf32, #tpu.memory_space<vmem>> -> memref<32000xf32, #tpu.memory_space<vmem>>
      tpu.wait_dma2 semaphore(%dma_wait3A_126 : memref<!tpu.dma_semaphore, #tpu.memory_space<semaphore_mem>>) src(%dma_wait3A_130 : memref<32000xf32, #tpu.memory_space<vmem>>) dst(%dma_wait3A_127 : memref<32000xf32, #tpu.memory_space<hbm>>)
      %dma_start3A_131 = arith.constant 1 : i32
      %dma_start3A_132 = arith.constant 1 : i32
      %dma_start3A_133 = arith.constant 0 : i32
      %dma_start3A_134 = tpu.memref_slice %arg7[%dma_start3A_131, %dma_start3A_133] : memref<2x32000xf32, #tpu.memory_space<vmem>> -> memref<1x32000xf32, #tpu.memory_space<vmem>>
      %dma_start3A_135 = tpu.memref_squeeze %dma_start3A_134 : memref<1x32000xf32, #tpu.memory_space<vmem>> -> memref<32000xf32, #tpu.memory_space<vmem>>
      %dma_start3A_136 = tpu.memref_slice %arg2[%add3A_12] : memref<4800000xf32, #tpu.memory_space<hbm>> -> memref<32000xf32, #tpu.memory_space<hbm>>
      %dma_start3A_137 = tpu.memref_slice %arg8[%dma_start3A_132] : memref<2x!tpu.dma_semaphore, #tpu.memory_space<semaphore_mem>> -> memref<1x!tpu.dma_semaphore, #tpu.memory_space<semaphore_mem>>
      %dma_start3A_138 = tpu.memref_squeeze %dma_start3A_137 : memref<1x!tpu.dma_semaphore, #tpu.memory_space<semaphore_mem>> -> memref<!tpu.dma_semaphore, #tpu.memory_space<semaphore_mem>>
      %dma_start3A_139 = arith.constant 0 : i32
      %dma_start3A_140 = tpu.memref_slice %arg7[%dma_start3A_131, %dma_start3A_139] : memref<2x32000xf32, #tpu.memory_space<vmem>> -> memref<1x32000xf32, #tpu.memory_space<vmem>>
      %dma_start3A_141 = tpu.memref_squeeze %dma_start3A_140 : memref<1x32000xf32, #tpu.memory_space<vmem>> -> memref<32000xf32, #tpu.memory_space<vmem>>
      %dma_start3A_142 = tpu.memref_slice %arg2[%add3A_12] : memref<4800000xf32, #tpu.memory_space<hbm>> -> memref<32000xf32, #tpu.memory_space<hbm>>
      tpu.enqueue_dma source(%dma_start3A_142 : memref<32000xf32, #tpu.memory_space<hbm>>) target(%dma_start3A_141 : memref<32000xf32, #tpu.memory_space<vmem>>) target_semaphore(%dma_start3A_138 : memref<!tpu.dma_semaphore, #tpu.memory_space<semaphore_mem>>)
      %dma_wait3A_143 = arith.constant 0 : i32
      %dma_wait3A_144 = arith.constant 0 : i32
      %dma_wait3A_145 = arith.constant 0 : i32
      %dma_wait3A_146 = tpu.memref_slice %arg7[%dma_wait3A_143, %dma_wait3A_145] : memref<2x32000xf32, #tpu.memory_space<vmem>> -> memref<1x32000xf32, #tpu.memory_space<vmem>>
      %dma_wait3A_147 = tpu.memref_squeeze %dma_wait3A_146 : memref<1x32000xf32, #tpu.memory_space<vmem>> -> memref<32000xf32, #tpu.memory_space<vmem>>
      %dma_wait3A_148 = tpu.memref_slice %arg2[%add3A_10] : memref<4800000xf32, #tpu.memory_space<hbm>> -> memref<32000xf32, #tpu.memory_space<hbm>>
      %dma_wait3A_149 = tpu.memref_slice %arg8[%dma_wait3A_144] : memref<2x!tpu.dma_semaphore, #tpu.memory_space<semaphore_mem>> -> memref<1x!tpu.dma_semaphore, #tpu.memory_space<semaphore_mem>>
      %dma_wait3A_150 = tpu.memref_squeeze %dma_wait3A_149 : memref<1x!tpu.dma_semaphore, #tpu.memory_space<semaphore_mem>> -> memref<!tpu.dma_semaphore, #tpu.memory_space<semaphore_mem>>
      %dma_wait3A_151 = arith.constant 0 : i32
      %dma_wait3A_152 = tpu.memref_slice %arg7[%dma_wait3A_143, %dma_wait3A_151] : memref<2x32000xf32, #tpu.memory_space<vmem>> -> memref<1x32000xf32, #tpu.memory_space<vmem>>
      %dma_wait3A_153 = tpu.memref_squeeze %dma_wait3A_152 : memref<1x32000xf32, #tpu.memory_space<vmem>> -> memref<32000xf32, #tpu.memory_space<vmem>>
      %dma_wait3A_154 = tpu.memref_slice %arg2[%add3A_10] : memref<4800000xf32, #tpu.memory_space<hbm>> -> memref<32000xf32, #tpu.memory_space<hbm>>
      tpu.wait_dma2 semaphore(%dma_wait3A_150 : memref<!tpu.dma_semaphore, #tpu.memory_space<semaphore_mem>>) src(%dma_wait3A_154 : memref<32000xf32, #tpu.memory_space<hbm>>) dst(%dma_wait3A_153 : memref<32000xf32, #tpu.memory_space<vmem>>)
      %dma_start3A_155 = arith.constant 0 : i32
      %dma_start3A_156 = arith.constant 0 : i32
      %dma_start3A_157 = arith.constant 0 : i32
      %dma_start3A_158 = tpu.memref_slice %arg7[%dma_start3A_155, %dma_start3A_157] : memref<2x32000xf32, #tpu.memory_space<vmem>> -> memref<1x32000xf32, #tpu.memory_space<vmem>>
      %dma_start3A_159 = tpu.memref_squeeze %dma_start3A_158 : memref<1x32000xf32, #tpu.memory_space<vmem>> -> memref<32000xf32, #tpu.memory_space<vmem>>
      %dma_start3A_160 = tpu.memref_slice %arg4[%add3A_20] : memref<4800000xf32, #tpu.memory_space<hbm>> -> memref<32000xf32, #tpu.memory_space<hbm>>
      %dma_start3A_161 = tpu.memref_slice %arg9[%dma_start3A_156] : memref<2x!tpu.dma_semaphore, #tpu.memory_space<semaphore_mem>> -> memref<1x!tpu.dma_semaphore, #tpu.memory_space<semaphore_mem>>
      %dma_start3A_162 = tpu.memref_squeeze %dma_start3A_161 : memref<1x!tpu.dma_semaphore, #tpu.memory_space<semaphore_mem>> -> memref<!tpu.dma_semaphore, #tpu.memory_space<semaphore_mem>>
      %dma_start3A_163 = tpu.memref_slice %arg4[%add3A_20] : memref<4800000xf32, #tpu.memory_space<hbm>> -> memref<32000xf32, #tpu.memory_space<hbm>>
      %dma_start3A_164 = arith.constant 0 : i32
      %dma_start3A_165 = tpu.memref_slice %arg7[%dma_start3A_155, %dma_start3A_164] : memref<2x32000xf32, #tpu.memory_space<vmem>> -> memref<1x32000xf32, #tpu.memory_space<vmem>>
      %dma_start3A_166 = tpu.memref_squeeze %dma_start3A_165 : memref<1x32000xf32, #tpu.memory_space<vmem>> -> memref<32000xf32, #tpu.memory_space<vmem>>
      tpu.enqueue_dma source(%dma_start3A_166 : memref<32000xf32, #tpu.memory_space<vmem>>) target(%dma_start3A_163 : memref<32000xf32, #tpu.memory_space<hbm>>) target_semaphore(%dma_start3A_162 : memref<!tpu.dma_semaphore, #tpu.memory_space<semaphore_mem>>)
      %dma_wait3A_167 = arith.constant 0 : i32
      %dma_wait3A_168 = arith.constant 0 : i32
      %dma_wait3A_169 = arith.constant 0 : i32
      %dma_wait3A_170 = tpu.memref_slice %arg7[%dma_wait3A_167, %dma_wait3A_169] : memref<2x32000xf32, #tpu.memory_space<vmem>> -> memref<1x32000xf32, #tpu.memory_space<vmem>>
      %dma_wait3A_171 = tpu.memref_squeeze %dma_wait3A_170 : memref<1x32000xf32, #tpu.memory_space<vmem>> -> memref<32000xf32, #tpu.memory_space<vmem>>
      %dma_wait3A_172 = tpu.memref_slice %arg4[%add3A_20] : memref<4800000xf32, #tpu.memory_space<hbm>> -> memref<32000xf32, #tpu.memory_space<hbm>>
      %dma_wait3A_173 = tpu.memref_slice %arg9[%dma_wait3A_168] : memref<2x!tpu.dma_semaphore, #tpu.memory_space<semaphore_mem>> -> memref<1x!tpu.dma_semaphore, #tpu.memory_space<semaphore_mem>>
      %dma_wait3A_174 = tpu.memref_squeeze %dma_wait3A_173 : memref<1x!tpu.dma_semaphore, #tpu.memory_space<semaphore_mem>> -> memref<!tpu.dma_semaphore, #tpu.memory_space<semaphore_mem>>
      %dma_wait3A_175 = tpu.memref_slice %arg4[%add3A_20] : memref<4800000xf32, #tpu.memory_space<hbm>> -> memref<32000xf32, #tpu.memory_space<hbm>>
      %dma_wait3A_176 = arith.constant 0 : i32
      %dma_wait3A_177 = tpu.memref_slice %arg7[%dma_wait3A_167, %dma_wait3A_176] : memref<2x32000xf32, #tpu.memory_space<vmem>> -> memref<1x32000xf32, #tpu.memory_space<vmem>>
      %dma_wait3A_178 = tpu.memref_squeeze %dma_wait3A_177 : memref<1x32000xf32, #tpu.memory_space<vmem>> -> memref<32000xf32, #tpu.memory_space<vmem>>
      tpu.wait_dma2 semaphore(%dma_wait3A_174 : memref<!tpu.dma_semaphore, #tpu.memory_space<semaphore_mem>>) src(%dma_wait3A_178 : memref<32000xf32, #tpu.memory_space<vmem>>) dst(%dma_wait3A_175 : memref<32000xf32, #tpu.memory_space<hbm>>)
      %dma_start3A_179 = arith.constant 0 : i32
      %dma_start3A_180 = arith.constant 0 : i32
      %dma_start3A_181 = arith.constant 0 : i32
      %dma_start3A_182 = tpu.memref_slice %arg7[%dma_start3A_179, %dma_start3A_181] : memref<2x32000xf32, #tpu.memory_space<vmem>> -> memref<1x32000xf32, #tpu.memory_space<vmem>>
      %dma_start3A_183 = tpu.memref_squeeze %dma_start3A_182 : memref<1x32000xf32, #tpu.memory_space<vmem>> -> memref<32000xf32, #tpu.memory_space<vmem>>
      %dma_start3A_184 = tpu.memref_slice %arg2[%add3A_14] : memref<4800000xf32, #tpu.memory_space<hbm>> -> memref<32000xf32, #tpu.memory_space<hbm>>
      %dma_start3A_185 = tpu.memref_slice %arg8[%dma_start3A_180] : memref<2x!tpu.dma_semaphore, #tpu.memory_space<semaphore_mem>> -> memref<1x!tpu.dma_semaphore, #tpu.memory_space<semaphore_mem>>
      %dma_start3A_186 = tpu.memref_squeeze %dma_start3A_185 : memref<1x!tpu.dma_semaphore, #tpu.memory_space<semaphore_mem>> -> memref<!tpu.dma_semaphore, #tpu.memory_space<semaphore_mem>>
      %dma_start3A_187 = arith.constant 0 : i32
      %dma_start3A_188 = tpu.memref_slice %arg7[%dma_start3A_179, %dma_start3A_187] : memref<2x32000xf32, #tpu.memory_space<vmem>> -> memref<1x32000xf32, #tpu.memory_space<vmem>>
      %dma_start3A_189 = tpu.memref_squeeze %dma_start3A_188 : memref<1x32000xf32, #tpu.memory_space<vmem>> -> memref<32000xf32, #tpu.memory_space<vmem>>
      %dma_start3A_190 = tpu.memref_slice %arg2[%add3A_14] : memref<4800000xf32, #tpu.memory_space<hbm>> -> memref<32000xf32, #tpu.memory_space<hbm>>
      tpu.enqueue_dma source(%dma_start3A_190 : memref<32000xf32, #tpu.memory_space<hbm>>) target(%dma_start3A_189 : memref<32000xf32, #tpu.memory_space<vmem>>) target_semaphore(%dma_start3A_186 : memref<!tpu.dma_semaphore, #tpu.memory_space<semaphore_mem>>)
      %dma_wait3A_191 = arith.constant 1 : i32
      %dma_wait3A_192 = arith.constant 1 : i32
      %dma_wait3A_193 = arith.constant 0 : i32
      %dma_wait3A_194 = tpu.memref_slice %arg7[%dma_wait3A_191, %dma_wait3A_193] : memref<2x32000xf32, #tpu.memory_space<vmem>> -> memref<1x32000xf32, #tpu.memory_space<vmem>>
      %dma_wait3A_195 = tpu.memref_squeeze %dma_wait3A_194 : memref<1x32000xf32, #tpu.memory_space<vmem>> -> memref<32000xf32, #tpu.memory_space<vmem>>
      %dma_wait3A_196 = tpu.memref_slice %arg2[%add3A_12] : memref<4800000xf32, #tpu.memory_space<hbm>> -> memref<32000xf32, #tpu.memory_space<hbm>>
      %dma_wait3A_197 = tpu.memref_slice %arg8[%dma_wait3A_192] : memref<2x!tpu.dma_semaphore, #tpu.memory_space<semaphore_mem>> -> memref<1x!tpu.dma_semaphore, #tpu.memory_space<semaphore_mem>>
      %dma_wait3A_198 = tpu.memref_squeeze %dma_wait3A_197 : memref<1x!tpu.dma_semaphore, #tpu.memory_space<semaphore_mem>> -> memref<!tpu.dma_semaphore, #tpu.memory_space<semaphore_mem>>
      %dma_wait3A_199 = arith.constant 0 : i32
      %dma_wait3A_200 = tpu.memref_slice %arg7[%dma_wait3A_191, %dma_wait3A_199] : memref<2x32000xf32, #tpu.memory_space<vmem>> -> memref<1x32000xf32, #tpu.memory_space<vmem>>
      %dma_wait3A_201 = tpu.memref_squeeze %dma_wait3A_200 : memref<1x32000xf32, #tpu.memory_space<vmem>> -> memref<32000xf32, #tpu.memory_space<vmem>>
      %dma_wait3A_202 = tpu.memref_slice %arg2[%add3A_12] : memref<4800000xf32, #tpu.memory_space<hbm>> -> memref<32000xf32, #tpu.memory_space<hbm>>
      tpu.wait_dma2 semaphore(%dma_wait3A_198 : memref<!tpu.dma_semaphore, #tpu.memory_space<semaphore_mem>>) src(%dma_wait3A_202 : memref<32000xf32, #tpu.memory_space<hbm>>) dst(%dma_wait3A_201 : memref<32000xf32, #tpu.memory_space<vmem>>)
      %dma_start3A_203 = arith.constant 1 : i32
      %dma_start3A_204 = arith.constant 1 : i32
      %dma_start3A_205 = arith.constant 0 : i32
      %dma_start3A_206 = tpu.memref_slice %arg7[%dma_start3A_203, %dma_start3A_205] : memref<2x32000xf32, #tpu.memory_space<vmem>> -> memref<1x32000xf32, #tpu.memory_space<vmem>>
      %dma_start3A_207 = tpu.memref_squeeze %dma_start3A_206 : memref<1x32000xf32, #tpu.memory_space<vmem>> -> memref<32000xf32, #tpu.memory_space<vmem>>
      %dma_start3A_208 = tpu.memref_slice %arg4[%add3A_22] : memref<4800000xf32, #tpu.memory_space<hbm>> -> memref<32000xf32, #tpu.memory_space<hbm>>
      %dma_start3A_209 = tpu.memref_slice %arg9[%dma_start3A_204] : memref<2x!tpu.dma_semaphore, #tpu.memory_space<semaphore_mem>> -> memref<1x!tpu.dma_semaphore, #tpu.memory_space<semaphore_mem>>
      %dma_start3A_210 = tpu.memref_squeeze %dma_start3A_209 : memref<1x!tpu.dma_semaphore, #tpu.memory_space<semaphore_mem>> -> memref<!tpu.dma_semaphore, #tpu.memory_space<semaphore_mem>>
      %dma_start3A_211 = tpu.memref_slice %arg4[%add3A_22] : memref<4800000xf32, #tpu.memory_space<hbm>> -> memref<32000xf32, #tpu.memory_space<hbm>>
      %dma_start3A_212 = arith.constant 0 : i32
      %dma_start3A_213 = tpu.memref_slice %arg7[%dma_start3A_203, %dma_start3A_212] : memref<2x32000xf32, #tpu.memory_space<vmem>> -> memref<1x32000xf32, #tpu.memory_space<vmem>>
      %dma_start3A_214 = tpu.memref_squeeze %dma_start3A_213 : memref<1x32000xf32, #tpu.memory_space<vmem>> -> memref<32000xf32, #tpu.memory_space<vmem>>
      tpu.enqueue_dma source(%dma_start3A_214 : memref<32000xf32, #tpu.memory_space<vmem>>) target(%dma_start3A_211 : memref<32000xf32, #tpu.memory_space<hbm>>) target_semaphore(%dma_start3A_210 : memref<!tpu.dma_semaphore, #tpu.memory_space<semaphore_mem>>)
      %dma_wait3A_215 = arith.constant 0 : i32
      %dma_wait3A_216 = arith.constant 0 : i32
      %dma_wait3A_217 = arith.constant 0 : i32
      %dma_wait3A_218 = tpu.memref_slice %arg7[%dma_wait3A_215, %dma_wait3A_217] : memref<2x32000xf32, #tpu.memory_space<vmem>> -> memref<1x32000xf32, #tpu.memory_space<vmem>>
      %dma_wait3A_219 = tpu.memref_squeeze %dma_wait3A_218 : memref<1x32000xf32, #tpu.memory_space<vmem>> -> memref<32000xf32, #tpu.memory_space<vmem>>
      %dma_wait3A_220 = tpu.memref_slice %arg2[%add3A_14] : memref<4800000xf32, #tpu.memory_space<hbm>> -> memref<32000xf32, #tpu.memory_space<hbm>>
      %dma_wait3A_221 = tpu.memref_slice %arg8[%dma_wait3A_216] : memref<2x!tpu.dma_semaphore, #tpu.memory_space<semaphore_mem>> -> memref<1x!tpu.dma_semaphore, #tpu.memory_space<semaphore_mem>>
      %dma_wait3A_222 = tpu.memref_squeeze %dma_wait3A_221 : memref<1x!tpu.dma_semaphore, #tpu.memory_space<semaphore_mem>> -> memref<!tpu.dma_semaphore, #tpu.memory_space<semaphore_mem>>
      %dma_wait3A_223 = arith.constant 0 : i32
      %dma_wait3A_224 = tpu.memref_slice %arg7[%dma_wait3A_215, %dma_wait3A_223] : memref<2x32000xf32, #tpu.memory_space<vmem>> -> memref<1x32000xf32, #tpu.memory_space<vmem>>
      %dma_wait3A_225 = tpu.memref_squeeze %dma_wait3A_224 : memref<1x32000xf32, #tpu.memory_space<vmem>> -> memref<32000xf32, #tpu.memory_space<vmem>>
      %dma_wait3A_226 = tpu.memref_slice %arg2[%add3A_14] : memref<4800000xf32, #tpu.memory_space<hbm>> -> memref<32000xf32, #tpu.memory_space<hbm>>
      tpu.wait_dma2 semaphore(%dma_wait3A_222 : memref<!tpu.dma_semaphore, #tpu.memory_space<semaphore_mem>>) src(%dma_wait3A_226 : memref<32000xf32, #tpu.memory_space<hbm>>) dst(%dma_wait3A_225 : memref<32000xf32, #tpu.memory_space<vmem>>)
      %dma_start3A_227 = arith.constant 0 : i32
      %dma_start3A_228 = arith.constant 0 : i32
      %dma_start3A_229 = arith.constant 0 : i32
      %dma_start3A_230 = tpu.memref_slice %arg7[%dma_start3A_227, %dma_start3A_229] : memref<2x32000xf32, #tpu.memory_space<vmem>> -> memref<1x32000xf32, #tpu.memory_space<vmem>>
      %dma_start3A_231 = tpu.memref_squeeze %dma_start3A_230 : memref<1x32000xf32, #tpu.memory_space<vmem>> -> memref<32000xf32, #tpu.memory_space<vmem>>
      %dma_start3A_232 = tpu.memref_slice %arg4[%add3A_24] : memref<4800000xf32, #tpu.memory_space<hbm>> -> memref<32000xf32, #tpu.memory_space<hbm>>
      %dma_start3A_233 = tpu.memref_slice %arg9[%dma_start3A_228] : memref<2x!tpu.dma_semaphore, #tpu.memory_space<semaphore_mem>> -> memref<1x!tpu.dma_semaphore, #tpu.memory_space<semaphore_mem>>
      %dma_start3A_234 = tpu.memref_squeeze %dma_start3A_233 : memref<1x!tpu.dma_semaphore, #tpu.memory_space<semaphore_mem>> -> memref<!tpu.dma_semaphore, #tpu.memory_space<semaphore_mem>>
      %dma_start3A_235 = tpu.memref_slice %arg4[%add3A_24] : memref<4800000xf32, #tpu.memory_space<hbm>> -> memref<32000xf32, #tpu.memory_space<hbm>>
      %dma_start3A_236 = arith.constant 0 : i32
      %dma_start3A_237 = tpu.memref_slice %arg7[%dma_start3A_227, %dma_start3A_236] : memref<2x32000xf32, #tpu.memory_space<vmem>> -> memref<1x32000xf32, #tpu.memory_space<vmem>>
      %dma_start3A_238 = tpu.memref_squeeze %dma_start3A_237 : memref<1x32000xf32, #tpu.memory_space<vmem>> -> memref<32000xf32, #tpu.memory_space<vmem>>
      tpu.enqueue_dma source(%dma_start3A_238 : memref<32000xf32, #tpu.memory_space<vmem>>) target(%dma_start3A_235 : memref<32000xf32, #tpu.memory_space<hbm>>) target_semaphore(%dma_start3A_234 : memref<!tpu.dma_semaphore, #tpu.memory_space<semaphore_mem>>)
      %dma_wait3A_239 = arith.constant 1 : i32
      %dma_wait3A_240 = arith.constant 1 : i32
      %dma_wait3A_241 = arith.constant 0 : i32
      %dma_wait3A_242 = tpu.memref_slice %arg7[%dma_wait3A_239, %dma_wait3A_241] : memref<2x32000xf32, #tpu.memory_space<vmem>> -> memref<1x32000xf32, #tpu.memory_space<vmem>>
      %dma_wait3A_243 = tpu.memref_squeeze %dma_wait3A_242 : memref<1x32000xf32, #tpu.memory_space<vmem>> -> memref<32000xf32, #tpu.memory_space<vmem>>
      %dma_wait3A_244 = tpu.memref_slice %arg4[%add3A_22] : memref<4800000xf32, #tpu.memory_space<hbm>> -> memref<32000xf32, #tpu.memory_space<hbm>>
      %dma_wait3A_245 = tpu.memref_slice %arg9[%dma_wait3A_240] : memref<2x!tpu.dma_semaphore, #tpu.memory_space<semaphore_mem>> -> memref<1x!tpu.dma_semaphore, #tpu.memory_space<semaphore_mem>>
      %dma_wait3A_246 = tpu.memref_squeeze %dma_wait3A_245 : memref<1x!tpu.dma_semaphore, #tpu.memory_space<semaphore_mem>> -> memref<!tpu.dma_semaphore, #tpu.memory_space<semaphore_mem>>
      %dma_wait3A_247 = tpu.memref_slice %arg4[%add3A_22] : memref<4800000xf32, #tpu.memory_space<hbm>> -> memref<32000xf32, #tpu.memory_space<hbm>>
      %dma_wait3A_248 = arith.constant 0 : i32
      %dma_wait3A_249 = tpu.memref_slice %arg7[%dma_wait3A_239, %dma_wait3A_248] : memref<2x32000xf32, #tpu.memory_space<vmem>> -> memref<1x32000xf32, #tpu.memory_space<vmem>>
      %dma_wait3A_250 = tpu.memref_squeeze %dma_wait3A_249 : memref<1x32000xf32, #tpu.memory_space<vmem>> -> memref<32000xf32, #tpu.memory_space<vmem>>
      tpu.wait_dma2 semaphore(%dma_wait3A_246 : memref<!tpu.dma_semaphore, #tpu.memory_space<semaphore_mem>>) src(%dma_wait3A_250 : memref<32000xf32, #tpu.memory_space<vmem>>) dst(%dma_wait3A_247 : memref<32000xf32, #tpu.memory_space<hbm>>)
      %dma_wait3A_251 = arith.constant 0 : i32
      %dma_wait3A_252 = arith.constant 0 : i32
      %dma_wait3A_253 = arith.constant 0 : i32
      %dma_wait3A_254 = tpu.memref_slice %arg7[%dma_wait3A_251, %dma_wait3A_253] : memref<2x32000xf32, #tpu.memory_space<vmem>> -> memref<1x32000xf32, #tpu.memory_space<vmem>>
      %dma_wait3A_255 = tpu.memref_squeeze %dma_wait3A_254 : memref<1x32000xf32, #tpu.memory_space<vmem>> -> memref<32000xf32, #tpu.memory_space<vmem>>
      %dma_wait3A_256 = tpu.memref_slice %arg4[%add3A_24] : memref<4800000xf32, #tpu.memory_space<hbm>> -> memref<32000xf32, #tpu.memory_space<hbm>>
      %dma_wait3A_257 = tpu.memref_slice %arg9[%dma_wait3A_252] : memref<2x!tpu.dma_semaphore, #tpu.memory_space<semaphore_mem>> -> memref<1x!tpu.dma_semaphore, #tpu.memory_space<semaphore_mem>>
      %dma_wait3A_258 = tpu.memref_squeeze %dma_wait3A_257 : memref<1x!tpu.dma_semaphore, #tpu.memory_space<semaphore_mem>> -> memref<!tpu.dma_semaphore, #tpu.memory_space<semaphore_mem>>
      %dma_wait3A_259 = tpu.memref_slice %arg4[%add3A_24] : memref<4800000xf32, #tpu.memory_space<hbm>> -> memref<32000xf32, #tpu.memory_space<hbm>>
      %dma_wait3A_260 = arith.constant 0 : i32
      %dma_wait3A_261 = tpu.memref_slice %arg7[%dma_wait3A_251, %dma_wait3A_260] : memref<2x32000xf32, #tpu.memory_space<vmem>> -> memref<1x32000xf32, #tpu.memory_space<vmem>>
      %dma_wait3A_262 = tpu.memref_squeeze %dma_wait3A_261 : memref<1x32000xf32, #tpu.memory_space<vmem>> -> memref<32000xf32, #tpu.memory_space<vmem>>
      tpu.wait_dma2 semaphore(%dma_wait3A_258 : memref<!tpu.dma_semaphore, #tpu.memory_space<semaphore_mem>>) src(%dma_wait3A_262 : memref<32000xf32, #tpu.memory_space<vmem>>) dst(%dma_wait3A_259 : memref<32000xf32, #tpu.memory_space<hbm>>)
      "tpu.region"() ({
        %run_scoped3A = tpu.sem_alloc : memref<!tpu.dma_semaphore, #tpu.memory_space<semaphore_mem>>
        tpu.enqueue_dma source(%arg3 : memref<768xf32, #tpu.memory_space<hbm>>) target(%arg6 : memref<768xf32, #tpu.memory_space<vmem>>) target_semaphore(%run_scoped3A : memref<!tpu.dma_semaphore, #tpu.memory_space<semaphore_mem>>)
        tpu.wait_dma2 semaphore(%run_scoped3A : memref<!tpu.dma_semaphore, #tpu.memory_space<semaphore_mem>>) src(%arg3 : memref<768xf32, #tpu.memory_space<hbm>>) dst(%arg6 : memref<768xf32, #tpu.memory_space<vmem>>)
        tpu.yield
      }) : () -> ()
      %eq3A = arith.constant 0 : i32
      %eq3A_263 = arith.cmpi eq, %add3A, %eq3A : i32
      %convert_element_type3A_264 = arith.extui %eq3A_263 : i1 to i32
      %cond3A_265 = arith.constant 0 : i32
      %cond3A_266 = arith.cmpi ne, %convert_element_type3A_264, %cond3A_265 : i32
      scf.if %cond3A_266 {
        "tpu.region"() ({
          %run_scoped3A = tpu.sem_alloc : memref<!tpu.dma_semaphore, #tpu.memory_space<semaphore_mem>>
          %dma_start3A_511 = arith.constant 0 : i32
          %dma_start3A_512 = tpu.memref_slice %arg2[%dma_start3A_511] : memref<4800000xf32, #tpu.memory_space<hbm>> -> memref<16xf32, #tpu.memory_space<hbm>>
          %dma_start3A_513 = arith.constant 0 : i32
          %dma_start3A_514 = tpu.memref_slice %arg2[%dma_start3A_513] : memref<4800000xf32, #tpu.memory_space<hbm>> -> memref<16xf32, #tpu.memory_space<hbm>>
          tpu.enqueue_dma source(%dma_start3A_514 : memref<16xf32, #tpu.memory_space<hbm>>) target(%arg5 : memref<16xf32, #tpu.memory_space<vmem>>) target_semaphore(%run_scoped3A : memref<!tpu.dma_semaphore, #tpu.memory_space<semaphore_mem>>)
          %dma_wait3A_515 = arith.constant 0 : i32
          %dma_wait3A_516 = tpu.memref_slice %arg2[%dma_wait3A_515] : memref<4800000xf32, #tpu.memory_space<hbm>> -> memref<16xf32, #tpu.memory_space<hbm>>
          %dma_wait3A_517 = arith.constant 0 : i32
          %dma_wait3A_518 = tpu.memref_slice %arg2[%dma_wait3A_517] : memref<4800000xf32, #tpu.memory_space<hbm>> -> memref<16xf32, #tpu.memory_space<hbm>>
          tpu.wait_dma2 semaphore(%run_scoped3A : memref<!tpu.dma_semaphore, #tpu.memory_space<semaphore_mem>>) src(%dma_wait3A_518 : memref<16xf32, #tpu.memory_space<hbm>>) dst(%arg5 : memref<16xf32, #tpu.memory_space<vmem>>)
          tpu.yield
        }) : () -> ()
        %get3A = arith.constant 0 : index
        %get3A_502 = tpu.vector_load %arg5[%get3A] {strides = array<i32>} : memref<16xf32, #tpu.memory_space<vmem>>, vector<16xf32>,
        %get3A_503 = vector.shape_cast %get3A_502 : vector<16xf32> to vector<16xf32>
        %get3A_504 = arith.constant 0 : index
        %get3A_505 = tpu.vector_load %arg6[%get3A_504] {strides = array<i32>} : memref<768xf32, #tpu.memory_space<vmem>>, vector<16xf32>,
        %get3A_506 = vector.shape_cast %get3A_505 : vector<16xf32> to vector<16xf32>
        %add3A_507 = arith.addf %get3A_503, %get3A_506 : vector<16xf32>
        %swap3A = arith.constant 0 : index
        %swap3A_508 = tpu.vector_load %arg5[%swap3A] {strides = array<i32>} : memref<16xf32, #tpu.memory_space<vmem>>, vector<16xf32>,
        %swap3A_509 = vector.shape_cast %swap3A_508 : vector<16xf32> to vector<16xf32>
        %swap3A_510 = vector.shape_cast %add3A_507 : vector<16xf32> to vector<16xf32>
        tpu.vector_store %arg5[%swap3A], %swap3A_510 {strides = array<i32>} : memref<16xf32, #tpu.memory_space<vmem>>, vector<16xf32>,
        "tpu.region"() ({
          %run_scoped3A = tpu.sem_alloc : memref<!tpu.dma_semaphore, #tpu.memory_space<semaphore_mem>>
          %dma_start3A_511 = arith.constant 0 : i32
          %dma_start3A_512 = tpu.memref_slice %arg4[%dma_start3A_511] : memref<4800000xf32, #tpu.memory_space<hbm>> -> memref<16xf32, #tpu.memory_space<hbm>>
          %dma_start3A_513 = arith.constant 0 : i32
          %dma_start3A_514 = tpu.memref_slice %arg4[%dma_start3A_513] : memref<4800000xf32, #tpu.memory_space<hbm>> -> memref<16xf32, #tpu.memory_space<hbm>>
          tpu.enqueue_dma source(%arg5 : memref<16xf32, #tpu.memory_space<vmem>>) target(%dma_start3A_514 : memref<16xf32, #tpu.memory_space<hbm>>) target_semaphore(%run_scoped3A : memref<!tpu.dma_semaphore, #tpu.memory_space<semaphore_mem>>)
          %dma_wait3A_515 = arith.constant 0 : i32
          %dma_wait3A_516 = tpu.memref_slice %arg4[%dma_wait3A_515] : memref<4800000xf32, #tpu.memory_space<hbm>> -> memref<16xf32, #tpu.memory_space<hbm>>
          %dma_wait3A_517 = arith.constant 0 : i32
          %dma_wait3A_518 = tpu.memref_slice %arg4[%dma_wait3A_517] : memref<4800000xf32, #tpu.memory_space<hbm>> -> memref<16xf32, #tpu.memory_space<hbm>>
          tpu.wait_dma2 semaphore(%run_scoped3A : memref<!tpu.dma_semaphore, #tpu.memory_space<semaphore_mem>>) src(%arg5 : memref<16xf32, #tpu.memory_space<vmem>>) dst(%dma_wait3A_518 : memref<16xf32, #tpu.memory_space<hbm>>)
          tpu.yield
        }) : () -> ()
      } else {
      }
      %eq3A_267 = arith.constant 0 : i32
      %eq3A_268 = arith.cmpi eq, %add3A, %eq3A_267 : i32
      %convert_element_type3A_269 = arith.extui %eq3A_268 : i1 to i32
      %cond3A_270 = arith.constant 0 : i32
      %cond3A_271 = arith.cmpi ne, %convert_element_type3A_269, %cond3A_270 : i32
      scf.if %cond3A_271 {
        "tpu.region"() ({
          %run_scoped3A = tpu.sem_alloc : memref<!tpu.dma_semaphore, #tpu.memory_space<semaphore_mem>>
          %dma_start3A_511 = arith.constant 100000 : i32
          %dma_start3A_512 = tpu.memref_slice %arg2[%dma_start3A_511] : memref<4800000xf32, #tpu.memory_space<hbm>> -> memref<16xf32, #tpu.memory_space<hbm>>
          %dma_start3A_513 = arith.constant 100000 : i32
          %dma_start3A_514 = tpu.memref_slice %arg2[%dma_start3A_513] : memref<4800000xf32, #tpu.memory_space<hbm>> -> memref<16xf32, #tpu.memory_space<hbm>>
          tpu.enqueue_dma source(%dma_start3A_514 : memref<16xf32, #tpu.memory_space<hbm>>) target(%arg5 : memref<16xf32, #tpu.memory_space<vmem>>) target_semaphore(%run_scoped3A : memref<!tpu.dma_semaphore, #tpu.memory_space<semaphore_mem>>)
          %dma_wait3A_515 = arith.constant 100000 : i32
          %dma_wait3A_516 = tpu.memref_slice %arg2[%dma_wait3A_515] : memref<4800000xf32, #tpu.memory_space<hbm>> -> memref<16xf32, #tpu.memory_space<hbm>>
          %dma_wait3A_517 = arith.constant 100000 : i32
          %dma_wait3A_518 = tpu.memref_slice %arg2[%dma_wait3A_517] : memref<4800000xf32, #tpu.memory_space<hbm>> -> memref<16xf32, #tpu.memory_space<hbm>>
          tpu.wait_dma2 semaphore(%run_scoped3A : memref<!tpu.dma_semaphore, #tpu.memory_space<semaphore_mem>>) src(%dma_wait3A_518 : memref<16xf32, #tpu.memory_space<hbm>>) dst(%arg5 : memref<16xf32, #tpu.memory_space<vmem>>)
          tpu.yield
        }) : () -> ()
        %get3A = arith.constant 0 : index
        %get3A_502 = tpu.vector_load %arg5[%get3A] {strides = array<i32>} : memref<16xf32, #tpu.memory_space<vmem>>, vector<16xf32>,
        %get3A_503 = vector.shape_cast %get3A_502 : vector<16xf32> to vector<16xf32>
        %get3A_504 = arith.constant 16 : index
        %get3A_505 = tpu.vector_load %arg6[%get3A_504] {strides = array<i32>} : memref<768xf32, #tpu.memory_space<vmem>>, vector<16xf32>,
        %get3A_506 = vector.shape_cast %get3A_505 : vector<16xf32> to vector<16xf32>
        %add3A_507 = arith.addf %get3A_503, %get3A_506 : vector<16xf32>
        %swap3A = arith.constant 0 : index
        %swap3A_508 = tpu.vector_load %arg5[%swap3A] {strides = array<i32>} : memref<16xf32, #tpu.memory_space<vmem>>, vector<16xf32>,
        %swap3A_509 = vector.shape_cast %swap3A_508 : vector<16xf32> to vector<16xf32>
        %swap3A_510 = vector.shape_cast %add3A_507 : vector<16xf32> to vector<16xf32>
        tpu.vector_store %arg5[%swap3A], %swap3A_510 {strides = array<i32>} : memref<16xf32, #tpu.memory_space<vmem>>, vector<16xf32>,
        "tpu.region"() ({
          %run_scoped3A = tpu.sem_alloc : memref<!tpu.dma_semaphore, #tpu.memory_space<semaphore_mem>>
          %dma_start3A_511 = arith.constant 100000 : i32
          %dma_start3A_512 = tpu.memref_slice %arg4[%dma_start3A_511] : memref<4800000xf32, #tpu.memory_space<hbm>> -> memref<16xf32, #tpu.memory_space<hbm>>
          %dma_start3A_513 = arith.constant 100000 : i32
          %dma_start3A_514 = tpu.memref_slice %arg4[%dma_start3A_513] : memref<4800000xf32, #tpu.memory_space<hbm>> -> memref<16xf32, #tpu.memory_space<hbm>>
          tpu.enqueue_dma source(%arg5 : memref<16xf32, #tpu.memory_space<vmem>>) target(%dma_start3A_514 : memref<16xf32, #tpu.memory_space<hbm>>) target_semaphore(%run_scoped3A : memref<!tpu.dma_semaphore, #tpu.memory_space<semaphore_mem>>)
          %dma_wait3A_515 = arith.constant 100000 : i32
          %dma_wait3A_516 = tpu.memref_slice %arg4[%dma_wait3A_515] : memref<4800000xf32, #tpu.memory_space<hbm>> -> memref<16xf32, #tpu.memory_space<hbm>>
          %dma_wait3A_517 = arith.constant 100000 : i32
          %dma_wait3A_518 = tpu.memref_slice %arg4[%dma_wait3A_517] : memref<4800000xf32, #tpu.memory_space<hbm>> -> memref<16xf32, #tpu.memory_space<hbm>>
          tpu.wait_dma2 semaphore(%run_scoped3A : memref<!tpu.dma_semaphore, #tpu.memory_space<semaphore_mem>>) src(%arg5 : memref<16xf32, #tpu.memory_space<vmem>>) dst(%dma_wait3A_518 : memref<16xf32, #tpu.memory_space<hbm>>)
          tpu.yield
        }) : () -> ()
      } else {
      }
      %eq3A_272 = arith.constant 1 : i32
      %eq3A_273 = arith.cmpi eq, %add3A, %eq3A_272 : i32
      %convert_element_type3A_274 = arith.extui %eq3A_273 : i1 to i32
      %cond3A_275 = arith.constant 0 : i32
      %cond3A_276 = arith.cmpi ne, %convert_element_type3A_274, %cond3A_275 : i32
      scf.if %cond3A_276 {
        "tpu.region"() ({
          %run_scoped3A = tpu.sem_alloc : memref<!tpu.dma_semaphore, #tpu.memory_space<semaphore_mem>>
          %dma_start3A_511 = arith.constant 200000 : i32
          %dma_start3A_512 = tpu.memref_slice %arg2[%dma_start3A_511] : memref<4800000xf32, #tpu.memory_space<hbm>> -> memref<16xf32, #tpu.memory_space<hbm>>
          %dma_start3A_513 = arith.constant 200000 : i32
          %dma_start3A_514 = tpu.memref_slice %arg2[%dma_start3A_513] : memref<4800000xf32, #tpu.memory_space<hbm>> -> memref<16xf32, #tpu.memory_space<hbm>>
          tpu.enqueue_dma source(%dma_start3A_514 : memref<16xf32, #tpu.memory_space<hbm>>) target(%arg5 : memref<16xf32, #tpu.memory_space<vmem>>) target_semaphore(%run_scoped3A : memref<!tpu.dma_semaphore, #tpu.memory_space<semaphore_mem>>)
          %dma_wait3A_515 = arith.constant 200000 : i32
          %dma_wait3A_516 = tpu.memref_slice %arg2[%dma_wait3A_515] : memref<4800000xf32, #tpu.memory_space<hbm>> -> memref<16xf32, #tpu.memory_space<hbm>>
          %dma_wait3A_517 = arith.constant 200000 : i32
          %dma_wait3A_518 = tpu.memref_slice %arg2[%dma_wait3A_517] : memref<4800000xf32, #tpu.memory_space<hbm>> -> memref<16xf32, #tpu.memory_space<hbm>>
          tpu.wait_dma2 semaphore(%run_scoped3A : memref<!tpu.dma_semaphore, #tpu.memory_space<semaphore_mem>>) src(%dma_wait3A_518 : memref<16xf32, #tpu.memory_space<hbm>>) dst(%arg5 : memref<16xf32, #tpu.memory_space<vmem>>)
          tpu.yield
        }) : () -> ()
        %get3A = arith.constant 0 : index
        %get3A_502 = tpu.vector_load %arg5[%get3A] {strides = array<i32>} : memref<16xf32, #tpu.memory_space<vmem>>, vector<16xf32>,
        %get3A_503 = vector.shape_cast %get3A_502 : vector<16xf32> to vector<16xf32>
        %get3A_504 = arith.constant 32 : index
        %get3A_505 = tpu.vector_load %arg6[%get3A_504] {strides = array<i32>} : memref<768xf32, #tpu.memory_space<vmem>>, vector<16xf32>,
        %get3A_506 = vector.shape_cast %get3A_505 : vector<16xf32> to vector<16xf32>
        %add3A_507 = arith.addf %get3A_503, %get3A_506 : vector<16xf32>
        %swap3A = arith.constant 0 : index
        %swap3A_508 = tpu.vector_load %arg5[%swap3A] {strides = array<i32>} : memref<16xf32, #tpu.memory_space<vmem>>, vector<16xf32>,
        %swap3A_509 = vector.shape_cast %swap3A_508 : vector<16xf32> to vector<16xf32>
        %swap3A_510 = vector.shape_cast %add3A_507 : vector<16xf32> to vector<16xf32>
        tpu.vector_store %arg5[%swap3A], %swap3A_510 {strides = array<i32>} : memref<16xf32, #tpu.memory_space<vmem>>, vector<16xf32>,
        "tpu.region"() ({
          %run_scoped3A = tpu.sem_alloc : memref<!tpu.dma_semaphore, #tpu.memory_space<semaphore_mem>>
          %dma_start3A_511 = arith.constant 200000 : i32
          %dma_start3A_512 = tpu.memref_slice %arg4[%dma_start3A_511] : memref<4800000xf32, #tpu.memory_space<hbm>> -> memref<16xf32, #tpu.memory_space<hbm>>
          %dma_start3A_513 = arith.constant 200000 : i32
          %dma_start3A_514 = tpu.memref_slice %arg4[%dma_start3A_513] : memref<4800000xf32, #tpu.memory_space<hbm>> -> memref<16xf32, #tpu.memory_space<hbm>>
          tpu.enqueue_dma source(%arg5 : memref<16xf32, #tpu.memory_space<vmem>>) target(%dma_start3A_514 : memref<16xf32, #tpu.memory_space<hbm>>) target_semaphore(%run_scoped3A : memref<!tpu.dma_semaphore, #tpu.memory_space<semaphore_mem>>)
          %dma_wait3A_515 = arith.constant 200000 : i32
          %dma_wait3A_516 = tpu.memref_slice %arg4[%dma_wait3A_515] : memref<4800000xf32, #tpu.memory_space<hbm>> -> memref<16xf32, #tpu.memory_space<hbm>>
          %dma_wait3A_517 = arith.constant 200000 : i32
          %dma_wait3A_518 = tpu.memref_slice %arg4[%dma_wait3A_517] : memref<4800000xf32, #tpu.memory_space<hbm>> -> memref<16xf32, #tpu.memory_space<hbm>>
          tpu.wait_dma2 semaphore(%run_scoped3A : memref<!tpu.dma_semaphore, #tpu.memory_space<semaphore_mem>>) src(%arg5 : memref<16xf32, #tpu.memory_space<vmem>>) dst(%dma_wait3A_518 : memref<16xf32, #tpu.memory_space<hbm>>)
          tpu.yield
        }) : () -> ()
      } else {
      }
      %eq3A_277 = arith.constant 1 : i32
      %eq3A_278 = arith.cmpi eq, %add3A, %eq3A_277 : i32
      %convert_element_type3A_279 = arith.extui %eq3A_278 : i1 to i32
      %cond3A_280 = arith.constant 0 : i32
      %cond3A_281 = arith.cmpi ne, %convert_element_type3A_279, %cond3A_280 : i32
      scf.if %cond3A_281 {
        "tpu.region"() ({
          %run_scoped3A = tpu.sem_alloc : memref<!tpu.dma_semaphore, #tpu.memory_space<semaphore_mem>>
          %dma_start3A_511 = arith.constant 300000 : i32
          %dma_start3A_512 = tpu.memref_slice %arg2[%dma_start3A_511] : memref<4800000xf32, #tpu.memory_space<hbm>> -> memref<16xf32, #tpu.memory_space<hbm>>
          %dma_start3A_513 = arith.constant 300000 : i32
          %dma_start3A_514 = tpu.memref_slice %arg2[%dma_start3A_513] : memref<4800000xf32, #tpu.memory_space<hbm>> -> memref<16xf32, #tpu.memory_space<hbm>>
          tpu.enqueue_dma source(%dma_start3A_514 : memref<16xf32, #tpu.memory_space<hbm>>) target(%arg5 : memref<16xf32, #tpu.memory_space<vmem>>) target_semaphore(%run_scoped3A : memref<!tpu.dma_semaphore, #tpu.memory_space<semaphore_mem>>)
          %dma_wait3A_515 = arith.constant 300000 : i32
          %dma_wait3A_516 = tpu.memref_slice %arg2[%dma_wait3A_515] : memref<4800000xf32, #tpu.memory_space<hbm>> -> memref<16xf32, #tpu.memory_space<hbm>>
          %dma_wait3A_517 = arith.constant 300000 : i32
          %dma_wait3A_518 = tpu.memref_slice %arg2[%dma_wait3A_517] : memref<4800000xf32, #tpu.memory_space<hbm>> -> memref<16xf32, #tpu.memory_space<hbm>>
          tpu.wait_dma2 semaphore(%run_scoped3A : memref<!tpu.dma_semaphore, #tpu.memory_space<semaphore_mem>>) src(%dma_wait3A_518 : memref<16xf32, #tpu.memory_space<hbm>>) dst(%arg5 : memref<16xf32, #tpu.memory_space<vmem>>)
          tpu.yield
        }) : () -> ()
        %get3A = arith.constant 0 : index
        %get3A_502 = tpu.vector_load %arg5[%get3A] {strides = array<i32>} : memref<16xf32, #tpu.memory_space<vmem>>, vector<16xf32>,
        %get3A_503 = vector.shape_cast %get3A_502 : vector<16xf32> to vector<16xf32>
        %get3A_504 = arith.constant 48 : index
        %get3A_505 = tpu.vector_load %arg6[%get3A_504] {strides = array<i32>} : memref<768xf32, #tpu.memory_space<vmem>>, vector<16xf32>,
        %get3A_506 = vector.shape_cast %get3A_505 : vector<16xf32> to vector<16xf32>
        %add3A_507 = arith.addf %get3A_503, %get3A_506 : vector<16xf32>
        %swap3A = arith.constant 0 : index
        %swap3A_508 = tpu.vector_load %arg5[%swap3A] {strides = array<i32>} : memref<16xf32, #tpu.memory_space<vmem>>, vector<16xf32>,
        %swap3A_509 = vector.shape_cast %swap3A_508 : vector<16xf32> to vector<16xf32>
        %swap3A_510 = vector.shape_cast %add3A_507 : vector<16xf32> to vector<16xf32>
        tpu.vector_store %arg5[%swap3A], %swap3A_510 {strides = array<i32>} : memref<16xf32, #tpu.memory_space<vmem>>, vector<16xf32>,
        "tpu.region"() ({
          %run_scoped3A = tpu.sem_alloc : memref<!tpu.dma_semaphore, #tpu.memory_space<semaphore_mem>>
          %dma_start3A_511 = arith.constant 300000 : i32
          %dma_start3A_512 = tpu.memref_slice %arg4[%dma_start3A_511] : memref<4800000xf32, #tpu.memory_space<hbm>> -> memref<16xf32, #tpu.memory_space<hbm>>
          %dma_start3A_513 = arith.constant 300000 : i32
          %dma_start3A_514 = tpu.memref_slice %arg4[%dma_start3A_513] : memref<4800000xf32, #tpu.memory_space<hbm>> -> memref<16xf32, #tpu.memory_space<hbm>>
          tpu.enqueue_dma source(%arg5 : memref<16xf32, #tpu.memory_space<vmem>>) target(%dma_start3A_514 : memref<16xf32, #tpu.memory_space<hbm>>) target_semaphore(%run_scoped3A : memref<!tpu.dma_semaphore, #tpu.memory_space<semaphore_mem>>)
          %dma_wait3A_515 = arith.constant 300000 : i32
          %dma_wait3A_516 = tpu.memref_slice %arg4[%dma_wait3A_515] : memref<4800000xf32, #tpu.memory_space<hbm>> -> memref<16xf32, #tpu.memory_space<hbm>>
          %dma_wait3A_517 = arith.constant 300000 : i32
          %dma_wait3A_518 = tpu.memref_slice %arg4[%dma_wait3A_517] : memref<4800000xf32, #tpu.memory_space<hbm>> -> memref<16xf32, #tpu.memory_space<hbm>>
          tpu.wait_dma2 semaphore(%run_scoped3A : memref<!tpu.dma_semaphore, #tpu.memory_space<semaphore_mem>>) src(%arg5 : memref<16xf32, #tpu.memory_space<vmem>>) dst(%dma_wait3A_518 : memref<16xf32, #tpu.memory_space<hbm>>)
          tpu.yield
        }) : () -> ()
      } else {
      }
      %eq3A_282 = arith.constant 2 : i32
      %eq3A_283 = arith.cmpi eq, %add3A, %eq3A_282 : i32
      %convert_element_type3A_284 = arith.extui %eq3A_283 : i1 to i32
      %cond3A_285 = arith.constant 0 : i32
      %cond3A_286 = arith.cmpi ne, %convert_element_type3A_284, %cond3A_285 : i32
      scf.if %cond3A_286 {
        "tpu.region"() ({
          %run_scoped3A = tpu.sem_alloc : memref<!tpu.dma_semaphore, #tpu.memory_space<semaphore_mem>>
          %dma_start3A_511 = arith.constant 400000 : i32
          %dma_start3A_512 = tpu.memref_slice %arg2[%dma_start3A_511] : memref<4800000xf32, #tpu.memory_space<hbm>> -> memref<16xf32, #tpu.memory_space<hbm>>
          %dma_start3A_513 = arith.constant 400000 : i32
          %dma_start3A_514 = tpu.memref_slice %arg2[%dma_start3A_513] : memref<4800000xf32, #tpu.memory_space<hbm>> -> memref<16xf32, #tpu.memory_space<hbm>>
          tpu.enqueue_dma source(%dma_start3A_514 : memref<16xf32, #tpu.memory_space<hbm>>) target(%arg5 : memref<16xf32, #tpu.memory_space<vmem>>) target_semaphore(%run_scoped3A : memref<!tpu.dma_semaphore, #tpu.memory_space<semaphore_mem>>)
          %dma_wait3A_515 = arith.constant 400000 : i32
          %dma_wait3A_516 = tpu.memref_slice %arg2[%dma_wait3A_515] : memref<4800000xf32, #tpu.memory_space<hbm>> -> memref<16xf32, #tpu.memory_space<hbm>>
          %dma_wait3A_517 = arith.constant 400000 : i32
          %dma_wait3A_518 = tpu.memref_slice %arg2[%dma_wait3A_517] : memref<4800000xf32, #tpu.memory_space<hbm>> -> memref<16xf32, #tpu.memory_space<hbm>>
          tpu.wait_dma2 semaphore(%run_scoped3A : memref<!tpu.dma_semaphore, #tpu.memory_space<semaphore_mem>>) src(%dma_wait3A_518 : memref<16xf32, #tpu.memory_space<hbm>>) dst(%arg5 : memref<16xf32, #tpu.memory_space<vmem>>)
          tpu.yield
        }) : () -> ()
        %get3A = arith.constant 0 : index
        %get3A_502 = tpu.vector_load %arg5[%get3A] {strides = array<i32>} : memref<16xf32, #tpu.memory_space<vmem>>, vector<16xf32>,
        %get3A_503 = vector.shape_cast %get3A_502 : vector<16xf32> to vector<16xf32>
        %get3A_504 = arith.constant 64 : index
        %get3A_505 = tpu.vector_load %arg6[%get3A_504] {strides = array<i32>} : memref<768xf32, #tpu.memory_space<vmem>>, vector<16xf32>,
        %get3A_506 = vector.shape_cast %get3A_505 : vector<16xf32> to vector<16xf32>
        %add3A_507 = arith.addf %get3A_503, %get3A_506 : vector<16xf32>
        %swap3A = arith.constant 0 : index
        %swap3A_508 = tpu.vector_load %arg5[%swap3A] {strides = array<i32>} : memref<16xf32, #tpu.memory_space<vmem>>, vector<16xf32>,
        %swap3A_509 = vector.shape_cast %swap3A_508 : vector<16xf32> to vector<16xf32>
        %swap3A_510 = vector.shape_cast %add3A_507 : vector<16xf32> to vector<16xf32>
        tpu.vector_store %arg5[%swap3A], %swap3A_510 {strides = array<i32>} : memref<16xf32, #tpu.memory_space<vmem>>, vector<16xf32>,
        "tpu.region"() ({
          %run_scoped3A = tpu.sem_alloc : memref<!tpu.dma_semaphore, #tpu.memory_space<semaphore_mem>>
          %dma_start3A_511 = arith.constant 400000 : i32
          %dma_start3A_512 = tpu.memref_slice %arg4[%dma_start3A_511] : memref<4800000xf32, #tpu.memory_space<hbm>> -> memref<16xf32, #tpu.memory_space<hbm>>
          %dma_start3A_513 = arith.constant 400000 : i32
          %dma_start3A_514 = tpu.memref_slice %arg4[%dma_start3A_513] : memref<4800000xf32, #tpu.memory_space<hbm>> -> memref<16xf32, #tpu.memory_space<hbm>>
          tpu.enqueue_dma source(%arg5 : memref<16xf32, #tpu.memory_space<vmem>>) target(%dma_start3A_514 : memref<16xf32, #tpu.memory_space<hbm>>) target_semaphore(%run_scoped3A : memref<!tpu.dma_semaphore, #tpu.memory_space<semaphore_mem>>)
          %dma_wait3A_515 = arith.constant 400000 : i32
          %dma_wait3A_516 = tpu.memref_slice %arg4[%dma_wait3A_515] : memref<4800000xf32, #tpu.memory_space<hbm>> -> memref<16xf32, #tpu.memory_space<hbm>>
          %dma_wait3A_517 = arith.constant 400000 : i32
          %dma_wait3A_518 = tpu.memref_slice %arg4[%dma_wait3A_517] : memref<4800000xf32, #tpu.memory_space<hbm>> -> memref<16xf32, #tpu.memory_space<hbm>>
          tpu.wait_dma2 semaphore(%run_scoped3A : memref<!tpu.dma_semaphore, #tpu.memory_space<semaphore_mem>>) src(%arg5 : memref<16xf32, #tpu.memory_space<vmem>>) dst(%dma_wait3A_518 : memref<16xf32, #tpu.memory_space<hbm>>)
          tpu.yield
        }) : () -> ()
      } else {
      }
      %eq3A_287 = arith.constant 3 : i32
      %eq3A_288 = arith.cmpi eq, %add3A, %eq3A_287 : i32
      %convert_element_type3A_289 = arith.extui %eq3A_288 : i1 to i32
      %cond3A_290 = arith.constant 0 : i32
      %cond3A_291 = arith.cmpi ne, %convert_element_type3A_289, %cond3A_290 : i32
      scf.if %cond3A_291 {
        "tpu.region"() ({
          %run_scoped3A = tpu.sem_alloc : memref<!tpu.dma_semaphore, #tpu.memory_space<semaphore_mem>>
          %dma_start3A_511 = arith.constant 500000 : i32
          %dma_start3A_512 = tpu.memref_slice %arg2[%dma_start3A_511] : memref<4800000xf32, #tpu.memory_space<hbm>> -> memref<16xf32, #tpu.memory_space<hbm>>
          %dma_start3A_513 = arith.constant 500000 : i32
          %dma_start3A_514 = tpu.memref_slice %arg2[%dma_start3A_513] : memref<4800000xf32, #tpu.memory_space<hbm>> -> memref<16xf32, #tpu.memory_space<hbm>>
          tpu.enqueue_dma source(%dma_start3A_514 : memref<16xf32, #tpu.memory_space<hbm>>) target(%arg5 : memref<16xf32, #tpu.memory_space<vmem>>) target_semaphore(%run_scoped3A : memref<!tpu.dma_semaphore, #tpu.memory_space<semaphore_mem>>)
          %dma_wait3A_515 = arith.constant 500000 : i32
          %dma_wait3A_516 = tpu.memref_slice %arg2[%dma_wait3A_515] : memref<4800000xf32, #tpu.memory_space<hbm>> -> memref<16xf32, #tpu.memory_space<hbm>>
          %dma_wait3A_517 = arith.constant 500000 : i32
          %dma_wait3A_518 = tpu.memref_slice %arg2[%dma_wait3A_517] : memref<4800000xf32, #tpu.memory_space<hbm>> -> memref<16xf32, #tpu.memory_space<hbm>>
          tpu.wait_dma2 semaphore(%run_scoped3A : memref<!tpu.dma_semaphore, #tpu.memory_space<semaphore_mem>>) src(%dma_wait3A_518 : memref<16xf32, #tpu.memory_space<hbm>>) dst(%arg5 : memref<16xf32, #tpu.memory_space<vmem>>)
          tpu.yield
        }) : () -> ()
        %get3A = arith.constant 0 : index
        %get3A_502 = tpu.vector_load %arg5[%get3A] {strides = array<i32>} : memref<16xf32, #tpu.memory_space<vmem>>, vector<16xf32>,
        %get3A_503 = vector.shape_cast %get3A_502 : vector<16xf32> to vector<16xf32>
        %get3A_504 = arith.constant 80 : index
        %get3A_505 = tpu.vector_load %arg6[%get3A_504] {strides = array<i32>} : memref<768xf32, #tpu.memory_space<vmem>>, vector<16xf32>,
        %get3A_506 = vector.shape_cast %get3A_505 : vector<16xf32> to vector<16xf32>
        %add3A_507 = arith.addf %get3A_503, %get3A_506 : vector<16xf32>
        %swap3A = arith.constant 0 : index
        %swap3A_508 = tpu.vector_load %arg5[%swap3A] {strides = array<i32>} : memref<16xf32, #tpu.memory_space<vmem>>, vector<16xf32>,
        %swap3A_509 = vector.shape_cast %swap3A_508 : vector<16xf32> to vector<16xf32>
        %swap3A_510 = vector.shape_cast %add3A_507 : vector<16xf32> to vector<16xf32>
        tpu.vector_store %arg5[%swap3A], %swap3A_510 {strides = array<i32>} : memref<16xf32, #tpu.memory_space<vmem>>, vector<16xf32>,
        "tpu.region"() ({
          %run_scoped3A = tpu.sem_alloc : memref<!tpu.dma_semaphore, #tpu.memory_space<semaphore_mem>>
          %dma_start3A_511 = arith.constant 500000 : i32
          %dma_start3A_512 = tpu.memref_slice %arg4[%dma_start3A_511] : memref<4800000xf32, #tpu.memory_space<hbm>> -> memref<16xf32, #tpu.memory_space<hbm>>
          %dma_start3A_513 = arith.constant 500000 : i32
          %dma_start3A_514 = tpu.memref_slice %arg4[%dma_start3A_513] : memref<4800000xf32, #tpu.memory_space<hbm>> -> memref<16xf32, #tpu.memory_space<hbm>>
          tpu.enqueue_dma source(%arg5 : memref<16xf32, #tpu.memory_space<vmem>>) target(%dma_start3A_514 : memref<16xf32, #tpu.memory_space<hbm>>) target_semaphore(%run_scoped3A : memref<!tpu.dma_semaphore, #tpu.memory_space<semaphore_mem>>)
          %dma_wait3A_515 = arith.constant 500000 : i32
          %dma_wait3A_516 = tpu.memref_slice %arg4[%dma_wait3A_515] : memref<4800000xf32, #tpu.memory_space<hbm>> -> memref<16xf32, #tpu.memory_space<hbm>>
          %dma_wait3A_517 = arith.constant 500000 : i32
          %dma_wait3A_518 = tpu.memref_slice %arg4[%dma_wait3A_517] : memref<4800000xf32, #tpu.memory_space<hbm>> -> memref<16xf32, #tpu.memory_space<hbm>>
          tpu.wait_dma2 semaphore(%run_scoped3A : memref<!tpu.dma_semaphore, #tpu.memory_space<semaphore_mem>>) src(%arg5 : memref<16xf32, #tpu.memory_space<vmem>>) dst(%dma_wait3A_518 : memref<16xf32, #tpu.memory_space<hbm>>)
          tpu.yield
        }) : () -> ()
      } else {
      }
      %eq3A_292 = arith.constant 3 : i32
      %eq3A_293 = arith.cmpi eq, %add3A, %eq3A_292 : i32
      %convert_element_type3A_294 = arith.extui %eq3A_293 : i1 to i32
      %cond3A_295 = arith.constant 0 : i32
      %cond3A_296 = arith.cmpi ne, %convert_element_type3A_294, %cond3A_295 : i32
      scf.if %cond3A_296 {
        "tpu.region"() ({
          %run_scoped3A = tpu.sem_alloc : memref<!tpu.dma_semaphore, #tpu.memory_space<semaphore_mem>>
          %dma_start3A_511 = arith.constant 600000 : i32
          %dma_start3A_512 = tpu.memref_slice %arg2[%dma_start3A_511] : memref<4800000xf32, #tpu.memory_space<hbm>> -> memref<16xf32, #tpu.memory_space<hbm>>
          %dma_start3A_513 = arith.constant 600000 : i32
          %dma_start3A_514 = tpu.memref_slice %arg2[%dma_start3A_513] : memref<4800000xf32, #tpu.memory_space<hbm>> -> memref<16xf32, #tpu.memory_space<hbm>>
          tpu.enqueue_dma source(%dma_start3A_514 : memref<16xf32, #tpu.memory_space<hbm>>) target(%arg5 : memref<16xf32, #tpu.memory_space<vmem>>) target_semaphore(%run_scoped3A : memref<!tpu.dma_semaphore, #tpu.memory_space<semaphore_mem>>)
          %dma_wait3A_515 = arith.constant 600000 : i32
          %dma_wait3A_516 = tpu.memref_slice %arg2[%dma_wait3A_515] : memref<4800000xf32, #tpu.memory_space<hbm>> -> memref<16xf32, #tpu.memory_space<hbm>>
          %dma_wait3A_517 = arith.constant 600000 : i32
          %dma_wait3A_518 = tpu.memref_slice %arg2[%dma_wait3A_517] : memref<4800000xf32, #tpu.memory_space<hbm>> -> memref<16xf32, #tpu.memory_space<hbm>>
          tpu.wait_dma2 semaphore(%run_scoped3A : memref<!tpu.dma_semaphore, #tpu.memory_space<semaphore_mem>>) src(%dma_wait3A_518 : memref<16xf32, #tpu.memory_space<hbm>>) dst(%arg5 : memref<16xf32, #tpu.memory_space<vmem>>)
          tpu.yield
        }) : () -> ()
        %get3A = arith.constant 0 : index
        %get3A_502 = tpu.vector_load %arg5[%get3A] {strides = array<i32>} : memref<16xf32, #tpu.memory_space<vmem>>, vector<16xf32>,
        %get3A_503 = vector.shape_cast %get3A_502 : vector<16xf32> to vector<16xf32>
        %get3A_504 = arith.constant 96 : index
        %get3A_505 = tpu.vector_load %arg6[%get3A_504] {strides = array<i32>} : memref<768xf32, #tpu.memory_space<vmem>>, vector<16xf32>,
        %get3A_506 = vector.shape_cast %get3A_505 : vector<16xf32> to vector<16xf32>
        %add3A_507 = arith.addf %get3A_503, %get3A_506 : vector<16xf32>
        %swap3A = arith.constant 0 : index
        %swap3A_508 = tpu.vector_load %arg5[%swap3A] {strides = array<i32>} : memref<16xf32, #tpu.memory_space<vmem>>, vector<16xf32>,
        %swap3A_509 = vector.shape_cast %swap3A_508 : vector<16xf32> to vector<16xf32>
        %swap3A_510 = vector.shape_cast %add3A_507 : vector<16xf32> to vector<16xf32>
        tpu.vector_store %arg5[%swap3A], %swap3A_510 {strides = array<i32>} : memref<16xf32, #tpu.memory_space<vmem>>, vector<16xf32>,
        "tpu.region"() ({
          %run_scoped3A = tpu.sem_alloc : memref<!tpu.dma_semaphore, #tpu.memory_space<semaphore_mem>>
          %dma_start3A_511 = arith.constant 600000 : i32
          %dma_start3A_512 = tpu.memref_slice %arg4[%dma_start3A_511] : memref<4800000xf32, #tpu.memory_space<hbm>> -> memref<16xf32, #tpu.memory_space<hbm>>
          %dma_start3A_513 = arith.constant 600000 : i32
          %dma_start3A_514 = tpu.memref_slice %arg4[%dma_start3A_513] : memref<4800000xf32, #tpu.memory_space<hbm>> -> memref<16xf32, #tpu.memory_space<hbm>>
          tpu.enqueue_dma source(%arg5 : memref<16xf32, #tpu.memory_space<vmem>>) target(%dma_start3A_514 : memref<16xf32, #tpu.memory_space<hbm>>) target_semaphore(%run_scoped3A : memref<!tpu.dma_semaphore, #tpu.memory_space<semaphore_mem>>)
          %dma_wait3A_515 = arith.constant 600000 : i32
          %dma_wait3A_516 = tpu.memref_slice %arg4[%dma_wait3A_515] : memref<4800000xf32, #tpu.memory_space<hbm>> -> memref<16xf32, #tpu.memory_space<hbm>>
          %dma_wait3A_517 = arith.constant 600000 : i32
          %dma_wait3A_518 = tpu.memref_slice %arg4[%dma_wait3A_517] : memref<4800000xf32, #tpu.memory_space<hbm>> -> memref<16xf32, #tpu.memory_space<hbm>>
          tpu.wait_dma2 semaphore(%run_scoped3A : memref<!tpu.dma_semaphore, #tpu.memory_space<semaphore_mem>>) src(%arg5 : memref<16xf32, #tpu.memory_space<vmem>>) dst(%dma_wait3A_518 : memref<16xf32, #tpu.memory_space<hbm>>)
          tpu.yield
        }) : () -> ()
      } else {
      }
      %eq3A_297 = arith.constant 4 : i32
      %eq3A_298 = arith.cmpi eq, %add3A, %eq3A_297 : i32
      %convert_element_type3A_299 = arith.extui %eq3A_298 : i1 to i32
      %cond3A_300 = arith.constant 0 : i32
      %cond3A_301 = arith.cmpi ne, %convert_element_type3A_299, %cond3A_300 : i32
      scf.if %cond3A_301 {
        "tpu.region"() ({
          %run_scoped3A = tpu.sem_alloc : memref<!tpu.dma_semaphore, #tpu.memory_space<semaphore_mem>>
          %dma_start3A_511 = arith.constant 700000 : i32
          %dma_start3A_512 = tpu.memref_slice %arg2[%dma_start3A_511] : memref<4800000xf32, #tpu.memory_space<hbm>> -> memref<16xf32, #tpu.memory_space<hbm>>
          %dma_start3A_513 = arith.constant 700000 : i32
          %dma_start3A_514 = tpu.memref_slice %arg2[%dma_start3A_513] : memref<4800000xf32, #tpu.memory_space<hbm>> -> memref<16xf32, #tpu.memory_space<hbm>>
          tpu.enqueue_dma source(%dma_start3A_514 : memref<16xf32, #tpu.memory_space<hbm>>) target(%arg5 : memref<16xf32, #tpu.memory_space<vmem>>) target_semaphore(%run_scoped3A : memref<!tpu.dma_semaphore, #tpu.memory_space<semaphore_mem>>)
          %dma_wait3A_515 = arith.constant 700000 : i32
          %dma_wait3A_516 = tpu.memref_slice %arg2[%dma_wait3A_515] : memref<4800000xf32, #tpu.memory_space<hbm>> -> memref<16xf32, #tpu.memory_space<hbm>>
          %dma_wait3A_517 = arith.constant 700000 : i32
          %dma_wait3A_518 = tpu.memref_slice %arg2[%dma_wait3A_517] : memref<4800000xf32, #tpu.memory_space<hbm>> -> memref<16xf32, #tpu.memory_space<hbm>>
          tpu.wait_dma2 semaphore(%run_scoped3A : memref<!tpu.dma_semaphore, #tpu.memory_space<semaphore_mem>>) src(%dma_wait3A_518 : memref<16xf32, #tpu.memory_space<hbm>>) dst(%arg5 : memref<16xf32, #tpu.memory_space<vmem>>)
          tpu.yield
        }) : () -> ()
        %get3A = arith.constant 0 : index
        %get3A_502 = tpu.vector_load %arg5[%get3A] {strides = array<i32>} : memref<16xf32, #tpu.memory_space<vmem>>, vector<16xf32>,
        %get3A_503 = vector.shape_cast %get3A_502 : vector<16xf32> to vector<16xf32>
        %get3A_504 = arith.constant 112 : index
        %get3A_505 = tpu.vector_load %arg6[%get3A_504] {strides = array<i32>} : memref<768xf32, #tpu.memory_space<vmem>>, vector<16xf32>,
        %get3A_506 = vector.shape_cast %get3A_505 : vector<16xf32> to vector<16xf32>
        %add3A_507 = arith.addf %get3A_503, %get3A_506 : vector<16xf32>
        %swap3A = arith.constant 0 : index
        %swap3A_508 = tpu.vector_load %arg5[%swap3A] {strides = array<i32>} : memref<16xf32, #tpu.memory_space<vmem>>, vector<16xf32>,
        %swap3A_509 = vector.shape_cast %swap3A_508 : vector<16xf32> to vector<16xf32>
        %swap3A_510 = vector.shape_cast %add3A_507 : vector<16xf32> to vector<16xf32>
        tpu.vector_store %arg5[%swap3A], %swap3A_510 {strides = array<i32>} : memref<16xf32, #tpu.memory_space<vmem>>, vector<16xf32>,
        "tpu.region"() ({
          %run_scoped3A = tpu.sem_alloc : memref<!tpu.dma_semaphore, #tpu.memory_space<semaphore_mem>>
          %dma_start3A_511 = arith.constant 700000 : i32
          %dma_start3A_512 = tpu.memref_slice %arg4[%dma_start3A_511] : memref<4800000xf32, #tpu.memory_space<hbm>> -> memref<16xf32, #tpu.memory_space<hbm>>
          %dma_start3A_513 = arith.constant 700000 : i32
          %dma_start3A_514 = tpu.memref_slice %arg4[%dma_start3A_513] : memref<4800000xf32, #tpu.memory_space<hbm>> -> memref<16xf32, #tpu.memory_space<hbm>>
          tpu.enqueue_dma source(%arg5 : memref<16xf32, #tpu.memory_space<vmem>>) target(%dma_start3A_514 : memref<16xf32, #tpu.memory_space<hbm>>) target_semaphore(%run_scoped3A : memref<!tpu.dma_semaphore, #tpu.memory_space<semaphore_mem>>)
          %dma_wait3A_515 = arith.constant 700000 : i32
          %dma_wait3A_516 = tpu.memref_slice %arg4[%dma_wait3A_515] : memref<4800000xf32, #tpu.memory_space<hbm>> -> memref<16xf32, #tpu.memory_space<hbm>>
          %dma_wait3A_517 = arith.constant 700000 : i32
          %dma_wait3A_518 = tpu.memref_slice %arg4[%dma_wait3A_517] : memref<4800000xf32, #tpu.memory_space<hbm>> -> memref<16xf32, #tpu.memory_space<hbm>>
          tpu.wait_dma2 semaphore(%run_scoped3A : memref<!tpu.dma_semaphore, #tpu.memory_space<semaphore_mem>>) src(%arg5 : memref<16xf32, #tpu.memory_space<vmem>>) dst(%dma_wait3A_518 : memref<16xf32, #tpu.memory_space<hbm>>)
          tpu.yield
        }) : () -> ()
      } else {
      }
      %eq3A_302 = arith.constant 5 : i32
      %eq3A_303 = arith.cmpi eq, %add3A, %eq3A_302 : i32
      %convert_element_type3A_304 = arith.extui %eq3A_303 : i1 to i32
      %cond3A_305 = arith.constant 0 : i32
      %cond3A_306 = arith.cmpi ne, %convert_element_type3A_304, %cond3A_305 : i32
      scf.if %cond3A_306 {
        "tpu.region"() ({
          %run_scoped3A = tpu.sem_alloc : memref<!tpu.dma_semaphore, #tpu.memory_space<semaphore_mem>>
          %dma_start3A_511 = arith.constant 800000 : i32
          %dma_start3A_512 = tpu.memref_slice %arg2[%dma_start3A_511] : memref<4800000xf32, #tpu.memory_space<hbm>> -> memref<16xf32, #tpu.memory_space<hbm>>
          %dma_start3A_513 = arith.constant 800000 : i32
          %dma_start3A_514 = tpu.memref_slice %arg2[%dma_start3A_513] : memref<4800000xf32, #tpu.memory_space<hbm>> -> memref<16xf32, #tpu.memory_space<hbm>>
          tpu.enqueue_dma source(%dma_start3A_514 : memref<16xf32, #tpu.memory_space<hbm>>) target(%arg5 : memref<16xf32, #tpu.memory_space<vmem>>) target_semaphore(%run_scoped3A : memref<!tpu.dma_semaphore, #tpu.memory_space<semaphore_mem>>)
          %dma_wait3A_515 = arith.constant 800000 : i32
          %dma_wait3A_516 = tpu.memref_slice %arg2[%dma_wait3A_515] : memref<4800000xf32, #tpu.memory_space<hbm>> -> memref<16xf32, #tpu.memory_space<hbm>>
          %dma_wait3A_517 = arith.constant 800000 : i32
          %dma_wait3A_518 = tpu.memref_slice %arg2[%dma_wait3A_517] : memref<4800000xf32, #tpu.memory_space<hbm>> -> memref<16xf32, #tpu.memory_space<hbm>>
          tpu.wait_dma2 semaphore(%run_scoped3A : memref<!tpu.dma_semaphore, #tpu.memory_space<semaphore_mem>>) src(%dma_wait3A_518 : memref<16xf32, #tpu.memory_space<hbm>>) dst(%arg5 : memref<16xf32, #tpu.memory_space<vmem>>)
          tpu.yield
        }) : () -> ()
        %get3A = arith.constant 0 : index
        %get3A_502 = tpu.vector_load %arg5[%get3A] {strides = array<i32>} : memref<16xf32, #tpu.memory_space<vmem>>, vector<16xf32>,
        %get3A_503 = vector.shape_cast %get3A_502 : vector<16xf32> to vector<16xf32>
        %get3A_504 = arith.constant 128 : index
        %get3A_505 = tpu.vector_load %arg6[%get3A_504] {strides = array<i32>} : memref<768xf32, #tpu.memory_space<vmem>>, vector<16xf32>,
        %get3A_506 = vector.shape_cast %get3A_505 : vector<16xf32> to vector<16xf32>
        %add3A_507 = arith.addf %get3A_503, %get3A_506 : vector<16xf32>
        %swap3A = arith.constant 0 : index
        %swap3A_508 = tpu.vector_load %arg5[%swap3A] {strides = array<i32>} : memref<16xf32, #tpu.memory_space<vmem>>, vector<16xf32>,
        %swap3A_509 = vector.shape_cast %swap3A_508 : vector<16xf32> to vector<16xf32>
        %swap3A_510 = vector.shape_cast %add3A_507 : vector<16xf32> to vector<16xf32>
        tpu.vector_store %arg5[%swap3A], %swap3A_510 {strides = array<i32>} : memref<16xf32, #tpu.memory_space<vmem>>, vector<16xf32>,
        "tpu.region"() ({
          %run_scoped3A = tpu.sem_alloc : memref<!tpu.dma_semaphore, #tpu.memory_space<semaphore_mem>>
          %dma_start3A_511 = arith.constant 800000 : i32
          %dma_start3A_512 = tpu.memref_slice %arg4[%dma_start3A_511] : memref<4800000xf32, #tpu.memory_space<hbm>> -> memref<16xf32, #tpu.memory_space<hbm>>
          %dma_start3A_513 = arith.constant 800000 : i32
          %dma_start3A_514 = tpu.memref_slice %arg4[%dma_start3A_513] : memref<4800000xf32, #tpu.memory_space<hbm>> -> memref<16xf32, #tpu.memory_space<hbm>>
          tpu.enqueue_dma source(%arg5 : memref<16xf32, #tpu.memory_space<vmem>>) target(%dma_start3A_514 : memref<16xf32, #tpu.memory_space<hbm>>) target_semaphore(%run_scoped3A : memref<!tpu.dma_semaphore, #tpu.memory_space<semaphore_mem>>)
          %dma_wait3A_515 = arith.constant 800000 : i32
          %dma_wait3A_516 = tpu.memref_slice %arg4[%dma_wait3A_515] : memref<4800000xf32, #tpu.memory_space<hbm>> -> memref<16xf32, #tpu.memory_space<hbm>>
          %dma_wait3A_517 = arith.constant 800000 : i32
          %dma_wait3A_518 = tpu.memref_slice %arg4[%dma_wait3A_517] : memref<4800000xf32, #tpu.memory_space<hbm>> -> memref<16xf32, #tpu.memory_space<hbm>>
          tpu.wait_dma2 semaphore(%run_scoped3A : memref<!tpu.dma_semaphore, #tpu.memory_space<semaphore_mem>>) src(%arg5 : memref<16xf32, #tpu.memory_space<vmem>>) dst(%dma_wait3A_518 : memref<16xf32, #tpu.memory_space<hbm>>)
          tpu.yield
        }) : () -> ()
      } else {
      }
      %eq3A_307 = arith.constant 5 : i32
      %eq3A_308 = arith.cmpi eq, %add3A, %eq3A_307 : i32
      %convert_element_type3A_309 = arith.extui %eq3A_308 : i1 to i32
      %cond3A_310 = arith.constant 0 : i32
      %cond3A_311 = arith.cmpi ne, %convert_element_type3A_309, %cond3A_310 : i32
      scf.if %cond3A_311 {
        "tpu.region"() ({
          %run_scoped3A = tpu.sem_alloc : memref<!tpu.dma_semaphore, #tpu.memory_space<semaphore_mem>>
          %dma_start3A_511 = arith.constant 900000 : i32
          %dma_start3A_512 = tpu.memref_slice %arg2[%dma_start3A_511] : memref<4800000xf32, #tpu.memory_space<hbm>> -> memref<16xf32, #tpu.memory_space<hbm>>
          %dma_start3A_513 = arith.constant 900000 : i32
          %dma_start3A_514 = tpu.memref_slice %arg2[%dma_start3A_513] : memref<4800000xf32, #tpu.memory_space<hbm>> -> memref<16xf32, #tpu.memory_space<hbm>>
          tpu.enqueue_dma source(%dma_start3A_514 : memref<16xf32, #tpu.memory_space<hbm>>) target(%arg5 : memref<16xf32, #tpu.memory_space<vmem>>) target_semaphore(%run_scoped3A : memref<!tpu.dma_semaphore, #tpu.memory_space<semaphore_mem>>)
          %dma_wait3A_515 = arith.constant 900000 : i32
          %dma_wait3A_516 = tpu.memref_slice %arg2[%dma_wait3A_515] : memref<4800000xf32, #tpu.memory_space<hbm>> -> memref<16xf32, #tpu.memory_space<hbm>>
          %dma_wait3A_517 = arith.constant 900000 : i32
          %dma_wait3A_518 = tpu.memref_slice %arg2[%dma_wait3A_517] : memref<4800000xf32, #tpu.memory_space<hbm>> -> memref<16xf32, #tpu.memory_space<hbm>>
          tpu.wait_dma2 semaphore(%run_scoped3A : memref<!tpu.dma_semaphore, #tpu.memory_space<semaphore_mem>>) src(%dma_wait3A_518 : memref<16xf32, #tpu.memory_space<hbm>>) dst(%arg5 : memref<16xf32, #tpu.memory_space<vmem>>)
          tpu.yield
        }) : () -> ()
        %get3A = arith.constant 0 : index
        %get3A_502 = tpu.vector_load %arg5[%get3A] {strides = array<i32>} : memref<16xf32, #tpu.memory_space<vmem>>, vector<16xf32>,
        %get3A_503 = vector.shape_cast %get3A_502 : vector<16xf32> to vector<16xf32>
        %get3A_504 = arith.constant 144 : index
        %get3A_505 = tpu.vector_load %arg6[%get3A_504] {strides = array<i32>} : memref<768xf32, #tpu.memory_space<vmem>>, vector<16xf32>,
        %get3A_506 = vector.shape_cast %get3A_505 : vector<16xf32> to vector<16xf32>
        %add3A_507 = arith.addf %get3A_503, %get3A_506 : vector<16xf32>
        %swap3A = arith.constant 0 : index
        %swap3A_508 = tpu.vector_load %arg5[%swap3A] {strides = array<i32>} : memref<16xf32, #tpu.memory_space<vmem>>, vector<16xf32>,
        %swap3A_509 = vector.shape_cast %swap3A_508 : vector<16xf32> to vector<16xf32>
        %swap3A_510 = vector.shape_cast %add3A_507 : vector<16xf32> to vector<16xf32>
        tpu.vector_store %arg5[%swap3A], %swap3A_510 {strides = array<i32>} : memref<16xf32, #tpu.memory_space<vmem>>, vector<16xf32>,
        "tpu.region"() ({
          %run_scoped3A = tpu.sem_alloc : memref<!tpu.dma_semaphore, #tpu.memory_space<semaphore_mem>>
          %dma_start3A_511 = arith.constant 900000 : i32
          %dma_start3A_512 = tpu.memref_slice %arg4[%dma_start3A_511] : memref<4800000xf32, #tpu.memory_space<hbm>> -> memref<16xf32, #tpu.memory_space<hbm>>
          %dma_start3A_513 = arith.constant 900000 : i32
          %dma_start3A_514 = tpu.memref_slice %arg4[%dma_start3A_513] : memref<4800000xf32, #tpu.memory_space<hbm>> -> memref<16xf32, #tpu.memory_space<hbm>>
          tpu.enqueue_dma source(%arg5 : memref<16xf32, #tpu.memory_space<vmem>>) target(%dma_start3A_514 : memref<16xf32, #tpu.memory_space<hbm>>) target_semaphore(%run_scoped3A : memref<!tpu.dma_semaphore, #tpu.memory_space<semaphore_mem>>)
          %dma_wait3A_515 = arith.constant 900000 : i32
          %dma_wait3A_516 = tpu.memref_slice %arg4[%dma_wait3A_515] : memref<4800000xf32, #tpu.memory_space<hbm>> -> memref<16xf32, #tpu.memory_space<hbm>>
          %dma_wait3A_517 = arith.constant 900000 : i32
          %dma_wait3A_518 = tpu.memref_slice %arg4[%dma_wait3A_517] : memref<4800000xf32, #tpu.memory_space<hbm>> -> memref<16xf32, #tpu.memory_space<hbm>>
          tpu.wait_dma2 semaphore(%run_scoped3A : memref<!tpu.dma_semaphore, #tpu.memory_space<semaphore_mem>>) src(%arg5 : memref<16xf32, #tpu.memory_space<vmem>>) dst(%dma_wait3A_518 : memref<16xf32, #tpu.memory_space<hbm>>)
          tpu.yield
        }) : () -> ()
      } else {
      }
      %eq3A_312 = arith.constant 6 : i32
      %eq3A_313 = arith.cmpi eq, %add3A, %eq3A_312 : i32
      %convert_element_type3A_314 = arith.extui %eq3A_313 : i1 to i32
      %cond3A_315 = arith.constant 0 : i32
      %cond3A_316 = arith.cmpi ne, %convert_element_type3A_314, %cond3A_315 : i32
      scf.if %cond3A_316 {
        "tpu.region"() ({
          %run_scoped3A = tpu.sem_alloc : memref<!tpu.dma_semaphore, #tpu.memory_space<semaphore_mem>>
          %dma_start3A_511 = arith.constant 1000000 : i32
          %dma_start3A_512 = tpu.memref_slice %arg2[%dma_start3A_511] : memref<4800000xf32, #tpu.memory_space<hbm>> -> memref<16xf32, #tpu.memory_space<hbm>>
          %dma_start3A_513 = arith.constant 1000000 : i32
          %dma_start3A_514 = tpu.memref_slice %arg2[%dma_start3A_513] : memref<4800000xf32, #tpu.memory_space<hbm>> -> memref<16xf32, #tpu.memory_space<hbm>>
          tpu.enqueue_dma source(%dma_start3A_514 : memref<16xf32, #tpu.memory_space<hbm>>) target(%arg5 : memref<16xf32, #tpu.memory_space<vmem>>) target_semaphore(%run_scoped3A : memref<!tpu.dma_semaphore, #tpu.memory_space<semaphore_mem>>)
          %dma_wait3A_515 = arith.constant 1000000 : i32
          %dma_wait3A_516 = tpu.memref_slice %arg2[%dma_wait3A_515] : memref<4800000xf32, #tpu.memory_space<hbm>> -> memref<16xf32, #tpu.memory_space<hbm>>
          %dma_wait3A_517 = arith.constant 1000000 : i32
          %dma_wait3A_518 = tpu.memref_slice %arg2[%dma_wait3A_517] : memref<4800000xf32, #tpu.memory_space<hbm>> -> memref<16xf32, #tpu.memory_space<hbm>>
          tpu.wait_dma2 semaphore(%run_scoped3A : memref<!tpu.dma_semaphore, #tpu.memory_space<semaphore_mem>>) src(%dma_wait3A_518 : memref<16xf32, #tpu.memory_space<hbm>>) dst(%arg5 : memref<16xf32, #tpu.memory_space<vmem>>)
          tpu.yield
        }) : () -> ()
        %get3A = arith.constant 0 : index
        %get3A_502 = tpu.vector_load %arg5[%get3A] {strides = array<i32>} : memref<16xf32, #tpu.memory_space<vmem>>, vector<16xf32>,
        %get3A_503 = vector.shape_cast %get3A_502 : vector<16xf32> to vector<16xf32>
        %get3A_504 = arith.constant 160 : index
        %get3A_505 = tpu.vector_load %arg6[%get3A_504] {strides = array<i32>} : memref<768xf32, #tpu.memory_space<vmem>>, vector<16xf32>,
        %get3A_506 = vector.shape_cast %get3A_505 : vector<16xf32> to vector<16xf32>
        %add3A_507 = arith.addf %get3A_503, %get3A_506 : vector<16xf32>
        %swap3A = arith.constant 0 : index
        %swap3A_508 = tpu.vector_load %arg5[%swap3A] {strides = array<i32>} : memref<16xf32, #tpu.memory_space<vmem>>, vector<16xf32>,
        %swap3A_509 = vector.shape_cast %swap3A_508 : vector<16xf32> to vector<16xf32>
        %swap3A_510 = vector.shape_cast %add3A_507 : vector<16xf32> to vector<16xf32>
        tpu.vector_store %arg5[%swap3A], %swap3A_510 {strides = array<i32>} : memref<16xf32, #tpu.memory_space<vmem>>, vector<16xf32>,
        "tpu.region"() ({
          %run_scoped3A = tpu.sem_alloc : memref<!tpu.dma_semaphore, #tpu.memory_space<semaphore_mem>>
          %dma_start3A_511 = arith.constant 1000000 : i32
          %dma_start3A_512 = tpu.memref_slice %arg4[%dma_start3A_511] : memref<4800000xf32, #tpu.memory_space<hbm>> -> memref<16xf32, #tpu.memory_space<hbm>>
          %dma_start3A_513 = arith.constant 1000000 : i32
          %dma_start3A_514 = tpu.memref_slice %arg4[%dma_start3A_513] : memref<4800000xf32, #tpu.memory_space<hbm>> -> memref<16xf32, #tpu.memory_space<hbm>>
          tpu.enqueue_dma source(%arg5 : memref<16xf32, #tpu.memory_space<vmem>>) target(%dma_start3A_514 : memref<16xf32, #tpu.memory_space<hbm>>) target_semaphore(%run_scoped3A : memref<!tpu.dma_semaphore, #tpu.memory_space<semaphore_mem>>)
          %dma_wait3A_515 = arith.constant 1000000 : i32
          %dma_wait3A_516 = tpu.memref_slice %arg4[%dma_wait3A_515] : memref<4800000xf32, #tpu.memory_space<hbm>> -> memref<16xf32, #tpu.memory_space<hbm>>
          %dma_wait3A_517 = arith.constant 1000000 : i32
          %dma_wait3A_518 = tpu.memref_slice %arg4[%dma_wait3A_517] : memref<4800000xf32, #tpu.memory_space<hbm>> -> memref<16xf32, #tpu.memory_space<hbm>>
          tpu.wait_dma2 semaphore(%run_scoped3A : memref<!tpu.dma_semaphore, #tpu.memory_space<semaphore_mem>>) src(%arg5 : memref<16xf32, #tpu.memory_space<vmem>>) dst(%dma_wait3A_518 : memref<16xf32, #tpu.memory_space<hbm>>)
          tpu.yield
        }) : () -> ()
      } else {
      }
      %eq3A_317 = arith.constant 6 : i32
      %eq3A_318 = arith.cmpi eq, %add3A, %eq3A_317 : i32
      %convert_element_type3A_319 = arith.extui %eq3A_318 : i1 to i32
      %cond3A_320 = arith.constant 0 : i32
      %cond3A_321 = arith.cmpi ne, %convert_element_type3A_319, %cond3A_320 : i32
      scf.if %cond3A_321 {
        "tpu.region"() ({
          %run_scoped3A = tpu.sem_alloc : memref<!tpu.dma_semaphore, #tpu.memory_space<semaphore_mem>>
          %dma_start3A_511 = arith.constant 1100000 : i32
          %dma_start3A_512 = tpu.memref_slice %arg2[%dma_start3A_511] : memref<4800000xf32, #tpu.memory_space<hbm>> -> memref<16xf32, #tpu.memory_space<hbm>>
          %dma_start3A_513 = arith.constant 1100000 : i32
          %dma_start3A_514 = tpu.memref_slice %arg2[%dma_start3A_513] : memref<4800000xf32, #tpu.memory_space<hbm>> -> memref<16xf32, #tpu.memory_space<hbm>>
          tpu.enqueue_dma source(%dma_start3A_514 : memref<16xf32, #tpu.memory_space<hbm>>) target(%arg5 : memref<16xf32, #tpu.memory_space<vmem>>) target_semaphore(%run_scoped3A : memref<!tpu.dma_semaphore, #tpu.memory_space<semaphore_mem>>)
          %dma_wait3A_515 = arith.constant 1100000 : i32
          %dma_wait3A_516 = tpu.memref_slice %arg2[%dma_wait3A_515] : memref<4800000xf32, #tpu.memory_space<hbm>> -> memref<16xf32, #tpu.memory_space<hbm>>
          %dma_wait3A_517 = arith.constant 1100000 : i32
          %dma_wait3A_518 = tpu.memref_slice %arg2[%dma_wait3A_517] : memref<4800000xf32, #tpu.memory_space<hbm>> -> memref<16xf32, #tpu.memory_space<hbm>>
          tpu.wait_dma2 semaphore(%run_scoped3A : memref<!tpu.dma_semaphore, #tpu.memory_space<semaphore_mem>>) src(%dma_wait3A_518 : memref<16xf32, #tpu.memory_space<hbm>>) dst(%arg5 : memref<16xf32, #tpu.memory_space<vmem>>)
          tpu.yield
        }) : () -> ()
        %get3A = arith.constant 0 : index
        %get3A_502 = tpu.vector_load %arg5[%get3A] {strides = array<i32>} : memref<16xf32, #tpu.memory_space<vmem>>, vector<16xf32>,
        %get3A_503 = vector.shape_cast %get3A_502 : vector<16xf32> to vector<16xf32>
        %get3A_504 = arith.constant 176 : index
        %get3A_505 = tpu.vector_load %arg6[%get3A_504] {strides = array<i32>} : memref<768xf32, #tpu.memory_space<vmem>>, vector<16xf32>,
        %get3A_506 = vector.shape_cast %get3A_505 : vector<16xf32> to vector<16xf32>
        %add3A_507 = arith.addf %get3A_503, %get3A_506 : vector<16xf32>
        %swap3A = arith.constant 0 : index
        %swap3A_508 = tpu.vector_load %arg5[%swap3A] {strides = array<i32>} : memref<16xf32, #tpu.memory_space<vmem>>, vector<16xf32>,
        %swap3A_509 = vector.shape_cast %swap3A_508 : vector<16xf32> to vector<16xf32>
        %swap3A_510 = vector.shape_cast %add3A_507 : vector<16xf32> to vector<16xf32>
        tpu.vector_store %arg5[%swap3A], %swap3A_510 {strides = array<i32>} : memref<16xf32, #tpu.memory_space<vmem>>, vector<16xf32>,
        "tpu.region"() ({
          %run_scoped3A = tpu.sem_alloc : memref<!tpu.dma_semaphore, #tpu.memory_space<semaphore_mem>>
          %dma_start3A_511 = arith.constant 1100000 : i32
          %dma_start3A_512 = tpu.memref_slice %arg4[%dma_start3A_511] : memref<4800000xf32, #tpu.memory_space<hbm>> -> memref<16xf32, #tpu.memory_space<hbm>>
          %dma_start3A_513 = arith.constant 1100000 : i32
          %dma_start3A_514 = tpu.memref_slice %arg4[%dma_start3A_513] : memref<4800000xf32, #tpu.memory_space<hbm>> -> memref<16xf32, #tpu.memory_space<hbm>>
          tpu.enqueue_dma source(%arg5 : memref<16xf32, #tpu.memory_space<vmem>>) target(%dma_start3A_514 : memref<16xf32, #tpu.memory_space<hbm>>) target_semaphore(%run_scoped3A : memref<!tpu.dma_semaphore, #tpu.memory_space<semaphore_mem>>)
          %dma_wait3A_515 = arith.constant 1100000 : i32
          %dma_wait3A_516 = tpu.memref_slice %arg4[%dma_wait3A_515] : memref<4800000xf32, #tpu.memory_space<hbm>> -> memref<16xf32, #tpu.memory_space<hbm>>
          %dma_wait3A_517 = arith.constant 1100000 : i32
          %dma_wait3A_518 = tpu.memref_slice %arg4[%dma_wait3A_517] : memref<4800000xf32, #tpu.memory_space<hbm>> -> memref<16xf32, #tpu.memory_space<hbm>>
          tpu.wait_dma2 semaphore(%run_scoped3A : memref<!tpu.dma_semaphore, #tpu.memory_space<semaphore_mem>>) src(%arg5 : memref<16xf32, #tpu.memory_space<vmem>>) dst(%dma_wait3A_518 : memref<16xf32, #tpu.memory_space<hbm>>)
          tpu.yield
        }) : () -> ()
      } else {
      }
      %eq3A_322 = arith.constant 7 : i32
      %eq3A_323 = arith.cmpi eq, %add3A, %eq3A_322 : i32
      %convert_element_type3A_324 = arith.extui %eq3A_323 : i1 to i32
      %cond3A_325 = arith.constant 0 : i32
      %cond3A_326 = arith.cmpi ne, %convert_element_type3A_324, %cond3A_325 : i32
      scf.if %cond3A_326 {
        "tpu.region"() ({
          %run_scoped3A = tpu.sem_alloc : memref<!tpu.dma_semaphore, #tpu.memory_space<semaphore_mem>>
          %dma_start3A_511 = arith.constant 1200000 : i32
          %dma_start3A_512 = tpu.memref_slice %arg2[%dma_start3A_511] : memref<4800000xf32, #tpu.memory_space<hbm>> -> memref<16xf32, #tpu.memory_space<hbm>>
          %dma_start3A_513 = arith.constant 1200000 : i32
          %dma_start3A_514 = tpu.memref_slice %arg2[%dma_start3A_513] : memref<4800000xf32, #tpu.memory_space<hbm>> -> memref<16xf32, #tpu.memory_space<hbm>>
          tpu.enqueue_dma source(%dma_start3A_514 : memref<16xf32, #tpu.memory_space<hbm>>) target(%arg5 : memref<16xf32, #tpu.memory_space<vmem>>) target_semaphore(%run_scoped3A : memref<!tpu.dma_semaphore, #tpu.memory_space<semaphore_mem>>)
          %dma_wait3A_515 = arith.constant 1200000 : i32
          %dma_wait3A_516 = tpu.memref_slice %arg2[%dma_wait3A_515] : memref<4800000xf32, #tpu.memory_space<hbm>> -> memref<16xf32, #tpu.memory_space<hbm>>
          %dma_wait3A_517 = arith.constant 1200000 : i32
          %dma_wait3A_518 = tpu.memref_slice %arg2[%dma_wait3A_517] : memref<4800000xf32, #tpu.memory_space<hbm>> -> memref<16xf32, #tpu.memory_space<hbm>>
          tpu.wait_dma2 semaphore(%run_scoped3A : memref<!tpu.dma_semaphore, #tpu.memory_space<semaphore_mem>>) src(%dma_wait3A_518 : memref<16xf32, #tpu.memory_space<hbm>>) dst(%arg5 : memref<16xf32, #tpu.memory_space<vmem>>)
          tpu.yield
        }) : () -> ()
        %get3A = arith.constant 0 : index
        %get3A_502 = tpu.vector_load %arg5[%get3A] {strides = array<i32>} : memref<16xf32, #tpu.memory_space<vmem>>, vector<16xf32>,
        %get3A_503 = vector.shape_cast %get3A_502 : vector<16xf32> to vector<16xf32>
        %get3A_504 = arith.constant 192 : index
        %get3A_505 = tpu.vector_load %arg6[%get3A_504] {strides = array<i32>} : memref<768xf32, #tpu.memory_space<vmem>>, vector<16xf32>,
        %get3A_506 = vector.shape_cast %get3A_505 : vector<16xf32> to vector<16xf32>
        %add3A_507 = arith.addf %get3A_503, %get3A_506 : vector<16xf32>
        %swap3A = arith.constant 0 : index
        %swap3A_508 = tpu.vector_load %arg5[%swap3A] {strides = array<i32>} : memref<16xf32, #tpu.memory_space<vmem>>, vector<16xf32>,
        %swap3A_509 = vector.shape_cast %swap3A_508 : vector<16xf32> to vector<16xf32>
        %swap3A_510 = vector.shape_cast %add3A_507 : vector<16xf32> to vector<16xf32>
        tpu.vector_store %arg5[%swap3A], %swap3A_510 {strides = array<i32>} : memref<16xf32, #tpu.memory_space<vmem>>, vector<16xf32>,
        "tpu.region"() ({
          %run_scoped3A = tpu.sem_alloc : memref<!tpu.dma_semaphore, #tpu.memory_space<semaphore_mem>>
          %dma_start3A_511 = arith.constant 1200000 : i32
          %dma_start3A_512 = tpu.memref_slice %arg4[%dma_start3A_511] : memref<4800000xf32, #tpu.memory_space<hbm>> -> memref<16xf32, #tpu.memory_space<hbm>>
          %dma_start3A_513 = arith.constant 1200000 : i32
          %dma_start3A_514 = tpu.memref_slice %arg4[%dma_start3A_513] : memref<4800000xf32, #tpu.memory_space<hbm>> -> memref<16xf32, #tpu.memory_space<hbm>>
          tpu.enqueue_dma source(%arg5 : memref<16xf32, #tpu.memory_space<vmem>>) target(%dma_start3A_514 : memref<16xf32, #tpu.memory_space<hbm>>) target_semaphore(%run_scoped3A : memref<!tpu.dma_semaphore, #tpu.memory_space<semaphore_mem>>)
          %dma_wait3A_515 = arith.constant 1200000 : i32
          %dma_wait3A_516 = tpu.memref_slice %arg4[%dma_wait3A_515] : memref<4800000xf32, #tpu.memory_space<hbm>> -> memref<16xf32, #tpu.memory_space<hbm>>
          %dma_wait3A_517 = arith.constant 1200000 : i32
          %dma_wait3A_518 = tpu.memref_slice %arg4[%dma_wait3A_517] : memref<4800000xf32, #tpu.memory_space<hbm>> -> memref<16xf32, #tpu.memory_space<hbm>>
          tpu.wait_dma2 semaphore(%run_scoped3A : memref<!tpu.dma_semaphore, #tpu.memory_space<semaphore_mem>>) src(%arg5 : memref<16xf32, #tpu.memory_space<vmem>>) dst(%dma_wait3A_518 : memref<16xf32, #tpu.memory_space<hbm>>)
          tpu.yield
        }) : () -> ()
      } else {
      }
      %eq3A_327 = arith.constant 8 : i32
      %eq3A_328 = arith.cmpi eq, %add3A, %eq3A_327 : i32
      %convert_element_type3A_329 = arith.extui %eq3A_328 : i1 to i32
      %cond3A_330 = arith.constant 0 : i32
      %cond3A_331 = arith.cmpi ne, %convert_element_type3A_329, %cond3A_330 : i32
      scf.if %cond3A_331 {
        "tpu.region"() ({
          %run_scoped3A = tpu.sem_alloc : memref<!tpu.dma_semaphore, #tpu.memory_space<semaphore_mem>>
          %dma_start3A_511 = arith.constant 1300000 : i32
          %dma_start3A_512 = tpu.memref_slice %arg2[%dma_start3A_511] : memref<4800000xf32, #tpu.memory_space<hbm>> -> memref<16xf32, #tpu.memory_space<hbm>>
          %dma_start3A_513 = arith.constant 1300000 : i32
          %dma_start3A_514 = tpu.memref_slice %arg2[%dma_start3A_513] : memref<4800000xf32, #tpu.memory_space<hbm>> -> memref<16xf32, #tpu.memory_space<hbm>>
          tpu.enqueue_dma source(%dma_start3A_514 : memref<16xf32, #tpu.memory_space<hbm>>) target(%arg5 : memref<16xf32, #tpu.memory_space<vmem>>) target_semaphore(%run_scoped3A : memref<!tpu.dma_semaphore, #tpu.memory_space<semaphore_mem>>)
          %dma_wait3A_515 = arith.constant 1300000 : i32
          %dma_wait3A_516 = tpu.memref_slice %arg2[%dma_wait3A_515] : memref<4800000xf32, #tpu.memory_space<hbm>> -> memref<16xf32, #tpu.memory_space<hbm>>
          %dma_wait3A_517 = arith.constant 1300000 : i32
          %dma_wait3A_518 = tpu.memref_slice %arg2[%dma_wait3A_517] : memref<4800000xf32, #tpu.memory_space<hbm>> -> memref<16xf32, #tpu.memory_space<hbm>>
          tpu.wait_dma2 semaphore(%run_scoped3A : memref<!tpu.dma_semaphore, #tpu.memory_space<semaphore_mem>>) src(%dma_wait3A_518 : memref<16xf32, #tpu.memory_space<hbm>>) dst(%arg5 : memref<16xf32, #tpu.memory_space<vmem>>)
          tpu.yield
        }) : () -> ()
        %get3A = arith.constant 0 : index
        %get3A_502 = tpu.vector_load %arg5[%get3A] {strides = array<i32>} : memref<16xf32, #tpu.memory_space<vmem>>, vector<16xf32>,
        %get3A_503 = vector.shape_cast %get3A_502 : vector<16xf32> to vector<16xf32>
        %get3A_504 = arith.constant 208 : index
        %get3A_505 = tpu.vector_load %arg6[%get3A_504] {strides = array<i32>} : memref<768xf32, #tpu.memory_space<vmem>>, vector<16xf32>,
        %get3A_506 = vector.shape_cast %get3A_505 : vector<16xf32> to vector<16xf32>
        %add3A_507 = arith.addf %get3A_503, %get3A_506 : vector<16xf32>
        %swap3A = arith.constant 0 : index
        %swap3A_508 = tpu.vector_load %arg5[%swap3A] {strides = array<i32>} : memref<16xf32, #tpu.memory_space<vmem>>, vector<16xf32>,
        %swap3A_509 = vector.shape_cast %swap3A_508 : vector<16xf32> to vector<16xf32>
        %swap3A_510 = vector.shape_cast %add3A_507 : vector<16xf32> to vector<16xf32>
        tpu.vector_store %arg5[%swap3A], %swap3A_510 {strides = array<i32>} : memref<16xf32, #tpu.memory_space<vmem>>, vector<16xf32>,
        "tpu.region"() ({
          %run_scoped3A = tpu.sem_alloc : memref<!tpu.dma_semaphore, #tpu.memory_space<semaphore_mem>>
          %dma_start3A_511 = arith.constant 1300000 : i32
          %dma_start3A_512 = tpu.memref_slice %arg4[%dma_start3A_511] : memref<4800000xf32, #tpu.memory_space<hbm>> -> memref<16xf32, #tpu.memory_space<hbm>>
          %dma_start3A_513 = arith.constant 1300000 : i32
          %dma_start3A_514 = tpu.memref_slice %arg4[%dma_start3A_513] : memref<4800000xf32, #tpu.memory_space<hbm>> -> memref<16xf32, #tpu.memory_space<hbm>>
          tpu.enqueue_dma source(%arg5 : memref<16xf32, #tpu.memory_space<vmem>>) target(%dma_start3A_514 : memref<16xf32, #tpu.memory_space<hbm>>) target_semaphore(%run_scoped3A : memref<!tpu.dma_semaphore, #tpu.memory_space<semaphore_mem>>)
          %dma_wait3A_515 = arith.constant 1300000 : i32
          %dma_wait3A_516 = tpu.memref_slice %arg4[%dma_wait3A_515] : memref<4800000xf32, #tpu.memory_space<hbm>> -> memref<16xf32, #tpu.memory_space<hbm>>
          %dma_wait3A_517 = arith.constant 1300000 : i32
          %dma_wait3A_518 = tpu.memref_slice %arg4[%dma_wait3A_517] : memref<4800000xf32, #tpu.memory_space<hbm>> -> memref<16xf32, #tpu.memory_space<hbm>>
          tpu.wait_dma2 semaphore(%run_scoped3A : memref<!tpu.dma_semaphore, #tpu.memory_space<semaphore_mem>>) src(%arg5 : memref<16xf32, #tpu.memory_space<vmem>>) dst(%dma_wait3A_518 : memref<16xf32, #tpu.memory_space<hbm>>)
          tpu.yield
        }) : () -> ()
      } else {
      }
      %eq3A_332 = arith.constant 8 : i32
      %eq3A_333 = arith.cmpi eq, %add3A, %eq3A_332 : i32
      %convert_element_type3A_334 = arith.extui %eq3A_333 : i1 to i32
      %cond3A_335 = arith.constant 0 : i32
      %cond3A_336 = arith.cmpi ne, %convert_element_type3A_334, %cond3A_335 : i32
      scf.if %cond3A_336 {
        "tpu.region"() ({
          %run_scoped3A = tpu.sem_alloc : memref<!tpu.dma_semaphore, #tpu.memory_space<semaphore_mem>>
          %dma_start3A_511 = arith.constant 1400000 : i32
          %dma_start3A_512 = tpu.memref_slice %arg2[%dma_start3A_511] : memref<4800000xf32, #tpu.memory_space<hbm>> -> memref<16xf32, #tpu.memory_space<hbm>>
          %dma_start3A_513 = arith.constant 1400000 : i32
          %dma_start3A_514 = tpu.memref_slice %arg2[%dma_start3A_513] : memref<4800000xf32, #tpu.memory_space<hbm>> -> memref<16xf32, #tpu.memory_space<hbm>>
          tpu.enqueue_dma source(%dma_start3A_514 : memref<16xf32, #tpu.memory_space<hbm>>) target(%arg5 : memref<16xf32, #tpu.memory_space<vmem>>) target_semaphore(%run_scoped3A : memref<!tpu.dma_semaphore, #tpu.memory_space<semaphore_mem>>)
          %dma_wait3A_515 = arith.constant 1400000 : i32
          %dma_wait3A_516 = tpu.memref_slice %arg2[%dma_wait3A_515] : memref<4800000xf32, #tpu.memory_space<hbm>> -> memref<16xf32, #tpu.memory_space<hbm>>
          %dma_wait3A_517 = arith.constant 1400000 : i32
          %dma_wait3A_518 = tpu.memref_slice %arg2[%dma_wait3A_517] : memref<4800000xf32, #tpu.memory_space<hbm>> -> memref<16xf32, #tpu.memory_space<hbm>>
          tpu.wait_dma2 semaphore(%run_scoped3A : memref<!tpu.dma_semaphore, #tpu.memory_space<semaphore_mem>>) src(%dma_wait3A_518 : memref<16xf32, #tpu.memory_space<hbm>>) dst(%arg5 : memref<16xf32, #tpu.memory_space<vmem>>)
          tpu.yield
        }) : () -> ()
        %get3A = arith.constant 0 : index
        %get3A_502 = tpu.vector_load %arg5[%get3A] {strides = array<i32>} : memref<16xf32, #tpu.memory_space<vmem>>, vector<16xf32>,
        %get3A_503 = vector.shape_cast %get3A_502 : vector<16xf32> to vector<16xf32>
        %get3A_504 = arith.constant 224 : index
        %get3A_505 = tpu.vector_load %arg6[%get3A_504] {strides = array<i32>} : memref<768xf32, #tpu.memory_space<vmem>>, vector<16xf32>,
        %get3A_506 = vector.shape_cast %get3A_505 : vector<16xf32> to vector<16xf32>
        %add3A_507 = arith.addf %get3A_503, %get3A_506 : vector<16xf32>
        %swap3A = arith.constant 0 : index
        %swap3A_508 = tpu.vector_load %arg5[%swap3A] {strides = array<i32>} : memref<16xf32, #tpu.memory_space<vmem>>, vector<16xf32>,
        %swap3A_509 = vector.shape_cast %swap3A_508 : vector<16xf32> to vector<16xf32>
        %swap3A_510 = vector.shape_cast %add3A_507 : vector<16xf32> to vector<16xf32>
        tpu.vector_store %arg5[%swap3A], %swap3A_510 {strides = array<i32>} : memref<16xf32, #tpu.memory_space<vmem>>, vector<16xf32>,
        "tpu.region"() ({
          %run_scoped3A = tpu.sem_alloc : memref<!tpu.dma_semaphore, #tpu.memory_space<semaphore_mem>>
          %dma_start3A_511 = arith.constant 1400000 : i32
          %dma_start3A_512 = tpu.memref_slice %arg4[%dma_start3A_511] : memref<4800000xf32, #tpu.memory_space<hbm>> -> memref<16xf32, #tpu.memory_space<hbm>>
          %dma_start3A_513 = arith.constant 1400000 : i32
          %dma_start3A_514 = tpu.memref_slice %arg4[%dma_start3A_513] : memref<4800000xf32, #tpu.memory_space<hbm>> -> memref<16xf32, #tpu.memory_space<hbm>>
          tpu.enqueue_dma source(%arg5 : memref<16xf32, #tpu.memory_space<vmem>>) target(%dma_start3A_514 : memref<16xf32, #tpu.memory_space<hbm>>) target_semaphore(%run_scoped3A : memref<!tpu.dma_semaphore, #tpu.memory_space<semaphore_mem>>)
          %dma_wait3A_515 = arith.constant 1400000 : i32
          %dma_wait3A_516 = tpu.memref_slice %arg4[%dma_wait3A_515] : memref<4800000xf32, #tpu.memory_space<hbm>> -> memref<16xf32, #tpu.memory_space<hbm>>
          %dma_wait3A_517 = arith.constant 1400000 : i32
          %dma_wait3A_518 = tpu.memref_slice %arg4[%dma_wait3A_517] : memref<4800000xf32, #tpu.memory_space<hbm>> -> memref<16xf32, #tpu.memory_space<hbm>>
          tpu.wait_dma2 semaphore(%run_scoped3A : memref<!tpu.dma_semaphore, #tpu.memory_space<semaphore_mem>>) src(%arg5 : memref<16xf32, #tpu.memory_space<vmem>>) dst(%dma_wait3A_518 : memref<16xf32, #tpu.memory_space<hbm>>)
          tpu.yield
        }) : () -> ()
      } else {
      }
      %eq3A_337 = arith.constant 9 : i32
      %eq3A_338 = arith.cmpi eq, %add3A, %eq3A_337 : i32
      %convert_element_type3A_339 = arith.extui %eq3A_338 : i1 to i32
      %cond3A_340 = arith.constant 0 : i32
      %cond3A_341 = arith.cmpi ne, %convert_element_type3A_339, %cond3A_340 : i32
      scf.if %cond3A_341 {
        "tpu.region"() ({
          %run_scoped3A = tpu.sem_alloc : memref<!tpu.dma_semaphore, #tpu.memory_space<semaphore_mem>>
          %dma_start3A_511 = arith.constant 1500000 : i32
          %dma_start3A_512 = tpu.memref_slice %arg2[%dma_start3A_511] : memref<4800000xf32, #tpu.memory_space<hbm>> -> memref<16xf32, #tpu.memory_space<hbm>>
          %dma_start3A_513 = arith.constant 1500000 : i32
          %dma_start3A_514 = tpu.memref_slice %arg2[%dma_start3A_513] : memref<4800000xf32, #tpu.memory_space<hbm>> -> memref<16xf32, #tpu.memory_space<hbm>>
          tpu.enqueue_dma source(%dma_start3A_514 : memref<16xf32, #tpu.memory_space<hbm>>) target(%arg5 : memref<16xf32, #tpu.memory_space<vmem>>) target_semaphore(%run_scoped3A : memref<!tpu.dma_semaphore, #tpu.memory_space<semaphore_mem>>)
          %dma_wait3A_515 = arith.constant 1500000 : i32
          %dma_wait3A_516 = tpu.memref_slice %arg2[%dma_wait3A_515] : memref<4800000xf32, #tpu.memory_space<hbm>> -> memref<16xf32, #tpu.memory_space<hbm>>
          %dma_wait3A_517 = arith.constant 1500000 : i32
          %dma_wait3A_518 = tpu.memref_slice %arg2[%dma_wait3A_517] : memref<4800000xf32, #tpu.memory_space<hbm>> -> memref<16xf32, #tpu.memory_space<hbm>>
          tpu.wait_dma2 semaphore(%run_scoped3A : memref<!tpu.dma_semaphore, #tpu.memory_space<semaphore_mem>>) src(%dma_wait3A_518 : memref<16xf32, #tpu.memory_space<hbm>>) dst(%arg5 : memref<16xf32, #tpu.memory_space<vmem>>)
          tpu.yield
        }) : () -> ()
        %get3A = arith.constant 0 : index
        %get3A_502 = tpu.vector_load %arg5[%get3A] {strides = array<i32>} : memref<16xf32, #tpu.memory_space<vmem>>, vector<16xf32>,
        %get3A_503 = vector.shape_cast %get3A_502 : vector<16xf32> to vector<16xf32>
        %get3A_504 = arith.constant 240 : index
        %get3A_505 = tpu.vector_load %arg6[%get3A_504] {strides = array<i32>} : memref<768xf32, #tpu.memory_space<vmem>>, vector<16xf32>,
        %get3A_506 = vector.shape_cast %get3A_505 : vector<16xf32> to vector<16xf32>
        %add3A_507 = arith.addf %get3A_503, %get3A_506 : vector<16xf32>
        %swap3A = arith.constant 0 : index
        %swap3A_508 = tpu.vector_load %arg5[%swap3A] {strides = array<i32>} : memref<16xf32, #tpu.memory_space<vmem>>, vector<16xf32>,
        %swap3A_509 = vector.shape_cast %swap3A_508 : vector<16xf32> to vector<16xf32>
        %swap3A_510 = vector.shape_cast %add3A_507 : vector<16xf32> to vector<16xf32>
        tpu.vector_store %arg5[%swap3A], %swap3A_510 {strides = array<i32>} : memref<16xf32, #tpu.memory_space<vmem>>, vector<16xf32>,
        "tpu.region"() ({
          %run_scoped3A = tpu.sem_alloc : memref<!tpu.dma_semaphore, #tpu.memory_space<semaphore_mem>>
          %dma_start3A_511 = arith.constant 1500000 : i32
          %dma_start3A_512 = tpu.memref_slice %arg4[%dma_start3A_511] : memref<4800000xf32, #tpu.memory_space<hbm>> -> memref<16xf32, #tpu.memory_space<hbm>>
          %dma_start3A_513 = arith.constant 1500000 : i32
          %dma_start3A_514 = tpu.memref_slice %arg4[%dma_start3A_513] : memref<4800000xf32, #tpu.memory_space<hbm>> -> memref<16xf32, #tpu.memory_space<hbm>>
          tpu.enqueue_dma source(%arg5 : memref<16xf32, #tpu.memory_space<vmem>>) target(%dma_start3A_514 : memref<16xf32, #tpu.memory_space<hbm>>) target_semaphore(%run_scoped3A : memref<!tpu.dma_semaphore, #tpu.memory_space<semaphore_mem>>)
          %dma_wait3A_515 = arith.constant 1500000 : i32
          %dma_wait3A_516 = tpu.memref_slice %arg4[%dma_wait3A_515] : memref<4800000xf32, #tpu.memory_space<hbm>> -> memref<16xf32, #tpu.memory_space<hbm>>
          %dma_wait3A_517 = arith.constant 1500000 : i32
          %dma_wait3A_518 = tpu.memref_slice %arg4[%dma_wait3A_517] : memref<4800000xf32, #tpu.memory_space<hbm>> -> memref<16xf32, #tpu.memory_space<hbm>>
          tpu.wait_dma2 semaphore(%run_scoped3A : memref<!tpu.dma_semaphore, #tpu.memory_space<semaphore_mem>>) src(%arg5 : memref<16xf32, #tpu.memory_space<vmem>>) dst(%dma_wait3A_518 : memref<16xf32, #tpu.memory_space<hbm>>)
          tpu.yield
        }) : () -> ()
      } else {
      }
      %eq3A_342 = arith.constant 10 : i32
      %eq3A_343 = arith.cmpi eq, %add3A, %eq3A_342 : i32
      %convert_element_type3A_344 = arith.extui %eq3A_343 : i1 to i32
      %cond3A_345 = arith.constant 0 : i32
      %cond3A_346 = arith.cmpi ne, %convert_element_type3A_344, %cond3A_345 : i32
      scf.if %cond3A_346 {
        "tpu.region"() ({
          %run_scoped3A = tpu.sem_alloc : memref<!tpu.dma_semaphore, #tpu.memory_space<semaphore_mem>>
          %dma_start3A_511 = arith.constant 1600000 : i32
          %dma_start3A_512 = tpu.memref_slice %arg2[%dma_start3A_511] : memref<4800000xf32, #tpu.memory_space<hbm>> -> memref<16xf32, #tpu.memory_space<hbm>>
          %dma_start3A_513 = arith.constant 1600000 : i32
          %dma_start3A_514 = tpu.memref_slice %arg2[%dma_start3A_513] : memref<4800000xf32, #tpu.memory_space<hbm>> -> memref<16xf32, #tpu.memory_space<hbm>>
          tpu.enqueue_dma source(%dma_start3A_514 : memref<16xf32, #tpu.memory_space<hbm>>) target(%arg5 : memref<16xf32, #tpu.memory_space<vmem>>) target_semaphore(%run_scoped3A : memref<!tpu.dma_semaphore, #tpu.memory_space<semaphore_mem>>)
          %dma_wait3A_515 = arith.constant 1600000 : i32
          %dma_wait3A_516 = tpu.memref_slice %arg2[%dma_wait3A_515] : memref<4800000xf32, #tpu.memory_space<hbm>> -> memref<16xf32, #tpu.memory_space<hbm>>
          %dma_wait3A_517 = arith.constant 1600000 : i32
          %dma_wait3A_518 = tpu.memref_slice %arg2[%dma_wait3A_517] : memref<4800000xf32, #tpu.memory_space<hbm>> -> memref<16xf32, #tpu.memory_space<hbm>>
          tpu.wait_dma2 semaphore(%run_scoped3A : memref<!tpu.dma_semaphore, #tpu.memory_space<semaphore_mem>>) src(%dma_wait3A_518 : memref<16xf32, #tpu.memory_space<hbm>>) dst(%arg5 : memref<16xf32, #tpu.memory_space<vmem>>)
          tpu.yield
        }) : () -> ()
        %get3A = arith.constant 0 : index
        %get3A_502 = tpu.vector_load %arg5[%get3A] {strides = array<i32>} : memref<16xf32, #tpu.memory_space<vmem>>, vector<16xf32>,
        %get3A_503 = vector.shape_cast %get3A_502 : vector<16xf32> to vector<16xf32>
        %get3A_504 = arith.constant 256 : index
        %get3A_505 = tpu.vector_load %arg6[%get3A_504] {strides = array<i32>} : memref<768xf32, #tpu.memory_space<vmem>>, vector<16xf32>,
        %get3A_506 = vector.shape_cast %get3A_505 : vector<16xf32> to vector<16xf32>
        %add3A_507 = arith.addf %get3A_503, %get3A_506 : vector<16xf32>
        %swap3A = arith.constant 0 : index
        %swap3A_508 = tpu.vector_load %arg5[%swap3A] {strides = array<i32>} : memref<16xf32, #tpu.memory_space<vmem>>, vector<16xf32>,
        %swap3A_509 = vector.shape_cast %swap3A_508 : vector<16xf32> to vector<16xf32>
        %swap3A_510 = vector.shape_cast %add3A_507 : vector<16xf32> to vector<16xf32>
        tpu.vector_store %arg5[%swap3A], %swap3A_510 {strides = array<i32>} : memref<16xf32, #tpu.memory_space<vmem>>, vector<16xf32>,
        "tpu.region"() ({
          %run_scoped3A = tpu.sem_alloc : memref<!tpu.dma_semaphore, #tpu.memory_space<semaphore_mem>>
          %dma_start3A_511 = arith.constant 1600000 : i32
          %dma_start3A_512 = tpu.memref_slice %arg4[%dma_start3A_511] : memref<4800000xf32, #tpu.memory_space<hbm>> -> memref<16xf32, #tpu.memory_space<hbm>>
          %dma_start3A_513 = arith.constant 1600000 : i32
          %dma_start3A_514 = tpu.memref_slice %arg4[%dma_start3A_513] : memref<4800000xf32, #tpu.memory_space<hbm>> -> memref<16xf32, #tpu.memory_space<hbm>>
          tpu.enqueue_dma source(%arg5 : memref<16xf32, #tpu.memory_space<vmem>>) target(%dma_start3A_514 : memref<16xf32, #tpu.memory_space<hbm>>) target_semaphore(%run_scoped3A : memref<!tpu.dma_semaphore, #tpu.memory_space<semaphore_mem>>)
          %dma_wait3A_515 = arith.constant 1600000 : i32
          %dma_wait3A_516 = tpu.memref_slice %arg4[%dma_wait3A_515] : memref<4800000xf32, #tpu.memory_space<hbm>> -> memref<16xf32, #tpu.memory_space<hbm>>
          %dma_wait3A_517 = arith.constant 1600000 : i32
          %dma_wait3A_518 = tpu.memref_slice %arg4[%dma_wait3A_517] : memref<4800000xf32, #tpu.memory_space<hbm>> -> memref<16xf32, #tpu.memory_space<hbm>>
          tpu.wait_dma2 semaphore(%run_scoped3A : memref<!tpu.dma_semaphore, #tpu.memory_space<semaphore_mem>>) src(%arg5 : memref<16xf32, #tpu.memory_space<vmem>>) dst(%dma_wait3A_518 : memref<16xf32, #tpu.memory_space<hbm>>)
          tpu.yield
        }) : () -> ()
      } else {
      }
      %eq3A_347 = arith.constant 10 : i32
      %eq3A_348 = arith.cmpi eq, %add3A, %eq3A_347 : i32
      %convert_element_type3A_349 = arith.extui %eq3A_348 : i1 to i32
      %cond3A_350 = arith.constant 0 : i32
      %cond3A_351 = arith.cmpi ne, %convert_element_type3A_349, %cond3A_350 : i32
      scf.if %cond3A_351 {
        "tpu.region"() ({
          %run_scoped3A = tpu.sem_alloc : memref<!tpu.dma_semaphore, #tpu.memory_space<semaphore_mem>>
          %dma_start3A_511 = arith.constant 1700000 : i32
          %dma_start3A_512 = tpu.memref_slice %arg2[%dma_start3A_511] : memref<4800000xf32, #tpu.memory_space<hbm>> -> memref<16xf32, #tpu.memory_space<hbm>>
          %dma_start3A_513 = arith.constant 1700000 : i32
          %dma_start3A_514 = tpu.memref_slice %arg2[%dma_start3A_513] : memref<4800000xf32, #tpu.memory_space<hbm>> -> memref<16xf32, #tpu.memory_space<hbm>>
          tpu.enqueue_dma source(%dma_start3A_514 : memref<16xf32, #tpu.memory_space<hbm>>) target(%arg5 : memref<16xf32, #tpu.memory_space<vmem>>) target_semaphore(%run_scoped3A : memref<!tpu.dma_semaphore, #tpu.memory_space<semaphore_mem>>)
          %dma_wait3A_515 = arith.constant 1700000 : i32
          %dma_wait3A_516 = tpu.memref_slice %arg2[%dma_wait3A_515] : memref<4800000xf32, #tpu.memory_space<hbm>> -> memref<16xf32, #tpu.memory_space<hbm>>
          %dma_wait3A_517 = arith.constant 1700000 : i32
          %dma_wait3A_518 = tpu.memref_slice %arg2[%dma_wait3A_517] : memref<4800000xf32, #tpu.memory_space<hbm>> -> memref<16xf32, #tpu.memory_space<hbm>>
          tpu.wait_dma2 semaphore(%run_scoped3A : memref<!tpu.dma_semaphore, #tpu.memory_space<semaphore_mem>>) src(%dma_wait3A_518 : memref<16xf32, #tpu.memory_space<hbm>>) dst(%arg5 : memref<16xf32, #tpu.memory_space<vmem>>)
          tpu.yield
        }) : () -> ()
        %get3A = arith.constant 0 : index
        %get3A_502 = tpu.vector_load %arg5[%get3A] {strides = array<i32>} : memref<16xf32, #tpu.memory_space<vmem>>, vector<16xf32>,
        %get3A_503 = vector.shape_cast %get3A_502 : vector<16xf32> to vector<16xf32>
        %get3A_504 = arith.constant 272 : index
        %get3A_505 = tpu.vector_load %arg6[%get3A_504] {strides = array<i32>} : memref<768xf32, #tpu.memory_space<vmem>>, vector<16xf32>,
        %get3A_506 = vector.shape_cast %get3A_505 : vector<16xf32> to vector<16xf32>
        %add3A_507 = arith.addf %get3A_503, %get3A_506 : vector<16xf32>
        %swap3A = arith.constant 0 : index
        %swap3A_508 = tpu.vector_load %arg5[%swap3A] {strides = array<i32>} : memref<16xf32, #tpu.memory_space<vmem>>, vector<16xf32>,
        %swap3A_509 = vector.shape_cast %swap3A_508 : vector<16xf32> to vector<16xf32>
        %swap3A_510 = vector.shape_cast %add3A_507 : vector<16xf32> to vector<16xf32>
        tpu.vector_store %arg5[%swap3A], %swap3A_510 {strides = array<i32>} : memref<16xf32, #tpu.memory_space<vmem>>, vector<16xf32>,
        "tpu.region"() ({
          %run_scoped3A = tpu.sem_alloc : memref<!tpu.dma_semaphore, #tpu.memory_space<semaphore_mem>>
          %dma_start3A_511 = arith.constant 1700000 : i32
          %dma_start3A_512 = tpu.memref_slice %arg4[%dma_start3A_511] : memref<4800000xf32, #tpu.memory_space<hbm>> -> memref<16xf32, #tpu.memory_space<hbm>>
          %dma_start3A_513 = arith.constant 1700000 : i32
          %dma_start3A_514 = tpu.memref_slice %arg4[%dma_start3A_513] : memref<4800000xf32, #tpu.memory_space<hbm>> -> memref<16xf32, #tpu.memory_space<hbm>>
          tpu.enqueue_dma source(%arg5 : memref<16xf32, #tpu.memory_space<vmem>>) target(%dma_start3A_514 : memref<16xf32, #tpu.memory_space<hbm>>) target_semaphore(%run_scoped3A : memref<!tpu.dma_semaphore, #tpu.memory_space<semaphore_mem>>)
          %dma_wait3A_515 = arith.constant 1700000 : i32
          %dma_wait3A_516 = tpu.memref_slice %arg4[%dma_wait3A_515] : memref<4800000xf32, #tpu.memory_space<hbm>> -> memref<16xf32, #tpu.memory_space<hbm>>
          %dma_wait3A_517 = arith.constant 1700000 : i32
          %dma_wait3A_518 = tpu.memref_slice %arg4[%dma_wait3A_517] : memref<4800000xf32, #tpu.memory_space<hbm>> -> memref<16xf32, #tpu.memory_space<hbm>>
          tpu.wait_dma2 semaphore(%run_scoped3A : memref<!tpu.dma_semaphore, #tpu.memory_space<semaphore_mem>>) src(%arg5 : memref<16xf32, #tpu.memory_space<vmem>>) dst(%dma_wait3A_518 : memref<16xf32, #tpu.memory_space<hbm>>)
          tpu.yield
        }) : () -> ()
      } else {
      }
      %eq3A_352 = arith.constant 11 : i32
      %eq3A_353 = arith.cmpi eq, %add3A, %eq3A_352 : i32
      %convert_element_type3A_354 = arith.extui %eq3A_353 : i1 to i32
      %cond3A_355 = arith.constant 0 : i32
      %cond3A_356 = arith.cmpi ne, %convert_element_type3A_354, %cond3A_355 : i32
      scf.if %cond3A_356 {
        "tpu.region"() ({
          %run_scoped3A = tpu.sem_alloc : memref<!tpu.dma_semaphore, #tpu.memory_space<semaphore_mem>>
          %dma_start3A_511 = arith.constant 1800000 : i32
          %dma_start3A_512 = tpu.memref_slice %arg2[%dma_start3A_511] : memref<4800000xf32, #tpu.memory_space<hbm>> -> memref<16xf32, #tpu.memory_space<hbm>>
          %dma_start3A_513 = arith.constant 1800000 : i32
          %dma_start3A_514 = tpu.memref_slice %arg2[%dma_start3A_513] : memref<4800000xf32, #tpu.memory_space<hbm>> -> memref<16xf32, #tpu.memory_space<hbm>>
          tpu.enqueue_dma source(%dma_start3A_514 : memref<16xf32, #tpu.memory_space<hbm>>) target(%arg5 : memref<16xf32, #tpu.memory_space<vmem>>) target_semaphore(%run_scoped3A : memref<!tpu.dma_semaphore, #tpu.memory_space<semaphore_mem>>)
          %dma_wait3A_515 = arith.constant 1800000 : i32
          %dma_wait3A_516 = tpu.memref_slice %arg2[%dma_wait3A_515] : memref<4800000xf32, #tpu.memory_space<hbm>> -> memref<16xf32, #tpu.memory_space<hbm>>
          %dma_wait3A_517 = arith.constant 1800000 : i32
          %dma_wait3A_518 = tpu.memref_slice %arg2[%dma_wait3A_517] : memref<4800000xf32, #tpu.memory_space<hbm>> -> memref<16xf32, #tpu.memory_space<hbm>>
          tpu.wait_dma2 semaphore(%run_scoped3A : memref<!tpu.dma_semaphore, #tpu.memory_space<semaphore_mem>>) src(%dma_wait3A_518 : memref<16xf32, #tpu.memory_space<hbm>>) dst(%arg5 : memref<16xf32, #tpu.memory_space<vmem>>)
          tpu.yield
        }) : () -> ()
        %get3A = arith.constant 0 : index
        %get3A_502 = tpu.vector_load %arg5[%get3A] {strides = array<i32>} : memref<16xf32, #tpu.memory_space<vmem>>, vector<16xf32>,
        %get3A_503 = vector.shape_cast %get3A_502 : vector<16xf32> to vector<16xf32>
        %get3A_504 = arith.constant 288 : index
        %get3A_505 = tpu.vector_load %arg6[%get3A_504] {strides = array<i32>} : memref<768xf32, #tpu.memory_space<vmem>>, vector<16xf32>,
        %get3A_506 = vector.shape_cast %get3A_505 : vector<16xf32> to vector<16xf32>
        %add3A_507 = arith.addf %get3A_503, %get3A_506 : vector<16xf32>
        %swap3A = arith.constant 0 : index
        %swap3A_508 = tpu.vector_load %arg5[%swap3A] {strides = array<i32>} : memref<16xf32, #tpu.memory_space<vmem>>, vector<16xf32>,
        %swap3A_509 = vector.shape_cast %swap3A_508 : vector<16xf32> to vector<16xf32>
        %swap3A_510 = vector.shape_cast %add3A_507 : vector<16xf32> to vector<16xf32>
        tpu.vector_store %arg5[%swap3A], %swap3A_510 {strides = array<i32>} : memref<16xf32, #tpu.memory_space<vmem>>, vector<16xf32>,
        "tpu.region"() ({
          %run_scoped3A = tpu.sem_alloc : memref<!tpu.dma_semaphore, #tpu.memory_space<semaphore_mem>>
          %dma_start3A_511 = arith.constant 1800000 : i32
          %dma_start3A_512 = tpu.memref_slice %arg4[%dma_start3A_511] : memref<4800000xf32, #tpu.memory_space<hbm>> -> memref<16xf32, #tpu.memory_space<hbm>>
          %dma_start3A_513 = arith.constant 1800000 : i32
          %dma_start3A_514 = tpu.memref_slice %arg4[%dma_start3A_513] : memref<4800000xf32, #tpu.memory_space<hbm>> -> memref<16xf32, #tpu.memory_space<hbm>>
          tpu.enqueue_dma source(%arg5 : memref<16xf32, #tpu.memory_space<vmem>>) target(%dma_start3A_514 : memref<16xf32, #tpu.memory_space<hbm>>) target_semaphore(%run_scoped3A : memref<!tpu.dma_semaphore, #tpu.memory_space<semaphore_mem>>)
          %dma_wait3A_515 = arith.constant 1800000 : i32
          %dma_wait3A_516 = tpu.memref_slice %arg4[%dma_wait3A_515] : memref<4800000xf32, #tpu.memory_space<hbm>> -> memref<16xf32, #tpu.memory_space<hbm>>
          %dma_wait3A_517 = arith.constant 1800000 : i32
          %dma_wait3A_518 = tpu.memref_slice %arg4[%dma_wait3A_517] : memref<4800000xf32, #tpu.memory_space<hbm>> -> memref<16xf32, #tpu.memory_space<hbm>>
          tpu.wait_dma2 semaphore(%run_scoped3A : memref<!tpu.dma_semaphore, #tpu.memory_space<semaphore_mem>>) src(%arg5 : memref<16xf32, #tpu.memory_space<vmem>>) dst(%dma_wait3A_518 : memref<16xf32, #tpu.memory_space<hbm>>)
          tpu.yield
        }) : () -> ()
      } else {
      }
      %eq3A_357 = arith.constant 11 : i32
      %eq3A_358 = arith.cmpi eq, %add3A, %eq3A_357 : i32
      %convert_element_type3A_359 = arith.extui %eq3A_358 : i1 to i32
      %cond3A_360 = arith.constant 0 : i32
      %cond3A_361 = arith.cmpi ne, %convert_element_type3A_359, %cond3A_360 : i32
      scf.if %cond3A_361 {
        "tpu.region"() ({
          %run_scoped3A = tpu.sem_alloc : memref<!tpu.dma_semaphore, #tpu.memory_space<semaphore_mem>>
          %dma_start3A_511 = arith.constant 1900000 : i32
          %dma_start3A_512 = tpu.memref_slice %arg2[%dma_start3A_511] : memref<4800000xf32, #tpu.memory_space<hbm>> -> memref<16xf32, #tpu.memory_space<hbm>>
          %dma_start3A_513 = arith.constant 1900000 : i32
          %dma_start3A_514 = tpu.memref_slice %arg2[%dma_start3A_513] : memref<4800000xf32, #tpu.memory_space<hbm>> -> memref<16xf32, #tpu.memory_space<hbm>>
          tpu.enqueue_dma source(%dma_start3A_514 : memref<16xf32, #tpu.memory_space<hbm>>) target(%arg5 : memref<16xf32, #tpu.memory_space<vmem>>) target_semaphore(%run_scoped3A : memref<!tpu.dma_semaphore, #tpu.memory_space<semaphore_mem>>)
          %dma_wait3A_515 = arith.constant 1900000 : i32
          %dma_wait3A_516 = tpu.memref_slice %arg2[%dma_wait3A_515] : memref<4800000xf32, #tpu.memory_space<hbm>> -> memref<16xf32, #tpu.memory_space<hbm>>
          %dma_wait3A_517 = arith.constant 1900000 : i32
          %dma_wait3A_518 = tpu.memref_slice %arg2[%dma_wait3A_517] : memref<4800000xf32, #tpu.memory_space<hbm>> -> memref<16xf32, #tpu.memory_space<hbm>>
          tpu.wait_dma2 semaphore(%run_scoped3A : memref<!tpu.dma_semaphore, #tpu.memory_space<semaphore_mem>>) src(%dma_wait3A_518 : memref<16xf32, #tpu.memory_space<hbm>>) dst(%arg5 : memref<16xf32, #tpu.memory_space<vmem>>)
          tpu.yield
        }) : () -> ()
        %get3A = arith.constant 0 : index
        %get3A_502 = tpu.vector_load %arg5[%get3A] {strides = array<i32>} : memref<16xf32, #tpu.memory_space<vmem>>, vector<16xf32>,
        %get3A_503 = vector.shape_cast %get3A_502 : vector<16xf32> to vector<16xf32>
        %get3A_504 = arith.constant 304 : index
        %get3A_505 = tpu.vector_load %arg6[%get3A_504] {strides = array<i32>} : memref<768xf32, #tpu.memory_space<vmem>>, vector<16xf32>,
        %get3A_506 = vector.shape_cast %get3A_505 : vector<16xf32> to vector<16xf32>
        %add3A_507 = arith.addf %get3A_503, %get3A_506 : vector<16xf32>
        %swap3A = arith.constant 0 : index
        %swap3A_508 = tpu.vector_load %arg5[%swap3A] {strides = array<i32>} : memref<16xf32, #tpu.memory_space<vmem>>, vector<16xf32>,
        %swap3A_509 = vector.shape_cast %swap3A_508 : vector<16xf32> to vector<16xf32>
        %swap3A_510 = vector.shape_cast %add3A_507 : vector<16xf32> to vector<16xf32>
        tpu.vector_store %arg5[%swap3A], %swap3A_510 {strides = array<i32>} : memref<16xf32, #tpu.memory_space<vmem>>, vector<16xf32>,
        "tpu.region"() ({
          %run_scoped3A = tpu.sem_alloc : memref<!tpu.dma_semaphore, #tpu.memory_space<semaphore_mem>>
          %dma_start3A_511 = arith.constant 1900000 : i32
          %dma_start3A_512 = tpu.memref_slice %arg4[%dma_start3A_511] : memref<4800000xf32, #tpu.memory_space<hbm>> -> memref<16xf32, #tpu.memory_space<hbm>>
          %dma_start3A_513 = arith.constant 1900000 : i32
          %dma_start3A_514 = tpu.memref_slice %arg4[%dma_start3A_513] : memref<4800000xf32, #tpu.memory_space<hbm>> -> memref<16xf32, #tpu.memory_space<hbm>>
          tpu.enqueue_dma source(%arg5 : memref<16xf32, #tpu.memory_space<vmem>>) target(%dma_start3A_514 : memref<16xf32, #tpu.memory_space<hbm>>) target_semaphore(%run_scoped3A : memref<!tpu.dma_semaphore, #tpu.memory_space<semaphore_mem>>)
          %dma_wait3A_515 = arith.constant 1900000 : i32
          %dma_wait3A_516 = tpu.memref_slice %arg4[%dma_wait3A_515] : memref<4800000xf32, #tpu.memory_space<hbm>> -> memref<16xf32, #tpu.memory_space<hbm>>
          %dma_wait3A_517 = arith.constant 1900000 : i32
          %dma_wait3A_518 = tpu.memref_slice %arg4[%dma_wait3A_517] : memref<4800000xf32, #tpu.memory_space<hbm>> -> memref<16xf32, #tpu.memory_space<hbm>>
          tpu.wait_dma2 semaphore(%run_scoped3A : memref<!tpu.dma_semaphore, #tpu.memory_space<semaphore_mem>>) src(%arg5 : memref<16xf32, #tpu.memory_space<vmem>>) dst(%dma_wait3A_518 : memref<16xf32, #tpu.memory_space<hbm>>)
          tpu.yield
        }) : () -> ()
      } else {
      }
      %eq3A_362 = arith.constant 12 : i32
      %eq3A_363 = arith.cmpi eq, %add3A, %eq3A_362 : i32
      %convert_element_type3A_364 = arith.extui %eq3A_363 : i1 to i32
      %cond3A_365 = arith.constant 0 : i32
      %cond3A_366 = arith.cmpi ne, %convert_element_type3A_364, %cond3A_365 : i32
      scf.if %cond3A_366 {
        "tpu.region"() ({
          %run_scoped3A = tpu.sem_alloc : memref<!tpu.dma_semaphore, #tpu.memory_space<semaphore_mem>>
          %dma_start3A_511 = arith.constant 2000000 : i32
          %dma_start3A_512 = tpu.memref_slice %arg2[%dma_start3A_511] : memref<4800000xf32, #tpu.memory_space<hbm>> -> memref<16xf32, #tpu.memory_space<hbm>>
          %dma_start3A_513 = arith.constant 2000000 : i32
          %dma_start3A_514 = tpu.memref_slice %arg2[%dma_start3A_513] : memref<4800000xf32, #tpu.memory_space<hbm>> -> memref<16xf32, #tpu.memory_space<hbm>>
          tpu.enqueue_dma source(%dma_start3A_514 : memref<16xf32, #tpu.memory_space<hbm>>) target(%arg5 : memref<16xf32, #tpu.memory_space<vmem>>) target_semaphore(%run_scoped3A : memref<!tpu.dma_semaphore, #tpu.memory_space<semaphore_mem>>)
          %dma_wait3A_515 = arith.constant 2000000 : i32
          %dma_wait3A_516 = tpu.memref_slice %arg2[%dma_wait3A_515] : memref<4800000xf32, #tpu.memory_space<hbm>> -> memref<16xf32, #tpu.memory_space<hbm>>
          %dma_wait3A_517 = arith.constant 2000000 : i32
          %dma_wait3A_518 = tpu.memref_slice %arg2[%dma_wait3A_517] : memref<4800000xf32, #tpu.memory_space<hbm>> -> memref<16xf32, #tpu.memory_space<hbm>>
          tpu.wait_dma2 semaphore(%run_scoped3A : memref<!tpu.dma_semaphore, #tpu.memory_space<semaphore_mem>>) src(%dma_wait3A_518 : memref<16xf32, #tpu.memory_space<hbm>>) dst(%arg5 : memref<16xf32, #tpu.memory_space<vmem>>)
          tpu.yield
        }) : () -> ()
        %get3A = arith.constant 0 : index
        %get3A_502 = tpu.vector_load %arg5[%get3A] {strides = array<i32>} : memref<16xf32, #tpu.memory_space<vmem>>, vector<16xf32>,
        %get3A_503 = vector.shape_cast %get3A_502 : vector<16xf32> to vector<16xf32>
        %get3A_504 = arith.constant 320 : index
        %get3A_505 = tpu.vector_load %arg6[%get3A_504] {strides = array<i32>} : memref<768xf32, #tpu.memory_space<vmem>>, vector<16xf32>,
        %get3A_506 = vector.shape_cast %get3A_505 : vector<16xf32> to vector<16xf32>
        %add3A_507 = arith.addf %get3A_503, %get3A_506 : vector<16xf32>
        %swap3A = arith.constant 0 : index
        %swap3A_508 = tpu.vector_load %arg5[%swap3A] {strides = array<i32>} : memref<16xf32, #tpu.memory_space<vmem>>, vector<16xf32>,
        %swap3A_509 = vector.shape_cast %swap3A_508 : vector<16xf32> to vector<16xf32>
        %swap3A_510 = vector.shape_cast %add3A_507 : vector<16xf32> to vector<16xf32>
        tpu.vector_store %arg5[%swap3A], %swap3A_510 {strides = array<i32>} : memref<16xf32, #tpu.memory_space<vmem>>, vector<16xf32>,
        "tpu.region"() ({
          %run_scoped3A = tpu.sem_alloc : memref<!tpu.dma_semaphore, #tpu.memory_space<semaphore_mem>>
          %dma_start3A_511 = arith.constant 2000000 : i32
          %dma_start3A_512 = tpu.memref_slice %arg4[%dma_start3A_511] : memref<4800000xf32, #tpu.memory_space<hbm>> -> memref<16xf32, #tpu.memory_space<hbm>>
          %dma_start3A_513 = arith.constant 2000000 : i32
          %dma_start3A_514 = tpu.memref_slice %arg4[%dma_start3A_513] : memref<4800000xf32, #tpu.memory_space<hbm>> -> memref<16xf32, #tpu.memory_space<hbm>>
          tpu.enqueue_dma source(%arg5 : memref<16xf32, #tpu.memory_space<vmem>>) target(%dma_start3A_514 : memref<16xf32, #tpu.memory_space<hbm>>) target_semaphore(%run_scoped3A : memref<!tpu.dma_semaphore, #tpu.memory_space<semaphore_mem>>)
          %dma_wait3A_515 = arith.constant 2000000 : i32
          %dma_wait3A_516 = tpu.memref_slice %arg4[%dma_wait3A_515] : memref<4800000xf32, #tpu.memory_space<hbm>> -> memref<16xf32, #tpu.memory_space<hbm>>
          %dma_wait3A_517 = arith.constant 2000000 : i32
          %dma_wait3A_518 = tpu.memref_slice %arg4[%dma_wait3A_517] : memref<4800000xf32, #tpu.memory_space<hbm>> -> memref<16xf32, #tpu.memory_space<hbm>>
          tpu.wait_dma2 semaphore(%run_scoped3A : memref<!tpu.dma_semaphore, #tpu.memory_space<semaphore_mem>>) src(%arg5 : memref<16xf32, #tpu.memory_space<vmem>>) dst(%dma_wait3A_518 : memref<16xf32, #tpu.memory_space<hbm>>)
          tpu.yield
        }) : () -> ()
      } else {
      }
      %eq3A_367 = arith.constant 13 : i32
      %eq3A_368 = arith.cmpi eq, %add3A, %eq3A_367 : i32
      %convert_element_type3A_369 = arith.extui %eq3A_368 : i1 to i32
      %cond3A_370 = arith.constant 0 : i32
      %cond3A_371 = arith.cmpi ne, %convert_element_type3A_369, %cond3A_370 : i32
      scf.if %cond3A_371 {
        "tpu.region"() ({
          %run_scoped3A = tpu.sem_alloc : memref<!tpu.dma_semaphore, #tpu.memory_space<semaphore_mem>>
          %dma_start3A_511 = arith.constant 2100000 : i32
          %dma_start3A_512 = tpu.memref_slice %arg2[%dma_start3A_511] : memref<4800000xf32, #tpu.memory_space<hbm>> -> memref<16xf32, #tpu.memory_space<hbm>>
          %dma_start3A_513 = arith.constant 2100000 : i32
          %dma_start3A_514 = tpu.memref_slice %arg2[%dma_start3A_513] : memref<4800000xf32, #tpu.memory_space<hbm>> -> memref<16xf32, #tpu.memory_space<hbm>>
          tpu.enqueue_dma source(%dma_start3A_514 : memref<16xf32, #tpu.memory_space<hbm>>) target(%arg5 : memref<16xf32, #tpu.memory_space<vmem>>) target_semaphore(%run_scoped3A : memref<!tpu.dma_semaphore, #tpu.memory_space<semaphore_mem>>)
          %dma_wait3A_515 = arith.constant 2100000 : i32
          %dma_wait3A_516 = tpu.memref_slice %arg2[%dma_wait3A_515] : memref<4800000xf32, #tpu.memory_space<hbm>> -> memref<16xf32, #tpu.memory_space<hbm>>
          %dma_wait3A_517 = arith.constant 2100000 : i32
          %dma_wait3A_518 = tpu.memref_slice %arg2[%dma_wait3A_517] : memref<4800000xf32, #tpu.memory_space<hbm>> -> memref<16xf32, #tpu.memory_space<hbm>>
          tpu.wait_dma2 semaphore(%run_scoped3A : memref<!tpu.dma_semaphore, #tpu.memory_space<semaphore_mem>>) src(%dma_wait3A_518 : memref<16xf32, #tpu.memory_space<hbm>>) dst(%arg5 : memref<16xf32, #tpu.memory_space<vmem>>)
          tpu.yield
        }) : () -> ()
        %get3A = arith.constant 0 : index
        %get3A_502 = tpu.vector_load %arg5[%get3A] {strides = array<i32>} : memref<16xf32, #tpu.memory_space<vmem>>, vector<16xf32>,
        %get3A_503 = vector.shape_cast %get3A_502 : vector<16xf32> to vector<16xf32>
        %get3A_504 = arith.constant 336 : index
        %get3A_505 = tpu.vector_load %arg6[%get3A_504] {strides = array<i32>} : memref<768xf32, #tpu.memory_space<vmem>>, vector<16xf32>,
        %get3A_506 = vector.shape_cast %get3A_505 : vector<16xf32> to vector<16xf32>
        %add3A_507 = arith.addf %get3A_503, %get3A_506 : vector<16xf32>
        %swap3A = arith.constant 0 : index
        %swap3A_508 = tpu.vector_load %arg5[%swap3A] {strides = array<i32>} : memref<16xf32, #tpu.memory_space<vmem>>, vector<16xf32>,
        %swap3A_509 = vector.shape_cast %swap3A_508 : vector<16xf32> to vector<16xf32>
        %swap3A_510 = vector.shape_cast %add3A_507 : vector<16xf32> to vector<16xf32>
        tpu.vector_store %arg5[%swap3A], %swap3A_510 {strides = array<i32>} : memref<16xf32, #tpu.memory_space<vmem>>, vector<16xf32>,
        "tpu.region"() ({
          %run_scoped3A = tpu.sem_alloc : memref<!tpu.dma_semaphore, #tpu.memory_space<semaphore_mem>>
          %dma_start3A_511 = arith.constant 2100000 : i32
          %dma_start3A_512 = tpu.memref_slice %arg4[%dma_start3A_511] : memref<4800000xf32, #tpu.memory_space<hbm>> -> memref<16xf32, #tpu.memory_space<hbm>>
          %dma_start3A_513 = arith.constant 2100000 : i32
          %dma_start3A_514 = tpu.memref_slice %arg4[%dma_start3A_513] : memref<4800000xf32, #tpu.memory_space<hbm>> -> memref<16xf32, #tpu.memory_space<hbm>>
          tpu.enqueue_dma source(%arg5 : memref<16xf32, #tpu.memory_space<vmem>>) target(%dma_start3A_514 : memref<16xf32, #tpu.memory_space<hbm>>) target_semaphore(%run_scoped3A : memref<!tpu.dma_semaphore, #tpu.memory_space<semaphore_mem>>)
          %dma_wait3A_515 = arith.constant 2100000 : i32
          %dma_wait3A_516 = tpu.memref_slice %arg4[%dma_wait3A_515] : memref<4800000xf32, #tpu.memory_space<hbm>> -> memref<16xf32, #tpu.memory_space<hbm>>
          %dma_wait3A_517 = arith.constant 2100000 : i32
          %dma_wait3A_518 = tpu.memref_slice %arg4[%dma_wait3A_517] : memref<4800000xf32, #tpu.memory_space<hbm>> -> memref<16xf32, #tpu.memory_space<hbm>>
          tpu.wait_dma2 semaphore(%run_scoped3A : memref<!tpu.dma_semaphore, #tpu.memory_space<semaphore_mem>>) src(%arg5 : memref<16xf32, #tpu.memory_space<vmem>>) dst(%dma_wait3A_518 : memref<16xf32, #tpu.memory_space<hbm>>)
          tpu.yield
        }) : () -> ()
      } else {
      }
      %eq3A_372 = arith.constant 13 : i32
      %eq3A_373 = arith.cmpi eq, %add3A, %eq3A_372 : i32
      %convert_element_type3A_374 = arith.extui %eq3A_373 : i1 to i32
      %cond3A_375 = arith.constant 0 : i32
      %cond3A_376 = arith.cmpi ne, %convert_element_type3A_374, %cond3A_375 : i32
      scf.if %cond3A_376 {
        "tpu.region"() ({
          %run_scoped3A = tpu.sem_alloc : memref<!tpu.dma_semaphore, #tpu.memory_space<semaphore_mem>>
          %dma_start3A_511 = arith.constant 2200000 : i32
          %dma_start3A_512 = tpu.memref_slice %arg2[%dma_start3A_511] : memref<4800000xf32, #tpu.memory_space<hbm>> -> memref<16xf32, #tpu.memory_space<hbm>>
          %dma_start3A_513 = arith.constant 2200000 : i32
          %dma_start3A_514 = tpu.memref_slice %arg2[%dma_start3A_513] : memref<4800000xf32, #tpu.memory_space<hbm>> -> memref<16xf32, #tpu.memory_space<hbm>>
          tpu.enqueue_dma source(%dma_start3A_514 : memref<16xf32, #tpu.memory_space<hbm>>) target(%arg5 : memref<16xf32, #tpu.memory_space<vmem>>) target_semaphore(%run_scoped3A : memref<!tpu.dma_semaphore, #tpu.memory_space<semaphore_mem>>)
          %dma_wait3A_515 = arith.constant 2200000 : i32
          %dma_wait3A_516 = tpu.memref_slice %arg2[%dma_wait3A_515] : memref<4800000xf32, #tpu.memory_space<hbm>> -> memref<16xf32, #tpu.memory_space<hbm>>
          %dma_wait3A_517 = arith.constant 2200000 : i32
          %dma_wait3A_518 = tpu.memref_slice %arg2[%dma_wait3A_517] : memref<4800000xf32, #tpu.memory_space<hbm>> -> memref<16xf32, #tpu.memory_space<hbm>>
          tpu.wait_dma2 semaphore(%run_scoped3A : memref<!tpu.dma_semaphore, #tpu.memory_space<semaphore_mem>>) src(%dma_wait3A_518 : memref<16xf32, #tpu.memory_space<hbm>>) dst(%arg5 : memref<16xf32, #tpu.memory_space<vmem>>)
          tpu.yield
        }) : () -> ()
        %get3A = arith.constant 0 : index
        %get3A_502 = tpu.vector_load %arg5[%get3A] {strides = array<i32>} : memref<16xf32, #tpu.memory_space<vmem>>, vector<16xf32>,
        %get3A_503 = vector.shape_cast %get3A_502 : vector<16xf32> to vector<16xf32>
        %get3A_504 = arith.constant 352 : index
        %get3A_505 = tpu.vector_load %arg6[%get3A_504] {strides = array<i32>} : memref<768xf32, #tpu.memory_space<vmem>>, vector<16xf32>,
        %get3A_506 = vector.shape_cast %get3A_505 : vector<16xf32> to vector<16xf32>
        %add3A_507 = arith.addf %get3A_503, %get3A_506 : vector<16xf32>
        %swap3A = arith.constant 0 : index
        %swap3A_508 = tpu.vector_load %arg5[%swap3A] {strides = array<i32>} : memref<16xf32, #tpu.memory_space<vmem>>, vector<16xf32>,
        %swap3A_509 = vector.shape_cast %swap3A_508 : vector<16xf32> to vector<16xf32>
        %swap3A_510 = vector.shape_cast %add3A_507 : vector<16xf32> to vector<16xf32>
        tpu.vector_store %arg5[%swap3A], %swap3A_510 {strides = array<i32>} : memref<16xf32, #tpu.memory_space<vmem>>, vector<16xf32>,
        "tpu.region"() ({
          %run_scoped3A = tpu.sem_alloc : memref<!tpu.dma_semaphore, #tpu.memory_space<semaphore_mem>>
          %dma_start3A_511 = arith.constant 2200000 : i32
          %dma_start3A_512 = tpu.memref_slice %arg4[%dma_start3A_511] : memref<4800000xf32, #tpu.memory_space<hbm>> -> memref<16xf32, #tpu.memory_space<hbm>>
          %dma_start3A_513 = arith.constant 2200000 : i32
          %dma_start3A_514 = tpu.memref_slice %arg4[%dma_start3A_513] : memref<4800000xf32, #tpu.memory_space<hbm>> -> memref<16xf32, #tpu.memory_space<hbm>>
          tpu.enqueue_dma source(%arg5 : memref<16xf32, #tpu.memory_space<vmem>>) target(%dma_start3A_514 : memref<16xf32, #tpu.memory_space<hbm>>) target_semaphore(%run_scoped3A : memref<!tpu.dma_semaphore, #tpu.memory_space<semaphore_mem>>)
          %dma_wait3A_515 = arith.constant 2200000 : i32
          %dma_wait3A_516 = tpu.memref_slice %arg4[%dma_wait3A_515] : memref<4800000xf32, #tpu.memory_space<hbm>> -> memref<16xf32, #tpu.memory_space<hbm>>
          %dma_wait3A_517 = arith.constant 2200000 : i32
          %dma_wait3A_518 = tpu.memref_slice %arg4[%dma_wait3A_517] : memref<4800000xf32, #tpu.memory_space<hbm>> -> memref<16xf32, #tpu.memory_space<hbm>>
          tpu.wait_dma2 semaphore(%run_scoped3A : memref<!tpu.dma_semaphore, #tpu.memory_space<semaphore_mem>>) src(%arg5 : memref<16xf32, #tpu.memory_space<vmem>>) dst(%dma_wait3A_518 : memref<16xf32, #tpu.memory_space<hbm>>)
          tpu.yield
        }) : () -> ()
      } else {
      }
      %eq3A_377 = arith.constant 14 : i32
      %eq3A_378 = arith.cmpi eq, %add3A, %eq3A_377 : i32
      %convert_element_type3A_379 = arith.extui %eq3A_378 : i1 to i32
      %cond3A_380 = arith.constant 0 : i32
      %cond3A_381 = arith.cmpi ne, %convert_element_type3A_379, %cond3A_380 : i32
      scf.if %cond3A_381 {
        "tpu.region"() ({
          %run_scoped3A = tpu.sem_alloc : memref<!tpu.dma_semaphore, #tpu.memory_space<semaphore_mem>>
          %dma_start3A_511 = arith.constant 2300000 : i32
          %dma_start3A_512 = tpu.memref_slice %arg2[%dma_start3A_511] : memref<4800000xf32, #tpu.memory_space<hbm>> -> memref<16xf32, #tpu.memory_space<hbm>>
          %dma_start3A_513 = arith.constant 2300000 : i32
          %dma_start3A_514 = tpu.memref_slice %arg2[%dma_start3A_513] : memref<4800000xf32, #tpu.memory_space<hbm>> -> memref<16xf32, #tpu.memory_space<hbm>>
          tpu.enqueue_dma source(%dma_start3A_514 : memref<16xf32, #tpu.memory_space<hbm>>) target(%arg5 : memref<16xf32, #tpu.memory_space<vmem>>) target_semaphore(%run_scoped3A : memref<!tpu.dma_semaphore, #tpu.memory_space<semaphore_mem>>)
          %dma_wait3A_515 = arith.constant 2300000 : i32
          %dma_wait3A_516 = tpu.memref_slice %arg2[%dma_wait3A_515] : memref<4800000xf32, #tpu.memory_space<hbm>> -> memref<16xf32, #tpu.memory_space<hbm>>
          %dma_wait3A_517 = arith.constant 2300000 : i32
          %dma_wait3A_518 = tpu.memref_slice %arg2[%dma_wait3A_517] : memref<4800000xf32, #tpu.memory_space<hbm>> -> memref<16xf32, #tpu.memory_space<hbm>>
          tpu.wait_dma2 semaphore(%run_scoped3A : memref<!tpu.dma_semaphore, #tpu.memory_space<semaphore_mem>>) src(%dma_wait3A_518 : memref<16xf32, #tpu.memory_space<hbm>>) dst(%arg5 : memref<16xf32, #tpu.memory_space<vmem>>)
          tpu.yield
        }) : () -> ()
        %get3A = arith.constant 0 : index
        %get3A_502 = tpu.vector_load %arg5[%get3A] {strides = array<i32>} : memref<16xf32, #tpu.memory_space<vmem>>, vector<16xf32>,
        %get3A_503 = vector.shape_cast %get3A_502 : vector<16xf32> to vector<16xf32>
        %get3A_504 = arith.constant 368 : index
        %get3A_505 = tpu.vector_load %arg6[%get3A_504] {strides = array<i32>} : memref<768xf32, #tpu.memory_space<vmem>>, vector<16xf32>,
        %get3A_506 = vector.shape_cast %get3A_505 : vector<16xf32> to vector<16xf32>
        %add3A_507 = arith.addf %get3A_503, %get3A_506 : vector<16xf32>
        %swap3A = arith.constant 0 : index
        %swap3A_508 = tpu.vector_load %arg5[%swap3A] {strides = array<i32>} : memref<16xf32, #tpu.memory_space<vmem>>, vector<16xf32>,
        %swap3A_509 = vector.shape_cast %swap3A_508 : vector<16xf32> to vector<16xf32>
        %swap3A_510 = vector.shape_cast %add3A_507 : vector<16xf32> to vector<16xf32>
        tpu.vector_store %arg5[%swap3A], %swap3A_510 {strides = array<i32>} : memref<16xf32, #tpu.memory_space<vmem>>, vector<16xf32>,
        "tpu.region"() ({
          %run_scoped3A = tpu.sem_alloc : memref<!tpu.dma_semaphore, #tpu.memory_space<semaphore_mem>>
          %dma_start3A_511 = arith.constant 2300000 : i32
          %dma_start3A_512 = tpu.memref_slice %arg4[%dma_start3A_511] : memref<4800000xf32, #tpu.memory_space<hbm>> -> memref<16xf32, #tpu.memory_space<hbm>>
          %dma_start3A_513 = arith.constant 2300000 : i32
          %dma_start3A_514 = tpu.memref_slice %arg4[%dma_start3A_513] : memref<4800000xf32, #tpu.memory_space<hbm>> -> memref<16xf32, #tpu.memory_space<hbm>>
          tpu.enqueue_dma source(%arg5 : memref<16xf32, #tpu.memory_space<vmem>>) target(%dma_start3A_514 : memref<16xf32, #tpu.memory_space<hbm>>) target_semaphore(%run_scoped3A : memref<!tpu.dma_semaphore, #tpu.memory_space<semaphore_mem>>)
          %dma_wait3A_515 = arith.constant 2300000 : i32
          %dma_wait3A_516 = tpu.memref_slice %arg4[%dma_wait3A_515] : memref<4800000xf32, #tpu.memory_space<hbm>> -> memref<16xf32, #tpu.memory_space<hbm>>
          %dma_wait3A_517 = arith.constant 2300000 : i32
          %dma_wait3A_518 = tpu.memref_slice %arg4[%dma_wait3A_517] : memref<4800000xf32, #tpu.memory_space<hbm>> -> memref<16xf32, #tpu.memory_space<hbm>>
          tpu.wait_dma2 semaphore(%run_scoped3A : memref<!tpu.dma_semaphore, #tpu.memory_space<semaphore_mem>>) src(%arg5 : memref<16xf32, #tpu.memory_space<vmem>>) dst(%dma_wait3A_518 : memref<16xf32, #tpu.memory_space<hbm>>)
          tpu.yield
        }) : () -> ()
      } else {
      }
      %eq3A_382 = arith.constant 15 : i32
      %eq3A_383 = arith.cmpi eq, %add3A, %eq3A_382 : i32
      %convert_element_type3A_384 = arith.extui %eq3A_383 : i1 to i32
      %cond3A_385 = arith.constant 0 : i32
      %cond3A_386 = arith.cmpi ne, %convert_element_type3A_384, %cond3A_385 : i32
      scf.if %cond3A_386 {
        "tpu.region"() ({
          %run_scoped3A = tpu.sem_alloc : memref<!tpu.dma_semaphore, #tpu.memory_space<semaphore_mem>>
          %dma_start3A_511 = arith.constant 2400000 : i32
          %dma_start3A_512 = tpu.memref_slice %arg2[%dma_start3A_511] : memref<4800000xf32, #tpu.memory_space<hbm>> -> memref<16xf32, #tpu.memory_space<hbm>>
          %dma_start3A_513 = arith.constant 2400000 : i32
          %dma_start3A_514 = tpu.memref_slice %arg2[%dma_start3A_513] : memref<4800000xf32, #tpu.memory_space<hbm>> -> memref<16xf32, #tpu.memory_space<hbm>>
          tpu.enqueue_dma source(%dma_start3A_514 : memref<16xf32, #tpu.memory_space<hbm>>) target(%arg5 : memref<16xf32, #tpu.memory_space<vmem>>) target_semaphore(%run_scoped3A : memref<!tpu.dma_semaphore, #tpu.memory_space<semaphore_mem>>)
          %dma_wait3A_515 = arith.constant 2400000 : i32
          %dma_wait3A_516 = tpu.memref_slice %arg2[%dma_wait3A_515] : memref<4800000xf32, #tpu.memory_space<hbm>> -> memref<16xf32, #tpu.memory_space<hbm>>
          %dma_wait3A_517 = arith.constant 2400000 : i32
          %dma_wait3A_518 = tpu.memref_slice %arg2[%dma_wait3A_517] : memref<4800000xf32, #tpu.memory_space<hbm>> -> memref<16xf32, #tpu.memory_space<hbm>>
          tpu.wait_dma2 semaphore(%run_scoped3A : memref<!tpu.dma_semaphore, #tpu.memory_space<semaphore_mem>>) src(%dma_wait3A_518 : memref<16xf32, #tpu.memory_space<hbm>>) dst(%arg5 : memref<16xf32, #tpu.memory_space<vmem>>)
          tpu.yield
        }) : () -> ()
        %get3A = arith.constant 0 : index
        %get3A_502 = tpu.vector_load %arg5[%get3A] {strides = array<i32>} : memref<16xf32, #tpu.memory_space<vmem>>, vector<16xf32>,
        %get3A_503 = vector.shape_cast %get3A_502 : vector<16xf32> to vector<16xf32>
        %get3A_504 = arith.constant 384 : index
        %get3A_505 = tpu.vector_load %arg6[%get3A_504] {strides = array<i32>} : memref<768xf32, #tpu.memory_space<vmem>>, vector<16xf32>,
        %get3A_506 = vector.shape_cast %get3A_505 : vector<16xf32> to vector<16xf32>
        %add3A_507 = arith.addf %get3A_503, %get3A_506 : vector<16xf32>
        %swap3A = arith.constant 0 : index
        %swap3A_508 = tpu.vector_load %arg5[%swap3A] {strides = array<i32>} : memref<16xf32, #tpu.memory_space<vmem>>, vector<16xf32>,
        %swap3A_509 = vector.shape_cast %swap3A_508 : vector<16xf32> to vector<16xf32>
        %swap3A_510 = vector.shape_cast %add3A_507 : vector<16xf32> to vector<16xf32>
        tpu.vector_store %arg5[%swap3A], %swap3A_510 {strides = array<i32>} : memref<16xf32, #tpu.memory_space<vmem>>, vector<16xf32>,
        "tpu.region"() ({
          %run_scoped3A = tpu.sem_alloc : memref<!tpu.dma_semaphore, #tpu.memory_space<semaphore_mem>>
          %dma_start3A_511 = arith.constant 2400000 : i32
          %dma_start3A_512 = tpu.memref_slice %arg4[%dma_start3A_511] : memref<4800000xf32, #tpu.memory_space<hbm>> -> memref<16xf32, #tpu.memory_space<hbm>>
          %dma_start3A_513 = arith.constant 2400000 : i32
          %dma_start3A_514 = tpu.memref_slice %arg4[%dma_start3A_513] : memref<4800000xf32, #tpu.memory_space<hbm>> -> memref<16xf32, #tpu.memory_space<hbm>>
          tpu.enqueue_dma source(%arg5 : memref<16xf32, #tpu.memory_space<vmem>>) target(%dma_start3A_514 : memref<16xf32, #tpu.memory_space<hbm>>) target_semaphore(%run_scoped3A : memref<!tpu.dma_semaphore, #tpu.memory_space<semaphore_mem>>)
          %dma_wait3A_515 = arith.constant 2400000 : i32
          %dma_wait3A_516 = tpu.memref_slice %arg4[%dma_wait3A_515] : memref<4800000xf32, #tpu.memory_space<hbm>> -> memref<16xf32, #tpu.memory_space<hbm>>
          %dma_wait3A_517 = arith.constant 2400000 : i32
          %dma_wait3A_518 = tpu.memref_slice %arg4[%dma_wait3A_517] : memref<4800000xf32, #tpu.memory_space<hbm>> -> memref<16xf32, #tpu.memory_space<hbm>>
          tpu.wait_dma2 semaphore(%run_scoped3A : memref<!tpu.dma_semaphore, #tpu.memory_space<semaphore_mem>>) src(%arg5 : memref<16xf32, #tpu.memory_space<vmem>>) dst(%dma_wait3A_518 : memref<16xf32, #tpu.memory_space<hbm>>)
          tpu.yield
        }) : () -> ()
      } else {
      }
      %eq3A_387 = arith.constant 15 : i32
      %eq3A_388 = arith.cmpi eq, %add3A, %eq3A_387 : i32
      %convert_element_type3A_389 = arith.extui %eq3A_388 : i1 to i32
      %cond3A_390 = arith.constant 0 : i32
      %cond3A_391 = arith.cmpi ne, %convert_element_type3A_389, %cond3A_390 : i32
      scf.if %cond3A_391 {
        "tpu.region"() ({
          %run_scoped3A = tpu.sem_alloc : memref<!tpu.dma_semaphore, #tpu.memory_space<semaphore_mem>>
          %dma_start3A_511 = arith.constant 2500000 : i32
          %dma_start3A_512 = tpu.memref_slice %arg2[%dma_start3A_511] : memref<4800000xf32, #tpu.memory_space<hbm>> -> memref<16xf32, #tpu.memory_space<hbm>>
          %dma_start3A_513 = arith.constant 2500000 : i32
          %dma_start3A_514 = tpu.memref_slice %arg2[%dma_start3A_513] : memref<4800000xf32, #tpu.memory_space<hbm>> -> memref<16xf32, #tpu.memory_space<hbm>>
          tpu.enqueue_dma source(%dma_start3A_514 : memref<16xf32, #tpu.memory_space<hbm>>) target(%arg5 : memref<16xf32, #tpu.memory_space<vmem>>) target_semaphore(%run_scoped3A : memref<!tpu.dma_semaphore, #tpu.memory_space<semaphore_mem>>)
          %dma_wait3A_515 = arith.constant 2500000 : i32
          %dma_wait3A_516 = tpu.memref_slice %arg2[%dma_wait3A_515] : memref<4800000xf32, #tpu.memory_space<hbm>> -> memref<16xf32, #tpu.memory_space<hbm>>
          %dma_wait3A_517 = arith.constant 2500000 : i32
          %dma_wait3A_518 = tpu.memref_slice %arg2[%dma_wait3A_517] : memref<4800000xf32, #tpu.memory_space<hbm>> -> memref<16xf32, #tpu.memory_space<hbm>>
          tpu.wait_dma2 semaphore(%run_scoped3A : memref<!tpu.dma_semaphore, #tpu.memory_space<semaphore_mem>>) src(%dma_wait3A_518 : memref<16xf32, #tpu.memory_space<hbm>>) dst(%arg5 : memref<16xf32, #tpu.memory_space<vmem>>)
          tpu.yield
        }) : () -> ()
        %get3A = arith.constant 0 : index
        %get3A_502 = tpu.vector_load %arg5[%get3A] {strides = array<i32>} : memref<16xf32, #tpu.memory_space<vmem>>, vector<16xf32>,
        %get3A_503 = vector.shape_cast %get3A_502 : vector<16xf32> to vector<16xf32>
        %get3A_504 = arith.constant 400 : index
        %get3A_505 = tpu.vector_load %arg6[%get3A_504] {strides = array<i32>} : memref<768xf32, #tpu.memory_space<vmem>>, vector<16xf32>,
        %get3A_506 = vector.shape_cast %get3A_505 : vector<16xf32> to vector<16xf32>
        %add3A_507 = arith.addf %get3A_503, %get3A_506 : vector<16xf32>
        %swap3A = arith.constant 0 : index
        %swap3A_508 = tpu.vector_load %arg5[%swap3A] {strides = array<i32>} : memref<16xf32, #tpu.memory_space<vmem>>, vector<16xf32>,
        %swap3A_509 = vector.shape_cast %swap3A_508 : vector<16xf32> to vector<16xf32>
        %swap3A_510 = vector.shape_cast %add3A_507 : vector<16xf32> to vector<16xf32>
        tpu.vector_store %arg5[%swap3A], %swap3A_510 {strides = array<i32>} : memref<16xf32, #tpu.memory_space<vmem>>, vector<16xf32>,
        "tpu.region"() ({
          %run_scoped3A = tpu.sem_alloc : memref<!tpu.dma_semaphore, #tpu.memory_space<semaphore_mem>>
          %dma_start3A_511 = arith.constant 2500000 : i32
          %dma_start3A_512 = tpu.memref_slice %arg4[%dma_start3A_511] : memref<4800000xf32, #tpu.memory_space<hbm>> -> memref<16xf32, #tpu.memory_space<hbm>>
          %dma_start3A_513 = arith.constant 2500000 : i32
          %dma_start3A_514 = tpu.memref_slice %arg4[%dma_start3A_513] : memref<4800000xf32, #tpu.memory_space<hbm>> -> memref<16xf32, #tpu.memory_space<hbm>>
          tpu.enqueue_dma source(%arg5 : memref<16xf32, #tpu.memory_space<vmem>>) target(%dma_start3A_514 : memref<16xf32, #tpu.memory_space<hbm>>) target_semaphore(%run_scoped3A : memref<!tpu.dma_semaphore, #tpu.memory_space<semaphore_mem>>)
          %dma_wait3A_515 = arith.constant 2500000 : i32
          %dma_wait3A_516 = tpu.memref_slice %arg4[%dma_wait3A_515] : memref<4800000xf32, #tpu.memory_space<hbm>> -> memref<16xf32, #tpu.memory_space<hbm>>
          %dma_wait3A_517 = arith.constant 2500000 : i32
          %dma_wait3A_518 = tpu.memref_slice %arg4[%dma_wait3A_517] : memref<4800000xf32, #tpu.memory_space<hbm>> -> memref<16xf32, #tpu.memory_space<hbm>>
          tpu.wait_dma2 semaphore(%run_scoped3A : memref<!tpu.dma_semaphore, #tpu.memory_space<semaphore_mem>>) src(%arg5 : memref<16xf32, #tpu.memory_space<vmem>>) dst(%dma_wait3A_518 : memref<16xf32, #tpu.memory_space<hbm>>)
          tpu.yield
        }) : () -> ()
      } else {
      }
      %eq3A_392 = arith.constant 16 : i32
      %eq3A_393 = arith.cmpi eq, %add3A, %eq3A_392 : i32
      %convert_element_type3A_394 = arith.extui %eq3A_393 : i1 to i32
      %cond3A_395 = arith.constant 0 : i32
      %cond3A_396 = arith.cmpi ne, %convert_element_type3A_394, %cond3A_395 : i32
      scf.if %cond3A_396 {
        "tpu.region"() ({
          %run_scoped3A = tpu.sem_alloc : memref<!tpu.dma_semaphore, #tpu.memory_space<semaphore_mem>>
          %dma_start3A_511 = arith.constant 2600000 : i32
          %dma_start3A_512 = tpu.memref_slice %arg2[%dma_start3A_511] : memref<4800000xf32, #tpu.memory_space<hbm>> -> memref<16xf32, #tpu.memory_space<hbm>>
          %dma_start3A_513 = arith.constant 2600000 : i32
          %dma_start3A_514 = tpu.memref_slice %arg2[%dma_start3A_513] : memref<4800000xf32, #tpu.memory_space<hbm>> -> memref<16xf32, #tpu.memory_space<hbm>>
          tpu.enqueue_dma source(%dma_start3A_514 : memref<16xf32, #tpu.memory_space<hbm>>) target(%arg5 : memref<16xf32, #tpu.memory_space<vmem>>) target_semaphore(%run_scoped3A : memref<!tpu.dma_semaphore, #tpu.memory_space<semaphore_mem>>)
          %dma_wait3A_515 = arith.constant 2600000 : i32
          %dma_wait3A_516 = tpu.memref_slice %arg2[%dma_wait3A_515] : memref<4800000xf32, #tpu.memory_space<hbm>> -> memref<16xf32, #tpu.memory_space<hbm>>
          %dma_wait3A_517 = arith.constant 2600000 : i32
          %dma_wait3A_518 = tpu.memref_slice %arg2[%dma_wait3A_517] : memref<4800000xf32, #tpu.memory_space<hbm>> -> memref<16xf32, #tpu.memory_space<hbm>>
          tpu.wait_dma2 semaphore(%run_scoped3A : memref<!tpu.dma_semaphore, #tpu.memory_space<semaphore_mem>>) src(%dma_wait3A_518 : memref<16xf32, #tpu.memory_space<hbm>>) dst(%arg5 : memref<16xf32, #tpu.memory_space<vmem>>)
          tpu.yield
        }) : () -> ()
        %get3A = arith.constant 0 : index
        %get3A_502 = tpu.vector_load %arg5[%get3A] {strides = array<i32>} : memref<16xf32, #tpu.memory_space<vmem>>, vector<16xf32>,
        %get3A_503 = vector.shape_cast %get3A_502 : vector<16xf32> to vector<16xf32>
        %get3A_504 = arith.constant 416 : index
        %get3A_505 = tpu.vector_load %arg6[%get3A_504] {strides = array<i32>} : memref<768xf32, #tpu.memory_space<vmem>>, vector<16xf32>,
        %get3A_506 = vector.shape_cast %get3A_505 : vector<16xf32> to vector<16xf32>
        %add3A_507 = arith.addf %get3A_503, %get3A_506 : vector<16xf32>
        %swap3A = arith.constant 0 : index
        %swap3A_508 = tpu.vector_load %arg5[%swap3A] {strides = array<i32>} : memref<16xf32, #tpu.memory_space<vmem>>, vector<16xf32>,
        %swap3A_509 = vector.shape_cast %swap3A_508 : vector<16xf32> to vector<16xf32>
        %swap3A_510 = vector.shape_cast %add3A_507 : vector<16xf32> to vector<16xf32>
        tpu.vector_store %arg5[%swap3A], %swap3A_510 {strides = array<i32>} : memref<16xf32, #tpu.memory_space<vmem>>, vector<16xf32>,
        "tpu.region"() ({
          %run_scoped3A = tpu.sem_alloc : memref<!tpu.dma_semaphore, #tpu.memory_space<semaphore_mem>>
          %dma_start3A_511 = arith.constant 2600000 : i32
          %dma_start3A_512 = tpu.memref_slice %arg4[%dma_start3A_511] : memref<4800000xf32, #tpu.memory_space<hbm>> -> memref<16xf32, #tpu.memory_space<hbm>>
          %dma_start3A_513 = arith.constant 2600000 : i32
          %dma_start3A_514 = tpu.memref_slice %arg4[%dma_start3A_513] : memref<4800000xf32, #tpu.memory_space<hbm>> -> memref<16xf32, #tpu.memory_space<hbm>>
          tpu.enqueue_dma source(%arg5 : memref<16xf32, #tpu.memory_space<vmem>>) target(%dma_start3A_514 : memref<16xf32, #tpu.memory_space<hbm>>) target_semaphore(%run_scoped3A : memref<!tpu.dma_semaphore, #tpu.memory_space<semaphore_mem>>)
          %dma_wait3A_515 = arith.constant 2600000 : i32
          %dma_wait3A_516 = tpu.memref_slice %arg4[%dma_wait3A_515] : memref<4800000xf32, #tpu.memory_space<hbm>> -> memref<16xf32, #tpu.memory_space<hbm>>
          %dma_wait3A_517 = arith.constant 2600000 : i32
          %dma_wait3A_518 = tpu.memref_slice %arg4[%dma_wait3A_517] : memref<4800000xf32, #tpu.memory_space<hbm>> -> memref<16xf32, #tpu.memory_space<hbm>>
          tpu.wait_dma2 semaphore(%run_scoped3A : memref<!tpu.dma_semaphore, #tpu.memory_space<semaphore_mem>>) src(%arg5 : memref<16xf32, #tpu.memory_space<vmem>>) dst(%dma_wait3A_518 : memref<16xf32, #tpu.memory_space<hbm>>)
          tpu.yield
        }) : () -> ()
      } else {
      }
      %eq3A_397 = arith.constant 16 : i32
      %eq3A_398 = arith.cmpi eq, %add3A, %eq3A_397 : i32
      %convert_element_type3A_399 = arith.extui %eq3A_398 : i1 to i32
      %cond3A_400 = arith.constant 0 : i32
      %cond3A_401 = arith.cmpi ne, %convert_element_type3A_399, %cond3A_400 : i32
      scf.if %cond3A_401 {
        "tpu.region"() ({
          %run_scoped3A = tpu.sem_alloc : memref<!tpu.dma_semaphore, #tpu.memory_space<semaphore_mem>>
          %dma_start3A_511 = arith.constant 2700000 : i32
          %dma_start3A_512 = tpu.memref_slice %arg2[%dma_start3A_511] : memref<4800000xf32, #tpu.memory_space<hbm>> -> memref<16xf32, #tpu.memory_space<hbm>>
          %dma_start3A_513 = arith.constant 2700000 : i32
          %dma_start3A_514 = tpu.memref_slice %arg2[%dma_start3A_513] : memref<4800000xf32, #tpu.memory_space<hbm>> -> memref<16xf32, #tpu.memory_space<hbm>>
          tpu.enqueue_dma source(%dma_start3A_514 : memref<16xf32, #tpu.memory_space<hbm>>) target(%arg5 : memref<16xf32, #tpu.memory_space<vmem>>) target_semaphore(%run_scoped3A : memref<!tpu.dma_semaphore, #tpu.memory_space<semaphore_mem>>)
          %dma_wait3A_515 = arith.constant 2700000 : i32
          %dma_wait3A_516 = tpu.memref_slice %arg2[%dma_wait3A_515] : memref<4800000xf32, #tpu.memory_space<hbm>> -> memref<16xf32, #tpu.memory_space<hbm>>
          %dma_wait3A_517 = arith.constant 2700000 : i32
          %dma_wait3A_518 = tpu.memref_slice %arg2[%dma_wait3A_517] : memref<4800000xf32, #tpu.memory_space<hbm>> -> memref<16xf32, #tpu.memory_space<hbm>>
          tpu.wait_dma2 semaphore(%run_scoped3A : memref<!tpu.dma_semaphore, #tpu.memory_space<semaphore_mem>>) src(%dma_wait3A_518 : memref<16xf32, #tpu.memory_space<hbm>>) dst(%arg5 : memref<16xf32, #tpu.memory_space<vmem>>)
          tpu.yield
        }) : () -> ()
        %get3A = arith.constant 0 : index
        %get3A_502 = tpu.vector_load %arg5[%get3A] {strides = array<i32>} : memref<16xf32, #tpu.memory_space<vmem>>, vector<16xf32>,
        %get3A_503 = vector.shape_cast %get3A_502 : vector<16xf32> to vector<16xf32>
        %get3A_504 = arith.constant 432 : index
        %get3A_505 = tpu.vector_load %arg6[%get3A_504] {strides = array<i32>} : memref<768xf32, #tpu.memory_space<vmem>>, vector<16xf32>,
        %get3A_506 = vector.shape_cast %get3A_505 : vector<16xf32> to vector<16xf32>
        %add3A_507 = arith.addf %get3A_503, %get3A_506 : vector<16xf32>
        %swap3A = arith.constant 0 : index
        %swap3A_508 = tpu.vector_load %arg5[%swap3A] {strides = array<i32>} : memref<16xf32, #tpu.memory_space<vmem>>, vector<16xf32>,
        %swap3A_509 = vector.shape_cast %swap3A_508 : vector<16xf32> to vector<16xf32>
        %swap3A_510 = vector.shape_cast %add3A_507 : vector<16xf32> to vector<16xf32>
        tpu.vector_store %arg5[%swap3A], %swap3A_510 {strides = array<i32>} : memref<16xf32, #tpu.memory_space<vmem>>, vector<16xf32>,
        "tpu.region"() ({
          %run_scoped3A = tpu.sem_alloc : memref<!tpu.dma_semaphore, #tpu.memory_space<semaphore_mem>>
          %dma_start3A_511 = arith.constant 2700000 : i32
          %dma_start3A_512 = tpu.memref_slice %arg4[%dma_start3A_511] : memref<4800000xf32, #tpu.memory_space<hbm>> -> memref<16xf32, #tpu.memory_space<hbm>>
          %dma_start3A_513 = arith.constant 2700000 : i32
          %dma_start3A_514 = tpu.memref_slice %arg4[%dma_start3A_513] : memref<4800000xf32, #tpu.memory_space<hbm>> -> memref<16xf32, #tpu.memory_space<hbm>>
          tpu.enqueue_dma source(%arg5 : memref<16xf32, #tpu.memory_space<vmem>>) target(%dma_start3A_514 : memref<16xf32, #tpu.memory_space<hbm>>) target_semaphore(%run_scoped3A : memref<!tpu.dma_semaphore, #tpu.memory_space<semaphore_mem>>)
          %dma_wait3A_515 = arith.constant 2700000 : i32
          %dma_wait3A_516 = tpu.memref_slice %arg4[%dma_wait3A_515] : memref<4800000xf32, #tpu.memory_space<hbm>> -> memref<16xf32, #tpu.memory_space<hbm>>
          %dma_wait3A_517 = arith.constant 2700000 : i32
          %dma_wait3A_518 = tpu.memref_slice %arg4[%dma_wait3A_517] : memref<4800000xf32, #tpu.memory_space<hbm>> -> memref<16xf32, #tpu.memory_space<hbm>>
          tpu.wait_dma2 semaphore(%run_scoped3A : memref<!tpu.dma_semaphore, #tpu.memory_space<semaphore_mem>>) src(%arg5 : memref<16xf32, #tpu.memory_space<vmem>>) dst(%dma_wait3A_518 : memref<16xf32, #tpu.memory_space<hbm>>)
          tpu.yield
        }) : () -> ()
      } else {
      }
      %eq3A_402 = arith.constant 17 : i32
      %eq3A_403 = arith.cmpi eq, %add3A, %eq3A_402 : i32
      %convert_element_type3A_404 = arith.extui %eq3A_403 : i1 to i32
      %cond3A_405 = arith.constant 0 : i32
      %cond3A_406 = arith.cmpi ne, %convert_element_type3A_404, %cond3A_405 : i32
      scf.if %cond3A_406 {
        "tpu.region"() ({
          %run_scoped3A = tpu.sem_alloc : memref<!tpu.dma_semaphore, #tpu.memory_space<semaphore_mem>>
          %dma_start3A_511 = arith.constant 2800000 : i32
          %dma_start3A_512 = tpu.memref_slice %arg2[%dma_start3A_511] : memref<4800000xf32, #tpu.memory_space<hbm>> -> memref<16xf32, #tpu.memory_space<hbm>>
          %dma_start3A_513 = arith.constant 2800000 : i32
          %dma_start3A_514 = tpu.memref_slice %arg2[%dma_start3A_513] : memref<4800000xf32, #tpu.memory_space<hbm>> -> memref<16xf32, #tpu.memory_space<hbm>>
          tpu.enqueue_dma source(%dma_start3A_514 : memref<16xf32, #tpu.memory_space<hbm>>) target(%arg5 : memref<16xf32, #tpu.memory_space<vmem>>) target_semaphore(%run_scoped3A : memref<!tpu.dma_semaphore, #tpu.memory_space<semaphore_mem>>)
          %dma_wait3A_515 = arith.constant 2800000 : i32
          %dma_wait3A_516 = tpu.memref_slice %arg2[%dma_wait3A_515] : memref<4800000xf32, #tpu.memory_space<hbm>> -> memref<16xf32, #tpu.memory_space<hbm>>
          %dma_wait3A_517 = arith.constant 2800000 : i32
          %dma_wait3A_518 = tpu.memref_slice %arg2[%dma_wait3A_517] : memref<4800000xf32, #tpu.memory_space<hbm>> -> memref<16xf32, #tpu.memory_space<hbm>>
          tpu.wait_dma2 semaphore(%run_scoped3A : memref<!tpu.dma_semaphore, #tpu.memory_space<semaphore_mem>>) src(%dma_wait3A_518 : memref<16xf32, #tpu.memory_space<hbm>>) dst(%arg5 : memref<16xf32, #tpu.memory_space<vmem>>)
          tpu.yield
        }) : () -> ()
        %get3A = arith.constant 0 : index
        %get3A_502 = tpu.vector_load %arg5[%get3A] {strides = array<i32>} : memref<16xf32, #tpu.memory_space<vmem>>, vector<16xf32>,
        %get3A_503 = vector.shape_cast %get3A_502 : vector<16xf32> to vector<16xf32>
        %get3A_504 = arith.constant 448 : index
        %get3A_505 = tpu.vector_load %arg6[%get3A_504] {strides = array<i32>} : memref<768xf32, #tpu.memory_space<vmem>>, vector<16xf32>,
        %get3A_506 = vector.shape_cast %get3A_505 : vector<16xf32> to vector<16xf32>
        %add3A_507 = arith.addf %get3A_503, %get3A_506 : vector<16xf32>
        %swap3A = arith.constant 0 : index
        %swap3A_508 = tpu.vector_load %arg5[%swap3A] {strides = array<i32>} : memref<16xf32, #tpu.memory_space<vmem>>, vector<16xf32>,
        %swap3A_509 = vector.shape_cast %swap3A_508 : vector<16xf32> to vector<16xf32>
        %swap3A_510 = vector.shape_cast %add3A_507 : vector<16xf32> to vector<16xf32>
        tpu.vector_store %arg5[%swap3A], %swap3A_510 {strides = array<i32>} : memref<16xf32, #tpu.memory_space<vmem>>, vector<16xf32>,
        "tpu.region"() ({
          %run_scoped3A = tpu.sem_alloc : memref<!tpu.dma_semaphore, #tpu.memory_space<semaphore_mem>>
          %dma_start3A_511 = arith.constant 2800000 : i32
          %dma_start3A_512 = tpu.memref_slice %arg4[%dma_start3A_511] : memref<4800000xf32, #tpu.memory_space<hbm>> -> memref<16xf32, #tpu.memory_space<hbm>>
          %dma_start3A_513 = arith.constant 2800000 : i32
          %dma_start3A_514 = tpu.memref_slice %arg4[%dma_start3A_513] : memref<4800000xf32, #tpu.memory_space<hbm>> -> memref<16xf32, #tpu.memory_space<hbm>>
          tpu.enqueue_dma source(%arg5 : memref<16xf32, #tpu.memory_space<vmem>>) target(%dma_start3A_514 : memref<16xf32, #tpu.memory_space<hbm>>) target_semaphore(%run_scoped3A : memref<!tpu.dma_semaphore, #tpu.memory_space<semaphore_mem>>)
          %dma_wait3A_515 = arith.constant 2800000 : i32
          %dma_wait3A_516 = tpu.memref_slice %arg4[%dma_wait3A_515] : memref<4800000xf32, #tpu.memory_space<hbm>> -> memref<16xf32, #tpu.memory_space<hbm>>
          %dma_wait3A_517 = arith.constant 2800000 : i32
          %dma_wait3A_518 = tpu.memref_slice %arg4[%dma_wait3A_517] : memref<4800000xf32, #tpu.memory_space<hbm>> -> memref<16xf32, #tpu.memory_space<hbm>>
          tpu.wait_dma2 semaphore(%run_scoped3A : memref<!tpu.dma_semaphore, #tpu.memory_space<semaphore_mem>>) src(%arg5 : memref<16xf32, #tpu.memory_space<vmem>>) dst(%dma_wait3A_518 : memref<16xf32, #tpu.memory_space<hbm>>)
          tpu.yield
        }) : () -> ()
      } else {
      }
      %eq3A_407 = arith.constant 18 : i32
      %eq3A_408 = arith.cmpi eq, %add3A, %eq3A_407 : i32
      %convert_element_type3A_409 = arith.extui %eq3A_408 : i1 to i32
      %cond3A_410 = arith.constant 0 : i32
      %cond3A_411 = arith.cmpi ne, %convert_element_type3A_409, %cond3A_410 : i32
      scf.if %cond3A_411 {
        "tpu.region"() ({
          %run_scoped3A = tpu.sem_alloc : memref<!tpu.dma_semaphore, #tpu.memory_space<semaphore_mem>>
          %dma_start3A_511 = arith.constant 2900000 : i32
          %dma_start3A_512 = tpu.memref_slice %arg2[%dma_start3A_511] : memref<4800000xf32, #tpu.memory_space<hbm>> -> memref<16xf32, #tpu.memory_space<hbm>>
          %dma_start3A_513 = arith.constant 2900000 : i32
          %dma_start3A_514 = tpu.memref_slice %arg2[%dma_start3A_513] : memref<4800000xf32, #tpu.memory_space<hbm>> -> memref<16xf32, #tpu.memory_space<hbm>>
          tpu.enqueue_dma source(%dma_start3A_514 : memref<16xf32, #tpu.memory_space<hbm>>) target(%arg5 : memref<16xf32, #tpu.memory_space<vmem>>) target_semaphore(%run_scoped3A : memref<!tpu.dma_semaphore, #tpu.memory_space<semaphore_mem>>)
          %dma_wait3A_515 = arith.constant 2900000 : i32
          %dma_wait3A_516 = tpu.memref_slice %arg2[%dma_wait3A_515] : memref<4800000xf32, #tpu.memory_space<hbm>> -> memref<16xf32, #tpu.memory_space<hbm>>
          %dma_wait3A_517 = arith.constant 2900000 : i32
          %dma_wait3A_518 = tpu.memref_slice %arg2[%dma_wait3A_517] : memref<4800000xf32, #tpu.memory_space<hbm>> -> memref<16xf32, #tpu.memory_space<hbm>>
          tpu.wait_dma2 semaphore(%run_scoped3A : memref<!tpu.dma_semaphore, #tpu.memory_space<semaphore_mem>>) src(%dma_wait3A_518 : memref<16xf32, #tpu.memory_space<hbm>>) dst(%arg5 : memref<16xf32, #tpu.memory_space<vmem>>)
          tpu.yield
        }) : () -> ()
        %get3A = arith.constant 0 : index
        %get3A_502 = tpu.vector_load %arg5[%get3A] {strides = array<i32>} : memref<16xf32, #tpu.memory_space<vmem>>, vector<16xf32>,
        %get3A_503 = vector.shape_cast %get3A_502 : vector<16xf32> to vector<16xf32>
        %get3A_504 = arith.constant 464 : index
        %get3A_505 = tpu.vector_load %arg6[%get3A_504] {strides = array<i32>} : memref<768xf32, #tpu.memory_space<vmem>>, vector<16xf32>,
        %get3A_506 = vector.shape_cast %get3A_505 : vector<16xf32> to vector<16xf32>
        %add3A_507 = arith.addf %get3A_503, %get3A_506 : vector<16xf32>
        %swap3A = arith.constant 0 : index
        %swap3A_508 = tpu.vector_load %arg5[%swap3A] {strides = array<i32>} : memref<16xf32, #tpu.memory_space<vmem>>, vector<16xf32>,
        %swap3A_509 = vector.shape_cast %swap3A_508 : vector<16xf32> to vector<16xf32>
        %swap3A_510 = vector.shape_cast %add3A_507 : vector<16xf32> to vector<16xf32>
        tpu.vector_store %arg5[%swap3A], %swap3A_510 {strides = array<i32>} : memref<16xf32, #tpu.memory_space<vmem>>, vector<16xf32>,
        "tpu.region"() ({
          %run_scoped3A = tpu.sem_alloc : memref<!tpu.dma_semaphore, #tpu.memory_space<semaphore_mem>>
          %dma_start3A_511 = arith.constant 2900000 : i32
          %dma_start3A_512 = tpu.memref_slice %arg4[%dma_start3A_511] : memref<4800000xf32, #tpu.memory_space<hbm>> -> memref<16xf32, #tpu.memory_space<hbm>>
          %dma_start3A_513 = arith.constant 2900000 : i32
          %dma_start3A_514 = tpu.memref_slice %arg4[%dma_start3A_513] : memref<4800000xf32, #tpu.memory_space<hbm>> -> memref<16xf32, #tpu.memory_space<hbm>>
          tpu.enqueue_dma source(%arg5 : memref<16xf32, #tpu.memory_space<vmem>>) target(%dma_start3A_514 : memref<16xf32, #tpu.memory_space<hbm>>) target_semaphore(%run_scoped3A : memref<!tpu.dma_semaphore, #tpu.memory_space<semaphore_mem>>)
          %dma_wait3A_515 = arith.constant 2900000 : i32
          %dma_wait3A_516 = tpu.memref_slice %arg4[%dma_wait3A_515] : memref<4800000xf32, #tpu.memory_space<hbm>> -> memref<16xf32, #tpu.memory_space<hbm>>
          %dma_wait3A_517 = arith.constant 2900000 : i32
          %dma_wait3A_518 = tpu.memref_slice %arg4[%dma_wait3A_517] : memref<4800000xf32, #tpu.memory_space<hbm>> -> memref<16xf32, #tpu.memory_space<hbm>>
          tpu.wait_dma2 semaphore(%run_scoped3A : memref<!tpu.dma_semaphore, #tpu.memory_space<semaphore_mem>>) src(%arg5 : memref<16xf32, #tpu.memory_space<vmem>>) dst(%dma_wait3A_518 : memref<16xf32, #tpu.memory_space<hbm>>)
          tpu.yield
        }) : () -> ()
      } else {
      }
      %eq3A_412 = arith.constant 18 : i32
      %eq3A_413 = arith.cmpi eq, %add3A, %eq3A_412 : i32
      %convert_element_type3A_414 = arith.extui %eq3A_413 : i1 to i32
      %cond3A_415 = arith.constant 0 : i32
      %cond3A_416 = arith.cmpi ne, %convert_element_type3A_414, %cond3A_415 : i32
      scf.if %cond3A_416 {
        "tpu.region"() ({
          %run_scoped3A = tpu.sem_alloc : memref<!tpu.dma_semaphore, #tpu.memory_space<semaphore_mem>>
          %dma_start3A_511 = arith.constant 3000000 : i32
          %dma_start3A_512 = tpu.memref_slice %arg2[%dma_start3A_511] : memref<4800000xf32, #tpu.memory_space<hbm>> -> memref<16xf32, #tpu.memory_space<hbm>>
          %dma_start3A_513 = arith.constant 3000000 : i32
          %dma_start3A_514 = tpu.memref_slice %arg2[%dma_start3A_513] : memref<4800000xf32, #tpu.memory_space<hbm>> -> memref<16xf32, #tpu.memory_space<hbm>>
          tpu.enqueue_dma source(%dma_start3A_514 : memref<16xf32, #tpu.memory_space<hbm>>) target(%arg5 : memref<16xf32, #tpu.memory_space<vmem>>) target_semaphore(%run_scoped3A : memref<!tpu.dma_semaphore, #tpu.memory_space<semaphore_mem>>)
          %dma_wait3A_515 = arith.constant 3000000 : i32
          %dma_wait3A_516 = tpu.memref_slice %arg2[%dma_wait3A_515] : memref<4800000xf32, #tpu.memory_space<hbm>> -> memref<16xf32, #tpu.memory_space<hbm>>
          %dma_wait3A_517 = arith.constant 3000000 : i32
          %dma_wait3A_518 = tpu.memref_slice %arg2[%dma_wait3A_517] : memref<4800000xf32, #tpu.memory_space<hbm>> -> memref<16xf32, #tpu.memory_space<hbm>>
          tpu.wait_dma2 semaphore(%run_scoped3A : memref<!tpu.dma_semaphore, #tpu.memory_space<semaphore_mem>>) src(%dma_wait3A_518 : memref<16xf32, #tpu.memory_space<hbm>>) dst(%arg5 : memref<16xf32, #tpu.memory_space<vmem>>)
          tpu.yield
        }) : () -> ()
        %get3A = arith.constant 0 : index
        %get3A_502 = tpu.vector_load %arg5[%get3A] {strides = array<i32>} : memref<16xf32, #tpu.memory_space<vmem>>, vector<16xf32>,
        %get3A_503 = vector.shape_cast %get3A_502 : vector<16xf32> to vector<16xf32>
        %get3A_504 = arith.constant 480 : index
        %get3A_505 = tpu.vector_load %arg6[%get3A_504] {strides = array<i32>} : memref<768xf32, #tpu.memory_space<vmem>>, vector<16xf32>,
        %get3A_506 = vector.shape_cast %get3A_505 : vector<16xf32> to vector<16xf32>
        %add3A_507 = arith.addf %get3A_503, %get3A_506 : vector<16xf32>
        %swap3A = arith.constant 0 : index
        %swap3A_508 = tpu.vector_load %arg5[%swap3A] {strides = array<i32>} : memref<16xf32, #tpu.memory_space<vmem>>, vector<16xf32>,
        %swap3A_509 = vector.shape_cast %swap3A_508 : vector<16xf32> to vector<16xf32>
        %swap3A_510 = vector.shape_cast %add3A_507 : vector<16xf32> to vector<16xf32>
        tpu.vector_store %arg5[%swap3A], %swap3A_510 {strides = array<i32>} : memref<16xf32, #tpu.memory_space<vmem>>, vector<16xf32>,
        "tpu.region"() ({
          %run_scoped3A = tpu.sem_alloc : memref<!tpu.dma_semaphore, #tpu.memory_space<semaphore_mem>>
          %dma_start3A_511 = arith.constant 3000000 : i32
          %dma_start3A_512 = tpu.memref_slice %arg4[%dma_start3A_511] : memref<4800000xf32, #tpu.memory_space<hbm>> -> memref<16xf32, #tpu.memory_space<hbm>>
          %dma_start3A_513 = arith.constant 3000000 : i32
          %dma_start3A_514 = tpu.memref_slice %arg4[%dma_start3A_513] : memref<4800000xf32, #tpu.memory_space<hbm>> -> memref<16xf32, #tpu.memory_space<hbm>>
          tpu.enqueue_dma source(%arg5 : memref<16xf32, #tpu.memory_space<vmem>>) target(%dma_start3A_514 : memref<16xf32, #tpu.memory_space<hbm>>) target_semaphore(%run_scoped3A : memref<!tpu.dma_semaphore, #tpu.memory_space<semaphore_mem>>)
          %dma_wait3A_515 = arith.constant 3000000 : i32
          %dma_wait3A_516 = tpu.memref_slice %arg4[%dma_wait3A_515] : memref<4800000xf32, #tpu.memory_space<hbm>> -> memref<16xf32, #tpu.memory_space<hbm>>
          %dma_wait3A_517 = arith.constant 3000000 : i32
          %dma_wait3A_518 = tpu.memref_slice %arg4[%dma_wait3A_517] : memref<4800000xf32, #tpu.memory_space<hbm>> -> memref<16xf32, #tpu.memory_space<hbm>>
          tpu.wait_dma2 semaphore(%run_scoped3A : memref<!tpu.dma_semaphore, #tpu.memory_space<semaphore_mem>>) src(%arg5 : memref<16xf32, #tpu.memory_space<vmem>>) dst(%dma_wait3A_518 : memref<16xf32, #tpu.memory_space<hbm>>)
          tpu.yield
        }) : () -> ()
      } else {
      }
      %eq3A_417 = arith.constant 19 : i32
      %eq3A_418 = arith.cmpi eq, %add3A, %eq3A_417 : i32
      %convert_element_type3A_419 = arith.extui %eq3A_418 : i1 to i32
      %cond3A_420 = arith.constant 0 : i32
      %cond3A_421 = arith.cmpi ne, %convert_element_type3A_419, %cond3A_420 : i32
      scf.if %cond3A_421 {
        "tpu.region"() ({
          %run_scoped3A = tpu.sem_alloc : memref<!tpu.dma_semaphore, #tpu.memory_space<semaphore_mem>>
          %dma_start3A_511 = arith.constant 3100000 : i32
          %dma_start3A_512 = tpu.memref_slice %arg2[%dma_start3A_511] : memref<4800000xf32, #tpu.memory_space<hbm>> -> memref<16xf32, #tpu.memory_space<hbm>>
          %dma_start3A_513 = arith.constant 3100000 : i32
          %dma_start3A_514 = tpu.memref_slice %arg2[%dma_start3A_513] : memref<4800000xf32, #tpu.memory_space<hbm>> -> memref<16xf32, #tpu.memory_space<hbm>>
          tpu.enqueue_dma source(%dma_start3A_514 : memref<16xf32, #tpu.memory_space<hbm>>) target(%arg5 : memref<16xf32, #tpu.memory_space<vmem>>) target_semaphore(%run_scoped3A : memref<!tpu.dma_semaphore, #tpu.memory_space<semaphore_mem>>)
          %dma_wait3A_515 = arith.constant 3100000 : i32
          %dma_wait3A_516 = tpu.memref_slice %arg2[%dma_wait3A_515] : memref<4800000xf32, #tpu.memory_space<hbm>> -> memref<16xf32, #tpu.memory_space<hbm>>
          %dma_wait3A_517 = arith.constant 3100000 : i32
          %dma_wait3A_518 = tpu.memref_slice %arg2[%dma_wait3A_517] : memref<4800000xf32, #tpu.memory_space<hbm>> -> memref<16xf32, #tpu.memory_space<hbm>>
          tpu.wait_dma2 semaphore(%run_scoped3A : memref<!tpu.dma_semaphore, #tpu.memory_space<semaphore_mem>>) src(%dma_wait3A_518 : memref<16xf32, #tpu.memory_space<hbm>>) dst(%arg5 : memref<16xf32, #tpu.memory_space<vmem>>)
          tpu.yield
        }) : () -> ()
        %get3A = arith.constant 0 : index
        %get3A_502 = tpu.vector_load %arg5[%get3A] {strides = array<i32>} : memref<16xf32, #tpu.memory_space<vmem>>, vector<16xf32>,
        %get3A_503 = vector.shape_cast %get3A_502 : vector<16xf32> to vector<16xf32>
        %get3A_504 = arith.constant 496 : index
        %get3A_505 = tpu.vector_load %arg6[%get3A_504] {strides = array<i32>} : memref<768xf32, #tpu.memory_space<vmem>>, vector<16xf32>,
        %get3A_506 = vector.shape_cast %get3A_505 : vector<16xf32> to vector<16xf32>
        %add3A_507 = arith.addf %get3A_503, %get3A_506 : vector<16xf32>
        %swap3A = arith.constant 0 : index
        %swap3A_508 = tpu.vector_load %arg5[%swap3A] {strides = array<i32>} : memref<16xf32, #tpu.memory_space<vmem>>, vector<16xf32>,
        %swap3A_509 = vector.shape_cast %swap3A_508 : vector<16xf32> to vector<16xf32>
        %swap3A_510 = vector.shape_cast %add3A_507 : vector<16xf32> to vector<16xf32>
        tpu.vector_store %arg5[%swap3A], %swap3A_510 {strides = array<i32>} : memref<16xf32, #tpu.memory_space<vmem>>, vector<16xf32>,
        "tpu.region"() ({
          %run_scoped3A = tpu.sem_alloc : memref<!tpu.dma_semaphore, #tpu.memory_space<semaphore_mem>>
          %dma_start3A_511 = arith.constant 3100000 : i32
          %dma_start3A_512 = tpu.memref_slice %arg4[%dma_start3A_511] : memref<4800000xf32, #tpu.memory_space<hbm>> -> memref<16xf32, #tpu.memory_space<hbm>>
          %dma_start3A_513 = arith.constant 3100000 : i32
          %dma_start3A_514 = tpu.memref_slice %arg4[%dma_start3A_513] : memref<4800000xf32, #tpu.memory_space<hbm>> -> memref<16xf32, #tpu.memory_space<hbm>>
          tpu.enqueue_dma source(%arg5 : memref<16xf32, #tpu.memory_space<vmem>>) target(%dma_start3A_514 : memref<16xf32, #tpu.memory_space<hbm>>) target_semaphore(%run_scoped3A : memref<!tpu.dma_semaphore, #tpu.memory_space<semaphore_mem>>)
          %dma_wait3A_515 = arith.constant 3100000 : i32
          %dma_wait3A_516 = tpu.memref_slice %arg4[%dma_wait3A_515] : memref<4800000xf32, #tpu.memory_space<hbm>> -> memref<16xf32, #tpu.memory_space<hbm>>
          %dma_wait3A_517 = arith.constant 3100000 : i32
          %dma_wait3A_518 = tpu.memref_slice %arg4[%dma_wait3A_517] : memref<4800000xf32, #tpu.memory_space<hbm>> -> memref<16xf32, #tpu.memory_space<hbm>>
          tpu.wait_dma2 semaphore(%run_scoped3A : memref<!tpu.dma_semaphore, #tpu.memory_space<semaphore_mem>>) src(%arg5 : memref<16xf32, #tpu.memory_space<vmem>>) dst(%dma_wait3A_518 : memref<16xf32, #tpu.memory_space<hbm>>)
          tpu.yield
        }) : () -> ()
      } else {
      }
      %eq3A_422 = arith.constant 20 : i32
      %eq3A_423 = arith.cmpi eq, %add3A, %eq3A_422 : i32
      %convert_element_type3A_424 = arith.extui %eq3A_423 : i1 to i32
      %cond3A_425 = arith.constant 0 : i32
      %cond3A_426 = arith.cmpi ne, %convert_element_type3A_424, %cond3A_425 : i32
      scf.if %cond3A_426 {
        "tpu.region"() ({
          %run_scoped3A = tpu.sem_alloc : memref<!tpu.dma_semaphore, #tpu.memory_space<semaphore_mem>>
          %dma_start3A_511 = arith.constant 3200000 : i32
          %dma_start3A_512 = tpu.memref_slice %arg2[%dma_start3A_511] : memref<4800000xf32, #tpu.memory_space<hbm>> -> memref<16xf32, #tpu.memory_space<hbm>>
          %dma_start3A_513 = arith.constant 3200000 : i32
          %dma_start3A_514 = tpu.memref_slice %arg2[%dma_start3A_513] : memref<4800000xf32, #tpu.memory_space<hbm>> -> memref<16xf32, #tpu.memory_space<hbm>>
          tpu.enqueue_dma source(%dma_start3A_514 : memref<16xf32, #tpu.memory_space<hbm>>) target(%arg5 : memref<16xf32, #tpu.memory_space<vmem>>) target_semaphore(%run_scoped3A : memref<!tpu.dma_semaphore, #tpu.memory_space<semaphore_mem>>)
          %dma_wait3A_515 = arith.constant 3200000 : i32
          %dma_wait3A_516 = tpu.memref_slice %arg2[%dma_wait3A_515] : memref<4800000xf32, #tpu.memory_space<hbm>> -> memref<16xf32, #tpu.memory_space<hbm>>
          %dma_wait3A_517 = arith.constant 3200000 : i32
          %dma_wait3A_518 = tpu.memref_slice %arg2[%dma_wait3A_517] : memref<4800000xf32, #tpu.memory_space<hbm>> -> memref<16xf32, #tpu.memory_space<hbm>>
          tpu.wait_dma2 semaphore(%run_scoped3A : memref<!tpu.dma_semaphore, #tpu.memory_space<semaphore_mem>>) src(%dma_wait3A_518 : memref<16xf32, #tpu.memory_space<hbm>>) dst(%arg5 : memref<16xf32, #tpu.memory_space<vmem>>)
          tpu.yield
        }) : () -> ()
        %get3A = arith.constant 0 : index
        %get3A_502 = tpu.vector_load %arg5[%get3A] {strides = array<i32>} : memref<16xf32, #tpu.memory_space<vmem>>, vector<16xf32>,
        %get3A_503 = vector.shape_cast %get3A_502 : vector<16xf32> to vector<16xf32>
        %get3A_504 = arith.constant 512 : index
        %get3A_505 = tpu.vector_load %arg6[%get3A_504] {strides = array<i32>} : memref<768xf32, #tpu.memory_space<vmem>>, vector<16xf32>,
        %get3A_506 = vector.shape_cast %get3A_505 : vector<16xf32> to vector<16xf32>
        %add3A_507 = arith.addf %get3A_503, %get3A_506 : vector<16xf32>
        %swap3A = arith.constant 0 : index
        %swap3A_508 = tpu.vector_load %arg5[%swap3A] {strides = array<i32>} : memref<16xf32, #tpu.memory_space<vmem>>, vector<16xf32>,
        %swap3A_509 = vector.shape_cast %swap3A_508 : vector<16xf32> to vector<16xf32>
        %swap3A_510 = vector.shape_cast %add3A_507 : vector<16xf32> to vector<16xf32>
        tpu.vector_store %arg5[%swap3A], %swap3A_510 {strides = array<i32>} : memref<16xf32, #tpu.memory_space<vmem>>, vector<16xf32>,
        "tpu.region"() ({
          %run_scoped3A = tpu.sem_alloc : memref<!tpu.dma_semaphore, #tpu.memory_space<semaphore_mem>>
          %dma_start3A_511 = arith.constant 3200000 : i32
          %dma_start3A_512 = tpu.memref_slice %arg4[%dma_start3A_511] : memref<4800000xf32, #tpu.memory_space<hbm>> -> memref<16xf32, #tpu.memory_space<hbm>>
          %dma_start3A_513 = arith.constant 3200000 : i32
          %dma_start3A_514 = tpu.memref_slice %arg4[%dma_start3A_513] : memref<4800000xf32, #tpu.memory_space<hbm>> -> memref<16xf32, #tpu.memory_space<hbm>>
          tpu.enqueue_dma source(%arg5 : memref<16xf32, #tpu.memory_space<vmem>>) target(%dma_start3A_514 : memref<16xf32, #tpu.memory_space<hbm>>) target_semaphore(%run_scoped3A : memref<!tpu.dma_semaphore, #tpu.memory_space<semaphore_mem>>)
          %dma_wait3A_515 = arith.constant 3200000 : i32
          %dma_wait3A_516 = tpu.memref_slice %arg4[%dma_wait3A_515] : memref<4800000xf32, #tpu.memory_space<hbm>> -> memref<16xf32, #tpu.memory_space<hbm>>
          %dma_wait3A_517 = arith.constant 3200000 : i32
          %dma_wait3A_518 = tpu.memref_slice %arg4[%dma_wait3A_517] : memref<4800000xf32, #tpu.memory_space<hbm>> -> memref<16xf32, #tpu.memory_space<hbm>>
          tpu.wait_dma2 semaphore(%run_scoped3A : memref<!tpu.dma_semaphore, #tpu.memory_space<semaphore_mem>>) src(%arg5 : memref<16xf32, #tpu.memory_space<vmem>>) dst(%dma_wait3A_518 : memref<16xf32, #tpu.memory_space<hbm>>)
          tpu.yield
        }) : () -> ()
      } else {
      }
      %eq3A_427 = arith.constant 20 : i32
      %eq3A_428 = arith.cmpi eq, %add3A, %eq3A_427 : i32
      %convert_element_type3A_429 = arith.extui %eq3A_428 : i1 to i32
      %cond3A_430 = arith.constant 0 : i32
      %cond3A_431 = arith.cmpi ne, %convert_element_type3A_429, %cond3A_430 : i32
      scf.if %cond3A_431 {
        "tpu.region"() ({
          %run_scoped3A = tpu.sem_alloc : memref<!tpu.dma_semaphore, #tpu.memory_space<semaphore_mem>>
          %dma_start3A_511 = arith.constant 3300000 : i32
          %dma_start3A_512 = tpu.memref_slice %arg2[%dma_start3A_511] : memref<4800000xf32, #tpu.memory_space<hbm>> -> memref<16xf32, #tpu.memory_space<hbm>>
          %dma_start3A_513 = arith.constant 3300000 : i32
          %dma_start3A_514 = tpu.memref_slice %arg2[%dma_start3A_513] : memref<4800000xf32, #tpu.memory_space<hbm>> -> memref<16xf32, #tpu.memory_space<hbm>>
          tpu.enqueue_dma source(%dma_start3A_514 : memref<16xf32, #tpu.memory_space<hbm>>) target(%arg5 : memref<16xf32, #tpu.memory_space<vmem>>) target_semaphore(%run_scoped3A : memref<!tpu.dma_semaphore, #tpu.memory_space<semaphore_mem>>)
          %dma_wait3A_515 = arith.constant 3300000 : i32
          %dma_wait3A_516 = tpu.memref_slice %arg2[%dma_wait3A_515] : memref<4800000xf32, #tpu.memory_space<hbm>> -> memref<16xf32, #tpu.memory_space<hbm>>
          %dma_wait3A_517 = arith.constant 3300000 : i32
          %dma_wait3A_518 = tpu.memref_slice %arg2[%dma_wait3A_517] : memref<4800000xf32, #tpu.memory_space<hbm>> -> memref<16xf32, #tpu.memory_space<hbm>>
          tpu.wait_dma2 semaphore(%run_scoped3A : memref<!tpu.dma_semaphore, #tpu.memory_space<semaphore_mem>>) src(%dma_wait3A_518 : memref<16xf32, #tpu.memory_space<hbm>>) dst(%arg5 : memref<16xf32, #tpu.memory_space<vmem>>)
          tpu.yield
        }) : () -> ()
        %get3A = arith.constant 0 : index
        %get3A_502 = tpu.vector_load %arg5[%get3A] {strides = array<i32>} : memref<16xf32, #tpu.memory_space<vmem>>, vector<16xf32>,
        %get3A_503 = vector.shape_cast %get3A_502 : vector<16xf32> to vector<16xf32>
        %get3A_504 = arith.constant 528 : index
        %get3A_505 = tpu.vector_load %arg6[%get3A_504] {strides = array<i32>} : memref<768xf32, #tpu.memory_space<vmem>>, vector<16xf32>,
        %get3A_506 = vector.shape_cast %get3A_505 : vector<16xf32> to vector<16xf32>
        %add3A_507 = arith.addf %get3A_503, %get3A_506 : vector<16xf32>
        %swap3A = arith.constant 0 : index
        %swap3A_508 = tpu.vector_load %arg5[%swap3A] {strides = array<i32>} : memref<16xf32, #tpu.memory_space<vmem>>, vector<16xf32>,
        %swap3A_509 = vector.shape_cast %swap3A_508 : vector<16xf32> to vector<16xf32>
        %swap3A_510 = vector.shape_cast %add3A_507 : vector<16xf32> to vector<16xf32>
        tpu.vector_store %arg5[%swap3A], %swap3A_510 {strides = array<i32>} : memref<16xf32, #tpu.memory_space<vmem>>, vector<16xf32>,
        "tpu.region"() ({
          %run_scoped3A = tpu.sem_alloc : memref<!tpu.dma_semaphore, #tpu.memory_space<semaphore_mem>>
          %dma_start3A_511 = arith.constant 3300000 : i32
          %dma_start3A_512 = tpu.memref_slice %arg4[%dma_start3A_511] : memref<4800000xf32, #tpu.memory_space<hbm>> -> memref<16xf32, #tpu.memory_space<hbm>>
          %dma_start3A_513 = arith.constant 3300000 : i32
          %dma_start3A_514 = tpu.memref_slice %arg4[%dma_start3A_513] : memref<4800000xf32, #tpu.memory_space<hbm>> -> memref<16xf32, #tpu.memory_space<hbm>>
          tpu.enqueue_dma source(%arg5 : memref<16xf32, #tpu.memory_space<vmem>>) target(%dma_start3A_514 : memref<16xf32, #tpu.memory_space<hbm>>) target_semaphore(%run_scoped3A : memref<!tpu.dma_semaphore, #tpu.memory_space<semaphore_mem>>)
          %dma_wait3A_515 = arith.constant 3300000 : i32
          %dma_wait3A_516 = tpu.memref_slice %arg4[%dma_wait3A_515] : memref<4800000xf32, #tpu.memory_space<hbm>> -> memref<16xf32, #tpu.memory_space<hbm>>
          %dma_wait3A_517 = arith.constant 3300000 : i32
          %dma_wait3A_518 = tpu.memref_slice %arg4[%dma_wait3A_517] : memref<4800000xf32, #tpu.memory_space<hbm>> -> memref<16xf32, #tpu.memory_space<hbm>>
          tpu.wait_dma2 semaphore(%run_scoped3A : memref<!tpu.dma_semaphore, #tpu.memory_space<semaphore_mem>>) src(%arg5 : memref<16xf32, #tpu.memory_space<vmem>>) dst(%dma_wait3A_518 : memref<16xf32, #tpu.memory_space<hbm>>)
          tpu.yield
        }) : () -> ()
      } else {
      }
      %eq3A_432 = arith.constant 21 : i32
      %eq3A_433 = arith.cmpi eq, %add3A, %eq3A_432 : i32
      %convert_element_type3A_434 = arith.extui %eq3A_433 : i1 to i32
      %cond3A_435 = arith.constant 0 : i32
      %cond3A_436 = arith.cmpi ne, %convert_element_type3A_434, %cond3A_435 : i32
      scf.if %cond3A_436 {
        "tpu.region"() ({
          %run_scoped3A = tpu.sem_alloc : memref<!tpu.dma_semaphore, #tpu.memory_space<semaphore_mem>>
          %dma_start3A_511 = arith.constant 3400000 : i32
          %dma_start3A_512 = tpu.memref_slice %arg2[%dma_start3A_511] : memref<4800000xf32, #tpu.memory_space<hbm>> -> memref<16xf32, #tpu.memory_space<hbm>>
          %dma_start3A_513 = arith.constant 3400000 : i32
          %dma_start3A_514 = tpu.memref_slice %arg2[%dma_start3A_513] : memref<4800000xf32, #tpu.memory_space<hbm>> -> memref<16xf32, #tpu.memory_space<hbm>>
          tpu.enqueue_dma source(%dma_start3A_514 : memref<16xf32, #tpu.memory_space<hbm>>) target(%arg5 : memref<16xf32, #tpu.memory_space<vmem>>) target_semaphore(%run_scoped3A : memref<!tpu.dma_semaphore, #tpu.memory_space<semaphore_mem>>)
          %dma_wait3A_515 = arith.constant 3400000 : i32
          %dma_wait3A_516 = tpu.memref_slice %arg2[%dma_wait3A_515] : memref<4800000xf32, #tpu.memory_space<hbm>> -> memref<16xf32, #tpu.memory_space<hbm>>
          %dma_wait3A_517 = arith.constant 3400000 : i32
          %dma_wait3A_518 = tpu.memref_slice %arg2[%dma_wait3A_517] : memref<4800000xf32, #tpu.memory_space<hbm>> -> memref<16xf32, #tpu.memory_space<hbm>>
          tpu.wait_dma2 semaphore(%run_scoped3A : memref<!tpu.dma_semaphore, #tpu.memory_space<semaphore_mem>>) src(%dma_wait3A_518 : memref<16xf32, #tpu.memory_space<hbm>>) dst(%arg5 : memref<16xf32, #tpu.memory_space<vmem>>)
          tpu.yield
        }) : () -> ()
        %get3A = arith.constant 0 : index
        %get3A_502 = tpu.vector_load %arg5[%get3A] {strides = array<i32>} : memref<16xf32, #tpu.memory_space<vmem>>, vector<16xf32>,
        %get3A_503 = vector.shape_cast %get3A_502 : vector<16xf32> to vector<16xf32>
        %get3A_504 = arith.constant 544 : index
        %get3A_505 = tpu.vector_load %arg6[%get3A_504] {strides = array<i32>} : memref<768xf32, #tpu.memory_space<vmem>>, vector<16xf32>,
        %get3A_506 = vector.shape_cast %get3A_505 : vector<16xf32> to vector<16xf32>
        %add3A_507 = arith.addf %get3A_503, %get3A_506 : vector<16xf32>
        %swap3A = arith.constant 0 : index
        %swap3A_508 = tpu.vector_load %arg5[%swap3A] {strides = array<i32>} : memref<16xf32, #tpu.memory_space<vmem>>, vector<16xf32>,
        %swap3A_509 = vector.shape_cast %swap3A_508 : vector<16xf32> to vector<16xf32>
        %swap3A_510 = vector.shape_cast %add3A_507 : vector<16xf32> to vector<16xf32>
        tpu.vector_store %arg5[%swap3A], %swap3A_510 {strides = array<i32>} : memref<16xf32, #tpu.memory_space<vmem>>, vector<16xf32>,
        "tpu.region"() ({
          %run_scoped3A = tpu.sem_alloc : memref<!tpu.dma_semaphore, #tpu.memory_space<semaphore_mem>>
          %dma_start3A_511 = arith.constant 3400000 : i32
          %dma_start3A_512 = tpu.memref_slice %arg4[%dma_start3A_511] : memref<4800000xf32, #tpu.memory_space<hbm>> -> memref<16xf32, #tpu.memory_space<hbm>>
          %dma_start3A_513 = arith.constant 3400000 : i32
          %dma_start3A_514 = tpu.memref_slice %arg4[%dma_start3A_513] : memref<4800000xf32, #tpu.memory_space<hbm>> -> memref<16xf32, #tpu.memory_space<hbm>>
          tpu.enqueue_dma source(%arg5 : memref<16xf32, #tpu.memory_space<vmem>>) target(%dma_start3A_514 : memref<16xf32, #tpu.memory_space<hbm>>) target_semaphore(%run_scoped3A : memref<!tpu.dma_semaphore, #tpu.memory_space<semaphore_mem>>)
          %dma_wait3A_515 = arith.constant 3400000 : i32
          %dma_wait3A_516 = tpu.memref_slice %arg4[%dma_wait3A_515] : memref<4800000xf32, #tpu.memory_space<hbm>> -> memref<16xf32, #tpu.memory_space<hbm>>
          %dma_wait3A_517 = arith.constant 3400000 : i32
          %dma_wait3A_518 = tpu.memref_slice %arg4[%dma_wait3A_517] : memref<4800000xf32, #tpu.memory_space<hbm>> -> memref<16xf32, #tpu.memory_space<hbm>>
          tpu.wait_dma2 semaphore(%run_scoped3A : memref<!tpu.dma_semaphore, #tpu.memory_space<semaphore_mem>>) src(%arg5 : memref<16xf32, #tpu.memory_space<vmem>>) dst(%dma_wait3A_518 : memref<16xf32, #tpu.memory_space<hbm>>)
          tpu.yield
        }) : () -> ()
      } else {
      }
      %eq3A_437 = arith.constant 21 : i32
      %eq3A_438 = arith.cmpi eq, %add3A, %eq3A_437 : i32
      %convert_element_type3A_439 = arith.extui %eq3A_438 : i1 to i32
      %cond3A_440 = arith.constant 0 : i32
      %cond3A_441 = arith.cmpi ne, %convert_element_type3A_439, %cond3A_440 : i32
      scf.if %cond3A_441 {
        "tpu.region"() ({
          %run_scoped3A = tpu.sem_alloc : memref<!tpu.dma_semaphore, #tpu.memory_space<semaphore_mem>>
          %dma_start3A_511 = arith.constant 3500000 : i32
          %dma_start3A_512 = tpu.memref_slice %arg2[%dma_start3A_511] : memref<4800000xf32, #tpu.memory_space<hbm>> -> memref<16xf32, #tpu.memory_space<hbm>>
          %dma_start3A_513 = arith.constant 3500000 : i32
          %dma_start3A_514 = tpu.memref_slice %arg2[%dma_start3A_513] : memref<4800000xf32, #tpu.memory_space<hbm>> -> memref<16xf32, #tpu.memory_space<hbm>>
          tpu.enqueue_dma source(%dma_start3A_514 : memref<16xf32, #tpu.memory_space<hbm>>) target(%arg5 : memref<16xf32, #tpu.memory_space<vmem>>) target_semaphore(%run_scoped3A : memref<!tpu.dma_semaphore, #tpu.memory_space<semaphore_mem>>)
          %dma_wait3A_515 = arith.constant 3500000 : i32
          %dma_wait3A_516 = tpu.memref_slice %arg2[%dma_wait3A_515] : memref<4800000xf32, #tpu.memory_space<hbm>> -> memref<16xf32, #tpu.memory_space<hbm>>
          %dma_wait3A_517 = arith.constant 3500000 : i32
          %dma_wait3A_518 = tpu.memref_slice %arg2[%dma_wait3A_517] : memref<4800000xf32, #tpu.memory_space<hbm>> -> memref<16xf32, #tpu.memory_space<hbm>>
          tpu.wait_dma2 semaphore(%run_scoped3A : memref<!tpu.dma_semaphore, #tpu.memory_space<semaphore_mem>>) src(%dma_wait3A_518 : memref<16xf32, #tpu.memory_space<hbm>>) dst(%arg5 : memref<16xf32, #tpu.memory_space<vmem>>)
          tpu.yield
        }) : () -> ()
        %get3A = arith.constant 0 : index
        %get3A_502 = tpu.vector_load %arg5[%get3A] {strides = array<i32>} : memref<16xf32, #tpu.memory_space<vmem>>, vector<16xf32>,
        %get3A_503 = vector.shape_cast %get3A_502 : vector<16xf32> to vector<16xf32>
        %get3A_504 = arith.constant 560 : index
        %get3A_505 = tpu.vector_load %arg6[%get3A_504] {strides = array<i32>} : memref<768xf32, #tpu.memory_space<vmem>>, vector<16xf32>,
        %get3A_506 = vector.shape_cast %get3A_505 : vector<16xf32> to vector<16xf32>
        %add3A_507 = arith.addf %get3A_503, %get3A_506 : vector<16xf32>
        %swap3A = arith.constant 0 : index
        %swap3A_508 = tpu.vector_load %arg5[%swap3A] {strides = array<i32>} : memref<16xf32, #tpu.memory_space<vmem>>, vector<16xf32>,
        %swap3A_509 = vector.shape_cast %swap3A_508 : vector<16xf32> to vector<16xf32>
        %swap3A_510 = vector.shape_cast %add3A_507 : vector<16xf32> to vector<16xf32>
        tpu.vector_store %arg5[%swap3A], %swap3A_510 {strides = array<i32>} : memref<16xf32, #tpu.memory_space<vmem>>, vector<16xf32>,
        "tpu.region"() ({
          %run_scoped3A = tpu.sem_alloc : memref<!tpu.dma_semaphore, #tpu.memory_space<semaphore_mem>>
          %dma_start3A_511 = arith.constant 3500000 : i32
          %dma_start3A_512 = tpu.memref_slice %arg4[%dma_start3A_511] : memref<4800000xf32, #tpu.memory_space<hbm>> -> memref<16xf32, #tpu.memory_space<hbm>>
          %dma_start3A_513 = arith.constant 3500000 : i32
          %dma_start3A_514 = tpu.memref_slice %arg4[%dma_start3A_513] : memref<4800000xf32, #tpu.memory_space<hbm>> -> memref<16xf32, #tpu.memory_space<hbm>>
          tpu.enqueue_dma source(%arg5 : memref<16xf32, #tpu.memory_space<vmem>>) target(%dma_start3A_514 : memref<16xf32, #tpu.memory_space<hbm>>) target_semaphore(%run_scoped3A : memref<!tpu.dma_semaphore, #tpu.memory_space<semaphore_mem>>)
          %dma_wait3A_515 = arith.constant 3500000 : i32
          %dma_wait3A_516 = tpu.memref_slice %arg4[%dma_wait3A_515] : memref<4800000xf32, #tpu.memory_space<hbm>> -> memref<16xf32, #tpu.memory_space<hbm>>
          %dma_wait3A_517 = arith.constant 3500000 : i32
          %dma_wait3A_518 = tpu.memref_slice %arg4[%dma_wait3A_517] : memref<4800000xf32, #tpu.memory_space<hbm>> -> memref<16xf32, #tpu.memory_space<hbm>>
          tpu.wait_dma2 semaphore(%run_scoped3A : memref<!tpu.dma_semaphore, #tpu.memory_space<semaphore_mem>>) src(%arg5 : memref<16xf32, #tpu.memory_space<vmem>>) dst(%dma_wait3A_518 : memref<16xf32, #tpu.memory_space<hbm>>)
          tpu.yield
        }) : () -> ()
      } else {
      }
      %eq3A_442 = arith.constant 22 : i32
      %eq3A_443 = arith.cmpi eq, %add3A, %eq3A_442 : i32
      %convert_element_type3A_444 = arith.extui %eq3A_443 : i1 to i32
      %cond3A_445 = arith.constant 0 : i32
      %cond3A_446 = arith.cmpi ne, %convert_element_type3A_444, %cond3A_445 : i32
      scf.if %cond3A_446 {
        "tpu.region"() ({
          %run_scoped3A = tpu.sem_alloc : memref<!tpu.dma_semaphore, #tpu.memory_space<semaphore_mem>>
          %dma_start3A_511 = arith.constant 3600000 : i32
          %dma_start3A_512 = tpu.memref_slice %arg2[%dma_start3A_511] : memref<4800000xf32, #tpu.memory_space<hbm>> -> memref<16xf32, #tpu.memory_space<hbm>>
          %dma_start3A_513 = arith.constant 3600000 : i32
          %dma_start3A_514 = tpu.memref_slice %arg2[%dma_start3A_513] : memref<4800000xf32, #tpu.memory_space<hbm>> -> memref<16xf32, #tpu.memory_space<hbm>>
          tpu.enqueue_dma source(%dma_start3A_514 : memref<16xf32, #tpu.memory_space<hbm>>) target(%arg5 : memref<16xf32, #tpu.memory_space<vmem>>) target_semaphore(%run_scoped3A : memref<!tpu.dma_semaphore, #tpu.memory_space<semaphore_mem>>)
          %dma_wait3A_515 = arith.constant 3600000 : i32
          %dma_wait3A_516 = tpu.memref_slice %arg2[%dma_wait3A_515] : memref<4800000xf32, #tpu.memory_space<hbm>> -> memref<16xf32, #tpu.memory_space<hbm>>
          %dma_wait3A_517 = arith.constant 3600000 : i32
          %dma_wait3A_518 = tpu.memref_slice %arg2[%dma_wait3A_517] : memref<4800000xf32, #tpu.memory_space<hbm>> -> memref<16xf32, #tpu.memory_space<hbm>>
          tpu.wait_dma2 semaphore(%run_scoped3A : memref<!tpu.dma_semaphore, #tpu.memory_space<semaphore_mem>>) src(%dma_wait3A_518 : memref<16xf32, #tpu.memory_space<hbm>>) dst(%arg5 : memref<16xf32, #tpu.memory_space<vmem>>)
          tpu.yield
        }) : () -> ()
        %get3A = arith.constant 0 : index
        %get3A_502 = tpu.vector_load %arg5[%get3A] {strides = array<i32>} : memref<16xf32, #tpu.memory_space<vmem>>, vector<16xf32>,
        %get3A_503 = vector.shape_cast %get3A_502 : vector<16xf32> to vector<16xf32>
        %get3A_504 = arith.constant 576 : index
        %get3A_505 = tpu.vector_load %arg6[%get3A_504] {strides = array<i32>} : memref<768xf32, #tpu.memory_space<vmem>>, vector<16xf32>,
        %get3A_506 = vector.shape_cast %get3A_505 : vector<16xf32> to vector<16xf32>
        %add3A_507 = arith.addf %get3A_503, %get3A_506 : vector<16xf32>
        %swap3A = arith.constant 0 : index
        %swap3A_508 = tpu.vector_load %arg5[%swap3A] {strides = array<i32>} : memref<16xf32, #tpu.memory_space<vmem>>, vector<16xf32>,
        %swap3A_509 = vector.shape_cast %swap3A_508 : vector<16xf32> to vector<16xf32>
        %swap3A_510 = vector.shape_cast %add3A_507 : vector<16xf32> to vector<16xf32>
        tpu.vector_store %arg5[%swap3A], %swap3A_510 {strides = array<i32>} : memref<16xf32, #tpu.memory_space<vmem>>, vector<16xf32>,
        "tpu.region"() ({
          %run_scoped3A = tpu.sem_alloc : memref<!tpu.dma_semaphore, #tpu.memory_space<semaphore_mem>>
          %dma_start3A_511 = arith.constant 3600000 : i32
          %dma_start3A_512 = tpu.memref_slice %arg4[%dma_start3A_511] : memref<4800000xf32, #tpu.memory_space<hbm>> -> memref<16xf32, #tpu.memory_space<hbm>>
          %dma_start3A_513 = arith.constant 3600000 : i32
          %dma_start3A_514 = tpu.memref_slice %arg4[%dma_start3A_513] : memref<4800000xf32, #tpu.memory_space<hbm>> -> memref<16xf32, #tpu.memory_space<hbm>>
          tpu.enqueue_dma source(%arg5 : memref<16xf32, #tpu.memory_space<vmem>>) target(%dma_start3A_514 : memref<16xf32, #tpu.memory_space<hbm>>) target_semaphore(%run_scoped3A : memref<!tpu.dma_semaphore, #tpu.memory_space<semaphore_mem>>)
          %dma_wait3A_515 = arith.constant 3600000 : i32
          %dma_wait3A_516 = tpu.memref_slice %arg4[%dma_wait3A_515] : memref<4800000xf32, #tpu.memory_space<hbm>> -> memref<16xf32, #tpu.memory_space<hbm>>
          %dma_wait3A_517 = arith.constant 3600000 : i32
          %dma_wait3A_518 = tpu.memref_slice %arg4[%dma_wait3A_517] : memref<4800000xf32, #tpu.memory_space<hbm>> -> memref<16xf32, #tpu.memory_space<hbm>>
          tpu.wait_dma2 semaphore(%run_scoped3A : memref<!tpu.dma_semaphore, #tpu.memory_space<semaphore_mem>>) src(%arg5 : memref<16xf32, #tpu.memory_space<vmem>>) dst(%dma_wait3A_518 : memref<16xf32, #tpu.memory_space<hbm>>)
          tpu.yield
        }) : () -> ()
      } else {
      }
      %eq3A_447 = arith.constant 23 : i32
      %eq3A_448 = arith.cmpi eq, %add3A, %eq3A_447 : i32
      %convert_element_type3A_449 = arith.extui %eq3A_448 : i1 to i32
      %cond3A_450 = arith.constant 0 : i32
      %cond3A_451 = arith.cmpi ne, %convert_element_type3A_449, %cond3A_450 : i32
      scf.if %cond3A_451 {
        "tpu.region"() ({
          %run_scoped3A = tpu.sem_alloc : memref<!tpu.dma_semaphore, #tpu.memory_space<semaphore_mem>>
          %dma_start3A_511 = arith.constant 3700000 : i32
          %dma_start3A_512 = tpu.memref_slice %arg2[%dma_start3A_511] : memref<4800000xf32, #tpu.memory_space<hbm>> -> memref<16xf32, #tpu.memory_space<hbm>>
          %dma_start3A_513 = arith.constant 3700000 : i32
          %dma_start3A_514 = tpu.memref_slice %arg2[%dma_start3A_513] : memref<4800000xf32, #tpu.memory_space<hbm>> -> memref<16xf32, #tpu.memory_space<hbm>>
          tpu.enqueue_dma source(%dma_start3A_514 : memref<16xf32, #tpu.memory_space<hbm>>) target(%arg5 : memref<16xf32, #tpu.memory_space<vmem>>) target_semaphore(%run_scoped3A : memref<!tpu.dma_semaphore, #tpu.memory_space<semaphore_mem>>)
          %dma_wait3A_515 = arith.constant 3700000 : i32
          %dma_wait3A_516 = tpu.memref_slice %arg2[%dma_wait3A_515] : memref<4800000xf32, #tpu.memory_space<hbm>> -> memref<16xf32, #tpu.memory_space<hbm>>
          %dma_wait3A_517 = arith.constant 3700000 : i32
          %dma_wait3A_518 = tpu.memref_slice %arg2[%dma_wait3A_517] : memref<4800000xf32, #tpu.memory_space<hbm>> -> memref<16xf32, #tpu.memory_space<hbm>>
          tpu.wait_dma2 semaphore(%run_scoped3A : memref<!tpu.dma_semaphore, #tpu.memory_space<semaphore_mem>>) src(%dma_wait3A_518 : memref<16xf32, #tpu.memory_space<hbm>>) dst(%arg5 : memref<16xf32, #tpu.memory_space<vmem>>)
          tpu.yield
        }) : () -> ()
        %get3A = arith.constant 0 : index
        %get3A_502 = tpu.vector_load %arg5[%get3A] {strides = array<i32>} : memref<16xf32, #tpu.memory_space<vmem>>, vector<16xf32>,
        %get3A_503 = vector.shape_cast %get3A_502 : vector<16xf32> to vector<16xf32>
        %get3A_504 = arith.constant 592 : index
        %get3A_505 = tpu.vector_load %arg6[%get3A_504] {strides = array<i32>} : memref<768xf32, #tpu.memory_space<vmem>>, vector<16xf32>,
        %get3A_506 = vector.shape_cast %get3A_505 : vector<16xf32> to vector<16xf32>
        %add3A_507 = arith.addf %get3A_503, %get3A_506 : vector<16xf32>
        %swap3A = arith.constant 0 : index
        %swap3A_508 = tpu.vector_load %arg5[%swap3A] {strides = array<i32>} : memref<16xf32, #tpu.memory_space<vmem>>, vector<16xf32>,
        %swap3A_509 = vector.shape_cast %swap3A_508 : vector<16xf32> to vector<16xf32>
        %swap3A_510 = vector.shape_cast %add3A_507 : vector<16xf32> to vector<16xf32>
        tpu.vector_store %arg5[%swap3A], %swap3A_510 {strides = array<i32>} : memref<16xf32, #tpu.memory_space<vmem>>, vector<16xf32>,
        "tpu.region"() ({
          %run_scoped3A = tpu.sem_alloc : memref<!tpu.dma_semaphore, #tpu.memory_space<semaphore_mem>>
          %dma_start3A_511 = arith.constant 3700000 : i32
          %dma_start3A_512 = tpu.memref_slice %arg4[%dma_start3A_511] : memref<4800000xf32, #tpu.memory_space<hbm>> -> memref<16xf32, #tpu.memory_space<hbm>>
          %dma_start3A_513 = arith.constant 3700000 : i32
          %dma_start3A_514 = tpu.memref_slice %arg4[%dma_start3A_513] : memref<4800000xf32, #tpu.memory_space<hbm>> -> memref<16xf32, #tpu.memory_space<hbm>>
          tpu.enqueue_dma source(%arg5 : memref<16xf32, #tpu.memory_space<vmem>>) target(%dma_start3A_514 : memref<16xf32, #tpu.memory_space<hbm>>) target_semaphore(%run_scoped3A : memref<!tpu.dma_semaphore, #tpu.memory_space<semaphore_mem>>)
          %dma_wait3A_515 = arith.constant 3700000 : i32
          %dma_wait3A_516 = tpu.memref_slice %arg4[%dma_wait3A_515] : memref<4800000xf32, #tpu.memory_space<hbm>> -> memref<16xf32, #tpu.memory_space<hbm>>
          %dma_wait3A_517 = arith.constant 3700000 : i32
          %dma_wait3A_518 = tpu.memref_slice %arg4[%dma_wait3A_517] : memref<4800000xf32, #tpu.memory_space<hbm>> -> memref<16xf32, #tpu.memory_space<hbm>>
          tpu.wait_dma2 semaphore(%run_scoped3A : memref<!tpu.dma_semaphore, #tpu.memory_space<semaphore_mem>>) src(%arg5 : memref<16xf32, #tpu.memory_space<vmem>>) dst(%dma_wait3A_518 : memref<16xf32, #tpu.memory_space<hbm>>)
          tpu.yield
        }) : () -> ()
      } else {
      }
      %eq3A_452 = arith.constant 23 : i32
      %eq3A_453 = arith.cmpi eq, %add3A, %eq3A_452 : i32
      %convert_element_type3A_454 = arith.extui %eq3A_453 : i1 to i32
      %cond3A_455 = arith.constant 0 : i32
      %cond3A_456 = arith.cmpi ne, %convert_element_type3A_454, %cond3A_455 : i32
      scf.if %cond3A_456 {
        "tpu.region"() ({
          %run_scoped3A = tpu.sem_alloc : memref<!tpu.dma_semaphore, #tpu.memory_space<semaphore_mem>>
          %dma_start3A_511 = arith.constant 3800000 : i32
          %dma_start3A_512 = tpu.memref_slice %arg2[%dma_start3A_511] : memref<4800000xf32, #tpu.memory_space<hbm>> -> memref<16xf32, #tpu.memory_space<hbm>>
          %dma_start3A_513 = arith.constant 3800000 : i32
          %dma_start3A_514 = tpu.memref_slice %arg2[%dma_start3A_513] : memref<4800000xf32, #tpu.memory_space<hbm>> -> memref<16xf32, #tpu.memory_space<hbm>>
          tpu.enqueue_dma source(%dma_start3A_514 : memref<16xf32, #tpu.memory_space<hbm>>) target(%arg5 : memref<16xf32, #tpu.memory_space<vmem>>) target_semaphore(%run_scoped3A : memref<!tpu.dma_semaphore, #tpu.memory_space<semaphore_mem>>)
          %dma_wait3A_515 = arith.constant 3800000 : i32
          %dma_wait3A_516 = tpu.memref_slice %arg2[%dma_wait3A_515] : memref<4800000xf32, #tpu.memory_space<hbm>> -> memref<16xf32, #tpu.memory_space<hbm>>
          %dma_wait3A_517 = arith.constant 3800000 : i32
          %dma_wait3A_518 = tpu.memref_slice %arg2[%dma_wait3A_517] : memref<4800000xf32, #tpu.memory_space<hbm>> -> memref<16xf32, #tpu.memory_space<hbm>>
          tpu.wait_dma2 semaphore(%run_scoped3A : memref<!tpu.dma_semaphore, #tpu.memory_space<semaphore_mem>>) src(%dma_wait3A_518 : memref<16xf32, #tpu.memory_space<hbm>>) dst(%arg5 : memref<16xf32, #tpu.memory_space<vmem>>)
          tpu.yield
        }) : () -> ()
        %get3A = arith.constant 0 : index
        %get3A_502 = tpu.vector_load %arg5[%get3A] {strides = array<i32>} : memref<16xf32, #tpu.memory_space<vmem>>, vector<16xf32>,
        %get3A_503 = vector.shape_cast %get3A_502 : vector<16xf32> to vector<16xf32>
        %get3A_504 = arith.constant 608 : index
        %get3A_505 = tpu.vector_load %arg6[%get3A_504] {strides = array<i32>} : memref<768xf32, #tpu.memory_space<vmem>>, vector<16xf32>,
        %get3A_506 = vector.shape_cast %get3A_505 : vector<16xf32> to vector<16xf32>
        %add3A_507 = arith.addf %get3A_503, %get3A_506 : vector<16xf32>
        %swap3A = arith.constant 0 : index
        %swap3A_508 = tpu.vector_load %arg5[%swap3A] {strides = array<i32>} : memref<16xf32, #tpu.memory_space<vmem>>, vector<16xf32>,
        %swap3A_509 = vector.shape_cast %swap3A_508 : vector<16xf32> to vector<16xf32>
        %swap3A_510 = vector.shape_cast %add3A_507 : vector<16xf32> to vector<16xf32>
        tpu.vector_store %arg5[%swap3A], %swap3A_510 {strides = array<i32>} : memref<16xf32, #tpu.memory_space<vmem>>, vector<16xf32>,
        "tpu.region"() ({
          %run_scoped3A = tpu.sem_alloc : memref<!tpu.dma_semaphore, #tpu.memory_space<semaphore_mem>>
          %dma_start3A_511 = arith.constant 3800000 : i32
          %dma_start3A_512 = tpu.memref_slice %arg4[%dma_start3A_511] : memref<4800000xf32, #tpu.memory_space<hbm>> -> memref<16xf32, #tpu.memory_space<hbm>>
          %dma_start3A_513 = arith.constant 3800000 : i32
          %dma_start3A_514 = tpu.memref_slice %arg4[%dma_start3A_513] : memref<4800000xf32, #tpu.memory_space<hbm>> -> memref<16xf32, #tpu.memory_space<hbm>>
          tpu.enqueue_dma source(%arg5 : memref<16xf32, #tpu.memory_space<vmem>>) target(%dma_start3A_514 : memref<16xf32, #tpu.memory_space<hbm>>) target_semaphore(%run_scoped3A : memref<!tpu.dma_semaphore, #tpu.memory_space<semaphore_mem>>)
          %dma_wait3A_515 = arith.constant 3800000 : i32
          %dma_wait3A_516 = tpu.memref_slice %arg4[%dma_wait3A_515] : memref<4800000xf32, #tpu.memory_space<hbm>> -> memref<16xf32, #tpu.memory_space<hbm>>
          %dma_wait3A_517 = arith.constant 3800000 : i32
          %dma_wait3A_518 = tpu.memref_slice %arg4[%dma_wait3A_517] : memref<4800000xf32, #tpu.memory_space<hbm>> -> memref<16xf32, #tpu.memory_space<hbm>>
          tpu.wait_dma2 semaphore(%run_scoped3A : memref<!tpu.dma_semaphore, #tpu.memory_space<semaphore_mem>>) src(%arg5 : memref<16xf32, #tpu.memory_space<vmem>>) dst(%dma_wait3A_518 : memref<16xf32, #tpu.memory_space<hbm>>)
          tpu.yield
        }) : () -> ()
      } else {
      }
      %eq3A_457 = arith.constant 24 : i32
      %eq3A_458 = arith.cmpi eq, %add3A, %eq3A_457 : i32
      %convert_element_type3A_459 = arith.extui %eq3A_458 : i1 to i32
      %cond3A_460 = arith.constant 0 : i32
      %cond3A_461 = arith.cmpi ne, %convert_element_type3A_459, %cond3A_460 : i32
      scf.if %cond3A_461 {
        "tpu.region"() ({
          %run_scoped3A = tpu.sem_alloc : memref<!tpu.dma_semaphore, #tpu.memory_space<semaphore_mem>>
          %dma_start3A_511 = arith.constant 3900000 : i32
          %dma_start3A_512 = tpu.memref_slice %arg2[%dma_start3A_511] : memref<4800000xf32, #tpu.memory_space<hbm>> -> memref<16xf32, #tpu.memory_space<hbm>>
          %dma_start3A_513 = arith.constant 3900000 : i32
          %dma_start3A_514 = tpu.memref_slice %arg2[%dma_start3A_513] : memref<4800000xf32, #tpu.memory_space<hbm>> -> memref<16xf32, #tpu.memory_space<hbm>>
          tpu.enqueue_dma source(%dma_start3A_514 : memref<16xf32, #tpu.memory_space<hbm>>) target(%arg5 : memref<16xf32, #tpu.memory_space<vmem>>) target_semaphore(%run_scoped3A : memref<!tpu.dma_semaphore, #tpu.memory_space<semaphore_mem>>)
          %dma_wait3A_515 = arith.constant 3900000 : i32
          %dma_wait3A_516 = tpu.memref_slice %arg2[%dma_wait3A_515] : memref<4800000xf32, #tpu.memory_space<hbm>> -> memref<16xf32, #tpu.memory_space<hbm>>
          %dma_wait3A_517 = arith.constant 3900000 : i32
          %dma_wait3A_518 = tpu.memref_slice %arg2[%dma_wait3A_517] : memref<4800000xf32, #tpu.memory_space<hbm>> -> memref<16xf32, #tpu.memory_space<hbm>>
          tpu.wait_dma2 semaphore(%run_scoped3A : memref<!tpu.dma_semaphore, #tpu.memory_space<semaphore_mem>>) src(%dma_wait3A_518 : memref<16xf32, #tpu.memory_space<hbm>>) dst(%arg5 : memref<16xf32, #tpu.memory_space<vmem>>)
          tpu.yield
        }) : () -> ()
        %get3A = arith.constant 0 : index
        %get3A_502 = tpu.vector_load %arg5[%get3A] {strides = array<i32>} : memref<16xf32, #tpu.memory_space<vmem>>, vector<16xf32>,
        %get3A_503 = vector.shape_cast %get3A_502 : vector<16xf32> to vector<16xf32>
        %get3A_504 = arith.constant 624 : index
        %get3A_505 = tpu.vector_load %arg6[%get3A_504] {strides = array<i32>} : memref<768xf32, #tpu.memory_space<vmem>>, vector<16xf32>,
        %get3A_506 = vector.shape_cast %get3A_505 : vector<16xf32> to vector<16xf32>
        %add3A_507 = arith.addf %get3A_503, %get3A_506 : vector<16xf32>
        %swap3A = arith.constant 0 : index
        %swap3A_508 = tpu.vector_load %arg5[%swap3A] {strides = array<i32>} : memref<16xf32, #tpu.memory_space<vmem>>, vector<16xf32>,
        %swap3A_509 = vector.shape_cast %swap3A_508 : vector<16xf32> to vector<16xf32>
        %swap3A_510 = vector.shape_cast %add3A_507 : vector<16xf32> to vector<16xf32>
        tpu.vector_store %arg5[%swap3A], %swap3A_510 {strides = array<i32>} : memref<16xf32, #tpu.memory_space<vmem>>, vector<16xf32>,
        "tpu.region"() ({
          %run_scoped3A = tpu.sem_alloc : memref<!tpu.dma_semaphore, #tpu.memory_space<semaphore_mem>>
          %dma_start3A_511 = arith.constant 3900000 : i32
          %dma_start3A_512 = tpu.memref_slice %arg4[%dma_start3A_511] : memref<4800000xf32, #tpu.memory_space<hbm>> -> memref<16xf32, #tpu.memory_space<hbm>>
          %dma_start3A_513 = arith.constant 3900000 : i32
          %dma_start3A_514 = tpu.memref_slice %arg4[%dma_start3A_513] : memref<4800000xf32, #tpu.memory_space<hbm>> -> memref<16xf32, #tpu.memory_space<hbm>>
          tpu.enqueue_dma source(%arg5 : memref<16xf32, #tpu.memory_space<vmem>>) target(%dma_start3A_514 : memref<16xf32, #tpu.memory_space<hbm>>) target_semaphore(%run_scoped3A : memref<!tpu.dma_semaphore, #tpu.memory_space<semaphore_mem>>)
          %dma_wait3A_515 = arith.constant 3900000 : i32
          %dma_wait3A_516 = tpu.memref_slice %arg4[%dma_wait3A_515] : memref<4800000xf32, #tpu.memory_space<hbm>> -> memref<16xf32, #tpu.memory_space<hbm>>
          %dma_wait3A_517 = arith.constant 3900000 : i32
          %dma_wait3A_518 = tpu.memref_slice %arg4[%dma_wait3A_517] : memref<4800000xf32, #tpu.memory_space<hbm>> -> memref<16xf32, #tpu.memory_space<hbm>>
          tpu.wait_dma2 semaphore(%run_scoped3A : memref<!tpu.dma_semaphore, #tpu.memory_space<semaphore_mem>>) src(%arg5 : memref<16xf32, #tpu.memory_space<vmem>>) dst(%dma_wait3A_518 : memref<16xf32, #tpu.memory_space<hbm>>)
          tpu.yield
        }) : () -> ()
      } else {
      }
      %eq3A_462 = arith.constant 25 : i32
      %eq3A_463 = arith.cmpi eq, %add3A, %eq3A_462 : i32
      %convert_element_type3A_464 = arith.extui %eq3A_463 : i1 to i32
      %cond3A_465 = arith.constant 0 : i32
      %cond3A_466 = arith.cmpi ne, %convert_element_type3A_464, %cond3A_465 : i32
      scf.if %cond3A_466 {
        "tpu.region"() ({
          %run_scoped3A = tpu.sem_alloc : memref<!tpu.dma_semaphore, #tpu.memory_space<semaphore_mem>>
          %dma_start3A_511 = arith.constant 4000000 : i32
          %dma_start3A_512 = tpu.memref_slice %arg2[%dma_start3A_511] : memref<4800000xf32, #tpu.memory_space<hbm>> -> memref<16xf32, #tpu.memory_space<hbm>>
          %dma_start3A_513 = arith.constant 4000000 : i32
          %dma_start3A_514 = tpu.memref_slice %arg2[%dma_start3A_513] : memref<4800000xf32, #tpu.memory_space<hbm>> -> memref<16xf32, #tpu.memory_space<hbm>>
          tpu.enqueue_dma source(%dma_start3A_514 : memref<16xf32, #tpu.memory_space<hbm>>) target(%arg5 : memref<16xf32, #tpu.memory_space<vmem>>) target_semaphore(%run_scoped3A : memref<!tpu.dma_semaphore, #tpu.memory_space<semaphore_mem>>)
          %dma_wait3A_515 = arith.constant 4000000 : i32
          %dma_wait3A_516 = tpu.memref_slice %arg2[%dma_wait3A_515] : memref<4800000xf32, #tpu.memory_space<hbm>> -> memref<16xf32, #tpu.memory_space<hbm>>
          %dma_wait3A_517 = arith.constant 4000000 : i32
          %dma_wait3A_518 = tpu.memref_slice %arg2[%dma_wait3A_517] : memref<4800000xf32, #tpu.memory_space<hbm>> -> memref<16xf32, #tpu.memory_space<hbm>>
          tpu.wait_dma2 semaphore(%run_scoped3A : memref<!tpu.dma_semaphore, #tpu.memory_space<semaphore_mem>>) src(%dma_wait3A_518 : memref<16xf32, #tpu.memory_space<hbm>>) dst(%arg5 : memref<16xf32, #tpu.memory_space<vmem>>)
          tpu.yield
        }) : () -> ()
        %get3A = arith.constant 0 : index
        %get3A_502 = tpu.vector_load %arg5[%get3A] {strides = array<i32>} : memref<16xf32, #tpu.memory_space<vmem>>, vector<16xf32>,
        %get3A_503 = vector.shape_cast %get3A_502 : vector<16xf32> to vector<16xf32>
        %get3A_504 = arith.constant 640 : index
        %get3A_505 = tpu.vector_load %arg6[%get3A_504] {strides = array<i32>} : memref<768xf32, #tpu.memory_space<vmem>>, vector<16xf32>,
        %get3A_506 = vector.shape_cast %get3A_505 : vector<16xf32> to vector<16xf32>
        %add3A_507 = arith.addf %get3A_503, %get3A_506 : vector<16xf32>
        %swap3A = arith.constant 0 : index
        %swap3A_508 = tpu.vector_load %arg5[%swap3A] {strides = array<i32>} : memref<16xf32, #tpu.memory_space<vmem>>, vector<16xf32>,
        %swap3A_509 = vector.shape_cast %swap3A_508 : vector<16xf32> to vector<16xf32>
        %swap3A_510 = vector.shape_cast %add3A_507 : vector<16xf32> to vector<16xf32>
        tpu.vector_store %arg5[%swap3A], %swap3A_510 {strides = array<i32>} : memref<16xf32, #tpu.memory_space<vmem>>, vector<16xf32>,
        "tpu.region"() ({
          %run_scoped3A = tpu.sem_alloc : memref<!tpu.dma_semaphore, #tpu.memory_space<semaphore_mem>>
          %dma_start3A_511 = arith.constant 4000000 : i32
          %dma_start3A_512 = tpu.memref_slice %arg4[%dma_start3A_511] : memref<4800000xf32, #tpu.memory_space<hbm>> -> memref<16xf32, #tpu.memory_space<hbm>>
          %dma_start3A_513 = arith.constant 4000000 : i32
          %dma_start3A_514 = tpu.memref_slice %arg4[%dma_start3A_513] : memref<4800000xf32, #tpu.memory_space<hbm>> -> memref<16xf32, #tpu.memory_space<hbm>>
          tpu.enqueue_dma source(%arg5 : memref<16xf32, #tpu.memory_space<vmem>>) target(%dma_start3A_514 : memref<16xf32, #tpu.memory_space<hbm>>) target_semaphore(%run_scoped3A : memref<!tpu.dma_semaphore, #tpu.memory_space<semaphore_mem>>)
          %dma_wait3A_515 = arith.constant 4000000 : i32
          %dma_wait3A_516 = tpu.memref_slice %arg4[%dma_wait3A_515] : memref<4800000xf32, #tpu.memory_space<hbm>> -> memref<16xf32, #tpu.memory_space<hbm>>
          %dma_wait3A_517 = arith.constant 4000000 : i32
          %dma_wait3A_518 = tpu.memref_slice %arg4[%dma_wait3A_517] : memref<4800000xf32, #tpu.memory_space<hbm>> -> memref<16xf32, #tpu.memory_space<hbm>>
          tpu.wait_dma2 semaphore(%run_scoped3A : memref<!tpu.dma_semaphore, #tpu.memory_space<semaphore_mem>>) src(%arg5 : memref<16xf32, #tpu.memory_space<vmem>>) dst(%dma_wait3A_518 : memref<16xf32, #tpu.memory_space<hbm>>)
          tpu.yield
        }) : () -> ()
      } else {
      }
      %eq3A_467 = arith.constant 25 : i32
      %eq3A_468 = arith.cmpi eq, %add3A, %eq3A_467 : i32
      %convert_element_type3A_469 = arith.extui %eq3A_468 : i1 to i32
      %cond3A_470 = arith.constant 0 : i32
      %cond3A_471 = arith.cmpi ne, %convert_element_type3A_469, %cond3A_470 : i32
      scf.if %cond3A_471 {
        "tpu.region"() ({
          %run_scoped3A = tpu.sem_alloc : memref<!tpu.dma_semaphore, #tpu.memory_space<semaphore_mem>>
          %dma_start3A_511 = arith.constant 4100000 : i32
          %dma_start3A_512 = tpu.memref_slice %arg2[%dma_start3A_511] : memref<4800000xf32, #tpu.memory_space<hbm>> -> memref<16xf32, #tpu.memory_space<hbm>>
          %dma_start3A_513 = arith.constant 4100000 : i32
          %dma_start3A_514 = tpu.memref_slice %arg2[%dma_start3A_513] : memref<4800000xf32, #tpu.memory_space<hbm>> -> memref<16xf32, #tpu.memory_space<hbm>>
          tpu.enqueue_dma source(%dma_start3A_514 : memref<16xf32, #tpu.memory_space<hbm>>) target(%arg5 : memref<16xf32, #tpu.memory_space<vmem>>) target_semaphore(%run_scoped3A : memref<!tpu.dma_semaphore, #tpu.memory_space<semaphore_mem>>)
          %dma_wait3A_515 = arith.constant 4100000 : i32
          %dma_wait3A_516 = tpu.memref_slice %arg2[%dma_wait3A_515] : memref<4800000xf32, #tpu.memory_space<hbm>> -> memref<16xf32, #tpu.memory_space<hbm>>
          %dma_wait3A_517 = arith.constant 4100000 : i32
          %dma_wait3A_518 = tpu.memref_slice %arg2[%dma_wait3A_517] : memref<4800000xf32, #tpu.memory_space<hbm>> -> memref<16xf32, #tpu.memory_space<hbm>>
          tpu.wait_dma2 semaphore(%run_scoped3A : memref<!tpu.dma_semaphore, #tpu.memory_space<semaphore_mem>>) src(%dma_wait3A_518 : memref<16xf32, #tpu.memory_space<hbm>>) dst(%arg5 : memref<16xf32, #tpu.memory_space<vmem>>)
          tpu.yield
        }) : () -> ()
        %get3A = arith.constant 0 : index
        %get3A_502 = tpu.vector_load %arg5[%get3A] {strides = array<i32>} : memref<16xf32, #tpu.memory_space<vmem>>, vector<16xf32>,
        %get3A_503 = vector.shape_cast %get3A_502 : vector<16xf32> to vector<16xf32>
        %get3A_504 = arith.constant 656 : index
        %get3A_505 = tpu.vector_load %arg6[%get3A_504] {strides = array<i32>} : memref<768xf32, #tpu.memory_space<vmem>>, vector<16xf32>,
        %get3A_506 = vector.shape_cast %get3A_505 : vector<16xf32> to vector<16xf32>
        %add3A_507 = arith.addf %get3A_503, %get3A_506 : vector<16xf32>
        %swap3A = arith.constant 0 : index
        %swap3A_508 = tpu.vector_load %arg5[%swap3A] {strides = array<i32>} : memref<16xf32, #tpu.memory_space<vmem>>, vector<16xf32>,
        %swap3A_509 = vector.shape_cast %swap3A_508 : vector<16xf32> to vector<16xf32>
        %swap3A_510 = vector.shape_cast %add3A_507 : vector<16xf32> to vector<16xf32>
        tpu.vector_store %arg5[%swap3A], %swap3A_510 {strides = array<i32>} : memref<16xf32, #tpu.memory_space<vmem>>, vector<16xf32>,
        "tpu.region"() ({
          %run_scoped3A = tpu.sem_alloc : memref<!tpu.dma_semaphore, #tpu.memory_space<semaphore_mem>>
          %dma_start3A_511 = arith.constant 4100000 : i32
          %dma_start3A_512 = tpu.memref_slice %arg4[%dma_start3A_511] : memref<4800000xf32, #tpu.memory_space<hbm>> -> memref<16xf32, #tpu.memory_space<hbm>>
          %dma_start3A_513 = arith.constant 4100000 : i32
          %dma_start3A_514 = tpu.memref_slice %arg4[%dma_start3A_513] : memref<4800000xf32, #tpu.memory_space<hbm>> -> memref<16xf32, #tpu.memory_space<hbm>>
          tpu.enqueue_dma source(%arg5 : memref<16xf32, #tpu.memory_space<vmem>>) target(%dma_start3A_514 : memref<16xf32, #tpu.memory_space<hbm>>) target_semaphore(%run_scoped3A : memref<!tpu.dma_semaphore, #tpu.memory_space<semaphore_mem>>)
          %dma_wait3A_515 = arith.constant 4100000 : i32
          %dma_wait3A_516 = tpu.memref_slice %arg4[%dma_wait3A_515] : memref<4800000xf32, #tpu.memory_space<hbm>> -> memref<16xf32, #tpu.memory_space<hbm>>
          %dma_wait3A_517 = arith.constant 4100000 : i32
          %dma_wait3A_518 = tpu.memref_slice %arg4[%dma_wait3A_517] : memref<4800000xf32, #tpu.memory_space<hbm>> -> memref<16xf32, #tpu.memory_space<hbm>>
          tpu.wait_dma2 semaphore(%run_scoped3A : memref<!tpu.dma_semaphore, #tpu.memory_space<semaphore_mem>>) src(%arg5 : memref<16xf32, #tpu.memory_space<vmem>>) dst(%dma_wait3A_518 : memref<16xf32, #tpu.memory_space<hbm>>)
          tpu.yield
        }) : () -> ()
      } else {
      }
      %eq3A_472 = arith.constant 26 : i32
      %eq3A_473 = arith.cmpi eq, %add3A, %eq3A_472 : i32
      %convert_element_type3A_474 = arith.extui %eq3A_473 : i1 to i32
      %cond3A_475 = arith.constant 0 : i32
      %cond3A_476 = arith.cmpi ne, %convert_element_type3A_474, %cond3A_475 : i32
      scf.if %cond3A_476 {
        "tpu.region"() ({
          %run_scoped3A = tpu.sem_alloc : memref<!tpu.dma_semaphore, #tpu.memory_space<semaphore_mem>>
          %dma_start3A_511 = arith.constant 4200000 : i32
          %dma_start3A_512 = tpu.memref_slice %arg2[%dma_start3A_511] : memref<4800000xf32, #tpu.memory_space<hbm>> -> memref<16xf32, #tpu.memory_space<hbm>>
          %dma_start3A_513 = arith.constant 4200000 : i32
          %dma_start3A_514 = tpu.memref_slice %arg2[%dma_start3A_513] : memref<4800000xf32, #tpu.memory_space<hbm>> -> memref<16xf32, #tpu.memory_space<hbm>>
          tpu.enqueue_dma source(%dma_start3A_514 : memref<16xf32, #tpu.memory_space<hbm>>) target(%arg5 : memref<16xf32, #tpu.memory_space<vmem>>) target_semaphore(%run_scoped3A : memref<!tpu.dma_semaphore, #tpu.memory_space<semaphore_mem>>)
          %dma_wait3A_515 = arith.constant 4200000 : i32
          %dma_wait3A_516 = tpu.memref_slice %arg2[%dma_wait3A_515] : memref<4800000xf32, #tpu.memory_space<hbm>> -> memref<16xf32, #tpu.memory_space<hbm>>
          %dma_wait3A_517 = arith.constant 4200000 : i32
          %dma_wait3A_518 = tpu.memref_slice %arg2[%dma_wait3A_517] : memref<4800000xf32, #tpu.memory_space<hbm>> -> memref<16xf32, #tpu.memory_space<hbm>>
          tpu.wait_dma2 semaphore(%run_scoped3A : memref<!tpu.dma_semaphore, #tpu.memory_space<semaphore_mem>>) src(%dma_wait3A_518 : memref<16xf32, #tpu.memory_space<hbm>>) dst(%arg5 : memref<16xf32, #tpu.memory_space<vmem>>)
          tpu.yield
        }) : () -> ()
        %get3A = arith.constant 0 : index
        %get3A_502 = tpu.vector_load %arg5[%get3A] {strides = array<i32>} : memref<16xf32, #tpu.memory_space<vmem>>, vector<16xf32>,
        %get3A_503 = vector.shape_cast %get3A_502 : vector<16xf32> to vector<16xf32>
        %get3A_504 = arith.constant 672 : index
        %get3A_505 = tpu.vector_load %arg6[%get3A_504] {strides = array<i32>} : memref<768xf32, #tpu.memory_space<vmem>>, vector<16xf32>,
        %get3A_506 = vector.shape_cast %get3A_505 : vector<16xf32> to vector<16xf32>
        %add3A_507 = arith.addf %get3A_503, %get3A_506 : vector<16xf32>
        %swap3A = arith.constant 0 : index
        %swap3A_508 = tpu.vector_load %arg5[%swap3A] {strides = array<i32>} : memref<16xf32, #tpu.memory_space<vmem>>, vector<16xf32>,
        %swap3A_509 = vector.shape_cast %swap3A_508 : vector<16xf32> to vector<16xf32>
        %swap3A_510 = vector.shape_cast %add3A_507 : vector<16xf32> to vector<16xf32>
        tpu.vector_store %arg5[%swap3A], %swap3A_510 {strides = array<i32>} : memref<16xf32, #tpu.memory_space<vmem>>, vector<16xf32>,
        "tpu.region"() ({
          %run_scoped3A = tpu.sem_alloc : memref<!tpu.dma_semaphore, #tpu.memory_space<semaphore_mem>>
          %dma_start3A_511 = arith.constant 4200000 : i32
          %dma_start3A_512 = tpu.memref_slice %arg4[%dma_start3A_511] : memref<4800000xf32, #tpu.memory_space<hbm>> -> memref<16xf32, #tpu.memory_space<hbm>>
          %dma_start3A_513 = arith.constant 4200000 : i32
          %dma_start3A_514 = tpu.memref_slice %arg4[%dma_start3A_513] : memref<4800000xf32, #tpu.memory_space<hbm>> -> memref<16xf32, #tpu.memory_space<hbm>>
          tpu.enqueue_dma source(%arg5 : memref<16xf32, #tpu.memory_space<vmem>>) target(%dma_start3A_514 : memref<16xf32, #tpu.memory_space<hbm>>) target_semaphore(%run_scoped3A : memref<!tpu.dma_semaphore, #tpu.memory_space<semaphore_mem>>)
          %dma_wait3A_515 = arith.constant 4200000 : i32
          %dma_wait3A_516 = tpu.memref_slice %arg4[%dma_wait3A_515] : memref<4800000xf32, #tpu.memory_space<hbm>> -> memref<16xf32, #tpu.memory_space<hbm>>
          %dma_wait3A_517 = arith.constant 4200000 : i32
          %dma_wait3A_518 = tpu.memref_slice %arg4[%dma_wait3A_517] : memref<4800000xf32, #tpu.memory_space<hbm>> -> memref<16xf32, #tpu.memory_space<hbm>>
          tpu.wait_dma2 semaphore(%run_scoped3A : memref<!tpu.dma_semaphore, #tpu.memory_space<semaphore_mem>>) src(%arg5 : memref<16xf32, #tpu.memory_space<vmem>>) dst(%dma_wait3A_518 : memref<16xf32, #tpu.memory_space<hbm>>)
          tpu.yield
        }) : () -> ()
      } else {
      }
      %eq3A_477 = arith.constant 26 : i32
      %eq3A_478 = arith.cmpi eq, %add3A, %eq3A_477 : i32
      %convert_element_type3A_479 = arith.extui %eq3A_478 : i1 to i32
      %cond3A_480 = arith.constant 0 : i32
      %cond3A_481 = arith.cmpi ne, %convert_element_type3A_479, %cond3A_480 : i32
      scf.if %cond3A_481 {
        "tpu.region"() ({
          %run_scoped3A = tpu.sem_alloc : memref<!tpu.dma_semaphore, #tpu.memory_space<semaphore_mem>>
          %dma_start3A_511 = arith.constant 4300000 : i32
          %dma_start3A_512 = tpu.memref_slice %arg2[%dma_start3A_511] : memref<4800000xf32, #tpu.memory_space<hbm>> -> memref<16xf32, #tpu.memory_space<hbm>>
          %dma_start3A_513 = arith.constant 4300000 : i32
          %dma_start3A_514 = tpu.memref_slice %arg2[%dma_start3A_513] : memref<4800000xf32, #tpu.memory_space<hbm>> -> memref<16xf32, #tpu.memory_space<hbm>>
          tpu.enqueue_dma source(%dma_start3A_514 : memref<16xf32, #tpu.memory_space<hbm>>) target(%arg5 : memref<16xf32, #tpu.memory_space<vmem>>) target_semaphore(%run_scoped3A : memref<!tpu.dma_semaphore, #tpu.memory_space<semaphore_mem>>)
          %dma_wait3A_515 = arith.constant 4300000 : i32
          %dma_wait3A_516 = tpu.memref_slice %arg2[%dma_wait3A_515] : memref<4800000xf32, #tpu.memory_space<hbm>> -> memref<16xf32, #tpu.memory_space<hbm>>
          %dma_wait3A_517 = arith.constant 4300000 : i32
          %dma_wait3A_518 = tpu.memref_slice %arg2[%dma_wait3A_517] : memref<4800000xf32, #tpu.memory_space<hbm>> -> memref<16xf32, #tpu.memory_space<hbm>>
          tpu.wait_dma2 semaphore(%run_scoped3A : memref<!tpu.dma_semaphore, #tpu.memory_space<semaphore_mem>>) src(%dma_wait3A_518 : memref<16xf32, #tpu.memory_space<hbm>>) dst(%arg5 : memref<16xf32, #tpu.memory_space<vmem>>)
          tpu.yield
        }) : () -> ()
        %get3A = arith.constant 0 : index
        %get3A_502 = tpu.vector_load %arg5[%get3A] {strides = array<i32>} : memref<16xf32, #tpu.memory_space<vmem>>, vector<16xf32>,
        %get3A_503 = vector.shape_cast %get3A_502 : vector<16xf32> to vector<16xf32>
        %get3A_504 = arith.constant 688 : index
        %get3A_505 = tpu.vector_load %arg6[%get3A_504] {strides = array<i32>} : memref<768xf32, #tpu.memory_space<vmem>>, vector<16xf32>,
        %get3A_506 = vector.shape_cast %get3A_505 : vector<16xf32> to vector<16xf32>
        %add3A_507 = arith.addf %get3A_503, %get3A_506 : vector<16xf32>
        %swap3A = arith.constant 0 : index
        %swap3A_508 = tpu.vector_load %arg5[%swap3A] {strides = array<i32>} : memref<16xf32, #tpu.memory_space<vmem>>, vector<16xf32>,
        %swap3A_509 = vector.shape_cast %swap3A_508 : vector<16xf32> to vector<16xf32>
        %swap3A_510 = vector.shape_cast %add3A_507 : vector<16xf32> to vector<16xf32>
        tpu.vector_store %arg5[%swap3A], %swap3A_510 {strides = array<i32>} : memref<16xf32, #tpu.memory_space<vmem>>, vector<16xf32>,
        "tpu.region"() ({
          %run_scoped3A = tpu.sem_alloc : memref<!tpu.dma_semaphore, #tpu.memory_space<semaphore_mem>>
          %dma_start3A_511 = arith.constant 4300000 : i32
          %dma_start3A_512 = tpu.memref_slice %arg4[%dma_start3A_511] : memref<4800000xf32, #tpu.memory_space<hbm>> -> memref<16xf32, #tpu.memory_space<hbm>>
          %dma_start3A_513 = arith.constant 4300000 : i32
          %dma_start3A_514 = tpu.memref_slice %arg4[%dma_start3A_513] : memref<4800000xf32, #tpu.memory_space<hbm>> -> memref<16xf32, #tpu.memory_space<hbm>>
          tpu.enqueue_dma source(%arg5 : memref<16xf32, #tpu.memory_space<vmem>>) target(%dma_start3A_514 : memref<16xf32, #tpu.memory_space<hbm>>) target_semaphore(%run_scoped3A : memref<!tpu.dma_semaphore, #tpu.memory_space<semaphore_mem>>)
          %dma_wait3A_515 = arith.constant 4300000 : i32
          %dma_wait3A_516 = tpu.memref_slice %arg4[%dma_wait3A_515] : memref<4800000xf32, #tpu.memory_space<hbm>> -> memref<16xf32, #tpu.memory_space<hbm>>
          %dma_wait3A_517 = arith.constant 4300000 : i32
          %dma_wait3A_518 = tpu.memref_slice %arg4[%dma_wait3A_517] : memref<4800000xf32, #tpu.memory_space<hbm>> -> memref<16xf32, #tpu.memory_space<hbm>>
          tpu.wait_dma2 semaphore(%run_scoped3A : memref<!tpu.dma_semaphore, #tpu.memory_space<semaphore_mem>>) src(%arg5 : memref<16xf32, #tpu.memory_space<vmem>>) dst(%dma_wait3A_518 : memref<16xf32, #tpu.memory_space<hbm>>)
          tpu.yield
        }) : () -> ()
      } else {
      }
      %eq3A_482 = arith.constant 27 : i32
      %eq3A_483 = arith.cmpi eq, %add3A, %eq3A_482 : i32
      %convert_element_type3A_484 = arith.extui %eq3A_483 : i1 to i32
      %cond3A_485 = arith.constant 0 : i32
      %cond3A_486 = arith.cmpi ne, %convert_element_type3A_484, %cond3A_485 : i32
      scf.if %cond3A_486 {
        "tpu.region"() ({
          %run_scoped3A = tpu.sem_alloc : memref<!tpu.dma_semaphore, #tpu.memory_space<semaphore_mem>>
          %dma_start3A_511 = arith.constant 4400000 : i32
          %dma_start3A_512 = tpu.memref_slice %arg2[%dma_start3A_511] : memref<4800000xf32, #tpu.memory_space<hbm>> -> memref<16xf32, #tpu.memory_space<hbm>>
          %dma_start3A_513 = arith.constant 4400000 : i32
          %dma_start3A_514 = tpu.memref_slice %arg2[%dma_start3A_513] : memref<4800000xf32, #tpu.memory_space<hbm>> -> memref<16xf32, #tpu.memory_space<hbm>>
          tpu.enqueue_dma source(%dma_start3A_514 : memref<16xf32, #tpu.memory_space<hbm>>) target(%arg5 : memref<16xf32, #tpu.memory_space<vmem>>) target_semaphore(%run_scoped3A : memref<!tpu.dma_semaphore, #tpu.memory_space<semaphore_mem>>)
          %dma_wait3A_515 = arith.constant 4400000 : i32
          %dma_wait3A_516 = tpu.memref_slice %arg2[%dma_wait3A_515] : memref<4800000xf32, #tpu.memory_space<hbm>> -> memref<16xf32, #tpu.memory_space<hbm>>
          %dma_wait3A_517 = arith.constant 4400000 : i32
          %dma_wait3A_518 = tpu.memref_slice %arg2[%dma_wait3A_517] : memref<4800000xf32, #tpu.memory_space<hbm>> -> memref<16xf32, #tpu.memory_space<hbm>>
          tpu.wait_dma2 semaphore(%run_scoped3A : memref<!tpu.dma_semaphore, #tpu.memory_space<semaphore_mem>>) src(%dma_wait3A_518 : memref<16xf32, #tpu.memory_space<hbm>>) dst(%arg5 : memref<16xf32, #tpu.memory_space<vmem>>)
          tpu.yield
        }) : () -> ()
        %get3A = arith.constant 0 : index
        %get3A_502 = tpu.vector_load %arg5[%get3A] {strides = array<i32>} : memref<16xf32, #tpu.memory_space<vmem>>, vector<16xf32>,
        %get3A_503 = vector.shape_cast %get3A_502 : vector<16xf32> to vector<16xf32>
        %get3A_504 = arith.constant 704 : index
        %get3A_505 = tpu.vector_load %arg6[%get3A_504] {strides = array<i32>} : memref<768xf32, #tpu.memory_space<vmem>>, vector<16xf32>,
        %get3A_506 = vector.shape_cast %get3A_505 : vector<16xf32> to vector<16xf32>
        %add3A_507 = arith.addf %get3A_503, %get3A_506 : vector<16xf32>
        %swap3A = arith.constant 0 : index
        %swap3A_508 = tpu.vector_load %arg5[%swap3A] {strides = array<i32>} : memref<16xf32, #tpu.memory_space<vmem>>, vector<16xf32>,
        %swap3A_509 = vector.shape_cast %swap3A_508 : vector<16xf32> to vector<16xf32>
        %swap3A_510 = vector.shape_cast %add3A_507 : vector<16xf32> to vector<16xf32>
        tpu.vector_store %arg5[%swap3A], %swap3A_510 {strides = array<i32>} : memref<16xf32, #tpu.memory_space<vmem>>, vector<16xf32>,
        "tpu.region"() ({
          %run_scoped3A = tpu.sem_alloc : memref<!tpu.dma_semaphore, #tpu.memory_space<semaphore_mem>>
          %dma_start3A_511 = arith.constant 4400000 : i32
          %dma_start3A_512 = tpu.memref_slice %arg4[%dma_start3A_511] : memref<4800000xf32, #tpu.memory_space<hbm>> -> memref<16xf32, #tpu.memory_space<hbm>>
          %dma_start3A_513 = arith.constant 4400000 : i32
          %dma_start3A_514 = tpu.memref_slice %arg4[%dma_start3A_513] : memref<4800000xf32, #tpu.memory_space<hbm>> -> memref<16xf32, #tpu.memory_space<hbm>>
          tpu.enqueue_dma source(%arg5 : memref<16xf32, #tpu.memory_space<vmem>>) target(%dma_start3A_514 : memref<16xf32, #tpu.memory_space<hbm>>) target_semaphore(%run_scoped3A : memref<!tpu.dma_semaphore, #tpu.memory_space<semaphore_mem>>)
          %dma_wait3A_515 = arith.constant 4400000 : i32
          %dma_wait3A_516 = tpu.memref_slice %arg4[%dma_wait3A_515] : memref<4800000xf32, #tpu.memory_space<hbm>> -> memref<16xf32, #tpu.memory_space<hbm>>
          %dma_wait3A_517 = arith.constant 4400000 : i32
          %dma_wait3A_518 = tpu.memref_slice %arg4[%dma_wait3A_517] : memref<4800000xf32, #tpu.memory_space<hbm>> -> memref<16xf32, #tpu.memory_space<hbm>>
          tpu.wait_dma2 semaphore(%run_scoped3A : memref<!tpu.dma_semaphore, #tpu.memory_space<semaphore_mem>>) src(%arg5 : memref<16xf32, #tpu.memory_space<vmem>>) dst(%dma_wait3A_518 : memref<16xf32, #tpu.memory_space<hbm>>)
          tpu.yield
        }) : () -> ()
      } else {
      }
      %eq3A_487 = arith.constant 28 : i32
      %eq3A_488 = arith.cmpi eq, %add3A, %eq3A_487 : i32
      %convert_element_type3A_489 = arith.extui %eq3A_488 : i1 to i32
      %cond3A_490 = arith.constant 0 : i32
      %cond3A_491 = arith.cmpi ne, %convert_element_type3A_489, %cond3A_490 : i32
      scf.if %cond3A_491 {
        "tpu.region"() ({
          %run_scoped3A = tpu.sem_alloc : memref<!tpu.dma_semaphore, #tpu.memory_space<semaphore_mem>>
          %dma_start3A_511 = arith.constant 4500000 : i32
          %dma_start3A_512 = tpu.memref_slice %arg2[%dma_start3A_511] : memref<4800000xf32, #tpu.memory_space<hbm>> -> memref<16xf32, #tpu.memory_space<hbm>>
          %dma_start3A_513 = arith.constant 4500000 : i32
          %dma_start3A_514 = tpu.memref_slice %arg2[%dma_start3A_513] : memref<4800000xf32, #tpu.memory_space<hbm>> -> memref<16xf32, #tpu.memory_space<hbm>>
          tpu.enqueue_dma source(%dma_start3A_514 : memref<16xf32, #tpu.memory_space<hbm>>) target(%arg5 : memref<16xf32, #tpu.memory_space<vmem>>) target_semaphore(%run_scoped3A : memref<!tpu.dma_semaphore, #tpu.memory_space<semaphore_mem>>)
          %dma_wait3A_515 = arith.constant 4500000 : i32
          %dma_wait3A_516 = tpu.memref_slice %arg2[%dma_wait3A_515] : memref<4800000xf32, #tpu.memory_space<hbm>> -> memref<16xf32, #tpu.memory_space<hbm>>
          %dma_wait3A_517 = arith.constant 4500000 : i32
          %dma_wait3A_518 = tpu.memref_slice %arg2[%dma_wait3A_517] : memref<4800000xf32, #tpu.memory_space<hbm>> -> memref<16xf32, #tpu.memory_space<hbm>>
          tpu.wait_dma2 semaphore(%run_scoped3A : memref<!tpu.dma_semaphore, #tpu.memory_space<semaphore_mem>>) src(%dma_wait3A_518 : memref<16xf32, #tpu.memory_space<hbm>>) dst(%arg5 : memref<16xf32, #tpu.memory_space<vmem>>)
          tpu.yield
        }) : () -> ()
        %get3A = arith.constant 0 : index
        %get3A_502 = tpu.vector_load %arg5[%get3A] {strides = array<i32>} : memref<16xf32, #tpu.memory_space<vmem>>, vector<16xf32>,
        %get3A_503 = vector.shape_cast %get3A_502 : vector<16xf32> to vector<16xf32>
        %get3A_504 = arith.constant 720 : index
        %get3A_505 = tpu.vector_load %arg6[%get3A_504] {strides = array<i32>} : memref<768xf32, #tpu.memory_space<vmem>>, vector<16xf32>,
        %get3A_506 = vector.shape_cast %get3A_505 : vector<16xf32> to vector<16xf32>
        %add3A_507 = arith.addf %get3A_503, %get3A_506 : vector<16xf32>
        %swap3A = arith.constant 0 : index
        %swap3A_508 = tpu.vector_load %arg5[%swap3A] {strides = array<i32>} : memref<16xf32, #tpu.memory_space<vmem>>, vector<16xf32>,
        %swap3A_509 = vector.shape_cast %swap3A_508 : vector<16xf32> to vector<16xf32>
        %swap3A_510 = vector.shape_cast %add3A_507 : vector<16xf32> to vector<16xf32>
        tpu.vector_store %arg5[%swap3A], %swap3A_510 {strides = array<i32>} : memref<16xf32, #tpu.memory_space<vmem>>, vector<16xf32>,
        "tpu.region"() ({
          %run_scoped3A = tpu.sem_alloc : memref<!tpu.dma_semaphore, #tpu.memory_space<semaphore_mem>>
          %dma_start3A_511 = arith.constant 4500000 : i32
          %dma_start3A_512 = tpu.memref_slice %arg4[%dma_start3A_511] : memref<4800000xf32, #tpu.memory_space<hbm>> -> memref<16xf32, #tpu.memory_space<hbm>>
          %dma_start3A_513 = arith.constant 4500000 : i32
          %dma_start3A_514 = tpu.memref_slice %arg4[%dma_start3A_513] : memref<4800000xf32, #tpu.memory_space<hbm>> -> memref<16xf32, #tpu.memory_space<hbm>>
          tpu.enqueue_dma source(%arg5 : memref<16xf32, #tpu.memory_space<vmem>>) target(%dma_start3A_514 : memref<16xf32, #tpu.memory_space<hbm>>) target_semaphore(%run_scoped3A : memref<!tpu.dma_semaphore, #tpu.memory_space<semaphore_mem>>)
          %dma_wait3A_515 = arith.constant 4500000 : i32
          %dma_wait3A_516 = tpu.memref_slice %arg4[%dma_wait3A_515] : memref<4800000xf32, #tpu.memory_space<hbm>> -> memref<16xf32, #tpu.memory_space<hbm>>
          %dma_wait3A_517 = arith.constant 4500000 : i32
          %dma_wait3A_518 = tpu.memref_slice %arg4[%dma_wait3A_517] : memref<4800000xf32, #tpu.memory_space<hbm>> -> memref<16xf32, #tpu.memory_space<hbm>>
          tpu.wait_dma2 semaphore(%run_scoped3A : memref<!tpu.dma_semaphore, #tpu.memory_space<semaphore_mem>>) src(%arg5 : memref<16xf32, #tpu.memory_space<vmem>>) dst(%dma_wait3A_518 : memref<16xf32, #tpu.memory_space<hbm>>)
          tpu.yield
        }) : () -> ()
      } else {
      }
      %eq3A_492 = arith.constant 28 : i32
      %eq3A_493 = arith.cmpi eq, %add3A, %eq3A_492 : i32
      %convert_element_type3A_494 = arith.extui %eq3A_493 : i1 to i32
      %cond3A_495 = arith.constant 0 : i32
      %cond3A_496 = arith.cmpi ne, %convert_element_type3A_494, %cond3A_495 : i32
      scf.if %cond3A_496 {
        "tpu.region"() ({
          %run_scoped3A = tpu.sem_alloc : memref<!tpu.dma_semaphore, #tpu.memory_space<semaphore_mem>>
          %dma_start3A_511 = arith.constant 4600000 : i32
          %dma_start3A_512 = tpu.memref_slice %arg2[%dma_start3A_511] : memref<4800000xf32, #tpu.memory_space<hbm>> -> memref<16xf32, #tpu.memory_space<hbm>>
          %dma_start3A_513 = arith.constant 4600000 : i32
          %dma_start3A_514 = tpu.memref_slice %arg2[%dma_start3A_513] : memref<4800000xf32, #tpu.memory_space<hbm>> -> memref<16xf32, #tpu.memory_space<hbm>>
          tpu.enqueue_dma source(%dma_start3A_514 : memref<16xf32, #tpu.memory_space<hbm>>) target(%arg5 : memref<16xf32, #tpu.memory_space<vmem>>) target_semaphore(%run_scoped3A : memref<!tpu.dma_semaphore, #tpu.memory_space<semaphore_mem>>)
          %dma_wait3A_515 = arith.constant 4600000 : i32
          %dma_wait3A_516 = tpu.memref_slice %arg2[%dma_wait3A_515] : memref<4800000xf32, #tpu.memory_space<hbm>> -> memref<16xf32, #tpu.memory_space<hbm>>
          %dma_wait3A_517 = arith.constant 4600000 : i32
          %dma_wait3A_518 = tpu.memref_slice %arg2[%dma_wait3A_517] : memref<4800000xf32, #tpu.memory_space<hbm>> -> memref<16xf32, #tpu.memory_space<hbm>>
          tpu.wait_dma2 semaphore(%run_scoped3A : memref<!tpu.dma_semaphore, #tpu.memory_space<semaphore_mem>>) src(%dma_wait3A_518 : memref<16xf32, #tpu.memory_space<hbm>>) dst(%arg5 : memref<16xf32, #tpu.memory_space<vmem>>)
          tpu.yield
        }) : () -> ()
        %get3A = arith.constant 0 : index
        %get3A_502 = tpu.vector_load %arg5[%get3A] {strides = array<i32>} : memref<16xf32, #tpu.memory_space<vmem>>, vector<16xf32>,
        %get3A_503 = vector.shape_cast %get3A_502 : vector<16xf32> to vector<16xf32>
        %get3A_504 = arith.constant 736 : index
        %get3A_505 = tpu.vector_load %arg6[%get3A_504] {strides = array<i32>} : memref<768xf32, #tpu.memory_space<vmem>>, vector<16xf32>,
        %get3A_506 = vector.shape_cast %get3A_505 : vector<16xf32> to vector<16xf32>
        %add3A_507 = arith.addf %get3A_503, %get3A_506 : vector<16xf32>
        %swap3A = arith.constant 0 : index
        %swap3A_508 = tpu.vector_load %arg5[%swap3A] {strides = array<i32>} : memref<16xf32, #tpu.memory_space<vmem>>, vector<16xf32>,
        %swap3A_509 = vector.shape_cast %swap3A_508 : vector<16xf32> to vector<16xf32>
        %swap3A_510 = vector.shape_cast %add3A_507 : vector<16xf32> to vector<16xf32>
        tpu.vector_store %arg5[%swap3A], %swap3A_510 {strides = array<i32>} : memref<16xf32, #tpu.memory_space<vmem>>, vector<16xf32>,
        "tpu.region"() ({
          %run_scoped3A = tpu.sem_alloc : memref<!tpu.dma_semaphore, #tpu.memory_space<semaphore_mem>>
          %dma_start3A_511 = arith.constant 4600000 : i32
          %dma_start3A_512 = tpu.memref_slice %arg4[%dma_start3A_511] : memref<4800000xf32, #tpu.memory_space<hbm>> -> memref<16xf32, #tpu.memory_space<hbm>>
          %dma_start3A_513 = arith.constant 4600000 : i32
          %dma_start3A_514 = tpu.memref_slice %arg4[%dma_start3A_513] : memref<4800000xf32, #tpu.memory_space<hbm>> -> memref<16xf32, #tpu.memory_space<hbm>>
          tpu.enqueue_dma source(%arg5 : memref<16xf32, #tpu.memory_space<vmem>>) target(%dma_start3A_514 : memref<16xf32, #tpu.memory_space<hbm>>) target_semaphore(%run_scoped3A : memref<!tpu.dma_semaphore, #tpu.memory_space<semaphore_mem>>)
          %dma_wait3A_515 = arith.constant 4600000 : i32
          %dma_wait3A_516 = tpu.memref_slice %arg4[%dma_wait3A_515] : memref<4800000xf32, #tpu.memory_space<hbm>> -> memref<16xf32, #tpu.memory_space<hbm>>
          %dma_wait3A_517 = arith.constant 4600000 : i32
          %dma_wait3A_518 = tpu.memref_slice %arg4[%dma_wait3A_517] : memref<4800000xf32, #tpu.memory_space<hbm>> -> memref<16xf32, #tpu.memory_space<hbm>>
          tpu.wait_dma2 semaphore(%run_scoped3A : memref<!tpu.dma_semaphore, #tpu.memory_space<semaphore_mem>>) src(%arg5 : memref<16xf32, #tpu.memory_space<vmem>>) dst(%dma_wait3A_518 : memref<16xf32, #tpu.memory_space<hbm>>)
          tpu.yield
        }) : () -> ()
      } else {
      }
      %eq3A_497 = arith.constant 29 : i32
      %eq3A_498 = arith.cmpi eq, %add3A, %eq3A_497 : i32
      %convert_element_type3A_499 = arith.extui %eq3A_498 : i1 to i32
      %cond3A_500 = arith.constant 0 : i32
      %cond3A_501 = arith.cmpi ne, %convert_element_type3A_499, %cond3A_500 : i32
      scf.if %cond3A_501 {
        "tpu.region"() ({
          %run_scoped3A = tpu.sem_alloc : memref<!tpu.dma_semaphore, #tpu.memory_space<semaphore_mem>>
          %dma_start3A_511 = arith.constant 4700000 : i32
          %dma_start3A_512 = tpu.memref_slice %arg2[%dma_start3A_511] : memref<4800000xf32, #tpu.memory_space<hbm>> -> memref<16xf32, #tpu.memory_space<hbm>>
          %dma_start3A_513 = arith.constant 4700000 : i32
          %dma_start3A_514 = tpu.memref_slice %arg2[%dma_start3A_513] : memref<4800000xf32, #tpu.memory_space<hbm>> -> memref<16xf32, #tpu.memory_space<hbm>>
          tpu.enqueue_dma source(%dma_start3A_514 : memref<16xf32, #tpu.memory_space<hbm>>) target(%arg5 : memref<16xf32, #tpu.memory_space<vmem>>) target_semaphore(%run_scoped3A : memref<!tpu.dma_semaphore, #tpu.memory_space<semaphore_mem>>)
          %dma_wait3A_515 = arith.constant 4700000 : i32
          %dma_wait3A_516 = tpu.memref_slice %arg2[%dma_wait3A_515] : memref<4800000xf32, #tpu.memory_space<hbm>> -> memref<16xf32, #tpu.memory_space<hbm>>
          %dma_wait3A_517 = arith.constant 4700000 : i32
          %dma_wait3A_518 = tpu.memref_slice %arg2[%dma_wait3A_517] : memref<4800000xf32, #tpu.memory_space<hbm>> -> memref<16xf32, #tpu.memory_space<hbm>>
          tpu.wait_dma2 semaphore(%run_scoped3A : memref<!tpu.dma_semaphore, #tpu.memory_space<semaphore_mem>>) src(%dma_wait3A_518 : memref<16xf32, #tpu.memory_space<hbm>>) dst(%arg5 : memref<16xf32, #tpu.memory_space<vmem>>)
          tpu.yield
        }) : () -> ()
        %get3A = arith.constant 0 : index
        %get3A_502 = tpu.vector_load %arg5[%get3A] {strides = array<i32>} : memref<16xf32, #tpu.memory_space<vmem>>, vector<16xf32>,
        %get3A_503 = vector.shape_cast %get3A_502 : vector<16xf32> to vector<16xf32>
        %get3A_504 = arith.constant 752 : index
        %get3A_505 = tpu.vector_load %arg6[%get3A_504] {strides = array<i32>} : memref<768xf32, #tpu.memory_space<vmem>>, vector<16xf32>,
        %get3A_506 = vector.shape_cast %get3A_505 : vector<16xf32> to vector<16xf32>
        %add3A_507 = arith.addf %get3A_503, %get3A_506 : vector<16xf32>
        %swap3A = arith.constant 0 : index
        %swap3A_508 = tpu.vector_load %arg5[%swap3A] {strides = array<i32>} : memref<16xf32, #tpu.memory_space<vmem>>, vector<16xf32>,
        %swap3A_509 = vector.shape_cast %swap3A_508 : vector<16xf32> to vector<16xf32>
        %swap3A_510 = vector.shape_cast %add3A_507 : vector<16xf32> to vector<16xf32>
        tpu.vector_store %arg5[%swap3A], %swap3A_510 {strides = array<i32>} : memref<16xf32, #tpu.memory_space<vmem>>, vector<16xf32>,
        "tpu.region"() ({
          %run_scoped3A = tpu.sem_alloc : memref<!tpu.dma_semaphore, #tpu.memory_space<semaphore_mem>>
          %dma_start3A_511 = arith.constant 4700000 : i32
          %dma_start3A_512 = tpu.memref_slice %arg4[%dma_start3A_511] : memref<4800000xf32, #tpu.memory_space<hbm>> -> memref<16xf32, #tpu.memory_space<hbm>>
          %dma_start3A_513 = arith.constant 4700000 : i32
          %dma_start3A_514 = tpu.memref_slice %arg4[%dma_start3A_513] : memref<4800000xf32, #tpu.memory_space<hbm>> -> memref<16xf32, #tpu.memory_space<hbm>>
          tpu.enqueue_dma source(%arg5 : memref<16xf32, #tpu.memory_space<vmem>>) target(%dma_start3A_514 : memref<16xf32, #tpu.memory_space<hbm>>) target_semaphore(%run_scoped3A : memref<!tpu.dma_semaphore, #tpu.memory_space<semaphore_mem>>)
          %dma_wait3A_515 = arith.constant 4700000 : i32
          %dma_wait3A_516 = tpu.memref_slice %arg4[%dma_wait3A_515] : memref<4800000xf32, #tpu.memory_space<hbm>> -> memref<16xf32, #tpu.memory_space<hbm>>
          %dma_wait3A_517 = arith.constant 4700000 : i32
          %dma_wait3A_518 = tpu.memref_slice %arg4[%dma_wait3A_517] : memref<4800000xf32, #tpu.memory_space<hbm>> -> memref<16xf32, #tpu.memory_space<hbm>>
          tpu.wait_dma2 semaphore(%run_scoped3A : memref<!tpu.dma_semaphore, #tpu.memory_space<semaphore_mem>>) src(%arg5 : memref<16xf32, #tpu.memory_space<vmem>>) dst(%dma_wait3A_518 : memref<16xf32, #tpu.memory_space<hbm>>)
          tpu.yield
        }) : () -> ()
      } else {
      }
    } else {
    }
    return
  }
}

</mosaic_0001>

<sc_bundles>
// kernel: kernel.3.cloned.1.call-start
scs
__scs_entry_jumppad:
0x0: {  	(pc) =	sbr.rel $0x88, $3  }
0x1: {  	(tag) =	ssettag $0x0;
	lr =	simm.s32 $0x1  }
0x2: {  	[smem:$0x3FA0] =	sst lr;
	_ =	strace $0xD0000000  }
0x3: {  	_ = 	snop  }
0x4: {  	_ = 	snop  }
0x5: {  	_ = 	snop  }
0x6: {  	_ = 	snop  }
0x7: {  	_ = 	snop  }
__scs_overlays_trampoline_lowered:
0x8: {  	[smem:$0x3FAF] =	sst s0  }
0x9: {  	[smem:$0x3FB0] =	sst s1  }
0xa: {  	[smem:$0x3FB1] =	sst s2  }
0xb: {  	[smem:$0x3FB2] =	sst s3  }
0xc: {  	[smem:$0x3FB3] =	sst s4  }
0xd: {  	[smem:$0x3FB4] =	sst s5  }
0xe: {  	[smem:$0x3FB5] =	sst s6  }
0xf: {  	[smem:$0x3FB6] =	sst s7  }
0x10: {  	[smem:$0x3FB7] =	sst s8  }
0x11: {  	[smem:$0x3FB8] =	sst s9;
	s0 =	simm.s32 @!p0 $0x0  }
0x12: {  	s1 =	sld [smem:$0x3F9E];
	s0 =	simm.s32 @p0 $0x1  }
0x13: {  	[smem:$0x3FB9] =	sst s0;
	s0 =	simm.s32 @!p1 $0x0  }
0x14: {  	s2 =	sld [smem:$0x3F9D];
	s0 =	simm.s32 @p1 $0x1  }
0x15: {  	[smem:$0x3FBA] =	sst s0;
	s0 =	simm.s32 @!p2 $0x0  }
0x16: {  	s3 =	sld [smem:$0x3FDB];
	s0 =	simm.s32 @p2 $0x1  }
0x17: {  	s4 =	simm.s32 $0x1BF5;
	[smem:$0x3FBC] =	sst s0  }
0x18: {  	s0 =	sld [smem:$0x3F9F];
	_ =	swait.ge [sflag:s4], $0x0  }
0x19: {  	s7 =	sld [smem:$0x3FA0]  }
0x1a: {  	s8 =	sadd.s32 $0xFFFFE003, lr  }
0x1b: {  	s9 =	sadd.s32 $0xFFFFFEF7, lr;
	s5 =	simm.s32 $0xFFFFFFFF;
	p2 =	slt.u32 s8, $0xFFFFF086  }
0x1c: {  	p1 =	slt.u32 s9, $0xF7A;
	s5 =	simm.s32 @!p2 $0x0  }
0x1d: {  	s5 =	simm.s32 @p1 $0x1;
	p0 =	seq.s32 s7, s2  }
0x1e: {  	s7 =	smul.u32 @!p0 $0xF7A, s2;
	p2 =	seq.s32 @!p0 s5, $0x0  }
0x1f: {  	s9 =	smul.u32 $0xF7A, s1;
	s8 =	simm.s32 @!p0 $0x1BF5;
	p2 =	por !p2, p0  }
0x20: {  	[sflag:s8] =	ssyncset.s32 @!p0 $0xFFFFF086;
	s6 =	sadd.s32 @!p0 s3, s7;
	s7 =	simm.s32 @!p0 $0x108  }
0x21: {  	s3 =	sadd.s32 s3, s9;
	s6 =	sadd.s32 @!p0 $0x88, s6;
	s7 =	simm.s32 @p2 $0x1082  }
0x22: {  	[simem:s7], [sflag:s8] =	dma.local @!p0 [hbm:s6], $0xF7A  }
0x23: {  	s9 =	sor.u32 $0xD0000000, s2;
	s6 =	simm.s32 $0x108;
	_ =	swait.ge @!p0 [sflag:s8], $0x0  }
0x24: {  	s3 =	sadd.s32 $0x88, s3;
	s6 =	simm.s32 @!p1 $0x1082;
	[sflag:s4] =	ssyncset.s32 $0xFFFFF086  }
0x25: {  	[simem:s6], [sflag:s4] =	dma.local [hbm:s3], $0xF7A  }
0x26: {  	[smem:$0x3FA0] =	sst s1;
	(tag) =	ssettag s2;
	_ =	strace s9  }
0x27: {  	s1 =	sld [smem:$0x3FB0]  }
0x28: {  	s2 =	sld [smem:$0x3FB1]  }
0x29: {  	s4 =	sld [smem:$0x3FB3]  }
0x2a: {  	p0 =	seq.s32 s5, $0x0;
	s5 =	sld [smem:$0x3FB4]  }
0x2b: {  	s6 =	sld [smem:$0x3FB5]  }
0x2c: {  	s7 =	sld [smem:$0x3FB6]  }
0x2d: {  	s3 =	simm.s32 $0x108;
	s8 =	sld [smem:$0x3FB7]  }
0x2e: {  	s3 =	simm.s32 @!p0 $0x1082;
	s9 =	sld [smem:$0x3FB8]  }
0x2f: {  	lr =	sadd.s32 s0, s3;
	s0 =	sld [smem:$0x3FAF]  }
0x30: {  	s3 =	sld [smem:$0x3FB2]  }
0x31: {  	[smem:$0x3FBB] =	sst s10  }
0x32: {  	s10 =	sld [smem:$0x3FB9];
	_ =	sdelay $0x3  }
0x33: {  	p0 =	seq.s32 s10, $0x1;
	s10 =	sld [smem:$0x3FBB];
	_ =	sdelay $0x3  }
0x34: {  	[smem:$0x3FBB] =	sst s10  }
0x35: {  	s10 =	sld [smem:$0x3FBA];
	_ =	sdelay $0x3  }
0x36: {  	p1 =	seq.s32 s10, $0x1;
	s10 =	sld [smem:$0x3FBB];
	_ =	sdelay $0x3  }
0x37: {  	[smem:$0x3FBB] =	sst s10  }
0x38: {  	s10 =	sld [smem:$0x3FBC]  }
0x39: {  	_ = 	snop;
	(pc) =	sbr.ind lr, $3  }
0x3a: {  	_ = 	snop  }
0x3b: {  	_ = 	snop  }
0x3c: {  	p2 =	seq.s32 s10, $0x1;
	s10 =	sld [smem:$0x3FBB]  }
0x3d: {  	_ =	shalt  }
0x3e: {  	_ =	shalt  }
0x3f: {  	_ =	shalt  }
0x40: {  	_ =	shalt  }
0x41: {  	_ =	shalt  }
0x42: {  	_ =	shalt  }
0x43: {  	_ =	shalt  }
0x44: {  	_ =	shalt  }
0x45: {  	_ =	shalt  }
0x46: {  	_ =	shalt  }
0x47: {  	_ =	shalt  }
0x48: {  	_ =	shalt  }
0x49: {  	_ =	shalt  }
0x4a: {  	_ =	shalt  }
0x4b: {  	_ =	shalt  }
0x4c: {  	_ =	shalt  }
0x4d: {  	_ =	shalt  }
0x4e: {  	_ =	shalt  }
0x4f: {  	_ =	shalt  }
0x50: {  	_ =	shalt  }
0x51: {  	_ =	shalt  }
0x52: {  	_ =	shalt  }
0x53: {  	_ =	shalt  }
0x54: {  	_ =	shalt  }
0x55: {  	_ =	shalt  }
0x56: {  	_ =	shalt  }
0x57: {  	_ =	shalt  }
0x58: {  	_ =	shalt  }
0x59: {  	_ =	shalt  }
0x5a: {  	_ =	shalt  }
0x5b: {  	_ =	shalt  }
0x5c: {  	_ =	shalt  }
0x5d: {  	_ =	shalt  }
0x5e: {  	_ =	shalt  }
0x5f: {  	_ =	shalt  }
0x60: {  	_ =	shalt  }
0x61: {  	_ =	shalt  }
0x62: {  	_ =	shalt  }
0x63: {  	_ =	shalt  }
0x64: {  	_ =	shalt  }
0x65: {  	_ =	shalt  }
0x66: {  	_ =	shalt  }
0x67: {  	_ =	shalt  }
0x68: {  	_ =	shalt  }
0x69: {  	_ =	shalt  }
0x6a: {  	_ =	shalt  }
0x6b: {  	_ =	shalt  }
0x6c: {  	_ =	shalt  }
0x6d: {  	_ =	shalt  }
0x6e: {  	_ =	shalt  }
0x6f: {  	_ =	shalt  }
0x70: {  	_ =	shalt  }
0x71: {  	_ =	shalt  }
0x72: {  	_ =	shalt  }
0x73: {  	_ =	shalt  }
0x74: {  	_ =	shalt  }
0x75: {  	_ =	shalt  }
0x76: {  	_ =	shalt  }
0x77: {  	_ =	shalt  }
0x78: {  	_ =	shalt  }
0x79: {  	_ =	shalt  }
0x7a: {  	_ =	shalt  }
0x7b: {  	_ =	shalt  }
0x7c: {  	_ =	shalt  }
0x7d: {  	_ =	shalt  }
0x7e: {  	_ =	shalt  }
0x7f: {  	_ =	shalt  }
0x80: {  	_ =	shalt  }
0x81: {  	_ =	shalt  }
0x82: {  	_ =	shalt  }
0x83: {  	_ =	shalt  }
0x84: {  	_ =	shalt  }
0x85: {  	_ =	shalt  }
0x86: {  	_ =	shalt  }
0x87: {  	_ =	shalt  }
.Lfunc_end0:
.L_simem_size_0:
called_computation_lowered:
.L_overlay_start_0:
0x88: {  	s2 =	sld [smem:$0x3FD9]  }
0x89: {  	s3 =	sld [smem:$0x3FFE];
	_ =	sdelay $0x1  }
0x8a: {  	s1 =	srdreg.scid  }
0x8b: {  	s0 =	sand.u32 $0x1, s1  }
0x8c: {  	s17 =	sshll.u32 s0, $0xA;
	s2 =	sadd.s32 s3, s2  }
0x8d: {  	s2 =	sadd.s32 s2, s17  }
0x8e: {  	[smem:$0x3FC7] =	sst s2  }
0x8f: {  	_ = 	snop  }
0x90: {  	s2 =	sld [smem:$0x3FD0];
	(tm) =	ssettm $0x1  }
0x91: {  	s18 =	sld [smem:$0x3FFB];
	_ =	sdelay $0x3  }
0x92: {  	_ =	strace s18  }
0x93: {  	s3 =	sld [smem:$0x3FFC];
	_ =	sdelay $0x3  }
0x94: {  	_ =	strace s3  }
0x95: {  	s3 =	sld [smem:$0x3FFD];
	_ =	sdelay $0x3  }
0x96: {  	_ =	strace s3  }
0x97: {  	_ =	strace $0x8FFFFFFF  }
0x98: {  	s19 =	sld [smem:$0x3FDB];
	_ =	sdelay $0x1  }
0x99: {  	s4 =	simm.s32 $_scs_section_size  }
0x9a: {  	s5 =	simm.s32 $_size__tile_overlayer_lowered;
	s6 =	simm.s32 $_tile_overlayer_lowered  }
0x9b: {  	s22 =	simm.s32 $0x1BFF;
	s21 =	sshll.u32 s6, $0x1;
	s3 =	sadd.s32 s4, s19  }
0x9c: {  	s7 =	simm.s32 $0x0;
	s20 =	sshll.u32 s5, $0x1;
	s5 =	sadd.s32 s21, s3  }
0x9d: {  	[timem:s7], [sflag:s22] =	dma.local [hbm:s5], s20  }
0x9e: {  	_ =	swait.ge [sflag:s22], s20  }
0x9f: {  	s4 =	ssub.s32 $0x0, s20;
	[sflag:s22] =	ssyncset.done $0x0  }
0xa0: {  	[sflag:s22] =	ssyncadd.s32 s4;
	_ =	sdelay $0x1  }
0xa1: {  	s23 =	simm.s32 $0x1B8B  }
0xa2: {  	_ =	swait.ge [sflag:s23], $0x1  }
0xa3: {  	[sflag:s23] =	ssyncset.done $0x0  }
0xa4: {  	s25 =	simm.s32 $0x1B8E;
	s24 =	sld [smem:$0x3FFE];
	[sflag:s23] =	ssyncadd.s32 $0xFFFFFFFF  }
0xa5: {  	s26 =	simm.s32 $execute0_lowered;
	[smem:$0x3FD2] =	sst s25  }
0xa6: {  	s5 =	sshll.u32 s26, $0x1;
	_ =	strace $0x80000046;
	[dreg:$0x1] =	wrdreg $0xFFFFFFFF  }
0xa7: {  	s28 =	simm.s32 $_size_execute0_lowered;
	s3 =	sadd.s32 s3, s5;
	[dreg:$0x0] =	wrdreg $0x0  }
0xa8: {  	s5 =	sshll.u32 s28, $0x1;
	[dreg:$0x2] =	wrdreg s3  }
0xa9: {  	[dreg:$0x3] =	wrdreg s5  }
0xaa: {  	[dreg:$0x4] =	wrdreg $0xC0  }
0xab: {  	_ =	task [dreg:s7], $0x5FFFF  }
0xac: {  	[dreg:$0x1] =	wrdreg $0xFFFFFFFF  }
0xad: {  	[dreg:$0x0] =	wrdreg $0x60  }
0xae: {  	[dreg:$0x2] =	wrdreg s2  }
0xaf: {  	[dreg:$0x3] =	wrdreg s24  }
0xb0: {  	[dreg:$0x4] =	wrdreg $0x9  }
0xb1: {  	_ =	task.clear_ibuf [dreg:s7], $0x5FFFF;
	_ =	strace $0x90000046  }
0xb2: {  	s29 =	simm.s32 $0x9;
	_ =	strace $0x80000048  }
0xb3: {  	_ =	swait.ge [sflag:s29], $0x1  }
0xb4: {  	[sflag:s29] =	ssyncadd.s32 $0xFFFFFFFF  }
0xb5: {  	_ =	strace $0x90000048  }
0xb6: {  	_ =	sfence  }
0xb7: {  	s30 =	sld [smem:$0x0];
	_ =	sdelay $0x2  }
0xb8: {  	s31 =	sshll.u32 s1, $0xD;
	s1 =	sshrl.u32 s1, $0x2  }
0xb9: {  	s3 =	sand.u32 $0x4000, s31;
	s1 =	sadd.s32 s1, s30  }
0xba: {  	s0 =	sor.u32 s3, s0;
	s1 =	sshll.u32 s1, $0x11  }
0xbb: {  	s0 =	sor.u32 s1, s0  }
0xbc: {  	s0 =	sadd.s32 $0x8F2B, s0  }
0xbd: {  	[sflag:s0] =	ssyncadd.remote.s32 $0x1  }
0xbe: {  	_ =	sfence.sel $0xFFFF  }
0xbf: {  	[dreg:$0x0] =	wrdreg $0xFFFFFFFF;
	(pc) =	sbr.abs _section_cstart, $3  }
0xc0: {  	[dreg:$0x1] =	wrdreg $0xFFFFFFFF  }
0xc1: {  	_ =	task.clear_ibuf [dreg:s7], $0x2FFFF;
	_ =	strace $0x9FFFFFFF  }
0xc2: {  	(tm) =	ssettm $0x7FFFFFFF  }
0xc3: {  	_ =	shalt  }
tec
execute0_lowered:
.L_overlay_start_1:
0x0: {  	(tag) =	ssettag $0x1  }
0x1: {  	s1 =	stileid.u32  }
0x2: {  	p0 =	seq.s32 s1, $0xF  }
.Ltmp0:
0x3: {  	_ = 	snop;
	(pc) =	sbr.rel @!p0 .LBB2_1-.Ltmp0, $4  }
0x4: {  	_ = 	snop  }
0x5: {  	s2 =	rddreg [dreg:$0x0];
	s3 =	simm.s32 $0x0  }
0x6: {  	[smem:$0x7FF] =	sst s3  }
0x7: {  	s0 =	rddreg [dreg:$0x1];
	_ =	strace $0x80000047  }
.LBB2_38:
0x8: {  	_ =	sfence.sel $0x180000  }
0x9: {  	[bflag:$0x0] =	sbarrier.arrive $0xFFFF  }
0xa: {  	_ =	strace $0x90000047  }
0xb: {  	s0 =	stileid.u32;
	[bflag:$0x2] =	sbarrier.arrive $0xFFFF  }
0xc: {  	p0 =	sne.s32 s0, $0x0;
	s0 =	rddreg [dreg:$0x2]  }
0xd: {  	s0 =	sadd.s32 @!p0 $0x100000, s0  }
0xe: {  	[sflag:s0] =	ssyncadd.tile.s32 @!p0 $0x1;
	_ =	shalt  }
.LBB2_1:
0xf: {  	s1 =	srdreg.scid;
	s22 =	stileid.u32  }
0x10: {  	s16 =	sadd.s32 $0x8FCEC, s0;
	s23 =	sadd.s32 $0x89B44, s0;
	s24 =	sadd.s32 $0x8CC18, s0  }
0x11: {  	s25 =	sadd.s32 $0x86A70, s0;
	s17 =	sadd.s32 $0x4690C, s0;
	s18 =	sadd.s32 $0x43838, s0  }
0x12: {  	s20 =	sadd.s32 $0x3D690, s0;
	s21 =	sadd.s32 $0x34414, s0;
	[dreg:$0x3] =	wrdreg s16  }
0x13: {  	s19 =	sadd.s32 $0x987C, s0;
	s31 =	sadd.s32 $0x12AF8, s0;
	[dreg:$0x4] =	wrdreg s23  }
0x14: {  	s15 =	sand.u32 $0x1, s1;
	s1 =	sshll.u32 s22, $0x1;
	[dreg:$0x5] =	wrdreg s24  }
0x15: {  	[dreg:$0x6] =	wrdreg s25;
	s22 =	sadd.s32 $0x21F1C, s0;
	s23 =	sadd.s32 $0xC950, s0  }
0x16: {  	s25 =	sadd.s32 $0x7A720, s0;
	s4 =	sor.u32 s15, s1;
	s15 =	ssub.s32 $0x2, s15  }
0x17: {  	[dreg:$0x9] =	wrdreg s25;
	s25 =	sadd.s32 $0x6B2FC, s0;
	p3 =	seq.s32 s4, $0x0  }
0x18: {  	s26 =	sshrl.u32 s15, $0x1;
	[dreg:$0x10] =	wrdreg s25;
	s25 =	sadd.s32 $0x4FB88, s0  }
0x19: {  	s16 =	ssub.s32 s15, s26;
	s26 =	sadd.s32 $0x7D7F4, s0;
	[dreg:$0x17] =	wrdreg s25  }
0x1a: {  	p0 =	seq.s32 @!p3 s4, $0x1;
	s25 =	sadd.s32 $0x280C4, s0;
	[dreg:$0xa] =	wrdreg s26  }
0x1b: {  	s24 =	simm.s32 @!p0 $0x0;
	s26 =	sadd.s32 $0x62080, s0;
	[dreg:$0x1e] =	wrdreg s25  }
0x1c: {  	p1 =	por !p0, p3;
	s24 =	simm.s32 @p0 $0x1;
	[dreg:$0x11] =	wrdreg s26  }
0x1d: {  	p0 =	sgt.s32 s4, $0x4;
	s26 =	sadd.s32 $0x52C5C, s0;
	[smem:$0x7B9] =	sst s24  }
0x1e: {  	s19 =	smov.u32 @p1 s23;
	s24 =	simm.s32 @!p1 $0x0;
	[dreg:$0x18] =	wrdreg s26  }
0x1f: {  	s26 =	sadd.s32 $0x1EE48, s0;
	s24 =	simm.s32 @p1 $0x1;
	p1 =	seq.s32 @p0 s4, $0x5  }
0x20: {  	p2 =	sgt.s32 s4, $0x8;
	[dreg:$0x1f] =	wrdreg s26;
	s23 =	simm.s32 @!p1 $0x0  }
0x21: {  	[smem:$0x7AF] =	sst s24;
	s23 =	simm.s32 @p1 $0x1;
	p1 =	por !p1, !p0  }
0x22: {  	[smem:$0x7BB] =	sst s23;
	s23 =	sadd.s32 $0x1BD74, s0;
	s24 =	simm.s32 @!p1 $0x0  }
0x23: {  	s24 =	simm.s32 @p1 $0x1;
	s23 =	smov.u32 @p1 s22;
	p1 =	seq.s32 @!p0 s4, $0x3  }
0x24: {  	[smem:$0x7B0] =	sst s24;
	s22 =	simm.s32 @!p1 $0x0;
	s24 =	sadd.s32 $0x8399C, s0  }
0x25: {  	s15 =	sadd.s32 $0x36D4, s0;
	s22 =	simm.s32 @p1 $0x1;
	[dreg:$0x8] =	wrdreg s24  }
0x26: {  	s19 =	smov.u32 @p3 s15;
	s24 =	sadd.s32 $0x68228, s0;
	[smem:$0x7BE] =	sst s22  }
0x27: {  	p1 =	por !p1, p0;
	[dreg:$0xf] =	wrdreg s24;
	s24 =	sadd.s32 $0x55D30, s0  }
0x28: {  	s15 =	sadd.s32 $0x15BCC, s0;
	s22 =	simm.s32 @!p1 $0x0;
	[dreg:$0x16] =	wrdreg s24  }
0x29: {  	s31 =	smov.u32 @p1 s15;
	s22 =	simm.s32 @p1 $0x1;
	s25 =	sld [smem:$0x7BE]  }
0x2a: {  	p1 =	seq.s32 @p2 s4, $0x9;
	s24 =	sadd.s32 $0x31340, s0;
	[smem:$0x7B1] =	sst s22  }
0x2b: {  	p4 =	seq.s32 @!p2 s4, $0x7;
	s22 =	simm.s32 @!p1 $0x0;
	[dreg:$0x1d] =	wrdreg s24  }
0x2c: {  	s15 =	sadd.s32 $0x2E26C, s0;
	s24 =	sld [smem:$0x7BB];
	s22 =	simm.s32 @p1 $0x1  }
0x2d: {  	s31 =	smov.u32 @p0 s23;
	p1 =	por !p1, !p2;
	[smem:$0x7C0] =	sst s22  }
0x2e: {  	s22 =	sadd.s32 $0x2B198, s0;
	s23 =	simm.s32 @!p1 $0x0;
	s15 =	smov.u32 @p1 s21  }
0x2f: {  	s21 =	simm.s32 @!p4 $0x0;
	s23 =	simm.s32 @p1 $0x1;
	p1 =	sgt.s32 s4, $0xC  }
0x30: {  	s21 =	simm.s32 @p4 $0x1;
	s26 =	sld [smem:$0x7C0];
	p5 =	seq.s32 @p1 s4, $0xD  }
0x31: {  	p4 =	por !p4, p2;
	[smem:$0x7B2] =	sst s23;
	s23 =	simm.s32 @!p5 $0x0  }
0x32: {  	[smem:$0x7C3] =	sst s21;
	p6 =	por !p5, !p1;
	s23 =	simm.s32 @p5 $0x1  }
0x33: {  	s18 =	smov.u32 @p6 s17;
	s17 =	sadd.s32 $0x7764C, s0;
	[smem:$0x7C5] =	sst s23  }
0x34: {  	s23 =	simm.s32 @!p4 $0x0;
	[dreg:$0xb] =	wrdreg s17;
	s17 =	sadd.s32 $0x65154, s0  }
0x35: {  	s21 =	sadd.s32 $0x24FF0, s0;
	s23 =	simm.s32 @p4 $0x1;
	[dreg:$0x12] =	wrdreg s17  }
0x36: {  	s21 =	smov.u32 @p4 s22;
	s17 =	sadd.s32 $0x499E0, s0;
	[smem:$0x7B3] =	sst s23  }
0x37: {  	s22 =	sadd.s32 $0x3A5BC, s0;
	[dreg:$0x19] =	wrdreg s17;
	s17 =	sadd.s32 $0x18CA0, s0  }
0x38: {  	p4 =	seq.s32 @!p1 s4, $0xB;
	s23 =	simm.s32 @!p6 $0x0;
	[smem:$0x7B5] =	sst s17  }
0x39: {  	s23 =	simm.s32 @p6 $0x1;
	s17 =	smax.u32 s16, $0x1;
	s16 =	sld [smem:$0x7C5]  }
0x3a: {  	p6 =	por !p4, p1;
	[smem:$0x7B4] =	sst s23;
	s23 =	sadd.s32 $0x808C8, s0  }
0x3b: {  	s22 =	smov.u32 @p6 s20;
	s20 =	sadd.s32 $0x74578, s0;
	[dreg:$0x7] =	wrdreg s23  }
0x3c: {  	s22 =	smov.u32 @p1 s18;
	s18 =	sadd.s32 $0x714A4, s0;
	[dreg:$0xd] =	wrdreg s20  }
0x3d: {  	s23 =	sadd.s32 $0x6E3D0, s0;
	[dreg:$0xc] =	wrdreg s18  }
0x3e: {  	s20 =	sadd.s32 $0x58E04, s0;
	[dreg:$0xe] =	wrdreg s23  }
0x3f: {  	s5 =	sadd.s32 $0x400, s0;
	s18 =	sadd.s32 $0x5EFAC, s0;
	[dreg:$0x14] =	wrdreg s20  }
0x40: {  	s1 =	smul.u32 $0x27100, s4;
	s23 =	sadd.s32 $0x5BED8, s0;
	[dreg:$0x13] =	wrdreg s18  }
0x41: {  	s6 =	sadd.s32 $0x600, s0;
	s20 =	sadd.s32 $0x40764, s0;
	[dreg:$0x15] =	wrdreg s23  }
0x42: {  	s1 =	sshrl.u32 s1, $0x3;
	s18 =	sadd.s32 $0x4CAB4, s0;
	[dreg:$0x1b] =	wrdreg s20  }
0x43: {  	s9 =	sadd.s32 $0xFA0, s1;
	s23 =	sadd.s32 $0x374E8, s0;
	[dreg:$0x1a] =	wrdreg s18  }
0x44: {  	s11 =	sadd.s32 $0x1F40, s1;
	s20 =	sadd.s32 $0x67A8, s0;
	[dreg:$0x1c] =	wrdreg s23  }
0x45: {  	s13 =	sadd.s32 $0x2EE0, s1;
	s14 =	sadd.s32 $0x3E80, s1;
	[smem:$0x7B7] =	sst s20  }
0x46: {  	s21 =	smov.u32 @p2 s15;
	s18 =	sadd.s32 $0xFA24, s0;
	s23 =	sld [smem:$0x7B9]  }
0x47: {  	s15 =	sadd.s32 s6, s1;
	s0 =	simm.s32 @!p3 $0x0;
	[smem:$0x7B6] =	sst s18  }
0x48: {  	s20 =	sadd.s32 $0x8F6EC, s2;
	s18 =	sadd.s32 s2, s1;
	s1 =	sld [smem:$0x7C3]  }
0x49: {  	s0 =	simm.s32 @p3 $0x1;
	[smem:$0x7CF] =	sst s20  }
0x4a: {  	s20 =	sadd.s32 $0x7D1F4, s2;
	[smem:$0x7B8] =	sst s0  }
0x4b: {  	[smem:$0x7D6] =	sst s20;
	s20 =	sadd.s32 $0x61A80, s2  }
0x4c: {  	p5 =	seq.s32 s23, $0x1;
	s23 =	sadd.s32 $0x89544, s2;
	[smem:$0x7DD] =	sst s20  }
0x4d: {  	s20 =	sadd.s32 $0x5265C, s2;
	p3 =	por p5, p3;
	[smem:$0x7D0] =	sst s23  }
0x4e: {  	p5 =	seq.s32 s24, $0x1;
	s24 =	sadd.s32 $0x8C618, s2;
	[smem:$0x7E4] =	sst s20  }
0x4f: {  	s23 =	sadd.s32 $0x7704C, s2;
	[smem:$0x7D1] =	sst s24  }
0x50: {  	s20 =	sadd.s32 $0x36EE8, s2;
	[smem:$0x7D7] =	sst s23  }
0x51: {  	s24 =	sadd.s32 $0x70EA4, s2;
	[smem:$0x7EB] =	sst s20  }
0x52: {  	s23 =	sadd.s32 $0x64B54, s2;
	[smem:$0x7D8] =	sst s24  }
0x53: {  	s0 =	simm.s32 @!p3 $0x0;
	s20 =	sadd.s32 $0x249F0, s2;
	[smem:$0x7DE] =	sst s23  }
0x54: {  	s0 =	simm.s32 @p3 $0x1;
	p3 =	por p5, !p0;
	[smem:$0x7F2] =	sst s20  }
0x55: {  	p5 =	seq.s32 s25, $0x1;
	s25 =	sadd.s32 $0x86470, s2;
	[smem:$0x7BA] =	sst s0  }
0x56: {  	s24 =	sadd.s32 $0x5E9AC, s2;
	[smem:$0x7D2] =	sst s25  }
0x57: {  	s23 =	sadd.s32 $0x493E0, s2;
	[smem:$0x7DF] =	sst s24  }
0x58: {  	s20 =	sadd.s32 $0x124F8, s2;
	[smem:$0x7E5] =	sst s23  }
0x59: {  	s25 =	sadd.s32 $0x73F78, s2;
	[smem:$0x7F9] =	sst s20  }
0x5a: {  	s24 =	sadd.s32 $0x4C4B4, s2;
	[smem:$0x7D9] =	sst s25  }
0x5b: {  	s0 =	simm.s32 @!p3 $0x0;
	s23 =	sadd.s32 $0x39FBC, s2;
	[smem:$0x7E6] =	sst s24  }
0x5c: {  	s29 =	simm.s32 $0x1;
	s0 =	simm.s32 @p3 $0x1;
	[smem:$0x7EC] =	sst s23  }
0x5d: {  	p3 =	seq.s32 s1, $0x1;
	s1 =	sadd.s32 $0x8339C, s2;
	[smem:$0x7BC] =	sst s0  }
0x5e: {  	s30 =	simm.s32 $0x3;
	s25 =	sadd.s32 $0x58804, s2;
	[smem:$0x7D4] =	sst s1  }
0x5f: {  	s28 =	simm.s32 $0x0;
	s24 =	sadd.s32 $0x30D40, s2;
	[smem:$0x7E0] =	sst s25  }
0x60: {  	s7 =	sadd.s32 s2, s9;
	s23 =	sadd.s32 $0x1E848, s2;
	[smem:$0x7ED] =	sst s24  }
0x61: {  	s8 =	sadd.s32 s2, s11;
	s1 =	sadd.s32 $0x67C28, s2;
	[smem:$0x7F3] =	sst s23  }
0x62: {  	s9 =	sadd.s32 s6, s9;
	s25 =	sadd.s32 $0x4630C, s2;
	[smem:$0x7DB] =	sst s1  }
0x63: {  	s10 =	sadd.s32 s2, s13;
	s24 =	sadd.s32 $0x2191C, s2;
	[smem:$0x7E7] =	sst s25  }
0x64: {  	s0 =	simm.s32 @!p0 $0x0;
	s23 =	sadd.s32 $0xC350, s2;
	[smem:$0x7F4] =	sst s24  }
0x65: {  	s0 =	simm.s32 @p0 $0x1;
	p0 =	por p5, p0;
	[smem:$0x7FA] =	sst s23  }
0x66: {  	p5 =	seq.s32 s26, $0x1;
	s26 =	sadd.s32 $0x802C8, s2;
	[smem:$0x7BD] =	sst s0  }
0x67: {  	s11 =	sadd.s32 s6, s11;
	s1 =	sadd.s32 $0x55730, s2;
	[smem:$0x7D3] =	sst s26  }
0x68: {  	s12 =	sadd.s32 s2, s14;
	s25 =	sadd.s32 $0x33E14, s2;
	[smem:$0x7E2] =	sst s1  }
0x69: {  	s13 =	sadd.s32 s6, s13;
	s24 =	sadd.s32 $0x61A8, s2;
	[smem:$0x7EE] =	sst s25  }
0x6a: {  	s14 =	sadd.s32 s6, s14;
	s26 =	sadd.s32 $0x6DDD0, s2;
	[smem:$0x7FB] =	sst s24  }
0x6b: {  	s23 =	simm.s32 $0x2;
	s1 =	sadd.s32 $0x43238, s2;
	[smem:$0x7DA] =	sst s26  }
0x6c: {  	s0 =	simm.s32 @!p0 $0x0;
	s25 =	sadd.s32 $0x186A0, s2;
	[smem:$0x7E9] =	sst s1  }
0x6d: {  	s0 =	simm.s32 @p0 $0x1;
	p0 =	por p5, !p2;
	[smem:$0x7F5] =	sst s25  }
0x6e: {  	p5 =	seq.s32 s16, $0x1;
	s16 =	sadd.s32 $0x7A120, s2;
	[smem:$0x7BF] =	sst s0  }
0x6f: {  	s24 =	simm.s32 $0x80;
	s26 =	sadd.s32 $0x5B8D8, s2;
	[smem:$0x7D5] =	sst s16  }
0x70: {  	s1 =	sadd.s32 $0x27AC4, s2;
	s0 =	simm.s32 @!p0 $0x0;
	[smem:$0x7E1] =	sst s26  }
0x71: {  	s25 =	sadd.s32 $0x927C, s2;
	[smem:$0x7F0] =	sst s1;
	s0 =	simm.s32 @p0 $0x1  }
0x72: {  	s16 =	sadd.s32 $0x6ACFC, s2;
	[smem:$0x7C1] =	sst s0;
	s0 =	simm.s32 @!p2 $0x0  }
0x73: {  	[smem:$0x7FC] =	sst s25;
	p0 =	por p3, p2;
	s0 =	simm.s32 @p2 $0x1  }
0x74: {  	s26 =	sadd.s32 $0x40164, s2;
	[smem:$0x7C2] =	sst s0;
	s0 =	simm.s32 @!p0 $0x0  }
0x75: {  	[smem:$0x7DC] =	sst s16;
	s0 =	simm.s32 @p0 $0x1;
	p0 =	por p5, !p1  }
0x76: {  	s1 =	sadd.s32 $0x155CC, s2;
	[smem:$0x7C4] =	sst s0;
	s0 =	simm.s32 @!p0 $0x0  }
0x77: {  	s16 =	sadd.s32 $0x4F588, s2;
	[smem:$0x7E8] =	sst s26;
	s0 =	simm.s32 @p0 $0x1  }
0x78: {  	s26 =	sadd.s32 $0x2DC6C, s2;
	[smem:$0x7C6] =	sst s0;
	s0 =	simm.s32 @!p1 $0x0  }
0x79: {  	[smem:$0x7F7] =	sst s1;
	p0 =	por p4, p1;
	s0 =	simm.s32 @p1 $0x1  }
0x7a: {  	s1 =	simm.s32 $0x5;
	[smem:$0x7C7] =	sst s0;
	s0 =	simm.s32 @!p0 $0x0  }
0x7b: {  	[smem:$0x7E3] =	sst s16;
	s0 =	simm.s32 @p0 $0x1;
	p0 =	sgt.s32 s4, $0x6  }
0x7c: {  	s16 =	sadd.s32 $0x3D090, s2;
	[smem:$0x7C8] =	sst s0;
	s0 =	simm.s32 @!p0 $0x0  }
0x7d: {  	[smem:$0x7EF] =	sst s26;
	s0 =	simm.s32 @p0 $0x1;
	p0 =	sgt.s32 s4, $0x2  }
0x7e: {  	s26 =	sadd.s32 $0x1B774, s2;
	[smem:$0x7C9] =	sst s0;
	s0 =	simm.s32 @!p0 $0x0  }
0x7f: {  	[smem:$0x7EA] =	sst s16;
	s0 =	simm.s32 @p0 $0x1;
	p0 =	sgt.s32 s4, $0xA  }
0x80: {  	s16 =	sadd.s32 $0x2AB98, s2;
	[smem:$0x7CA] =	sst s0;
	s0 =	simm.s32 @!p0 $0x0  }
0x81: {  	[smem:$0x7F6] =	sst s26;
	s0 =	simm.s32 @p0 $0x1;
	p0 =	sgt.s32 s4, $0x15  }
0x82: {  	s26 =	sadd.s32 $0x30D4, s2;
	[smem:$0x7CB] =	sst s0;
	s0 =	simm.s32 @!p0 $0x0  }
0x83: {  	[smem:$0x7F1] =	sst s16;
	s0 =	simm.s32 @p0 $0x1;
	p0 =	sgt.s32 s4, $0x11  }
.Ltmp1:
0x84: {  	[smem:$0x7CC] =	sst s0;
	s0 =	simm.s32 @!p0 $0x0;
	(pc) =	sbr.rel .LBB2_2-.Ltmp1, $4  }
0x85: {  	[smem:$0x7FD] =	sst s26;
	s0 =	simm.s32 @p0 $0x1;
	p0 =	seq.s32 s4, $0xF  }
0x86: {  	s16 =	sadd.s32 $0xF424, s2;
	[smem:$0x7CD] =	sst s0;
	s0 =	simm.s32 @!p0 $0x0  }
0x87: {  	p5 =	sgt.s32 s4, $0xE;
	[smem:$0x7F8] =	sst s16;
	s0 =	simm.s32 @p0 $0x1  }
0x88: {  	p2 =	por p5, p5;
	[smem:$0x7CE] =	sst s0;
	s0 =	simm.s32 $0x4  }
.LBB2_36:
0x89: {  	p3 =	sgt.s32 s4, $0x1B  }
0x8a: {  	s20 =	sld [smem:$0x7D0];
	p0 =	seq.s32 @p3 s4, $0x1C  }
0x8b: {  	p5 =	por !p0, !p3  }
0x8c: {  	s16 =	simm.s32 @!p5 $0x0  }
0x8d: {  	[tilespmem:s16], [sflag:$0x5] =	stream.linear.gather @!p5 [hbm4b:s20+s16], $0x10, $0x38;
	[tilespmem:$0xFD80] =	vst v63  }
0x8e: {  	s20 =	simm.s32 @!p5 $0x5  }
0x8f: {  	_ =	swait.ge @!p5 [sflag:s20], $0x10  }
0x90: {  	[sflag:s20] =	ssyncset.done @!p5 $0x0  }
0x91: {  	[sflag:s20] =	ssyncadd.s32 @!p5 $0xFFFFFFF0  }
0x92: {  	v0 =	vld @!p5 [tilespmem:$0x0]  }
0x93: {  	v1 =	vld @!p5 [tilespmem:$0x350];
	_ =	sdelay $0x4  }
0x94: {  	v0 =	vadd.f32 @!p5 v1, v0;
	_ =	sdelay $0x1  }
0x95: {  	s25 =	rddreg [dreg:$0x4];
	[tilespmem:$0x0] =	vst @!p5 v0  }
0x96: {  	[hbm4b:s25+s16] =	stream.linear.scatter @!p5 [tilespmem:s16], [sflag:$0x5], $0x10, $0x38;
	[tilespmem:$0xFD80] =	vst v63  }
0x97: {  	_ =	swait.ge @!p5 [sflag:s20], $0x10  }
0x98: {  	s25 =	sld [smem:$0x7D1]  }
0x99: {  	[sflag:s20] =	ssyncset.done @!p5 $0x0  }
0x9a: {  	[sflag:s20] =	ssyncadd.s32 @!p5 $0xFFFFFFF0  }
0x9b: {  	[tilespmem:s16], [sflag:$0x5] =	stream.linear.gather @!p5 [hbm4b:s25+s16], $0x10, $0x38;
	[tilespmem:$0xFD80] =	vst v63  }
0x9c: {  	_ =	swait.ge @!p5 [sflag:s20], $0x10  }
0x9d: {  	[sflag:s20] =	ssyncset.done @!p5 $0x0  }
0x9e: {  	[sflag:s20] =	ssyncadd.s32 @!p5 $0xFFFFFFF0;
	s20 =	sld [smem:$0x7CF]  }
0x9f: {  	p4 =	por p0, !p3  }
0xa0: {  	s16 =	simm.s32 @!p4 $0x0;
	v0 =	vld @!p5 [tilespmem:$0x0]  }
0xa1: {  	v1 =	vld @!p5 [tilespmem:$0x360];
	[tilespmem:s16], [sflag:$0x5] =	stream.linear.gather @!p4 [hbm4b:s20+s16], $0x10, $0x38;
	[tilespmem:$0xFD80] =	vst v63  }
0xa2: {  	s16 =	simm.s32 @!p4 $0x5  }
0xa3: {  	_ =	swait.ge @!p4 [sflag:s16], $0x10  }
0xa4: {  	p0 =	seq.s32 @!p3 s4, $0x1A;
	[sflag:s16] =	ssyncset.done @!p4 $0x0;
	s20 =	sld [smem:$0x7D3]  }
0xa5: {  	p1 =	por !p0, p3;
	[sflag:s16] =	ssyncadd.s32 @!p4 $0xFFFFFFF0  }
0xa6: {  	s16 =	simm.s32 @!p1 $0x0;
	v2 =	vld @!p4 [tilespmem:$0x0]  }
0xa7: {  	v3 =	vld @!p4 [tilespmem:$0x370];
	[tilespmem:s16], [sflag:$0x5] =	stream.linear.gather @!p1 [hbm4b:s20+s16], $0x10, $0x38;
	[tilespmem:$0xFD80] =	vst v63  }
0xa8: {  	s20 =	simm.s32 @!p1 $0x5  }
0xa9: {  	_ =	swait.ge @!p1 [sflag:s20], $0x10  }
0xaa: {  	[sflag:s20] =	ssyncset.done @!p1 $0x0  }
0xab: {  	[sflag:s20] =	ssyncadd.s32 @!p1 $0xFFFFFFF0  }
0xac: {  	v4 =	vld @!p1 [tilespmem:$0x0]  }
0xad: {  	v5 =	vld @!p1 [tilespmem:$0x320];
	_ =	sdelay $0x4  }
0xae: {  	v4 =	vadd.f32 @!p1 v5, v4;
	_ =	sdelay $0x1  }
0xaf: {  	s25 =	rddreg [dreg:$0x7];
	[tilespmem:$0x0] =	vst @!p1 v4  }
0xb0: {  	[hbm4b:s25+s16] =	stream.linear.scatter @!p1 [tilespmem:s16], [sflag:$0x5], $0x10, $0x38;
	[tilespmem:$0xFD80] =	vst v63  }
0xb1: {  	_ =	swait.ge @!p1 [sflag:s20], $0x10  }
0xb2: {  	s25 =	sld [smem:$0x7D4]  }
0xb3: {  	[sflag:s20] =	ssyncset.done @!p1 $0x0  }
0xb4: {  	[sflag:s20] =	ssyncadd.s32 @!p1 $0xFFFFFFF0  }
0xb5: {  	[tilespmem:s16], [sflag:$0x5] =	stream.linear.gather @!p1 [hbm4b:s25+s16], $0x10, $0x38;
	[tilespmem:$0xFD80] =	vst v63  }
0xb6: {  	_ =	swait.ge @!p1 [sflag:s20], $0x10  }
0xb7: {  	[sflag:s20] =	ssyncset.done @!p1 $0x0  }
0xb8: {  	[sflag:s20] =	ssyncadd.s32 @!p1 $0xFFFFFFF0;
	s20 =	sld [smem:$0x7D2]  }
0xb9: {  	p0 =	por p0, p3  }
0xba: {  	s16 =	simm.s32 @!p0 $0x0;
	v4 =	vld @!p1 [tilespmem:$0x0]  }
0xbb: {  	v5 =	vld @!p1 [tilespmem:$0x330];
	[tilespmem:s16], [sflag:$0x5] =	stream.linear.gather @!p0 [hbm4b:s20+s16], $0x10, $0x38;
	[tilespmem:$0xFD80] =	vst v63  }
0xbc: {  	s16 =	simm.s32 @!p0 $0x5  }
0xbd: {  	_ =	swait.ge @!p0 [sflag:s16], $0x10  }
0xbe: {  	[sflag:s16] =	ssyncset.done @!p0 $0x0  }
0xbf: {  	[sflag:s16] =	ssyncadd.s32 @!p0 $0xFFFFFFF0  }
0xc0: {  	v6 =	vld @!p0 [tilespmem:$0x0]  }
0xc1: {  	v7 =	vld @!p0 [tilespmem:$0x340];
	_ =	sdelay $0x2  }
0xc2: {  	s20 =	rddreg [dreg:$0x8]  }
0xc3: {  	v0 =	vadd.f32 @!p5 v1, v0;
	v2 =	vadd.f32 @!p4 v3, v2;
	s25 =	rddreg [dreg:$0x3]  }
0xc4: {  	v1 =	vadd.f32 @!p1 v5, v4;
	s16 =	rddreg [dreg:$0x5];
	v3 =	vadd.f32 @!p0 v7, v6  }
0xc5: {  	s16 =	smov.u32 @p5 s25;
	s25 =	rddreg [dreg:$0x6]  }
0xc6: {  	v0 =	vpsel p5, v2, v0;
	s20 =	smov.u32 @p1 s25;
	v1 =	vpsel p1, v3, v1  }
0xc7: {  	p5 =	por p2, p2;
	s20 =	smov.u32 @p3 s16;
	v0 =	vpsel p3, v0, v1  }
.LBB2_37:
0xc8: {  	s28 =	sadd.s32 $0x1, s28  }
0xc9: {  	p0 =	sne.s32 s28, s17  }
.Ltmp2:
0xca: {  	[tilespmem:$0x0] =	vst v0;
	(pc) =	sbr.rel @!p0 .LBB2_38-.Ltmp2, $4  }
0xcb: {  	[hbm4b:s20+s3] =	stream.linear.scatter [tilespmem:s3], [sflag:$0x5], $0x10, $0x38;
	[tilespmem:$0xFD80] =	vst v63  }
0xcc: {  	_ =	swait.ge [sflag:s1], $0x10  }
0xcd: {  	[sflag:s1] =	ssyncset.done $0x0  }
0xce: {  	[sflag:s1] =	ssyncadd.s32 $0xFFFFFFF0  }
.LBB2_2:
0xcf: {  	s20 =	simm.s32 $0x380  }
0xd0: {  	s25 =	simm.s32 $0x10;
	s26 =	sadd.s32 $0x0, s18;
	s16 =	simm.s32 $0x480  }
.LBB2_3:
0xd1: {  	[tilespmem:s20], [sflag:$0x1] =	stream.linear.gather [hbm4b:s26+s3], $0x80, $0x38;
	[tilespmem:$0xFD80] =	vst v63  }
0xd2: {  	s26 =	smov.u32 s25;
	s20 =	smov.u32 s16;
	p0 =	sne.s32 s25, $0xF90  }
.Ltmp3:
0xd3: {  	s25 =	sadd.s32 $0x10, s25;
	(pc) =	sbr.rel @p0 .LBB2_3-.Ltmp3, $2  }
0xd4: {  	_ =	sdelay $0x2  }
0xd5: {  	s16 =	sadd.s32 $0x100, s16;
	s26 =	sadd.s32 s26, s18  }
0xd6: {  	[tilespmem:s20], [sflag:$0x1] =	stream.linear.gather [hbm4b:s26+s3], $0x80, $0x38;
	[tilespmem:$0xFD80] =	vst v63  }
0xd7: {  	s20 =	simm.s32 $0x400  }
0xd8: {  	s25 =	simm.s32 $0x10;
	s26 =	sadd.s32 $0x0, s7;
	s16 =	simm.s32 $0x500  }
.LBB2_5:
0xd9: {  	[tilespmem:s20], [sflag:$0x2] =	stream.linear.gather [hbm4b:s26+s3], $0x80, $0x38;
	[tilespmem:$0xFD80] =	vst v63  }
0xda: {  	s26 =	smov.u32 s25;
	s20 =	smov.u32 s16;
	p0 =	sne.s32 s25, $0xF90  }
.Ltmp4:
0xdb: {  	s25 =	sadd.s32 $0x10, s25;
	(pc) =	sbr.rel @p0 .LBB2_5-.Ltmp4, $2  }
0xdc: {  	_ =	sdelay $0x2  }
0xdd: {  	s16 =	sadd.s32 $0x100, s16;
	s26 =	sadd.s32 s26, s7  }
0xde: {  	[tilespmem:s20], [sflag:$0x2] =	stream.linear.gather [hbm4b:s26+s3], $0x80, $0x38;
	[tilespmem:$0xFD80] =	vst v63  }
0xdf: {  	_ =	swait.ge [sflag:s29], $0x7D00  }
0xe0: {  	s20 =	simm.s32 $0x380;
	s25 =	simm.s32 $0x10;
	[sflag:s29] =	ssyncset.done $0x0  }
0xe1: {  	s26 =	sadd.s32 $0x0, s15;
	s16 =	simm.s32 $0x480;
	[sflag:s29] =	ssyncadd.s32 $0xFFFF8300  }
.LBB2_7:
0xe2: {  	[hbm4b:s26+s3] =	stream.linear.scatter [tilespmem:s20], [sflag:$0x3], $0x80, $0x38;
	[tilespmem:$0xFD80] =	vst v63  }
0xe3: {  	s26 =	smov.u32 s25;
	s20 =	smov.u32 s16;
	p0 =	sne.s32 s25, $0xF90  }
.Ltmp5:
0xe4: {  	s25 =	sadd.s32 $0x10, s25;
	(pc) =	sbr.rel @p0 .LBB2_7-.Ltmp5, $2  }
0xe5: {  	_ =	sdelay $0x2  }
0xe6: {  	s16 =	sadd.s32 $0x100, s16;
	s26 =	sadd.s32 s26, s15  }
0xe7: {  	[hbm4b:s26+s3] =	stream.linear.scatter [tilespmem:s20], [sflag:$0x3], $0x80, $0x38;
	[tilespmem:$0xFD80] =	vst v63  }
0xe8: {  	_ =	swait.ge [sflag:s30], $0x7D00  }
0xe9: {  	s20 =	simm.s32 $0x380;
	s25 =	simm.s32 $0x10;
	[sflag:s30] =	ssyncset.done $0x0  }
0xea: {  	s26 =	sadd.s32 $0x0, s8;
	s16 =	simm.s32 $0x480;
	[sflag:s30] =	ssyncadd.s32 $0xFFFF8300  }
.LBB2_9:
0xeb: {  	[tilespmem:s20], [sflag:$0x1] =	stream.linear.gather [hbm4b:s26+s3], $0x80, $0x38;
	[tilespmem:$0xFD80] =	vst v63  }
0xec: {  	s26 =	smov.u32 s25;
	s20 =	smov.u32 s16;
	p0 =	sne.s32 s25, $0xF90  }
.Ltmp6:
0xed: {  	s25 =	sadd.s32 $0x10, s25;
	(pc) =	sbr.rel @p0 .LBB2_9-.Ltmp6, $2  }
0xee: {  	_ =	sdelay $0x2  }
0xef: {  	s16 =	sadd.s32 $0x100, s16;
	s26 =	sadd.s32 s26, s8  }
0xf0: {  	[tilespmem:s20], [sflag:$0x1] =	stream.linear.gather [hbm4b:s26+s3], $0x80, $0x38;
	[tilespmem:$0xFD80] =	vst v63  }
0xf1: {  	_ =	swait.ge [sflag:s23], $0x7D00  }
0xf2: {  	s20 =	simm.s32 $0x400;
	s25 =	simm.s32 $0x10;
	[sflag:s23] =	ssyncset.done $0x0  }
0xf3: {  	s26 =	sadd.s32 $0x0, s9;
	s16 =	simm.s32 $0x500;
	[sflag:s23] =	ssyncadd.s32 $0xFFFF8300  }
.LBB2_11:
0xf4: {  	[hbm4b:s26+s3] =	stream.linear.scatter [tilespmem:s20], [sflag:$0x4], $0x80, $0x38;
	[tilespmem:$0xFD80] =	vst v63  }
0xf5: {  	s26 =	smov.u32 s25;
	s20 =	smov.u32 s16;
	p0 =	sne.s32 s25, $0xF90  }
.Ltmp7:
0xf6: {  	s25 =	sadd.s32 $0x10, s25;
	(pc) =	sbr.rel @p0 .LBB2_11-.Ltmp7, $2  }
0xf7: {  	_ =	sdelay $0x2  }
0xf8: {  	s16 =	sadd.s32 $0x100, s16;
	s26 =	sadd.s32 s26, s9  }
0xf9: {  	[hbm4b:s26+s3] =	stream.linear.scatter [tilespmem:s20], [sflag:$0x4], $0x80, $0x38;
	[tilespmem:$0xFD80] =	vst v63  }
0xfa: {  	_ =	swait.ge [sflag:s0], $0x7D00  }
0xfb: {  	s20 =	simm.s32 $0x400;
	s25 =	simm.s32 $0x10;
	[sflag:s0] =	ssyncset.done $0x0  }
0xfc: {  	s26 =	sadd.s32 $0x0, s10;
	s16 =	simm.s32 $0x500;
	[sflag:s0] =	ssyncadd.s32 $0xFFFF8300  }
.LBB2_13:
0xfd: {  	[tilespmem:s20], [sflag:$0x2] =	stream.linear.gather [hbm4b:s26+s3], $0x80, $0x38;
	[tilespmem:$0xFD80] =	vst v63  }
0xfe: {  	s26 =	smov.u32 s25;
	s20 =	smov.u32 s16;
	p0 =	sne.s32 s25, $0xF90  }
.Ltmp8:
0xff: {  	s25 =	sadd.s32 $0x10, s25;
	(pc) =	sbr.rel @p0 .LBB2_13-.Ltmp8, $2  }
0x100: {  	_ =	sdelay $0x2  }
0x101: {  	s16 =	sadd.s32 $0x100, s16;
	s26 =	sadd.s32 s26, s10  }
0x102: {  	[tilespmem:s20], [sflag:$0x2] =	stream.linear.gather [hbm4b:s26+s3], $0x80, $0x38;
	[tilespmem:$0xFD80] =	vst v63  }
0x103: {  	_ =	swait.ge [sflag:s29], $0x7D00  }
0x104: {  	s20 =	simm.s32 $0x380;
	s25 =	simm.s32 $0x10;
	[sflag:s29] =	ssyncset.done $0x0  }
0x105: {  	s26 =	sadd.s32 $0x0, s11;
	s16 =	simm.s32 $0x480;
	[sflag:s29] =	ssyncadd.s32 $0xFFFF8300  }
.LBB2_15:
0x106: {  	[hbm4b:s26+s3] =	stream.linear.scatter [tilespmem:s20], [sflag:$0x3], $0x80, $0x38;
	[tilespmem:$0xFD80] =	vst v63  }
0x107: {  	s26 =	smov.u32 s25;
	s20 =	smov.u32 s16;
	p0 =	sne.s32 s25, $0xF90  }
.Ltmp9:
0x108: {  	s25 =	sadd.s32 $0x10, s25;
	(pc) =	sbr.rel @p0 .LBB2_15-.Ltmp9, $2  }
0x109: {  	_ =	sdelay $0x2  }
0x10a: {  	s16 =	sadd.s32 $0x100, s16;
	s26 =	sadd.s32 s26, s11  }
0x10b: {  	[hbm4b:s26+s3] =	stream.linear.scatter [tilespmem:s20], [sflag:$0x3], $0x80, $0x38;
	[tilespmem:$0xFD80] =	vst v63  }
0x10c: {  	_ =	swait.ge [sflag:s30], $0x7D00  }
0x10d: {  	s20 =	simm.s32 $0x380;
	s25 =	simm.s32 $0x10;
	[sflag:s30] =	ssyncset.done $0x0  }
0x10e: {  	s26 =	sadd.s32 $0x0, s12;
	s16 =	simm.s32 $0x480;
	[sflag:s30] =	ssyncadd.s32 $0xFFFF8300  }
.LBB2_17:
0x10f: {  	[tilespmem:s20], [sflag:$0x1] =	stream.linear.gather [hbm4b:s26+s3], $0x80, $0x38;
	[tilespmem:$0xFD80] =	vst v63  }
0x110: {  	s26 =	smov.u32 s25;
	s20 =	smov.u32 s16;
	p0 =	sne.s32 s25, $0xF90  }
.Ltmp10:
0x111: {  	s25 =	sadd.s32 $0x10, s25;
	(pc) =	sbr.rel @p0 .LBB2_17-.Ltmp10, $2  }
0x112: {  	_ =	sdelay $0x2  }
0x113: {  	s16 =	sadd.s32 $0x100, s16;
	s26 =	sadd.s32 s26, s12  }
0x114: {  	[tilespmem:s20], [sflag:$0x1] =	stream.linear.gather [hbm4b:s26+s3], $0x80, $0x38;
	[tilespmem:$0xFD80] =	vst v63  }
0x115: {  	_ =	swait.ge [sflag:s23], $0x7D00  }
0x116: {  	s20 =	simm.s32 $0x400;
	s25 =	simm.s32 $0x10;
	[sflag:s23] =	ssyncset.done $0x0  }
0x117: {  	s26 =	sadd.s32 $0x0, s13;
	s16 =	simm.s32 $0x500;
	[sflag:s23] =	ssyncadd.s32 $0xFFFF8300  }
.LBB2_19:
0x118: {  	[hbm4b:s26+s3] =	stream.linear.scatter [tilespmem:s20], [sflag:$0x4], $0x80, $0x38;
	[tilespmem:$0xFD80] =	vst v63  }
0x119: {  	s26 =	smov.u32 s25;
	s20 =	smov.u32 s16;
	p0 =	sne.s32 s25, $0xF90  }
.Ltmp11:
0x11a: {  	s25 =	sadd.s32 $0x10, s25;
	(pc) =	sbr.rel @p0 .LBB2_19-.Ltmp11, $2  }
0x11b: {  	_ =	sdelay $0x2  }
0x11c: {  	s16 =	sadd.s32 $0x100, s16;
	s26 =	sadd.s32 s26, s13  }
0x11d: {  	[hbm4b:s26+s3] =	stream.linear.scatter [tilespmem:s20], [sflag:$0x4], $0x80, $0x38;
	[tilespmem:$0xFD80] =	vst v63  }
0x11e: {  	_ =	swait.ge [sflag:s29], $0x7D00  }
0x11f: {  	s20 =	simm.s32 $0x380;
	s25 =	simm.s32 $0x10;
	[sflag:s29] =	ssyncset.done $0x0  }
0x120: {  	s26 =	sadd.s32 $0x0, s14;
	s16 =	simm.s32 $0x480;
	[sflag:s29] =	ssyncadd.s32 $0xFFFF8300  }
.LBB2_21:
0x121: {  	[hbm4b:s26+s3] =	stream.linear.scatter [tilespmem:s20], [sflag:$0x3], $0x80, $0x38;
	[tilespmem:$0xFD80] =	vst v63  }
0x122: {  	s26 =	smov.u32 s25;
	s20 =	smov.u32 s16;
	p0 =	sne.s32 s25, $0xF90  }
.Ltmp12:
0x123: {  	s25 =	sadd.s32 $0x10, s25;
	(pc) =	sbr.rel @p0 .LBB2_21-.Ltmp12, $2  }
0x124: {  	_ =	sdelay $0x2  }
0x125: {  	s16 =	sadd.s32 $0x100, s16;
	s26 =	sadd.s32 s26, s14  }
0x126: {  	[hbm4b:s26+s3] =	stream.linear.scatter [tilespmem:s20], [sflag:$0x3], $0x80, $0x38;
	[tilespmem:$0xFD80] =	vst v63  }
0x127: {  	_ =	swait.ge [sflag:s0], $0x7D00  }
0x128: {  	[sflag:s0] =	ssyncset.done $0x0  }
0x129: {  	[sflag:s0] =	ssyncadd.s32 $0xFFFF8300  }
0x12a: {  	_ =	swait.ge [sflag:s30], $0x7D00  }
0x12b: {  	[sflag:s30] =	ssyncset.done $0x0  }
.Ltmp13:
0x12c: {  	[sflag:s30] =	ssyncadd.s32 $0xFFFF8300;
	(pc) =	sbr.rel @p5 .LBB2_30-.Ltmp13, $4  }
0x12d: {  	[tilespmem:s24], [sflag:$0x5] =	stream.linear.gather [hbm4b:s5+s3], $0x300, $0x38;
	[tilespmem:$0xFD80] =	vst v63  }
0x12e: {  	_ =	swait.ge [sflag:s1], $0x300  }
0x12f: {  	[sflag:s1] =	ssyncset.done $0x0  }
0x130: {  	[sflag:s1] =	ssyncadd.s32 $0xFFFFFD00  }
0x131: {  	s16 =	sld [smem:$0x7C9];
	_ =	sdelay $0x2  }
0x132: {  	p0 =	seq.s32 s16, $0x1  }
.Ltmp14:
0x133: {  	_ = 	snop;
	(pc) =	sbr.rel @!p0 .LBB2_24-.Ltmp14, $1  }
0x134: {  	_ =	sdelay $0x3  }
0x135: {  	s16 =	sld [smem:$0x7CB];
	_ =	sdelay $0x2  }
0x136: {  	p0 =	seq.s32 s16, $0x1  }
.Ltmp15:
0x137: {  	_ = 	snop;
	(pc) =	sbr.rel @p0 .LBB2_29-.Ltmp15, $1  }
0x138: {  	_ =	sdelay $0x3  }
0x139: {  	s16 =	sld [smem:$0x7B2];
	_ =	sdelay $0x1  }
0x13a: {  	s20 =	sld [smem:$0x7EF]  }
0x13b: {  	p0 =	seq.s32 s16, $0x1  }
0x13c: {  	s16 =	simm.s32 @!p0 $0x0  }
0x13d: {  	[tilespmem:s16], [sflag:$0x5] =	stream.linear.gather @!p0 [hbm4b:s20+s16], $0x10, $0x38;
	[tilespmem:$0xFD80] =	vst v63  }
0x13e: {  	s16 =	simm.s32 @!p0 $0x5  }
0x13f: {  	_ =	swait.ge @!p0 [sflag:s16], $0x10  }
0x140: {  	s26 =	sld [smem:$0x7C1];
	_ =	sdelay $0x1  }
0x141: {  	[sflag:s16] =	ssyncset.done @!p0 $0x0;
	s20 =	sld [smem:$0x7ED]  }
0x142: {  	[sflag:s16] =	ssyncadd.s32 @!p0 $0xFFFFFFF0;
	p3 =	seq.s32 s26, $0x1  }
0x143: {  	v0 =	vld @!p0 [tilespmem:$0x0];
	s16 =	simm.s32 @!p3 $0x0  }
0x144: {  	v1 =	vld @!p0 [tilespmem:$0x170];
	[tilespmem:s16], [sflag:$0x5] =	stream.linear.gather @!p3 [hbm4b:s20+s16], $0x10, $0x38;
	[tilespmem:$0xFD80] =	vst v63  }
0x145: {  	s20 =	simm.s32 @!p3 $0x5  }
0x146: {  	_ =	swait.ge @!p3 [sflag:s20], $0x10  }
0x147: {  	[sflag:s20] =	ssyncset.done @!p3 $0x0  }
0x148: {  	[sflag:s20] =	ssyncadd.s32 @!p3 $0xFFFFFFF0  }
0x149: {  	v2 =	vld @!p3 [tilespmem:$0x0]  }
0x14a: {  	v3 =	vld @!p3 [tilespmem:$0x180];
	_ =	sdelay $0x4  }
0x14b: {  	v2 =	vadd.f32 @!p3 v3, v2;
	_ =	sdelay $0x1  }
0x14c: {  	s25 =	rddreg [dreg:$0x1d];
	[tilespmem:$0x0] =	vst @!p3 v2  }
0x14d: {  	[hbm4b:s25+s16] =	stream.linear.scatter @!p3 [tilespmem:s16], [sflag:$0x5], $0x10, $0x38;
	[tilespmem:$0xFD80] =	vst v63  }
0x14e: {  	_ =	swait.ge @!p3 [sflag:s20], $0x10  }
0x14f: {  	s25 =	sld [smem:$0x7EE]  }
0x150: {  	[sflag:s20] =	ssyncset.done @!p3 $0x0  }
0x151: {  	[sflag:s20] =	ssyncadd.s32 @!p3 $0xFFFFFFF0  }
0x152: {  	[tilespmem:s16], [sflag:$0x5] =	stream.linear.gather @!p3 [hbm4b:s25+s16], $0x10, $0x38;
	[tilespmem:$0xFD80] =	vst v63  }
0x153: {  	_ =	swait.ge @!p3 [sflag:s20], $0x10  }
0x154: {  	[sflag:s20] =	ssyncset.done @!p3 $0x0  }
0x155: {  	[sflag:s20] =	ssyncadd.s32 @!p3 $0xFFFFFFF0;
	s20 =	sld [smem:$0x7B3];
	_ =	sdelay $0x2  }
0x156: {  	p1 =	seq.s32 s20, $0x1;
	s20 =	sld [smem:$0x7F2];
	_ =	sdelay $0x1  }
0x157: {  	v2 =	vld @!p3 [tilespmem:$0x0];
	s16 =	simm.s32 @!p1 $0x0  }
0x158: {  	v3 =	vld @!p3 [tilespmem:$0x190];
	[tilespmem:s16], [sflag:$0x5] =	stream.linear.gather @!p1 [hbm4b:s20+s16], $0x10, $0x38;
	[tilespmem:$0xFD80] =	vst v63  }
0x159: {  	s16 =	simm.s32 @!p1 $0x5  }
0x15a: {  	_ =	swait.ge @!p1 [sflag:s16], $0x10  }
0x15b: {  	s25 =	sld [smem:$0x7C4];
	_ =	sdelay $0x1  }
0x15c: {  	[sflag:s16] =	ssyncset.done @!p1 $0x0;
	s20 =	sld [smem:$0x7F0]  }
0x15d: {  	[sflag:s16] =	ssyncadd.s32 @!p1 $0xFFFFFFF0;
	p4 =	seq.s32 s25, $0x1  }
0x15e: {  	v4 =	vld @!p1 [tilespmem:$0x0];
	s16 =	simm.s32 @!p4 $0x0  }
0x15f: {  	v5 =	vld @!p1 [tilespmem:$0x140];
	[tilespmem:s16], [sflag:$0x5] =	stream.linear.gather @!p4 [hbm4b:s20+s16], $0x10, $0x38;
	[tilespmem:$0xFD80] =	vst v63  }
0x160: {  	s20 =	simm.s32 @!p4 $0x5  }
0x161: {  	_ =	swait.ge @!p4 [sflag:s20], $0x10  }
0x162: {  	[sflag:s20] =	ssyncset.done @!p4 $0x0  }
0x163: {  	[sflag:s20] =	ssyncadd.s32 @!p4 $0xFFFFFFF0  }
0x164: {  	v6 =	vld @!p4 [tilespmem:$0x0]  }
0x165: {  	v7 =	vld @!p4 [tilespmem:$0x150];
	_ =	sdelay $0x4  }
0x166: {  	v6 =	vadd.f32 @!p4 v7, v6;
	_ =	sdelay $0x1  }
0x167: {  	s25 =	rddreg [dreg:$0x1e];
	[tilespmem:$0x0] =	vst @!p4 v6  }
0x168: {  	[hbm4b:s25+s16] =	stream.linear.scatter @!p4 [tilespmem:s16], [sflag:$0x5], $0x10, $0x38;
	[tilespmem:$0xFD80] =	vst v63  }
0x169: {  	_ =	swait.ge @!p4 [sflag:s20], $0x10  }
0x16a: {  	s25 =	sld [smem:$0x7F1]  }
0x16b: {  	[sflag:s20] =	ssyncset.done @!p4 $0x0  }
0x16c: {  	[sflag:s20] =	ssyncadd.s32 @!p4 $0xFFFFFFF0  }
0x16d: {  	[tilespmem:s16], [sflag:$0x5] =	stream.linear.gather @!p4 [hbm4b:s25+s16], $0x10, $0x38;
	[tilespmem:$0xFD80] =	vst v63  }
0x16e: {  	_ =	swait.ge @!p4 [sflag:s20], $0x10  }
0x16f: {  	[sflag:s20] =	ssyncset.done @!p4 $0x0  }
0x170: {  	[sflag:s20] =	ssyncadd.s32 @!p4 $0xFFFFFFF0  }
0x171: {  	v6 =	vld @!p4 [tilespmem:$0x0]  }
0x172: {  	v7 =	vld @!p4 [tilespmem:$0x160];
	_ =	sdelay $0x3  }
.Ltmp16:
0x173: {  	v0 =	vadd.f32 @!p0 v1, v0;
	v1 =	vadd.f32 @!p3 v3, v2;
	s26 =	sld [smem:$0x7C2];
	(pc) =	sbr.rel .LBB2_37-.Ltmp16, $3  }
0x174: {  	v2 =	vadd.f32 @!p1 v5, v4;
	v3 =	vadd.f32 @!p4 v7, v6;
	_ =	sdelay $0x1  }
0x175: {  	v0 =	vpsel p0, v1, v0;
	p4 =	seq.s32 s26, $0x1;
	v1 =	vpsel p1, v3, v2  }
0x176: {  	s20 =	smov.u32 s21;
	v0 =	vpsel p4, v0, v1  }
.LBB2_30:
0x177: {  	s16 =	sld [smem:$0x7CC];
	_ =	sdelay $0x2  }
0x178: {  	p0 =	seq.s32 s16, $0x1  }
.Ltmp17:
0x179: {  	_ = 	snop;
	(pc) =	sbr.rel @!p0 .LBB2_31-.Ltmp17, $1  }
0x17a: {  	_ =	sdelay $0x3  }
0x17b: {  	p0 =	sgt.s32 s4, $0x19  }
.Ltmp18:
0x17c: {  	_ = 	snop;
	(pc) =	sbr.rel @p0 .LBB2_36-.Ltmp18, $1  }
0x17d: {  	_ =	sdelay $0x3  }
0x17e: {  	p3 =	sgt.s32 s4, $0x17  }
0x17f: {  	s20 =	sld [smem:$0x7D7];
	p0 =	seq.s32 @p3 s4, $0x18  }
0x180: {  	p5 =	por !p0, !p3  }
0x181: {  	s16 =	simm.s32 @!p5 $0x0  }
0x182: {  	[tilespmem:s16], [sflag:$0x5] =	stream.linear.gather @!p5 [hbm4b:s20+s16], $0x10, $0x38;
	[tilespmem:$0xFD80] =	vst v63  }
0x183: {  	s16 =	simm.s32 @!p5 $0x5  }
0x184: {  	_ =	swait.ge @!p5 [sflag:s16], $0x10  }
0x185: {  	[sflag:s16] =	ssyncset.done @!p5 $0x0;
	s20 =	sld [smem:$0x7D5]  }
0x186: {  	p4 =	por p0, !p3;
	[sflag:s16] =	ssyncadd.s32 @!p5 $0xFFFFFFF0  }
0x187: {  	s16 =	simm.s32 @!p4 $0x0;
	v0 =	vld @!p5 [tilespmem:$0x0]  }
0x188: {  	v1 =	vld @!p5 [tilespmem:$0x2F0];
	[tilespmem:s16], [sflag:$0x5] =	stream.linear.gather @!p4 [hbm4b:s20+s16], $0x10, $0x38;
	[tilespmem:$0xFD80] =	vst v63  }
0x189: {  	s20 =	simm.s32 @!p4 $0x5  }
0x18a: {  	_ =	swait.ge @!p4 [sflag:s20], $0x10  }
0x18b: {  	[sflag:s20] =	ssyncset.done @!p4 $0x0  }
0x18c: {  	[sflag:s20] =	ssyncadd.s32 @!p4 $0xFFFFFFF0  }
0x18d: {  	v2 =	vld @!p4 [tilespmem:$0x0]  }
0x18e: {  	v3 =	vld @!p4 [tilespmem:$0x300];
	_ =	sdelay $0x4  }
0x18f: {  	v2 =	vadd.f32 @!p4 v3, v2;
	_ =	sdelay $0x1  }
0x190: {  	s25 =	rddreg [dreg:$0x9];
	[tilespmem:$0x0] =	vst @!p4 v2  }
0x191: {  	[hbm4b:s25+s16] =	stream.linear.scatter @!p4 [tilespmem:s16], [sflag:$0x5], $0x10, $0x38;
	[tilespmem:$0xFD80] =	vst v63  }
0x192: {  	_ =	swait.ge @!p4 [sflag:s20], $0x10  }
0x193: {  	s25 =	sld [smem:$0x7D6]  }
0x194: {  	[sflag:s20] =	ssyncset.done @!p4 $0x0  }
0x195: {  	[sflag:s20] =	ssyncadd.s32 @!p4 $0xFFFFFFF0  }
0x196: {  	[tilespmem:s16], [sflag:$0x5] =	stream.linear.gather @!p4 [hbm4b:s25+s16], $0x10, $0x38;
	[tilespmem:$0xFD80] =	vst v63  }
0x197: {  	_ =	swait.ge @!p4 [sflag:s20], $0x10  }
0x198: {  	[sflag:s20] =	ssyncset.done @!p4 $0x0  }
0x199: {  	p0 =	seq.s32 @!p3 s4, $0x16;
	[sflag:s20] =	ssyncadd.s32 @!p4 $0xFFFFFFF0;
	s20 =	sld [smem:$0x7DA]  }
0x19a: {  	p1 =	por !p0, p3  }
0x19b: {  	s16 =	simm.s32 @!p1 $0x0;
	v2 =	vld @!p4 [tilespmem:$0x0]  }
0x19c: {  	v3 =	vld @!p4 [tilespmem:$0x310];
	[tilespmem:s16], [sflag:$0x5] =	stream.linear.gather @!p1 [hbm4b:s20+s16], $0x10, $0x38;
	[tilespmem:$0xFD80] =	vst v63  }
0x19d: {  	s16 =	simm.s32 @!p1 $0x5  }
0x19e: {  	_ =	swait.ge @!p1 [sflag:s16], $0x10  }
0x19f: {  	[sflag:s16] =	ssyncset.done @!p1 $0x0;
	s20 =	sld [smem:$0x7D8]  }
0x1a0: {  	p0 =	por p0, p3;
	[sflag:s16] =	ssyncadd.s32 @!p1 $0xFFFFFFF0  }
0x1a1: {  	s16 =	simm.s32 @!p0 $0x0;
	v4 =	vld @!p1 [tilespmem:$0x0]  }
0x1a2: {  	v5 =	vld @!p1 [tilespmem:$0x2C0];
	[tilespmem:s16], [sflag:$0x5] =	stream.linear.gather @!p0 [hbm4b:s20+s16], $0x10, $0x38;
	[tilespmem:$0xFD80] =	vst v63  }
0x1a3: {  	s20 =	simm.s32 @!p0 $0x5  }
0x1a4: {  	_ =	swait.ge @!p0 [sflag:s20], $0x10  }
0x1a5: {  	[sflag:s20] =	ssyncset.done @!p0 $0x0  }
0x1a6: {  	[sflag:s20] =	ssyncadd.s32 @!p0 $0xFFFFFFF0  }
0x1a7: {  	v6 =	vld @!p0 [tilespmem:$0x0]  }
0x1a8: {  	v7 =	vld @!p0 [tilespmem:$0x2D0];
	_ =	sdelay $0x4  }
0x1a9: {  	v6 =	vadd.f32 @!p0 v7, v6;
	_ =	sdelay $0x1  }
0x1aa: {  	s25 =	rddreg [dreg:$0xc];
	[tilespmem:$0x0] =	vst @!p0 v6  }
0x1ab: {  	[hbm4b:s25+s16] =	stream.linear.scatter @!p0 [tilespmem:s16], [sflag:$0x5], $0x10, $0x38;
	[tilespmem:$0xFD80] =	vst v63  }
0x1ac: {  	_ =	swait.ge @!p0 [sflag:s20], $0x10  }
0x1ad: {  	s25 =	sld [smem:$0x7D9]  }
0x1ae: {  	[sflag:s20] =	ssyncset.done @!p0 $0x0  }
0x1af: {  	[sflag:s20] =	ssyncadd.s32 @!p0 $0xFFFFFFF0  }
0x1b0: {  	[tilespmem:s16], [sflag:$0x5] =	stream.linear.gather @!p0 [hbm4b:s25+s16], $0x10, $0x38;
	[tilespmem:$0xFD80] =	vst v63  }
0x1b1: {  	_ =	swait.ge @!p0 [sflag:s20], $0x10  }
0x1b2: {  	[sflag:s20] =	ssyncset.done @!p0 $0x0  }
0x1b3: {  	[sflag:s20] =	ssyncadd.s32 @!p0 $0xFFFFFFF0  }
0x1b4: {  	v6 =	vld @!p0 [tilespmem:$0x0]  }
0x1b5: {  	v7 =	vld @!p0 [tilespmem:$0x2E0];
	_ =	sdelay $0x2  }
0x1b6: {  	s16 =	rddreg [dreg:$0xb]  }
.Ltmp19:
0x1b7: {  	v0 =	vadd.f32 @!p5 v1, v0;
	v2 =	vadd.f32 @!p4 v3, v2;
	s25 =	rddreg [dreg:$0xa];
	(pc) =	sbr.rel .LBB2_37-.Ltmp19, $4  }
0x1b8: {  	v1 =	vadd.f32 @!p1 v5, v4;
	s20 =	rddreg [dreg:$0xe];
	v3 =	vadd.f32 @!p0 v7, v6  }
0x1b9: {  	s16 =	smov.u32 @p5 s25;
	s25 =	rddreg [dreg:$0xd]  }
0x1ba: {  	v0 =	vpsel p5, v2, v0;
	s20 =	smov.u32 @p1 s25;
	v1 =	vpsel p1, v3, v1  }
0x1bb: {  	p5 =	por p2, p2;
	s20 =	smov.u32 @p3 s16;
	v0 =	vpsel p3, v0, v1  }
.LBB2_24:
0x1bc: {  	s16 =	sld [smem:$0x7CA];
	_ =	sdelay $0x2  }
0x1bd: {  	p0 =	seq.s32 s16, $0x1  }
.Ltmp20:
0x1be: {  	_ = 	snop;
	(pc) =	sbr.rel @!p0 .LBB2_25-.Ltmp20, $1  }
0x1bf: {  	_ =	sdelay $0x3  }
0x1c0: {  	s16 =	sld [smem:$0x7B0];
	_ =	sdelay $0x1  }
0x1c1: {  	s20 =	sld [smem:$0x7F5]  }
0x1c2: {  	p0 =	seq.s32 s16, $0x1  }
0x1c3: {  	s16 =	simm.s32 @!p0 $0x0  }
0x1c4: {  	[tilespmem:s16], [sflag:$0x5] =	stream.linear.gather @!p0 [hbm4b:s20+s16], $0x10, $0x38;
	[tilespmem:$0xFD80] =	vst v63  }
0x1c5: {  	s20 =	simm.s32 @!p0 $0x5  }
0x1c6: {  	_ =	swait.ge @!p0 [sflag:s20], $0x10  }
0x1c7: {  	[sflag:s20] =	ssyncset.done @!p0 $0x0  }
0x1c8: {  	[sflag:s20] =	ssyncadd.s32 @!p0 $0xFFFFFFF0  }
0x1c9: {  	v0 =	vld @!p0 [tilespmem:$0x0]  }
0x1ca: {  	v1 =	vld @!p0 [tilespmem:$0x100];
	_ =	sdelay $0x4  }
0x1cb: {  	s25 =	sld [smem:$0x7B5];
	v0 =	vadd.f32 @!p0 v1, v0;
	_ =	sdelay $0x1  }
0x1cc: {  	[tilespmem:$0x0] =	vst @!p0 v0  }
0x1cd: {  	[hbm4b:s25+s16] =	stream.linear.scatter @!p0 [tilespmem:s16], [sflag:$0x5], $0x10, $0x38;
	[tilespmem:$0xFD80] =	vst v63  }
0x1ce: {  	_ =	swait.ge @!p0 [sflag:s20], $0x10  }
0x1cf: {  	s25 =	sld [smem:$0x7F6]  }
0x1d0: {  	[sflag:s20] =	ssyncset.done @!p0 $0x0  }
0x1d1: {  	[sflag:s20] =	ssyncadd.s32 @!p0 $0xFFFFFFF0  }
0x1d2: {  	[tilespmem:s16], [sflag:$0x5] =	stream.linear.gather @!p0 [hbm4b:s25+s16], $0x10, $0x38;
	[tilespmem:$0xFD80] =	vst v63  }
0x1d3: {  	_ =	swait.ge @!p0 [sflag:s20], $0x10  }
0x1d4: {  	s26 =	sld [smem:$0x7BC]  }
0x1d5: {  	[sflag:s20] =	ssyncset.done @!p0 $0x0  }
0x1d6: {  	[sflag:s20] =	ssyncadd.s32 @!p0 $0xFFFFFFF0;
	s20 =	sld [smem:$0x7F3]  }
0x1d7: {  	p3 =	seq.s32 s26, $0x1  }
0x1d8: {  	v0 =	vld @!p0 [tilespmem:$0x0];
	s16 =	simm.s32 @!p3 $0x0  }
0x1d9: {  	v1 =	vld @!p0 [tilespmem:$0x110];
	[tilespmem:s16], [sflag:$0x5] =	stream.linear.gather @!p3 [hbm4b:s20+s16], $0x10, $0x38;
	[tilespmem:$0xFD80] =	vst v63  }
0x1da: {  	s20 =	simm.s32 @!p3 $0x5  }
0x1db: {  	_ =	swait.ge @!p3 [sflag:s20], $0x10  }
0x1dc: {  	[sflag:s20] =	ssyncset.done @!p3 $0x0  }
0x1dd: {  	[sflag:s20] =	ssyncadd.s32 @!p3 $0xFFFFFFF0  }
0x1de: {  	v2 =	vld @!p3 [tilespmem:$0x0]  }
0x1df: {  	v3 =	vld @!p3 [tilespmem:$0x120];
	_ =	sdelay $0x4  }
0x1e0: {  	v2 =	vadd.f32 @!p3 v3, v2;
	_ =	sdelay $0x1  }
0x1e1: {  	s25 =	rddreg [dreg:$0x1f];
	[tilespmem:$0x0] =	vst @!p3 v2  }
0x1e2: {  	[hbm4b:s25+s16] =	stream.linear.scatter @!p3 [tilespmem:s16], [sflag:$0x5], $0x10, $0x38;
	[tilespmem:$0xFD80] =	vst v63  }
0x1e3: {  	_ =	swait.ge @!p3 [sflag:s20], $0x10  }
0x1e4: {  	s25 =	sld [smem:$0x7F4]  }
0x1e5: {  	[sflag:s20] =	ssyncset.done @!p3 $0x0  }
0x1e6: {  	[sflag:s20] =	ssyncadd.s32 @!p3 $0xFFFFFFF0  }
0x1e7: {  	[tilespmem:s16], [sflag:$0x5] =	stream.linear.gather @!p3 [hbm4b:s25+s16], $0x10, $0x38;
	[tilespmem:$0xFD80] =	vst v63  }
0x1e8: {  	_ =	swait.ge @!p3 [sflag:s20], $0x10  }
0x1e9: {  	[sflag:s20] =	ssyncset.done @!p3 $0x0  }
0x1ea: {  	[sflag:s20] =	ssyncadd.s32 @!p3 $0xFFFFFFF0;
	s20 =	sld [smem:$0x7B1];
	_ =	sdelay $0x2  }
0x1eb: {  	p1 =	seq.s32 s20, $0x1;
	s20 =	sld [smem:$0x7F8];
	_ =	sdelay $0x1  }
0x1ec: {  	v2 =	vld @!p3 [tilespmem:$0x0];
	s16 =	simm.s32 @!p1 $0x0  }
0x1ed: {  	v3 =	vld @!p3 [tilespmem:$0x130];
	[tilespmem:s16], [sflag:$0x5] =	stream.linear.gather @!p1 [hbm4b:s20+s16], $0x10, $0x38;
	[tilespmem:$0xFD80] =	vst v63  }
0x1ee: {  	s20 =	simm.s32 @!p1 $0x5  }
0x1ef: {  	_ =	swait.ge @!p1 [sflag:s20], $0x10  }
0x1f0: {  	[sflag:s20] =	ssyncset.done @!p1 $0x0  }
0x1f1: {  	[sflag:s20] =	ssyncadd.s32 @!p1 $0xFFFFFFF0  }
0x1f2: {  	v4 =	vld @!p1 [tilespmem:$0x0]  }
0x1f3: {  	v5 =	vld @!p1 [tilespmem:$0xD0];
	_ =	sdelay $0x4  }
0x1f4: {  	s25 =	sld [smem:$0x7B6];
	v4 =	vadd.f32 @!p1 v5, v4;
	_ =	sdelay $0x1  }
0x1f5: {  	[tilespmem:$0x0] =	vst @!p1 v4  }
0x1f6: {  	[hbm4b:s25+s16] =	stream.linear.scatter @!p1 [tilespmem:s16], [sflag:$0x5], $0x10, $0x38;
	[tilespmem:$0xFD80] =	vst v63  }
0x1f7: {  	_ =	swait.ge @!p1 [sflag:s20], $0x10  }
0x1f8: {  	s25 =	sld [smem:$0x7F9]  }
0x1f9: {  	[sflag:s20] =	ssyncset.done @!p1 $0x0  }
0x1fa: {  	[sflag:s20] =	ssyncadd.s32 @!p1 $0xFFFFFFF0  }
0x1fb: {  	[tilespmem:s16], [sflag:$0x5] =	stream.linear.gather @!p1 [hbm4b:s25+s16], $0x10, $0x38;
	[tilespmem:$0xFD80] =	vst v63  }
0x1fc: {  	_ =	swait.ge @!p1 [sflag:s20], $0x10  }
0x1fd: {  	s25 =	sld [smem:$0x7BF]  }
0x1fe: {  	[sflag:s20] =	ssyncset.done @!p1 $0x0  }
0x1ff: {  	[sflag:s20] =	ssyncadd.s32 @!p1 $0xFFFFFFF0;
	s20 =	sld [smem:$0x7F7]  }
0x200: {  	p4 =	seq.s32 s25, $0x1  }
0x201: {  	v4 =	vld @!p1 [tilespmem:$0x0];
	s16 =	simm.s32 @!p4 $0x0  }
0x202: {  	v5 =	vld @!p1 [tilespmem:$0xE0];
	[tilespmem:s16], [sflag:$0x5] =	stream.linear.gather @!p4 [hbm4b:s20+s16], $0x10, $0x38;
	[tilespmem:$0xFD80] =	vst v63  }
0x203: {  	s16 =	simm.s32 @!p4 $0x5  }
0x204: {  	_ =	swait.ge @!p4 [sflag:s16], $0x10  }
0x205: {  	[sflag:s16] =	ssyncset.done @!p4 $0x0  }
0x206: {  	[sflag:s16] =	ssyncadd.s32 @!p4 $0xFFFFFFF0  }
0x207: {  	v6 =	vld @!p4 [tilespmem:$0x0]  }
0x208: {  	v7 =	vld @!p4 [tilespmem:$0xF0];
	_ =	sdelay $0x3  }
.Ltmp21:
0x209: {  	v0 =	vadd.f32 @!p0 v1, v0;
	v1 =	vadd.f32 @!p3 v3, v2;
	s26 =	sld [smem:$0x7BD];
	(pc) =	sbr.rel .LBB2_37-.Ltmp21, $3  }
0x20a: {  	v2 =	vadd.f32 @!p1 v5, v4;
	v3 =	vadd.f32 @!p4 v7, v6;
	_ =	sdelay $0x1  }
0x20b: {  	v0 =	vpsel p0, v1, v0;
	p4 =	seq.s32 s26, $0x1;
	v1 =	vpsel p1, v3, v2  }
0x20c: {  	s20 =	smov.u32 s31;
	v0 =	vpsel p4, v0, v1  }
.LBB2_31:
0x20d: {  	s16 =	sld [smem:$0x7CD];
	_ =	sdelay $0x2  }
0x20e: {  	p0 =	seq.s32 s16, $0x1  }
.Ltmp22:
0x20f: {  	_ = 	snop;
	(pc) =	sbr.rel @!p0 .LBB2_32-.Ltmp22, $1  }
0x210: {  	_ =	sdelay $0x3  }
0x211: {  	p3 =	sgt.s32 s4, $0x13  }
0x212: {  	s20 =	sld [smem:$0x7DD];
	p0 =	seq.s32 @p3 s4, $0x14  }
0x213: {  	p5 =	por !p0, !p3  }
0x214: {  	s16 =	simm.s32 @!p5 $0x0  }
0x215: {  	[tilespmem:s16], [sflag:$0x5] =	stream.linear.gather @!p5 [hbm4b:s20+s16], $0x10, $0x38;
	[tilespmem:$0xFD80] =	vst v63  }
0x216: {  	s20 =	simm.s32 @!p5 $0x5  }
0x217: {  	_ =	swait.ge @!p5 [sflag:s20], $0x10  }
0x218: {  	[sflag:s20] =	ssyncset.done @!p5 $0x0  }
0x219: {  	[sflag:s20] =	ssyncadd.s32 @!p5 $0xFFFFFFF0  }
0x21a: {  	v0 =	vld @!p5 [tilespmem:$0x0]  }
0x21b: {  	v1 =	vld @!p5 [tilespmem:$0x280];
	_ =	sdelay $0x4  }
0x21c: {  	v0 =	vadd.f32 @!p5 v1, v0;
	_ =	sdelay $0x1  }
0x21d: {  	s25 =	rddreg [dreg:$0x11];
	[tilespmem:$0x0] =	vst @!p5 v0  }
0x21e: {  	[hbm4b:s25+s16] =	stream.linear.scatter @!p5 [tilespmem:s16], [sflag:$0x5], $0x10, $0x38;
	[tilespmem:$0xFD80] =	vst v63  }
0x21f: {  	_ =	swait.ge @!p5 [sflag:s20], $0x10  }
0x220: {  	s25 =	sld [smem:$0x7DE]  }
0x221: {  	[sflag:s20] =	ssyncset.done @!p5 $0x0  }
0x222: {  	[sflag:s20] =	ssyncadd.s32 @!p5 $0xFFFFFFF0  }
0x223: {  	[tilespmem:s16], [sflag:$0x5] =	stream.linear.gather @!p5 [hbm4b:s25+s16], $0x10, $0x38;
	[tilespmem:$0xFD80] =	vst v63  }
0x224: {  	_ =	swait.ge @!p5 [sflag:s20], $0x10  }
0x225: {  	[sflag:s20] =	ssyncset.done @!p5 $0x0  }
0x226: {  	[sflag:s20] =	ssyncadd.s32 @!p5 $0xFFFFFFF0;
	s20 =	sld [smem:$0x7DB]  }
0x227: {  	p4 =	por p0, !p3  }
0x228: {  	s16 =	simm.s32 @!p4 $0x0;
	v0 =	vld @!p5 [tilespmem:$0x0]  }
0x229: {  	v1 =	vld @!p5 [tilespmem:$0x290];
	[tilespmem:s16], [sflag:$0x5] =	stream.linear.gather @!p4 [hbm4b:s20+s16], $0x10, $0x38;
	[tilespmem:$0xFD80] =	vst v63  }
0x22a: {  	s20 =	simm.s32 @!p4 $0x5  }
0x22b: {  	_ =	swait.ge @!p4 [sflag:s20], $0x10  }
0x22c: {  	[sflag:s20] =	ssyncset.done @!p4 $0x0  }
0x22d: {  	[sflag:s20] =	ssyncadd.s32 @!p4 $0xFFFFFFF0  }
0x22e: {  	v2 =	vld @!p4 [tilespmem:$0x0]  }
0x22f: {  	v3 =	vld @!p4 [tilespmem:$0x2A0];
	_ =	sdelay $0x4  }
0x230: {  	v2 =	vadd.f32 @!p4 v3, v2;
	_ =	sdelay $0x1  }
0x231: {  	s25 =	rddreg [dreg:$0xf];
	[tilespmem:$0x0] =	vst @!p4 v2  }
0x232: {  	[hbm4b:s25+s16] =	stream.linear.scatter @!p4 [tilespmem:s16], [sflag:$0x5], $0x10, $0x38;
	[tilespmem:$0xFD80] =	vst v63  }
0x233: {  	_ =	swait.ge @!p4 [sflag:s20], $0x10  }
0x234: {  	s25 =	sld [smem:$0x7DC]  }
0x235: {  	[sflag:s20] =	ssyncset.done @!p4 $0x0  }
0x236: {  	[sflag:s20] =	ssyncadd.s32 @!p4 $0xFFFFFFF0  }
0x237: {  	[tilespmem:s16], [sflag:$0x5] =	stream.linear.gather @!p4 [hbm4b:s25+s16], $0x10, $0x38;
	[tilespmem:$0xFD80] =	vst v63  }
0x238: {  	_ =	swait.ge @!p4 [sflag:s20], $0x10  }
0x239: {  	[sflag:s20] =	ssyncset.done @!p4 $0x0  }
0x23a: {  	p0 =	seq.s32 @!p3 s4, $0x12;
	[sflag:s20] =	ssyncadd.s32 @!p4 $0xFFFFFFF0;
	s20 =	sld [smem:$0x7E0]  }
0x23b: {  	p1 =	por !p0, p3  }
0x23c: {  	s16 =	simm.s32 @!p1 $0x0;
	v2 =	vld @!p4 [tilespmem:$0x0]  }
0x23d: {  	v3 =	vld @!p4 [tilespmem:$0x2B0];
	[tilespmem:s16], [sflag:$0x5] =	stream.linear.gather @!p1 [hbm4b:s20+s16], $0x10, $0x38;
	[tilespmem:$0xFD80] =	vst v63  }
0x23e: {  	s20 =	simm.s32 @!p1 $0x5  }
0x23f: {  	_ =	swait.ge @!p1 [sflag:s20], $0x10  }
0x240: {  	[sflag:s20] =	ssyncset.done @!p1 $0x0  }
0x241: {  	[sflag:s20] =	ssyncadd.s32 @!p1 $0xFFFFFFF0  }
0x242: {  	v4 =	vld @!p1 [tilespmem:$0x0]  }
0x243: {  	v5 =	vld @!p1 [tilespmem:$0x250];
	_ =	sdelay $0x4  }
0x244: {  	v4 =	vadd.f32 @!p1 v5, v4;
	_ =	sdelay $0x1  }
0x245: {  	s25 =	rddreg [dreg:$0x14];
	[tilespmem:$0x0] =	vst @!p1 v4  }
0x246: {  	[hbm4b:s25+s16] =	stream.linear.scatter @!p1 [tilespmem:s16], [sflag:$0x5], $0x10, $0x38;
	[tilespmem:$0xFD80] =	vst v63  }
0x247: {  	_ =	swait.ge @!p1 [sflag:s20], $0x10  }
0x248: {  	s25 =	sld [smem:$0x7E1]  }
0x249: {  	[sflag:s20] =	ssyncset.done @!p1 $0x0  }
0x24a: {  	[sflag:s20] =	ssyncadd.s32 @!p1 $0xFFFFFFF0  }
0x24b: {  	[tilespmem:s16], [sflag:$0x5] =	stream.linear.gather @!p1 [hbm4b:s25+s16], $0x10, $0x38;
	[tilespmem:$0xFD80] =	vst v63  }
0x24c: {  	_ =	swait.ge @!p1 [sflag:s20], $0x10  }
0x24d: {  	[sflag:s20] =	ssyncset.done @!p1 $0x0  }
0x24e: {  	[sflag:s20] =	ssyncadd.s32 @!p1 $0xFFFFFFF0;
	s20 =	sld [smem:$0x7DF]  }
0x24f: {  	p0 =	por p0, p3  }
0x250: {  	s16 =	simm.s32 @!p0 $0x0;
	v4 =	vld @!p1 [tilespmem:$0x0]  }
0x251: {  	v5 =	vld @!p1 [tilespmem:$0x260];
	[tilespmem:s16], [sflag:$0x5] =	stream.linear.gather @!p0 [hbm4b:s20+s16], $0x10, $0x38;
	[tilespmem:$0xFD80] =	vst v63  }
0x252: {  	s16 =	simm.s32 @!p0 $0x5  }
0x253: {  	_ =	swait.ge @!p0 [sflag:s16], $0x10  }
0x254: {  	[sflag:s16] =	ssyncset.done @!p0 $0x0  }
0x255: {  	[sflag:s16] =	ssyncadd.s32 @!p0 $0xFFFFFFF0  }
0x256: {  	v6 =	vld @!p0 [tilespmem:$0x0]  }
0x257: {  	v7 =	vld @!p0 [tilespmem:$0x270];
	_ =	sdelay $0x2  }
0x258: {  	s20 =	rddreg [dreg:$0x15]  }
.Ltmp23:
0x259: {  	v0 =	vadd.f32 @!p5 v1, v0;
	v2 =	vadd.f32 @!p4 v3, v2;
	s25 =	rddreg [dreg:$0x10];
	(pc) =	sbr.rel .LBB2_37-.Ltmp23, $4  }
0x25a: {  	v1 =	vadd.f32 @!p1 v5, v4;
	s16 =	rddreg [dreg:$0x12];
	v3 =	vadd.f32 @!p0 v7, v6  }
0x25b: {  	s16 =	smov.u32 @p5 s25;
	s25 =	rddreg [dreg:$0x13]  }
0x25c: {  	v0 =	vpsel p5, v2, v0;
	s20 =	smov.u32 @p1 s25;
	v1 =	vpsel p1, v3, v1  }
0x25d: {  	p5 =	por p2, p2;
	s20 =	smov.u32 @p3 s16;
	v0 =	vpsel p3, v0, v1  }
.LBB2_29:
0x25e: {  	s16 =	sld [smem:$0x7B4];
	_ =	sdelay $0x1  }
0x25f: {  	s20 =	sld [smem:$0x7E8]  }
0x260: {  	p0 =	seq.s32 s16, $0x1  }
0x261: {  	s16 =	simm.s32 @!p0 $0x0  }
0x262: {  	[tilespmem:s16], [sflag:$0x5] =	stream.linear.gather @!p0 [hbm4b:s20+s16], $0x10, $0x38;
	[tilespmem:$0xFD80] =	vst v63  }
0x263: {  	s20 =	simm.s32 @!p0 $0x5  }
0x264: {  	_ =	swait.ge @!p0 [sflag:s20], $0x10  }
0x265: {  	[sflag:s20] =	ssyncset.done @!p0 $0x0  }
0x266: {  	[sflag:s20] =	ssyncadd.s32 @!p0 $0xFFFFFFF0  }
0x267: {  	v0 =	vld @!p0 [tilespmem:$0x0]  }
0x268: {  	v1 =	vld @!p0 [tilespmem:$0x1D0];
	_ =	sdelay $0x4  }
0x269: {  	v0 =	vadd.f32 @!p0 v1, v0;
	_ =	sdelay $0x1  }
0x26a: {  	s25 =	rddreg [dreg:$0x1b];
	[tilespmem:$0x0] =	vst @!p0 v0  }
0x26b: {  	[hbm4b:s25+s16] =	stream.linear.scatter @!p0 [tilespmem:s16], [sflag:$0x5], $0x10, $0x38;
	[tilespmem:$0xFD80] =	vst v63  }
0x26c: {  	_ =	swait.ge @!p0 [sflag:s20], $0x10  }
0x26d: {  	s25 =	sld [smem:$0x7E9]  }
0x26e: {  	[sflag:s20] =	ssyncset.done @!p0 $0x0  }
0x26f: {  	[sflag:s20] =	ssyncadd.s32 @!p0 $0xFFFFFFF0  }
0x270: {  	[tilespmem:s16], [sflag:$0x5] =	stream.linear.gather @!p0 [hbm4b:s25+s16], $0x10, $0x38;
	[tilespmem:$0xFD80] =	vst v63  }
0x271: {  	_ =	swait.ge @!p0 [sflag:s20], $0x10  }
0x272: {  	[sflag:s20] =	ssyncset.done @!p0 $0x0  }
0x273: {  	[sflag:s20] =	ssyncadd.s32 @!p0 $0xFFFFFFF0;
	s20 =	sld [smem:$0x7C6];
	_ =	sdelay $0x2  }
0x274: {  	p1 =	seq.s32 s20, $0x1;
	s20 =	sld [smem:$0x7E7];
	_ =	sdelay $0x1  }
0x275: {  	v0 =	vld @!p0 [tilespmem:$0x0];
	s16 =	simm.s32 @!p1 $0x0  }
0x276: {  	v1 =	vld @!p0 [tilespmem:$0x1E0];
	[tilespmem:s16], [sflag:$0x5] =	stream.linear.gather @!p1 [hbm4b:s20+s16], $0x10, $0x38;
	[tilespmem:$0xFD80] =	vst v63  }
0x277: {  	s16 =	simm.s32 @!p1 $0x5  }
0x278: {  	_ =	swait.ge @!p1 [sflag:s16], $0x10  }
0x279: {  	[sflag:s16] =	ssyncset.done @!p1 $0x0;
	s20 =	sld [smem:$0x7EB]  }
0x27a: {  	[sflag:s16] =	ssyncadd.s32 @!p1 $0xFFFFFFF0  }
0x27b: {  	s16 =	simm.s32 @!p6 $0x0;
	v2 =	vld @!p1 [tilespmem:$0x0]  }
0x27c: {  	v3 =	vld @!p1 [tilespmem:$0x1F0];
	[tilespmem:s16], [sflag:$0x5] =	stream.linear.gather @!p6 [hbm4b:s20+s16], $0x10, $0x38;
	[tilespmem:$0xFD80] =	vst v63  }
0x27d: {  	s20 =	simm.s32 @!p6 $0x5  }
0x27e: {  	_ =	swait.ge @!p6 [sflag:s20], $0x10  }
0x27f: {  	[sflag:s20] =	ssyncset.done @!p6 $0x0  }
0x280: {  	[sflag:s20] =	ssyncadd.s32 @!p6 $0xFFFFFFF0  }
0x281: {  	v4 =	vld @!p6 [tilespmem:$0x0]  }
0x282: {  	v5 =	vld @!p6 [tilespmem:$0x1A0];
	_ =	sdelay $0x4  }
0x283: {  	v4 =	vadd.f32 @!p6 v5, v4;
	_ =	sdelay $0x1  }
0x284: {  	s25 =	rddreg [dreg:$0x1c];
	[tilespmem:$0x0] =	vst @!p6 v4  }
0x285: {  	[hbm4b:s25+s16] =	stream.linear.scatter @!p6 [tilespmem:s16], [sflag:$0x5], $0x10, $0x38;
	[tilespmem:$0xFD80] =	vst v63  }
0x286: {  	_ =	swait.ge @!p6 [sflag:s20], $0x10  }
0x287: {  	s25 =	sld [smem:$0x7EC]  }
0x288: {  	[sflag:s20] =	ssyncset.done @!p6 $0x0  }
0x289: {  	[sflag:s20] =	ssyncadd.s32 @!p6 $0xFFFFFFF0  }
0x28a: {  	[tilespmem:s16], [sflag:$0x5] =	stream.linear.gather @!p6 [hbm4b:s25+s16], $0x10, $0x38;
	[tilespmem:$0xFD80] =	vst v63  }
0x28b: {  	_ =	swait.ge @!p6 [sflag:s20], $0x10  }
0x28c: {  	s25 =	sld [smem:$0x7C8]  }
0x28d: {  	[sflag:s20] =	ssyncset.done @!p6 $0x0  }
0x28e: {  	[sflag:s20] =	ssyncadd.s32 @!p6 $0xFFFFFFF0;
	s20 =	sld [smem:$0x7EA]  }
0x28f: {  	p3 =	seq.s32 s25, $0x1  }
0x290: {  	v4 =	vld @!p6 [tilespmem:$0x0];
	s16 =	simm.s32 @!p3 $0x0  }
0x291: {  	v5 =	vld @!p6 [tilespmem:$0x1B0];
	[tilespmem:s16], [sflag:$0x5] =	stream.linear.gather @!p3 [hbm4b:s20+s16], $0x10, $0x38;
	[tilespmem:$0xFD80] =	vst v63  }
0x292: {  	s16 =	simm.s32 @!p3 $0x5  }
0x293: {  	_ =	swait.ge @!p3 [sflag:s16], $0x10  }
0x294: {  	[sflag:s16] =	ssyncset.done @!p3 $0x0  }
0x295: {  	[sflag:s16] =	ssyncadd.s32 @!p3 $0xFFFFFFF0  }
0x296: {  	v6 =	vld @!p3 [tilespmem:$0x0]  }
0x297: {  	v7 =	vld @!p3 [tilespmem:$0x1C0];
	_ =	sdelay $0x3  }
.Ltmp24:
0x298: {  	v0 =	vadd.f32 @!p0 v1, v0;
	v1 =	vadd.f32 @!p1 v3, v2;
	s26 =	sld [smem:$0x7C7];
	(pc) =	sbr.rel .LBB2_37-.Ltmp24, $3  }
0x299: {  	v2 =	vadd.f32 @!p6 v5, v4;
	v3 =	vadd.f32 @!p3 v7, v6;
	_ =	sdelay $0x1  }
0x29a: {  	v0 =	vpsel p0, v1, v0;
	p4 =	seq.s32 s26, $0x1;
	v1 =	vpsel p6, v3, v2  }
0x29b: {  	s20 =	smov.u32 s22;
	v0 =	vpsel p4, v0, v1  }
.LBB2_25:
0x29c: {  	s16 =	sld [smem:$0x7B8];
	_ =	sdelay $0x2  }
0x29d: {  	p0 =	seq.s32 s16, $0x1  }
0x29e: {  	s16 =	simm.s32 @p0 $0x0;
	s20 =	simm.s32 @p0 $0x5  }
0x29f: {  	[tilespmem:s16], [sflag:$0x5] =	stream.linear.gather @p0 [hbm4b:s2+s16], $0x10, $0x38;
	[tilespmem:$0xFD80] =	vst v63  }
0x2a0: {  	_ =	swait.ge @p0 [sflag:s20], $0x10  }
0x2a1: {  	[sflag:s20] =	ssyncset.done @p0 $0x0  }
0x2a2: {  	[sflag:s20] =	ssyncadd.s32 @p0 $0xFFFFFFF0  }
0x2a3: {  	v0 =	vld @p0 [tilespmem:$0x0]  }
0x2a4: {  	v1 =	vld @p0 [tilespmem:$0x80];
	_ =	sdelay $0x4  }
0x2a5: {  	v0 =	vadd.f32 @p0 v1, v0;
	_ =	sdelay $0x1  }
0x2a6: {  	[tilespmem:$0x0] =	vst @p0 v0  }
0x2a7: {  	[hbm4b:s6+s16] =	stream.linear.scatter @p0 [tilespmem:s16], [sflag:$0x5], $0x10, $0x38;
	[tilespmem:$0xFD80] =	vst v63  }
0x2a8: {  	_ =	swait.ge @p0 [sflag:s20], $0x10  }
0x2a9: {  	s25 =	sld [smem:$0x7FD]  }
0x2aa: {  	[sflag:s20] =	ssyncset.done @p0 $0x0  }
0x2ab: {  	[sflag:s20] =	ssyncadd.s32 @p0 $0xFFFFFFF0  }
0x2ac: {  	[tilespmem:s16], [sflag:$0x5] =	stream.linear.gather @p0 [hbm4b:s25+s16], $0x10, $0x38;
	[tilespmem:$0xFD80] =	vst v63  }
0x2ad: {  	_ =	swait.ge @p0 [sflag:s20], $0x10  }
0x2ae: {  	s25 =	sld [smem:$0x7AF]  }
0x2af: {  	[sflag:s20] =	ssyncset.done @p0 $0x0  }
0x2b0: {  	[sflag:s20] =	ssyncadd.s32 @p0 $0xFFFFFFF0;
	s20 =	sld [smem:$0x7FB]  }
0x2b1: {  	p1 =	seq.s32 s25, $0x1  }
0x2b2: {  	v0 =	vld @p0 [tilespmem:$0x0];
	s16 =	simm.s32 @!p1 $0x0  }
0x2b3: {  	v1 =	vld @p0 [tilespmem:$0x90];
	[tilespmem:s16], [sflag:$0x5] =	stream.linear.gather @!p1 [hbm4b:s20+s16], $0x10, $0x38;
	[tilespmem:$0xFD80] =	vst v63  }
0x2b4: {  	s20 =	simm.s32 @!p1 $0x5  }
0x2b5: {  	_ =	swait.ge @!p1 [sflag:s20], $0x10  }
0x2b6: {  	[sflag:s20] =	ssyncset.done @!p1 $0x0  }
0x2b7: {  	[sflag:s20] =	ssyncadd.s32 @!p1 $0xFFFFFFF0  }
0x2b8: {  	v2 =	vld @!p1 [tilespmem:$0x0]  }
0x2b9: {  	v3 =	vld @!p1 [tilespmem:$0xA0];
	_ =	sdelay $0x4  }
0x2ba: {  	s25 =	sld [smem:$0x7B7];
	v2 =	vadd.f32 @!p1 v3, v2;
	_ =	sdelay $0x1  }
0x2bb: {  	[tilespmem:$0x0] =	vst @!p1 v2  }
0x2bc: {  	[hbm4b:s25+s16] =	stream.linear.scatter @!p1 [tilespmem:s16], [sflag:$0x5], $0x10, $0x38;
	[tilespmem:$0xFD80] =	vst v63  }
0x2bd: {  	_ =	swait.ge @!p1 [sflag:s20], $0x10  }
0x2be: {  	s25 =	sld [smem:$0x7FC]  }
0x2bf: {  	[sflag:s20] =	ssyncset.done @!p1 $0x0  }
0x2c0: {  	[sflag:s20] =	ssyncadd.s32 @!p1 $0xFFFFFFF0  }
0x2c1: {  	[tilespmem:s16], [sflag:$0x5] =	stream.linear.gather @!p1 [hbm4b:s25+s16], $0x10, $0x38;
	[tilespmem:$0xFD80] =	vst v63  }
0x2c2: {  	_ =	swait.ge @!p1 [sflag:s20], $0x10  }
0x2c3: {  	s26 =	sld [smem:$0x7BA]  }
0x2c4: {  	[sflag:s20] =	ssyncset.done @!p1 $0x0  }
0x2c5: {  	[sflag:s20] =	ssyncadd.s32 @!p1 $0xFFFFFFF0;
	s20 =	sld [smem:$0x7FA]  }
0x2c6: {  	p3 =	seq.s32 s26, $0x1  }
0x2c7: {  	v2 =	vld @!p1 [tilespmem:$0x0];
	s16 =	simm.s32 @!p3 $0x0  }
0x2c8: {  	v3 =	vld @!p1 [tilespmem:$0xB0];
	[tilespmem:s16], [sflag:$0x5] =	stream.linear.gather @!p3 [hbm4b:s20+s16], $0x10, $0x38;
	[tilespmem:$0xFD80] =	vst v63  }
0x2c9: {  	s16 =	simm.s32 @!p3 $0x5  }
0x2ca: {  	_ =	swait.ge @!p3 [sflag:s16], $0x10  }
0x2cb: {  	[sflag:s16] =	ssyncset.done @!p3 $0x0  }
0x2cc: {  	[sflag:s16] =	ssyncadd.s32 @!p3 $0xFFFFFFF0  }
0x2cd: {  	v4 =	vld @!p3 [tilespmem:$0x0]  }
0x2ce: {  	v5 =	vld @!p3 [tilespmem:$0xC0];
	_ =	sdelay $0x3  }
.Ltmp25:
0x2cf: {  	_ = 	snop;
	(pc) =	sbr.rel .LBB2_37-.Ltmp25, $4  }
0x2d0: {  	v2 =	vadd.f32 @!p1 v3, v2;
	v3 =	vadd.f32 @!p3 v5, v4  }
0x2d1: {  	v0 =	vadd.f32 @p0 v1, v0  }
0x2d2: {  	v1 =	vpsel p1, v3, v2  }
0x2d3: {  	s20 =	smov.u32 s19;
	v0 =	vpsel p0, v0, v1  }
.LBB2_32:
0x2d4: {  	s16 =	sld [smem:$0x7CE];
	_ =	sdelay $0x1  }
0x2d5: {  	s20 =	sld [smem:$0x7E5]  }
0x2d6: {  	p3 =	seq.s32 s16, $0x1  }
0x2d7: {  	s16 =	simm.s32 @p3 $0x0  }
0x2d8: {  	[tilespmem:s16], [sflag:$0x5] =	stream.linear.gather @p3 [hbm4b:s20+s16], $0x10, $0x38;
	[tilespmem:$0xFD80] =	vst v63  }
0x2d9: {  	s20 =	simm.s32 @p3 $0x5  }
0x2da: {  	_ =	swait.ge @p3 [sflag:s20], $0x10  }
0x2db: {  	[sflag:s20] =	ssyncset.done @p3 $0x0  }
0x2dc: {  	[sflag:s20] =	ssyncadd.s32 @p3 $0xFFFFFFF0  }
0x2dd: {  	v0 =	vld @p3 [tilespmem:$0x0]  }
0x2de: {  	v1 =	vld @p3 [tilespmem:$0x200];
	_ =	sdelay $0x4  }
0x2df: {  	v0 =	vadd.f32 @p3 v1, v0;
	_ =	sdelay $0x1  }
0x2e0: {  	s25 =	rddreg [dreg:$0x19];
	[tilespmem:$0x0] =	vst @p3 v0  }
0x2e1: {  	[hbm4b:s25+s16] =	stream.linear.scatter @p3 [tilespmem:s16], [sflag:$0x5], $0x10, $0x38;
	[tilespmem:$0xFD80] =	vst v63  }
0x2e2: {  	_ =	swait.ge @p3 [sflag:s20], $0x10  }
0x2e3: {  	s25 =	sld [smem:$0x7E6]  }
0x2e4: {  	[sflag:s20] =	ssyncset.done @p3 $0x0  }
0x2e5: {  	[sflag:s20] =	ssyncadd.s32 @p3 $0xFFFFFFF0  }
0x2e6: {  	[tilespmem:s16], [sflag:$0x5] =	stream.linear.gather @p3 [hbm4b:s25+s16], $0x10, $0x38;
	[tilespmem:$0xFD80] =	vst v63  }
0x2e7: {  	_ =	swait.ge @p3 [sflag:s20], $0x10  }
0x2e8: {  	[sflag:s20] =	ssyncset.done @p3 $0x0  }
0x2e9: {  	p0 =	seq.s32 @!p3 s4, $0x10;
	[sflag:s20] =	ssyncadd.s32 @p3 $0xFFFFFFF0;
	s20 =	sld [smem:$0x7E3]  }
0x2ea: {  	p1 =	por !p0, p3  }
0x2eb: {  	s16 =	simm.s32 @!p1 $0x0;
	v0 =	vld @p3 [tilespmem:$0x0]  }
0x2ec: {  	v1 =	vld @p3 [tilespmem:$0x210];
	[tilespmem:s16], [sflag:$0x5] =	stream.linear.gather @!p1 [hbm4b:s20+s16], $0x10, $0x38;
	[tilespmem:$0xFD80] =	vst v63  }
0x2ed: {  	s20 =	simm.s32 @!p1 $0x5  }
0x2ee: {  	_ =	swait.ge @!p1 [sflag:s20], $0x10  }
0x2ef: {  	[sflag:s20] =	ssyncset.done @!p1 $0x0  }
0x2f0: {  	[sflag:s20] =	ssyncadd.s32 @!p1 $0xFFFFFFF0  }
0x2f1: {  	v2 =	vld @!p1 [tilespmem:$0x0]  }
0x2f2: {  	v3 =	vld @!p1 [tilespmem:$0x220];
	_ =	sdelay $0x4  }
0x2f3: {  	v2 =	vadd.f32 @!p1 v3, v2;
	_ =	sdelay $0x1  }
0x2f4: {  	s25 =	rddreg [dreg:$0x17];
	[tilespmem:$0x0] =	vst @!p1 v2  }
0x2f5: {  	[hbm4b:s25+s16] =	stream.linear.scatter @!p1 [tilespmem:s16], [sflag:$0x5], $0x10, $0x38;
	[tilespmem:$0xFD80] =	vst v63  }
0x2f6: {  	_ =	swait.ge @!p1 [sflag:s20], $0x10  }
0x2f7: {  	s25 =	sld [smem:$0x7E4]  }
0x2f8: {  	[sflag:s20] =	ssyncset.done @!p1 $0x0  }
0x2f9: {  	[sflag:s20] =	ssyncadd.s32 @!p1 $0xFFFFFFF0  }
0x2fa: {  	[tilespmem:s16], [sflag:$0x5] =	stream.linear.gather @!p1 [hbm4b:s25+s16], $0x10, $0x38;
	[tilespmem:$0xFD80] =	vst v63  }
0x2fb: {  	_ =	swait.ge @!p1 [sflag:s20], $0x10  }
0x2fc: {  	[sflag:s20] =	ssyncset.done @!p1 $0x0  }
0x2fd: {  	[sflag:s20] =	ssyncadd.s32 @!p1 $0xFFFFFFF0;
	s20 =	sld [smem:$0x7E2]  }
0x2fe: {  	p0 =	por p0, p3  }
0x2ff: {  	s16 =	simm.s32 @!p0 $0x0;
	v2 =	vld @!p1 [tilespmem:$0x0]  }
0x300: {  	v3 =	vld @!p1 [tilespmem:$0x230];
	[tilespmem:s16], [sflag:$0x5] =	stream.linear.gather @!p0 [hbm4b:s20+s16], $0x10, $0x38;
	[tilespmem:$0xFD80] =	vst v63  }
0x301: {  	s16 =	simm.s32 @!p0 $0x5  }
0x302: {  	_ =	swait.ge @!p0 [sflag:s16], $0x10  }
0x303: {  	[sflag:s16] =	ssyncset.done @!p0 $0x0  }
0x304: {  	[sflag:s16] =	ssyncadd.s32 @!p0 $0xFFFFFFF0  }
0x305: {  	v4 =	vld @!p0 [tilespmem:$0x0]  }
0x306: {  	v5 =	vld @!p0 [tilespmem:$0x240];
	_ =	sdelay $0x3  }
.Ltmp26:
0x307: {  	_ = 	snop;
	(pc) =	sbr.rel .LBB2_37-.Ltmp26, $4  }
0x308: {  	s20 =	rddreg [dreg:$0x18];
	v2 =	vadd.f32 @!p1 v3, v2;
	v3 =	vadd.f32 @!p0 v5, v4  }
0x309: {  	v0 =	vadd.f32 @p3 v1, v0;
	s16 =	rddreg [dreg:$0x16]  }
0x30a: {  	s20 =	smov.u32 @p1 s16;
	s16 =	rddreg [dreg:$0x1a];
	v1 =	vpsel p1, v3, v2  }
0x30b: {  	s20 =	smov.u32 @p3 s16;
	v0 =	vpsel p3, v0, v1  }
.Lfunc_end2:
_tile_overlayer_lowered:
.L_overlay_start_2:
0x30c: {  	(tag) =	ssettag $0x2  }
0x30d: {  	s0 =	rddreg [dreg:$0x0];
	s2 =	stileid.u32  }
0x30e: {  	s1 =	rddreg [dreg:$0x1];
	p0 =	sne.s32 s2, $0x0  }
0x30f: {  	s3 =	rddreg [dreg:$0x2];
	[bflag:$0x3] =	sbarrier.arrive $0xFFFF;
	s2 =	simm.s32 @!p0 $0x1C05  }
0x310: {  	[timem:s3], [sflag:s2] =	dma.local @!p0 [hbm:s0], s1  }
0x311: {  	s0 =	simm.s32 @!p0 $0x5  }
0x312: {  	_ =	swait.ge @!p0 [sflag:s0], s1  }
0x313: {  	s1 =	ssub.s32 @!p0 $0x0, s1;
	[sflag:s0] =	ssyncset.done @!p0 $0x0  }
0x314: {  	[sflag:s0] =	ssyncadd.s32 @!p0 s1  }
0x315: {  	[bflag:$0x3] =	sbarrier.arrive $0xFFFF  }
0x316: {  	_ =	shalt  }

</sc_bundles>
